<compile_context>
chip_gen: v7x
topology: tpu7x:2x2x1
jax: 0.10.2.dev20260603
libtpu: 0.0.44.dev20260713+nightly
codegen_flags: <defaults>
</compile_context>

<pallas_src>
import functools

import jax
import jax.numpy as jnp
from jax import lax
from jax.experimental import pallas as pl
from jax.experimental.pallas import tpu as pltpu
from jax.experimental.pallas import tpu_sc as plsc

_NC = 2
_NS = 16
_NW = _NC * _NS

E = 64
H = 1024
F = 512
T = 8192
K = 2
N = T * K
B = 128
P = N + E * B
G = P // B


def _sc_metadata(order, ids, w_flat, pstart, start, src_init):
    mesh = plsc.VectorSubcoreMesh(core_axis_name="c", subcore_axis_name="s")

    @functools.partial(
        pl.kernel,
        mesh=mesh,
        compiler_params=pltpu.CompilerParams(needs_layout_passes=False),
        out_type=(
            jax.ShapeDtypeStruct((P,), jnp.int32),
            jax.ShapeDtypeStruct((P,), jnp.float32),
            jax.ShapeDtypeStruct((N,), jnp.int32),
        ),
        scratch_types=[
            pltpu.VMEM((N,), jnp.int32),
            pltpu.VMEM((N,), jnp.int32),
            pltpu.VMEM((N,), jnp.float32),
            pltpu.VMEM((E,), jnp.int32),
            pltpu.VMEM((E,), jnp.int32),
            pltpu.VMEM((P,), jnp.int32),
            pltpu.VMEM((P,), jnp.float32),
            pltpu.VMEM((N,), jnp.int32),
        ],
    )
    def meta_kernel(order_h, ids_h, wflat_h, pstart_h, start_h, srcinit_h,
                    srctok_h, wslot_h, slotkt_h,
                    order_v, ids_v, wflat_v, pstart_v, start_v,
                    srctok_v, wslot_v, slotkt_v):
        wid = lax.axis_index("s") * _NC + lax.axis_index("c")

        @pl.when(wid == 0)
        def _():
            pltpu.sync_copy(order_h, order_v)
            pltpu.sync_copy(ids_h, ids_v)
            pltpu.sync_copy(wflat_h, wflat_v)
            pltpu.sync_copy(pstart_h, pstart_v)
            pltpu.sync_copy(start_h, start_v)
            pltpu.sync_copy(srcinit_h, srctok_v)
            lanes = lax.iota(jnp.int32, 16)

            def body(j, carry):
                base = j * 16
                ordv = order_v[pl.ds(base, 16)]
                sid = plsc.load_gather(ids_v, [ordv])
                ps = plsc.load_gather(pstart_v, [sid])
                st = plsc.load_gather(start_v, [sid])
                slot = ps + base + lanes - st
                tok = jnp.right_shift(ordv, 1)
                plsc.store_scatter(srctok_v, [slot], tok)
                wgt = plsc.load_gather(wflat_v, [ordv])
                plsc.store_scatter(wslot_v, [slot], wgt)
                q = jnp.left_shift(jnp.bitwise_and(ordv, 1), 13) + tok
                plsc.store_scatter(slotkt_v, [q], slot)
                return carry

            lax.fori_loop(0, N // 16, body, 0)
            pltpu.sync_copy(srctok_v, srctok_h)
            pltpu.sync_copy(wslot_v, wslot_h)
            pltpu.sync_copy(slotkt_v, slotkt_h)

    return meta_kernel(order, ids, w_flat, pstart, start, src_init)


def _routing_metadata(top_experts, expert_weights):
    ids = top_experts.reshape(-1).astype(jnp.int32)
    order = jnp.argsort(ids).astype(jnp.int32)
    counts = jnp.bincount(ids, length=E)
    padded = ((counts + B - 1) // B) * B
    pstart = (jnp.cumsum(padded) - padded).astype(jnp.int32)
    start = (jnp.cumsum(counts) - counts).astype(jnp.int32)
    src_init = jnp.arange(P, dtype=jnp.int32) % T
    w_flat = expert_weights.reshape(-1)
    src_tok, w_slot, slot_kt = _sc_metadata(
        order, ids, w_flat, pstart, start, src_init)
    be0 = jnp.zeros((G,), jnp.int32).at[pstart // B].max(
        jnp.arange(E, dtype=jnp.int32))
    block_expert = lax.cummax(be0)
    total = jnp.sum(padded)
    grow = jnp.arange(G, dtype=jnp.int32) * B
    block_valid = (grow < total).astype(jnp.int32)
    return src_tok, w_slot, slot_kt, block_expert, block_valid


def _sc_gather_rows(table, idx, n_rows, ch):
    rows_w = n_rows // _NW
    nch = rows_w // ch
    nbuf = 3
    mesh = plsc.VectorSubcoreMesh(core_axis_name="c", subcore_axis_name="s")

    @functools.partial(
        pl.kernel,
        mesh=mesh,
        out_type=jax.ShapeDtypeStruct((n_rows, H), jnp.float32),
        scratch_types=[
            pltpu.VMEM((rows_w,), jnp.int32),
        ]
        + [pltpu.VMEM((ch, H), jnp.float32) for _ in range(nbuf)]
        + [pltpu.SemaphoreType.DMA for _ in range(2 * nbuf)],
    )
    def gather_kernel(table_hbm, idx_hbm, out_hbm, idx_v, *scratch):
        bufs = scratch[:nbuf]
        gsems = scratch[nbuf:2 * nbuf]
        ssems = scratch[2 * nbuf:]
        wid = lax.axis_index("s") * _NC + lax.axis_index("c")
        base = wid * rows_w
        pltpu.sync_copy(idx_hbm.at[pl.ds(base, rows_w)], idx_v)

        def start_gather(i):
            b = i % nbuf
            return pltpu.async_copy(
                table_hbm.at[idx_v.at[pl.ds(i * ch, ch)]], bufs[b], gsems[b])

        def start_store(i):
            b = i % nbuf
            return pltpu.async_copy(
                bufs[b], out_hbm.at[pl.ds(base + i * ch, ch)], ssems[b])

        gathers = {}
        stores = {}
        for i in range(min(nbuf, nch)):
            gathers[i] = start_gather(i)
        for i in range(nch):
            gathers.pop(i).wait()
            stores[i] = start_store(i)
            j = i + nbuf
            if j < nch:
                stores.pop(j - nbuf).wait()
                gathers[j] = start_gather(j)
        for i in sorted(stores):
            stores.pop(i).wait()

    return gather_kernel(table, idx)


def _grouped_gemm(x_padded, w1, w2, w_slot, block_expert, block_valid):
    def body(be_ref, bv_ref, x_ref, w1_ref, w2_ref, ws_ref, y_ref):
        g = pl.program_id(0)

        @pl.when(bv_ref[g] == 1)
        def _():
            x = x_ref[...]
            h = jnp.dot(x, w1_ref[0], preferred_element_type=jnp.float32)
            gate = h[:, :F]
            up = h[:, F:]
            act = (gate * jax.nn.sigmoid(gate)) * up
            y = jnp.dot(act, w2_ref[0], preferred_element_type=jnp.float32)
            y_ref[...] = y * ws_ref[0, 0, :][:, None]

    grid_spec = pltpu.PrefetchScalarGridSpec(
        num_scalar_prefetch=2,
        grid=(G,),
        in_specs=[
            pl.BlockSpec((B, H), lambda g, be, bv: (g, 0)),
            pl.BlockSpec((1, H, 2 * F), lambda g, be, bv: (be[g], 0, 0)),
            pl.BlockSpec((1, F, H), lambda g, be, bv: (be[g], 0, 0)),
            pl.BlockSpec((1, 1, B), lambda g, be, bv: (g, 0, 0)),
        ],
        out_specs=pl.BlockSpec((B, H), lambda g, be, bv: (g, 0)),
    )
    return pl.pallas_call(
        body,
        grid_spec=grid_spec,
        out_shape=jax.ShapeDtypeStruct((P, H), jnp.float32),
    )(block_expert, block_valid, x_padded, w1, w2, w_slot.reshape(G, 1, B))


def _pairsum(zz):
    BT = 256

    def body(a_ref, b_ref, o_ref):
        o_ref[...] = a_ref[...] + b_ref[...]

    return pl.pallas_call(
        body,
        grid=(T // BT,),
        in_specs=[
            pl.BlockSpec((BT, H), lambda i: (i, 0)),
            pl.BlockSpec((BT, H), lambda i: (i + T // BT, 0)),
        ],
        out_specs=pl.BlockSpec((BT, H), lambda i: (i, 0)),
        out_shape=jax.ShapeDtypeStruct((T, H), jnp.float32),
    )(zz, zz)


def kernel(hidden_states, expert_weights, top_experts, w1, w2):
    src_tok, w_slot, slot_kt, block_expert, block_valid = _routing_metadata(
        top_experts, expert_weights)
    x_padded = _sc_gather_rows(hidden_states, src_tok, P, ch=32)
    y_padded = _grouped_gemm(x_padded, w1, w2, w_slot, block_expert, block_valid)
    zz = _sc_gather_rows(y_padded, slot_kt, N, ch=32)
    return _pairsum(zz)

# --- scband reference (transcript-rebuilt; emitter-appended) ---
"""Pipeline reference for scband-grouped-gemm-mo-e-43765716747083 (READ-ONLY COPY).

The authoritative reference and input builder live on the scoring server;
editing this copy changes nothing except your own understanding.
"""

import jax, jax.numpy as jnp
import numpy as np

E = 64
H = 1024
F = 512
T = 8192
K = 2


def setup_inputs(seed: int = 0) -> dict:
    key = jax.random.key(seed)
    k1, k2, k3, k4, k5 = jax.random.split(key, 5)
    hidden_states = jax.random.normal(k1, (T, H), dtype=jnp.float32)
    expert_weights = jax.random.uniform(k2, (T, K), dtype=jnp.float32)
    top_experts = jax.random.randint(k3, (T, K), 0, E)
    # merged SwiGLU weights: w1 holds [gate | up] -> (E, H, 2F); w2 -> (E, F, H)
    w1 = (jax.random.normal(k4, (E, H, 2 * F), dtype=jnp.float32) * 0.02)
    w2 = (jax.random.normal(k5, (E, F, H), dtype=jnp.float32) * 0.02)
    return {
        "hidden_states": hidden_states,
        "expert_weights": expert_weights,
        "top_experts": top_experts,
        "w1": w1,
        "w2": w2,
    }


def reference(hidden_states, expert_weights, top_experts, w1, w2):
    # ---- routing metadata (kept traced; pair p maps to token p // K) ----
    ids = top_experts.reshape(-1)                                # [T*K]
    tok = jnp.arange(T * K) // K                                 # token id of each pair

    # ---- dispatch: gather token activations in pair order ----
    x_pairs = jnp.take(hidden_states, tok, axis=0)               # [T*K, H]

    # ---- grouped GEMM: per-expert SwiGLU MLP, fixed-shape masked selection ----
    def body(e, y_acc):
        h = x_pairs @ w1[e]                                      # [T*K, 2F]
        gate, up = jnp.split(h, 2, axis=-1)
        h = jax.nn.silu(gate) * up                               # SwiGLU
        y_e = h @ w2[e]                                          # [T*K, H]
        return jnp.where((ids == e)[:, None], y_e, y_acc)

    y = jax.lax.fori_loop(
        0, E, body, jnp.zeros((T * K, H), dtype=hidden_states.dtype)
    )                                                            # [T*K, H]

    # ---- combine with router weights ----
    w = expert_weights.reshape(-1)                               # [T*K]
    out = (y * w[:, None]).reshape(T, K, H).sum(axis=1)          # [T, H]
    # output_dropout_prob = 0.0 -> identity
    return out

if __name__ == "__main__":
    import jax
    _d = setup_inputs()
    print(jax.jit(kernel)(*tuple(_d.values())))

</pallas_src>

<mosaic_0001>
#map = affine_map<(d0, d1) -> (0)>
module attributes {stable_mosaic.version = 14 : i64} {
  func.func @meta_kernel(%arg0: i32, %arg1: i32, %arg2: memref<16384xi32, #tpu.memory_space<hbm>>, %arg3: memref<16384xi32, #tpu.memory_space<hbm>>, %arg4: memref<16384xf32, #tpu.memory_space<hbm>>, %arg5: memref<64xi32, #tpu.memory_space<hbm>>, %arg6: memref<64xi32, #tpu.memory_space<hbm>>, %arg7: memref<24576xi32, #tpu.memory_space<hbm>>, %arg8: memref<24576xi32, #tpu.memory_space<hbm>>, %arg9: memref<24576xf32, #tpu.memory_space<hbm>>, %arg10: memref<16384xi32, #tpu.memory_space<hbm>>, %arg11: memref<16384xi32, #tpu.memory_space<vmem>>, %arg12: memref<16384xi32, #tpu.memory_space<vmem>>, %arg13: memref<16384xf32, #tpu.memory_space<vmem>>, %arg14: memref<64xi32, #tpu.memory_space<vmem>>, %arg15: memref<64xi32, #tpu.memory_space<vmem>>, %arg16: memref<24576xi32, #tpu.memory_space<vmem>>, %arg17: memref<24576xf32, #tpu.memory_space<vmem>>, %arg18: memref<16384xi32, #tpu.memory_space<vmem>>) attributes {dimension_semantics = [#tpu.dimension_semantics<core_parallel>, #tpu.dimension_semantics<subcore_parallel>], iteration_bounds = array<i64: 2, 16>, scalar_prefetch = 0 : i64, scratch_operands = 8 : i64, tpu.core_type = #tpu.core_type<sc_vector_subcore>, window_params = [{transform_indices = #map}, {transform_indices = #map}, {transform_indices = #map}, {transform_indices = #map}, {transform_indices = #map}, {transform_indices = #map}, {transform_indices = #map}, {transform_indices = #map}, {transform_indices = #map}]} {
    %mul3A = arith.constant 2 : i32
    %mul3A_0 = arith.muli %arg1, %mul3A : i32
    %add3A = arith.addi %mul3A_0, %arg0 : i32
    %eq3A = arith.constant 0 : i32
    %eq3A_1 = arith.cmpi eq, %add3A, %eq3A : i32
    %convert_element_type3A = arith.extui %eq3A_1 : i1 to i32
    %cond3A = arith.constant 0 : i32
    %cond3A_2 = arith.cmpi ne, %convert_element_type3A, %cond3A : i32
    scf.if %cond3A_2 {
      "tpu.region"() ({
        %run_scoped3A = tpu.sem_alloc : memref<!tpu.dma_semaphore, #tpu.memory_space<semaphore_mem>>
        tpu.enqueue_dma source(%arg2 : memref<16384xi32, #tpu.memory_space<hbm>>) target(%arg11 : memref<16384xi32, #tpu.memory_space<vmem>>) target_semaphore(%run_scoped3A : memref<!tpu.dma_semaphore, #tpu.memory_space<semaphore_mem>>)
        tpu.wait_dma2 semaphore(%run_scoped3A : memref<!tpu.dma_semaphore, #tpu.memory_space<semaphore_mem>>) src(%arg2 : memref<16384xi32, #tpu.memory_space<hbm>>) dst(%arg11 : memref<16384xi32, #tpu.memory_space<vmem>>)
        tpu.yield
      }) : () -> ()
      "tpu.region"() ({
        %run_scoped3A = tpu.sem_alloc : memref<!tpu.dma_semaphore, #tpu.memory_space<semaphore_mem>>
        tpu.enqueue_dma source(%arg3 : memref<16384xi32, #tpu.memory_space<hbm>>) target(%arg12 : memref<16384xi32, #tpu.memory_space<vmem>>) target_semaphore(%run_scoped3A : memref<!tpu.dma_semaphore, #tpu.memory_space<semaphore_mem>>)
        tpu.wait_dma2 semaphore(%run_scoped3A : memref<!tpu.dma_semaphore, #tpu.memory_space<semaphore_mem>>) src(%arg3 : memref<16384xi32, #tpu.memory_space<hbm>>) dst(%arg12 : memref<16384xi32, #tpu.memory_space<vmem>>)
        tpu.yield
      }) : () -> ()
      "tpu.region"() ({
        %run_scoped3A = tpu.sem_alloc : memref<!tpu.dma_semaphore, #tpu.memory_space<semaphore_mem>>
        tpu.enqueue_dma source(%arg4 : memref<16384xf32, #tpu.memory_space<hbm>>) target(%arg13 : memref<16384xf32, #tpu.memory_space<vmem>>) target_semaphore(%run_scoped3A : memref<!tpu.dma_semaphore, #tpu.memory_space<semaphore_mem>>)
        tpu.wait_dma2 semaphore(%run_scoped3A : memref<!tpu.dma_semaphore, #tpu.memory_space<semaphore_mem>>) src(%arg4 : memref<16384xf32, #tpu.memory_space<hbm>>) dst(%arg13 : memref<16384xf32, #tpu.memory_space<vmem>>)
        tpu.yield
      }) : () -> ()
      "tpu.region"() ({
        %run_scoped3A = tpu.sem_alloc : memref<!tpu.dma_semaphore, #tpu.memory_space<semaphore_mem>>
        tpu.enqueue_dma source(%arg5 : memref<64xi32, #tpu.memory_space<hbm>>) target(%arg14 : memref<64xi32, #tpu.memory_space<vmem>>) target_semaphore(%run_scoped3A : memref<!tpu.dma_semaphore, #tpu.memory_space<semaphore_mem>>)
        tpu.wait_dma2 semaphore(%run_scoped3A : memref<!tpu.dma_semaphore, #tpu.memory_space<semaphore_mem>>) src(%arg5 : memref<64xi32, #tpu.memory_space<hbm>>) dst(%arg14 : memref<64xi32, #tpu.memory_space<vmem>>)
        tpu.yield
      }) : () -> ()
      "tpu.region"() ({
        %run_scoped3A = tpu.sem_alloc : memref<!tpu.dma_semaphore, #tpu.memory_space<semaphore_mem>>
        tpu.enqueue_dma source(%arg6 : memref<64xi32, #tpu.memory_space<hbm>>) target(%arg15 : memref<64xi32, #tpu.memory_space<vmem>>) target_semaphore(%run_scoped3A : memref<!tpu.dma_semaphore, #tpu.memory_space<semaphore_mem>>)
        tpu.wait_dma2 semaphore(%run_scoped3A : memref<!tpu.dma_semaphore, #tpu.memory_space<semaphore_mem>>) src(%arg6 : memref<64xi32, #tpu.memory_space<hbm>>) dst(%arg15 : memref<64xi32, #tpu.memory_space<vmem>>)
        tpu.yield
      }) : () -> ()
      "tpu.region"() ({
        %run_scoped3A = tpu.sem_alloc : memref<!tpu.dma_semaphore, #tpu.memory_space<semaphore_mem>>
        tpu.enqueue_dma source(%arg7 : memref<24576xi32, #tpu.memory_space<hbm>>) target(%arg16 : memref<24576xi32, #tpu.memory_space<vmem>>) target_semaphore(%run_scoped3A : memref<!tpu.dma_semaphore, #tpu.memory_space<semaphore_mem>>)
        tpu.wait_dma2 semaphore(%run_scoped3A : memref<!tpu.dma_semaphore, #tpu.memory_space<semaphore_mem>>) src(%arg7 : memref<24576xi32, #tpu.memory_space<hbm>>) dst(%arg16 : memref<24576xi32, #tpu.memory_space<vmem>>)
        tpu.yield
      }) : () -> ()
      %iota3A = tpu.iota {dimensions = array<i32: 0>} : vector<16xi32>
      %scan3A = arith.constant 0 : i32
      %scan3A_3 = arith.constant 0 : i32
      %scan3A_4 = arith.constant 1024 : i32
      %scan3A_5 = arith.addi %scan3A_3, %scan3A_4 : i32
      %scan3A_6 = arith.constant 1 : i32
      scf.for %scan3A_8 = %scan3A_3 to %scan3A_5 step %scan3A_6  : i32 {
        %mul3A_9 = arith.constant 16 : i32
        %mul3A_10 = arith.muli %scan3A_8, %mul3A_9 : i32
        %get3A = arith.index_cast %mul3A_10 : i32 to index
        %get3A_11 = tpu.vector_load %arg11[%get3A] {strides = array<i32>} : memref<16384xi32, #tpu.memory_space<vmem>>, vector<16xi32>,
        %gather3A = tpu.vector_load_idx %arg12[%get3A_11] : memref<16384xi32, #tpu.memory_space<vmem>>[vector<16xi32>], vector<16xi32>,
        %gather3A_12 = tpu.vector_load_idx %arg14[%gather3A] : memref<64xi32, #tpu.memory_space<vmem>>[vector<16xi32>], vector<16xi32>,
        %gather3A_13 = tpu.vector_load_idx %arg15[%gather3A] : memref<64xi32, #tpu.memory_space<vmem>>[vector<16xi32>], vector<16xi32>,
        %add3A_14 = vector.broadcast %mul3A_10 : i32 to vector<16xi32>
        %add3A_15 = arith.addi %gather3A_12, %add3A_14 : vector<16xi32>
        %add3A_16 = arith.addi %add3A_15, %iota3A : vector<16xi32>
        %sub3A = arith.subi %add3A_16, %gather3A_13 : vector<16xi32>
        %shift_right_arithmetic3A = arith.constant 1 : i32
        %shift_right_arithmetic3A_17 = vector.broadcast %shift_right_arithmetic3A : i32 to vector<16xi32>
        %shift_right_arithmetic3A_18 = arith.shrsi %get3A_11, %shift_right_arithmetic3A_17 : vector<16xi32>
        tpu.vector_store_idx %arg16[%sub3A], %shift_right_arithmetic3A_18 : memref<24576xi32, #tpu.memory_space<vmem>>[vector<16xi32>], vector<16xi32>,
        %gather3A_19 = tpu.vector_load_idx %arg13[%get3A_11] : memref<16384xf32, #tpu.memory_space<vmem>>[vector<16xi32>], vector<16xf32>,
        tpu.vector_store_idx %arg17[%sub3A], %gather3A_19 : memref<24576xf32, #tpu.memory_space<vmem>>[vector<16xi32>], vector<16xf32>,
        %and3A = arith.constant 1 : i32
        %and3A_20 = vector.broadcast %and3A : i32 to vector<16xi32>
        %and3A_21 = arith.andi %get3A_11, %and3A_20 : vector<16xi32>
        %shift_left3A = arith.constant 13 : i32
        %shift_left3A_22 = vector.broadcast %shift_left3A : i32 to vector<16xi32>
        %shift_left3A_23 = arith.shli %and3A_21, %shift_left3A_22 : vector<16xi32>
        %add3A_24 = arith.addi %shift_left3A_23, %shift_right_arithmetic3A_18 : vector<16xi32>
        tpu.vector_store_idx %arg18[%add3A_24], %sub3A : memref<16384xi32, #tpu.memory_space<vmem>>[vector<16xi32>], vector<16xi32>,
      }
      %scan3A_7 = arith.constant 1024 : i32
      "tpu.region"() ({
        %run_scoped3A = tpu.sem_alloc : memref<!tpu.dma_semaphore, #tpu.memory_space<semaphore_mem>>
        tpu.enqueue_dma source(%arg16 : memref<24576xi32, #tpu.memory_space<vmem>>) target(%arg8 : memref<24576xi32, #tpu.memory_space<hbm>>) target_semaphore(%run_scoped3A : memref<!tpu.dma_semaphore, #tpu.memory_space<semaphore_mem>>)
        tpu.wait_dma2 semaphore(%run_scoped3A : memref<!tpu.dma_semaphore, #tpu.memory_space<semaphore_mem>>) src(%arg16 : memref<24576xi32, #tpu.memory_space<vmem>>) dst(%arg8 : memref<24576xi32, #tpu.memory_space<hbm>>)
        tpu.yield
      }) : () -> ()
      "tpu.region"() ({
        %run_scoped3A = tpu.sem_alloc : memref<!tpu.dma_semaphore, #tpu.memory_space<semaphore_mem>>
        tpu.enqueue_dma source(%arg17 : memref<24576xf32, #tpu.memory_space<vmem>>) target(%arg9 : memref<24576xf32, #tpu.memory_space<hbm>>) target_semaphore(%run_scoped3A : memref<!tpu.dma_semaphore, #tpu.memory_space<semaphore_mem>>)
        tpu.wait_dma2 semaphore(%run_scoped3A : memref<!tpu.dma_semaphore, #tpu.memory_space<semaphore_mem>>) src(%arg17 : memref<24576xf32, #tpu.memory_space<vmem>>) dst(%arg9 : memref<24576xf32, #tpu.memory_space<hbm>>)
        tpu.yield
      }) : () -> ()
      "tpu.region"() ({
        %run_scoped3A = tpu.sem_alloc : memref<!tpu.dma_semaphore, #tpu.memory_space<semaphore_mem>>
        tpu.enqueue_dma source(%arg18 : memref<16384xi32, #tpu.memory_space<vmem>>) target(%arg10 : memref<16384xi32, #tpu.memory_space<hbm>>) target_semaphore(%run_scoped3A : memref<!tpu.dma_semaphore, #tpu.memory_space<semaphore_mem>>)
        tpu.wait_dma2 semaphore(%run_scoped3A : memref<!tpu.dma_semaphore, #tpu.memory_space<semaphore_mem>>) src(%arg18 : memref<16384xi32, #tpu.memory_space<vmem>>) dst(%arg10 : memref<16384xi32, #tpu.memory_space<hbm>>)
        tpu.yield
      }) : () -> ()
    } else {
    }
    return
  }
}

#map = affine_map<(d0, d1) -> (0, 0)>
#map1 = affine_map<(d0, d1) -> (0)>
module attributes {stable_mosaic.version = 14 : i64} {
  func.func @gather_kernel(%arg0: i32, %arg1: i32, %arg2: memref<24576x1024xf32, #tpu.memory_space<hbm>>, %arg3: memref<16384xi32, #tpu.memory_space<hbm>>, %arg4: memref<16384x1024xf32, #tpu.memory_space<hbm>>, %arg5: memref<512xi32, #tpu.memory_space<vmem>>, %arg6: memref<32x1024xf32, #tpu.memory_space<vmem>>, %arg7: memref<32x1024xf32, #tpu.memory_space<vmem>>, %arg8: memref<32x1024xf32, #tpu.memory_space<vmem>>, %arg9: memref<!tpu.dma_semaphore, #tpu.memory_space<semaphore_mem>>, %arg10: memref<!tpu.dma_semaphore, #tpu.memory_space<semaphore_mem>>, %arg11: memref<!tpu.dma_semaphore, #tpu.memory_space<semaphore_mem>>, %arg12: memref<!tpu.dma_semaphore, #tpu.memory_space<semaphore_mem>>, %arg13: memref<!tpu.dma_semaphore, #tpu.memory_space<semaphore_mem>>, %arg14: memref<!tpu.dma_semaphore, #tpu.memory_space<semaphore_mem>>) attributes {dimension_semantics = [#tpu.dimension_semantics<core_parallel>, #tpu.dimension_semantics<subcore_parallel>], iteration_bounds = array<i64: 2, 16>, scalar_prefetch = 0 : i64, scratch_operands = 10 : i64, tpu.core_type = #tpu.core_type<sc_vector_subcore>, window_params = [{transform_indices = #map}, {transform_indices = #map1}, {transform_indices = #map}]} {
    %mul3A = arith.constant 2 : i32
    %mul3A_0 = arith.muli %arg1, %mul3A : i32
    %add3A = arith.addi %mul3A_0, %arg0 : i32
    %mul3A_1 = arith.constant 512 : i32
    %mul3A_2 = arith.muli %add3A, %mul3A_1 : i32
    "tpu.region"() ({
      %run_scoped3A = tpu.sem_alloc : memref<!tpu.dma_semaphore, #tpu.memory_space<semaphore_mem>>
      %dma_start3A_321 = tpu.memref_slice %arg3[%mul3A_2] : memref<16384xi32, #tpu.memory_space<hbm>> -> memref<512xi32, #tpu.memory_space<hbm>>
      %dma_start3A_322 = tpu.memref_slice %arg3[%mul3A_2] : memref<16384xi32, #tpu.memory_space<hbm>> -> memref<512xi32, #tpu.memory_space<hbm>>
      tpu.enqueue_dma source(%dma_start3A_322 : memref<512xi32, #tpu.memory_space<hbm>>) target(%arg5 : memref<512xi32, #tpu.memory_space<vmem>>) target_semaphore(%run_scoped3A : memref<!tpu.dma_semaphore, #tpu.memory_space<semaphore_mem>>)
      %dma_wait3A_323 = tpu.memref_slice %arg3[%mul3A_2] : memref<16384xi32, #tpu.memory_space<hbm>> -> memref<512xi32, #tpu.memory_space<hbm>>
      %dma_wait3A_324 = tpu.memref_slice %arg3[%mul3A_2] : memref<16384xi32, #tpu.memory_space<hbm>> -> memref<512xi32, #tpu.memory_space<hbm>>
      tpu.wait_dma2 semaphore(%run_scoped3A : memref<!tpu.dma_semaphore, #tpu.memory_space<semaphore_mem>>) src(%dma_wait3A_324 : memref<512xi32, #tpu.memory_space<hbm>>) dst(%arg5 : memref<512xi32, #tpu.memory_space<vmem>>)
      tpu.yield
    }) : () -> ()
    %dma_start3A = arith.constant 0 : i32
    %dma_start3A_3 = tpu.memref_slice %arg5[%dma_start3A] : memref<512xi32, #tpu.memory_space<vmem>> -> memref<32xi32, #tpu.memory_space<vmem>>
    %dma_start3A_4 = arith.constant 0 : i32
    %dma_start3A_5 = arith.constant 0 : i32
    %dma_start3A_6 = tpu.memref_slice %arg2[%dma_start3A_4, %dma_start3A_5] : memref<24576x1024xf32, #tpu.memory_space<hbm>> -> memref<24576x1024xf32, #tpu.memory_space<hbm>>
    tpu.enqueue_indirect_dma source(%dma_start3A_6 : memref<24576x1024xf32, #tpu.memory_space<hbm>>) target(%arg6 : memref<32x1024xf32, #tpu.memory_space<vmem>>) offsets(%dma_start3A_3 : memref<32xi32, #tpu.memory_space<vmem>>) semaphore(%arg9 : memref<!tpu.dma_semaphore, #tpu.memory_space<semaphore_mem>>)
    %dma_start3A_7 = arith.constant 32 : i32
    %dma_start3A_8 = tpu.memref_slice %arg5[%dma_start3A_7] : memref<512xi32, #tpu.memory_space<vmem>> -> memref<32xi32, #tpu.memory_space<vmem>>
    %dma_start3A_9 = arith.constant 0 : i32
    %dma_start3A_10 = arith.constant 0 : i32
    %dma_start3A_11 = tpu.memref_slice %arg2[%dma_start3A_9, %dma_start3A_10] : memref<24576x1024xf32, #tpu.memory_space<hbm>> -> memref<24576x1024xf32, #tpu.memory_space<hbm>>
    tpu.enqueue_indirect_dma source(%dma_start3A_11 : memref<24576x1024xf32, #tpu.memory_space<hbm>>) target(%arg7 : memref<32x1024xf32, #tpu.memory_space<vmem>>) offsets(%dma_start3A_8 : memref<32xi32, #tpu.memory_space<vmem>>) semaphore(%arg10 : memref<!tpu.dma_semaphore, #tpu.memory_space<semaphore_mem>>)
    %dma_start3A_12 = arith.constant 64 : i32
    %dma_start3A_13 = tpu.memref_slice %arg5[%dma_start3A_12] : memref<512xi32, #tpu.memory_space<vmem>> -> memref<32xi32, #tpu.memory_space<vmem>>
    %dma_start3A_14 = arith.constant 0 : i32
    %dma_start3A_15 = arith.constant 0 : i32
    %dma_start3A_16 = tpu.memref_slice %arg2[%dma_start3A_14, %dma_start3A_15] : memref<24576x1024xf32, #tpu.memory_space<hbm>> -> memref<24576x1024xf32, #tpu.memory_space<hbm>>
    tpu.enqueue_indirect_dma source(%dma_start3A_16 : memref<24576x1024xf32, #tpu.memory_space<hbm>>) target(%arg8 : memref<32x1024xf32, #tpu.memory_space<vmem>>) offsets(%dma_start3A_13 : memref<32xi32, #tpu.memory_space<vmem>>) semaphore(%arg11 : memref<!tpu.dma_semaphore, #tpu.memory_space<semaphore_mem>>)
    %dma_wait3A = arith.constant 0 : i32
    %dma_wait3A_17 = tpu.memref_slice %arg5[%dma_wait3A] : memref<512xi32, #tpu.memory_space<vmem>> -> memref<32xi32, #tpu.memory_space<vmem>>
    %dma_wait3A_18 = arith.constant 0 : i32
    %dma_wait3A_19 = arith.constant 0 : i32
    %dma_wait3A_20 = tpu.memref_slice %arg2[%dma_wait3A_18, %dma_wait3A_19] : memref<24576x1024xf32, #tpu.memory_space<hbm>> -> memref<24576x1024xf32, #tpu.memory_space<hbm>>
    tpu.wait_indirect_dma semaphore(%arg9 : memref<!tpu.dma_semaphore, #tpu.memory_space<semaphore_mem>>) src(%dma_wait3A_20 : memref<24576x1024xf32, #tpu.memory_space<hbm>>) dst(%arg6 : memref<32x1024xf32, #tpu.memory_space<vmem>>)
    %add3A_21 = arith.constant 0 : i32
    %add3A_22 = arith.addi %mul3A_2, %add3A_21 : i32
    %dma_start3A_23 = arith.constant 0 : i32
    %dma_start3A_24 = tpu.memref_slice %arg4[%add3A_22, %dma_start3A_23] : memref<16384x1024xf32, #tpu.memory_space<hbm>> -> memref<32x1024xf32, #tpu.memory_space<hbm>>
    %dma_start3A_25 = arith.constant 0 : i32
    %dma_start3A_26 = tpu.memref_slice %arg4[%add3A_22, %dma_start3A_25] : memref<16384x1024xf32, #tpu.memory_space<hbm>> -> memref<32x1024xf32, #tpu.memory_space<hbm>>
    tpu.enqueue_dma source(%arg6 : memref<32x1024xf32, #tpu.memory_space<vmem>>) target(%dma_start3A_26 : memref<32x1024xf32, #tpu.memory_space<hbm>>) target_semaphore(%arg12 : memref<!tpu.dma_semaphore, #tpu.memory_space<semaphore_mem>>)
    %dma_wait3A_27 = arith.constant 0 : i32
    %dma_wait3A_28 = tpu.memref_slice %arg4[%add3A_22, %dma_wait3A_27] : memref<16384x1024xf32, #tpu.memory_space<hbm>> -> memref<32x1024xf32, #tpu.memory_space<hbm>>
    %dma_wait3A_29 = arith.constant 0 : i32
    %dma_wait3A_30 = tpu.memref_slice %arg4[%add3A_22, %dma_wait3A_29] : memref<16384x1024xf32, #tpu.memory_space<hbm>> -> memref<32x1024xf32, #tpu.memory_space<hbm>>
    tpu.wait_dma2 semaphore(%arg12 : memref<!tpu.dma_semaphore, #tpu.memory_space<semaphore_mem>>) src(%arg6 : memref<32x1024xf32, #tpu.memory_space<vmem>>) dst(%dma_wait3A_30 : memref<32x1024xf32, #tpu.memory_space<hbm>>)
    %dma_start3A_31 = arith.constant 96 : i32
    %dma_start3A_32 = tpu.memref_slice %arg5[%dma_start3A_31] : memref<512xi32, #tpu.memory_space<vmem>> -> memref<32xi32, #tpu.memory_space<vmem>>
    %dma_start3A_33 = arith.constant 0 : i32
    %dma_start3A_34 = arith.constant 0 : i32
    %dma_start3A_35 = tpu.memref_slice %arg2[%dma_start3A_33, %dma_start3A_34] : memref<24576x1024xf32, #tpu.memory_space<hbm>> -> memref<24576x1024xf32, #tpu.memory_space<hbm>>
    tpu.enqueue_indirect_dma source(%dma_start3A_35 : memref<24576x1024xf32, #tpu.memory_space<hbm>>) target(%arg6 : memref<32x1024xf32, #tpu.memory_space<vmem>>) offsets(%dma_start3A_32 : memref<32xi32, #tpu.memory_space<vmem>>) semaphore(%arg9 : memref<!tpu.dma_semaphore, #tpu.memory_space<semaphore_mem>>)
    %dma_wait3A_36 = arith.constant 32 : i32
    %dma_wait3A_37 = tpu.memref_slice %arg5[%dma_wait3A_36] : memref<512xi32, #tpu.memory_space<vmem>> -> memref<32xi32, #tpu.memory_space<vmem>>
    %dma_wait3A_38 = arith.constant 0 : i32
    %dma_wait3A_39 = arith.constant 0 : i32
    %dma_wait3A_40 = tpu.memref_slice %arg2[%dma_wait3A_38, %dma_wait3A_39] : memref<24576x1024xf32, #tpu.memory_space<hbm>> -> memref<24576x1024xf32, #tpu.memory_space<hbm>>
    tpu.wait_indirect_dma semaphore(%arg10 : memref<!tpu.dma_semaphore, #tpu.memory_space<semaphore_mem>>) src(%dma_wait3A_40 : memref<24576x1024xf32, #tpu.memory_space<hbm>>) dst(%arg7 : memref<32x1024xf32, #tpu.memory_space<vmem>>)
    %add3A_41 = arith.constant 32 : i32
    %add3A_42 = arith.addi %mul3A_2, %add3A_41 : i32
    %dma_start3A_43 = arith.constant 0 : i32
    %dma_start3A_44 = tpu.memref_slice %arg4[%add3A_42, %dma_start3A_43] : memref<16384x1024xf32, #tpu.memory_space<hbm>> -> memref<32x1024xf32, #tpu.memory_space<hbm>>
    %dma_start3A_45 = arith.constant 0 : i32
    %dma_start3A_46 = tpu.memref_slice %arg4[%add3A_42, %dma_start3A_45] : memref<16384x1024xf32, #tpu.memory_space<hbm>> -> memref<32x1024xf32, #tpu.memory_space<hbm>>
    tpu.enqueue_dma source(%arg7 : memref<32x1024xf32, #tpu.memory_space<vmem>>) target(%dma_start3A_46 : memref<32x1024xf32, #tpu.memory_space<hbm>>) target_semaphore(%arg13 : memref<!tpu.dma_semaphore, #tpu.memory_space<semaphore_mem>>)
    %dma_wait3A_47 = arith.constant 0 : i32
    %dma_wait3A_48 = tpu.memref_slice %arg4[%add3A_42, %dma_wait3A_47] : memref<16384x1024xf32, #tpu.memory_space<hbm>> -> memref<32x1024xf32, #tpu.memory_space<hbm>>
    %dma_wait3A_49 = arith.constant 0 : i32
    %dma_wait3A_50 = tpu.memref_slice %arg4[%add3A_42, %dma_wait3A_49] : memref<16384x1024xf32, #tpu.memory_space<hbm>> -> memref<32x1024xf32, #tpu.memory_space<hbm>>
    tpu.wait_dma2 semaphore(%arg13 : memref<!tpu.dma_semaphore, #tpu.memory_space<semaphore_mem>>) src(%arg7 : memref<32x1024xf32, #tpu.memory_space<vmem>>) dst(%dma_wait3A_50 : memref<32x1024xf32, #tpu.memory_space<hbm>>)
    %dma_start3A_51 = arith.constant 128 : i32
    %dma_start3A_52 = tpu.memref_slice %arg5[%dma_start3A_51] : memref<512xi32, #tpu.memory_space<vmem>> -> memref<32xi32, #tpu.memory_space<vmem>>
    %dma_start3A_53 = arith.constant 0 : i32
    %dma_start3A_54 = arith.constant 0 : i32
    %dma_start3A_55 = tpu.memref_slice %arg2[%dma_start3A_53, %dma_start3A_54] : memref<24576x1024xf32, #tpu.memory_space<hbm>> -> memref<24576x1024xf32, #tpu.memory_space<hbm>>
    tpu.enqueue_indirect_dma source(%dma_start3A_55 : memref<24576x1024xf32, #tpu.memory_space<hbm>>) target(%arg7 : memref<32x1024xf32, #tpu.memory_space<vmem>>) offsets(%dma_start3A_52 : memref<32xi32, #tpu.memory_space<vmem>>) semaphore(%arg10 : memref<!tpu.dma_semaphore, #tpu.memory_space<semaphore_mem>>)
    %dma_wait3A_56 = arith.constant 64 : i32
    %dma_wait3A_57 = tpu.memref_slice %arg5[%dma_wait3A_56] : memref<512xi32, #tpu.memory_space<vmem>> -> memref<32xi32, #tpu.memory_space<vmem>>
    %dma_wait3A_58 = arith.constant 0 : i32
    %dma_wait3A_59 = arith.constant 0 : i32
    %dma_wait3A_60 = tpu.memref_slice %arg2[%dma_wait3A_58, %dma_wait3A_59] : memref<24576x1024xf32, #tpu.memory_space<hbm>> -> memref<24576x1024xf32, #tpu.memory_space<hbm>>
    tpu.wait_indirect_dma semaphore(%arg11 : memref<!tpu.dma_semaphore, #tpu.memory_space<semaphore_mem>>) src(%dma_wait3A_60 : memref<24576x1024xf32, #tpu.memory_space<hbm>>) dst(%arg8 : memref<32x1024xf32, #tpu.memory_space<vmem>>)
    %add3A_61 = arith.constant 64 : i32
    %add3A_62 = arith.addi %mul3A_2, %add3A_61 : i32
    %dma_start3A_63 = arith.constant 0 : i32
    %dma_start3A_64 = tpu.memref_slice %arg4[%add3A_62, %dma_start3A_63] : memref<16384x1024xf32, #tpu.memory_space<hbm>> -> memref<32x1024xf32, #tpu.memory_space<hbm>>
    %dma_start3A_65 = arith.constant 0 : i32
    %dma_start3A_66 = tpu.memref_slice %arg4[%add3A_62, %dma_start3A_65] : memref<16384x1024xf32, #tpu.memory_space<hbm>> -> memref<32x1024xf32, #tpu.memory_space<hbm>>
    tpu.enqueue_dma source(%arg8 : memref<32x1024xf32, #tpu.memory_space<vmem>>) target(%dma_start3A_66 : memref<32x1024xf32, #tpu.memory_space<hbm>>) target_semaphore(%arg14 : memref<!tpu.dma_semaphore, #tpu.memory_space<semaphore_mem>>)
    %dma_wait3A_67 = arith.constant 0 : i32
    %dma_wait3A_68 = tpu.memref_slice %arg4[%add3A_62, %dma_wait3A_67] : memref<16384x1024xf32, #tpu.memory_space<hbm>> -> memref<32x1024xf32, #tpu.memory_space<hbm>>
    %dma_wait3A_69 = arith.constant 0 : i32
    %dma_wait3A_70 = tpu.memref_slice %arg4[%add3A_62, %dma_wait3A_69] : memref<16384x1024xf32, #tpu.memory_space<hbm>> -> memref<32x1024xf32, #tpu.memory_space<hbm>>
    tpu.wait_dma2 semaphore(%arg14 : memref<!tpu.dma_semaphore, #tpu.memory_space<semaphore_mem>>) src(%arg8 : memref<32x1024xf32, #tpu.memory_space<vmem>>) dst(%dma_wait3A_70 : memref<32x1024xf32, #tpu.memory_space<hbm>>)
    %dma_start3A_71 = arith.constant 160 : i32
    %dma_start3A_72 = tpu.memref_slice %arg5[%dma_start3A_71] : memref<512xi32, #tpu.memory_space<vmem>> -> memref<32xi32, #tpu.memory_space<vmem>>
    %dma_start3A_73 = arith.constant 0 : i32
    %dma_start3A_74 = arith.constant 0 : i32
    %dma_start3A_75 = tpu.memref_slice %arg2[%dma_start3A_73, %dma_start3A_74] : memref<24576x1024xf32, #tpu.memory_space<hbm>> -> memref<24576x1024xf32, #tpu.memory_space<hbm>>
    tpu.enqueue_indirect_dma source(%dma_start3A_75 : memref<24576x1024xf32, #tpu.memory_space<hbm>>) target(%arg8 : memref<32x1024xf32, #tpu.memory_space<vmem>>) offsets(%dma_start3A_72 : memref<32xi32, #tpu.memory_space<vmem>>) semaphore(%arg11 : memref<!tpu.dma_semaphore, #tpu.memory_space<semaphore_mem>>)
    %dma_wait3A_76 = arith.constant 96 : i32
    %dma_wait3A_77 = tpu.memref_slice %arg5[%dma_wait3A_76] : memref<512xi32, #tpu.memory_space<vmem>> -> memref<32xi32, #tpu.memory_space<vmem>>
    %dma_wait3A_78 = arith.constant 0 : i32
    %dma_wait3A_79 = arith.constant 0 : i32
    %dma_wait3A_80 = tpu.memref_slice %arg2[%dma_wait3A_78, %dma_wait3A_79] : memref<24576x1024xf32, #tpu.memory_space<hbm>> -> memref<24576x1024xf32, #tpu.memory_space<hbm>>
    tpu.wait_indirect_dma semaphore(%arg9 : memref<!tpu.dma_semaphore, #tpu.memory_space<semaphore_mem>>) src(%dma_wait3A_80 : memref<24576x1024xf32, #tpu.memory_space<hbm>>) dst(%arg6 : memref<32x1024xf32, #tpu.memory_space<vmem>>)
    %add3A_81 = arith.constant 96 : i32
    %add3A_82 = arith.addi %mul3A_2, %add3A_81 : i32
    %dma_start3A_83 = arith.constant 0 : i32
    %dma_start3A_84 = tpu.memref_slice %arg4[%add3A_82, %dma_start3A_83] : memref<16384x1024xf32, #tpu.memory_space<hbm>> -> memref<32x1024xf32, #tpu.memory_space<hbm>>
    %dma_start3A_85 = arith.constant 0 : i32
    %dma_start3A_86 = tpu.memref_slice %arg4[%add3A_82, %dma_start3A_85] : memref<16384x1024xf32, #tpu.memory_space<hbm>> -> memref<32x1024xf32, #tpu.memory_space<hbm>>
    tpu.enqueue_dma source(%arg6 : memref<32x1024xf32, #tpu.memory_space<vmem>>) target(%dma_start3A_86 : memref<32x1024xf32, #tpu.memory_space<hbm>>) target_semaphore(%arg12 : memref<!tpu.dma_semaphore, #tpu.memory_space<semaphore_mem>>)
    %dma_wait3A_87 = arith.constant 0 : i32
    %dma_wait3A_88 = tpu.memref_slice %arg4[%add3A_82, %dma_wait3A_87] : memref<16384x1024xf32, #tpu.memory_space<hbm>> -> memref<32x1024xf32, #tpu.memory_space<hbm>>
    %dma_wait3A_89 = arith.constant 0 : i32
    %dma_wait3A_90 = tpu.memref_slice %arg4[%add3A_82, %dma_wait3A_89] : memref<16384x1024xf32, #tpu.memory_space<hbm>> -> memref<32x1024xf32, #tpu.memory_space<hbm>>
    tpu.wait_dma2 semaphore(%arg12 : memref<!tpu.dma_semaphore, #tpu.memory_space<semaphore_mem>>) src(%arg6 : memref<32x1024xf32, #tpu.memory_space<vmem>>) dst(%dma_wait3A_90 : memref<32x1024xf32, #tpu.memory_space<hbm>>)
    %dma_start3A_91 = arith.constant 192 : i32
    %dma_start3A_92 = tpu.memref_slice %arg5[%dma_start3A_91] : memref<512xi32, #tpu.memory_space<vmem>> -> memref<32xi32, #tpu.memory_space<vmem>>
    %dma_start3A_93 = arith.constant 0 : i32
    %dma_start3A_94 = arith.constant 0 : i32
    %dma_start3A_95 = tpu.memref_slice %arg2[%dma_start3A_93, %dma_start3A_94] : memref<24576x1024xf32, #tpu.memory_space<hbm>> -> memref<24576x1024xf32, #tpu.memory_space<hbm>>
    tpu.enqueue_indirect_dma source(%dma_start3A_95 : memref<24576x1024xf32, #tpu.memory_space<hbm>>) target(%arg6 : memref<32x1024xf32, #tpu.memory_space<vmem>>) offsets(%dma_start3A_92 : memref<32xi32, #tpu.memory_space<vmem>>) semaphore(%arg9 : memref<!tpu.dma_semaphore, #tpu.memory_space<semaphore_mem>>)
    %dma_wait3A_96 = arith.constant 128 : i32
    %dma_wait3A_97 = tpu.memref_slice %arg5[%dma_wait3A_96] : memref<512xi32, #tpu.memory_space<vmem>> -> memref<32xi32, #tpu.memory_space<vmem>>
    %dma_wait3A_98 = arith.constant 0 : i32
    %dma_wait3A_99 = arith.constant 0 : i32
    %dma_wait3A_100 = tpu.memref_slice %arg2[%dma_wait3A_98, %dma_wait3A_99] : memref<24576x1024xf32, #tpu.memory_space<hbm>> -> memref<24576x1024xf32, #tpu.memory_space<hbm>>
    tpu.wait_indirect_dma semaphore(%arg10 : memref<!tpu.dma_semaphore, #tpu.memory_space<semaphore_mem>>) src(%dma_wait3A_100 : memref<24576x1024xf32, #tpu.memory_space<hbm>>) dst(%arg7 : memref<32x1024xf32, #tpu.memory_space<vmem>>)
    %add3A_101 = arith.constant 128 : i32
    %add3A_102 = arith.addi %mul3A_2, %add3A_101 : i32
    %dma_start3A_103 = arith.constant 0 : i32
    %dma_start3A_104 = tpu.memref_slice %arg4[%add3A_102, %dma_start3A_103] : memref<16384x1024xf32, #tpu.memory_space<hbm>> -> memref<32x1024xf32, #tpu.memory_space<hbm>>
    %dma_start3A_105 = arith.constant 0 : i32
    %dma_start3A_106 = tpu.memref_slice %arg4[%add3A_102, %dma_start3A_105] : memref<16384x1024xf32, #tpu.memory_space<hbm>> -> memref<32x1024xf32, #tpu.memory_space<hbm>>
    tpu.enqueue_dma source(%arg7 : memref<32x1024xf32, #tpu.memory_space<vmem>>) target(%dma_start3A_106 : memref<32x1024xf32, #tpu.memory_space<hbm>>) target_semaphore(%arg13 : memref<!tpu.dma_semaphore, #tpu.memory_space<semaphore_mem>>)
    %dma_wait3A_107 = arith.constant 0 : i32
    %dma_wait3A_108 = tpu.memref_slice %arg4[%add3A_102, %dma_wait3A_107] : memref<16384x1024xf32, #tpu.memory_space<hbm>> -> memref<32x1024xf32, #tpu.memory_space<hbm>>
    %dma_wait3A_109 = arith.constant 0 : i32
    %dma_wait3A_110 = tpu.memref_slice %arg4[%add3A_102, %dma_wait3A_109] : memref<16384x1024xf32, #tpu.memory_space<hbm>> -> memref<32x1024xf32, #tpu.memory_space<hbm>>
    tpu.wait_dma2 semaphore(%arg13 : memref<!tpu.dma_semaphore, #tpu.memory_space<semaphore_mem>>) src(%arg7 : memref<32x1024xf32, #tpu.memory_space<vmem>>) dst(%dma_wait3A_110 : memref<32x1024xf32, #tpu.memory_space<hbm>>)
    %dma_start3A_111 = arith.constant 224 : i32
    %dma_start3A_112 = tpu.memref_slice %arg5[%dma_start3A_111] : memref<512xi32, #tpu.memory_space<vmem>> -> memref<32xi32, #tpu.memory_space<vmem>>
    %dma_start3A_113 = arith.constant 0 : i32
    %dma_start3A_114 = arith.constant 0 : i32
    %dma_start3A_115 = tpu.memref_slice %arg2[%dma_start3A_113, %dma_start3A_114] : memref<24576x1024xf32, #tpu.memory_space<hbm>> -> memref<24576x1024xf32, #tpu.memory_space<hbm>>
    tpu.enqueue_indirect_dma source(%dma_start3A_115 : memref<24576x1024xf32, #tpu.memory_space<hbm>>) target(%arg7 : memref<32x1024xf32, #tpu.memory_space<vmem>>) offsets(%dma_start3A_112 : memref<32xi32, #tpu.memory_space<vmem>>) semaphore(%arg10 : memref<!tpu.dma_semaphore, #tpu.memory_space<semaphore_mem>>)
    %dma_wait3A_116 = arith.constant 160 : i32
    %dma_wait3A_117 = tpu.memref_slice %arg5[%dma_wait3A_116] : memref<512xi32, #tpu.memory_space<vmem>> -> memref<32xi32, #tpu.memory_space<vmem>>
    %dma_wait3A_118 = arith.constant 0 : i32
    %dma_wait3A_119 = arith.constant 0 : i32
    %dma_wait3A_120 = tpu.memref_slice %arg2[%dma_wait3A_118, %dma_wait3A_119] : memref<24576x1024xf32, #tpu.memory_space<hbm>> -> memref<24576x1024xf32, #tpu.memory_space<hbm>>
    tpu.wait_indirect_dma semaphore(%arg11 : memref<!tpu.dma_semaphore, #tpu.memory_space<semaphore_mem>>) src(%dma_wait3A_120 : memref<24576x1024xf32, #tpu.memory_space<hbm>>) dst(%arg8 : memref<32x1024xf32, #tpu.memory_space<vmem>>)
    %add3A_121 = arith.constant 160 : i32
    %add3A_122 = arith.addi %mul3A_2, %add3A_121 : i32
    %dma_start3A_123 = arith.constant 0 : i32
    %dma_start3A_124 = tpu.memref_slice %arg4[%add3A_122, %dma_start3A_123] : memref<16384x1024xf32, #tpu.memory_space<hbm>> -> memref<32x1024xf32, #tpu.memory_space<hbm>>
    %dma_start3A_125 = arith.constant 0 : i32
    %dma_start3A_126 = tpu.memref_slice %arg4[%add3A_122, %dma_start3A_125] : memref<16384x1024xf32, #tpu.memory_space<hbm>> -> memref<32x1024xf32, #tpu.memory_space<hbm>>
    tpu.enqueue_dma source(%arg8 : memref<32x1024xf32, #tpu.memory_space<vmem>>) target(%dma_start3A_126 : memref<32x1024xf32, #tpu.memory_space<hbm>>) target_semaphore(%arg14 : memref<!tpu.dma_semaphore, #tpu.memory_space<semaphore_mem>>)
    %dma_wait3A_127 = arith.constant 0 : i32
    %dma_wait3A_128 = tpu.memref_slice %arg4[%add3A_122, %dma_wait3A_127] : memref<16384x1024xf32, #tpu.memory_space<hbm>> -> memref<32x1024xf32, #tpu.memory_space<hbm>>
    %dma_wait3A_129 = arith.constant 0 : i32
    %dma_wait3A_130 = tpu.memref_slice %arg4[%add3A_122, %dma_wait3A_129] : memref<16384x1024xf32, #tpu.memory_space<hbm>> -> memref<32x1024xf32, #tpu.memory_space<hbm>>
    tpu.wait_dma2 semaphore(%arg14 : memref<!tpu.dma_semaphore, #tpu.memory_space<semaphore_mem>>) src(%arg8 : memref<32x1024xf32, #tpu.memory_space<vmem>>) dst(%dma_wait3A_130 : memref<32x1024xf32, #tpu.memory_space<hbm>>)
    %dma_start3A_131 = arith.constant 256 : i32
    %dma_start3A_132 = tpu.memref_slice %arg5[%dma_start3A_131] : memref<512xi32, #tpu.memory_space<vmem>> -> memref<32xi32, #tpu.memory_space<vmem>>
    %dma_start3A_133 = arith.constant 0 : i32
    %dma_start3A_134 = arith.constant 0 : i32
    %dma_start3A_135 = tpu.memref_slice %arg2[%dma_start3A_133, %dma_start3A_134] : memref<24576x1024xf32, #tpu.memory_space<hbm>> -> memref<24576x1024xf32, #tpu.memory_space<hbm>>
    tpu.enqueue_indirect_dma source(%dma_start3A_135 : memref<24576x1024xf32, #tpu.memory_space<hbm>>) target(%arg8 : memref<32x1024xf32, #tpu.memory_space<vmem>>) offsets(%dma_start3A_132 : memref<32xi32, #tpu.memory_space<vmem>>) semaphore(%arg11 : memref<!tpu.dma_semaphore, #tpu.memory_space<semaphore_mem>>)
    %dma_wait3A_136 = arith.constant 192 : i32
    %dma_wait3A_137 = tpu.memref_slice %arg5[%dma_wait3A_136] : memref<512xi32, #tpu.memory_space<vmem>> -> memref<32xi32, #tpu.memory_space<vmem>>
    %dma_wait3A_138 = arith.constant 0 : i32
    %dma_wait3A_139 = arith.constant 0 : i32
    %dma_wait3A_140 = tpu.memref_slice %arg2[%dma_wait3A_138, %dma_wait3A_139] : memref<24576x1024xf32, #tpu.memory_space<hbm>> -> memref<24576x1024xf32, #tpu.memory_space<hbm>>
    tpu.wait_indirect_dma semaphore(%arg9 : memref<!tpu.dma_semaphore, #tpu.memory_space<semaphore_mem>>) src(%dma_wait3A_140 : memref<24576x1024xf32, #tpu.memory_space<hbm>>) dst(%arg6 : memref<32x1024xf32, #tpu.memory_space<vmem>>)
    %add3A_141 = arith.constant 192 : i32
    %add3A_142 = arith.addi %mul3A_2, %add3A_141 : i32
    %dma_start3A_143 = arith.constant 0 : i32
    %dma_start3A_144 = tpu.memref_slice %arg4[%add3A_142, %dma_start3A_143] : memref<16384x1024xf32, #tpu.memory_space<hbm>> -> memref<32x1024xf32, #tpu.memory_space<hbm>>
    %dma_start3A_145 = arith.constant 0 : i32
    %dma_start3A_146 = tpu.memref_slice %arg4[%add3A_142, %dma_start3A_145] : memref<16384x1024xf32, #tpu.memory_space<hbm>> -> memref<32x1024xf32, #tpu.memory_space<hbm>>
    tpu.enqueue_dma source(%arg6 : memref<32x1024xf32, #tpu.memory_space<vmem>>) target(%dma_start3A_146 : memref<32x1024xf32, #tpu.memory_space<hbm>>) target_semaphore(%arg12 : memref<!tpu.dma_semaphore, #tpu.memory_space<semaphore_mem>>)
    %dma_wait3A_147 = arith.constant 0 : i32
    %dma_wait3A_148 = tpu.memref_slice %arg4[%add3A_142, %dma_wait3A_147] : memref<16384x1024xf32, #tpu.memory_space<hbm>> -> memref<32x1024xf32, #tpu.memory_space<hbm>>
    %dma_wait3A_149 = arith.constant 0 : i32
    %dma_wait3A_150 = tpu.memref_slice %arg4[%add3A_142, %dma_wait3A_149] : memref<16384x1024xf32, #tpu.memory_space<hbm>> -> memref<32x1024xf32, #tpu.memory_space<hbm>>
    tpu.wait_dma2 semaphore(%arg12 : memref<!tpu.dma_semaphore, #tpu.memory_space<semaphore_mem>>) src(%arg6 : memref<32x1024xf32, #tpu.memory_space<vmem>>) dst(%dma_wait3A_150 : memref<32x1024xf32, #tpu.memory_space<hbm>>)
    %dma_start3A_151 = arith.constant 288 : i32
    %dma_start3A_152 = tpu.memref_slice %arg5[%dma_start3A_151] : memref<512xi32, #tpu.memory_space<vmem>> -> memref<32xi32, #tpu.memory_space<vmem>>
    %dma_start3A_153 = arith.constant 0 : i32
    %dma_start3A_154 = arith.constant 0 : i32
    %dma_start3A_155 = tpu.memref_slice %arg2[%dma_start3A_153, %dma_start3A_154] : memref<24576x1024xf32, #tpu.memory_space<hbm>> -> memref<24576x1024xf32, #tpu.memory_space<hbm>>
    tpu.enqueue_indirect_dma source(%dma_start3A_155 : memref<24576x1024xf32, #tpu.memory_space<hbm>>) target(%arg6 : memref<32x1024xf32, #tpu.memory_space<vmem>>) offsets(%dma_start3A_152 : memref<32xi32, #tpu.memory_space<vmem>>) semaphore(%arg9 : memref<!tpu.dma_semaphore, #tpu.memory_space<semaphore_mem>>)
    %dma_wait3A_156 = arith.constant 224 : i32
    %dma_wait3A_157 = tpu.memref_slice %arg5[%dma_wait3A_156] : memref<512xi32, #tpu.memory_space<vmem>> -> memref<32xi32, #tpu.memory_space<vmem>>
    %dma_wait3A_158 = arith.constant 0 : i32
    %dma_wait3A_159 = arith.constant 0 : i32
    %dma_wait3A_160 = tpu.memref_slice %arg2[%dma_wait3A_158, %dma_wait3A_159] : memref<24576x1024xf32, #tpu.memory_space<hbm>> -> memref<24576x1024xf32, #tpu.memory_space<hbm>>
    tpu.wait_indirect_dma semaphore(%arg10 : memref<!tpu.dma_semaphore, #tpu.memory_space<semaphore_mem>>) src(%dma_wait3A_160 : memref<24576x1024xf32, #tpu.memory_space<hbm>>) dst(%arg7 : memref<32x1024xf32, #tpu.memory_space<vmem>>)
    %add3A_161 = arith.constant 224 : i32
    %add3A_162 = arith.addi %mul3A_2, %add3A_161 : i32
    %dma_start3A_163 = arith.constant 0 : i32
    %dma_start3A_164 = tpu.memref_slice %arg4[%add3A_162, %dma_start3A_163] : memref<16384x1024xf32, #tpu.memory_space<hbm>> -> memref<32x1024xf32, #tpu.memory_space<hbm>>
    %dma_start3A_165 = arith.constant 0 : i32
    %dma_start3A_166 = tpu.memref_slice %arg4[%add3A_162, %dma_start3A_165] : memref<16384x1024xf32, #tpu.memory_space<hbm>> -> memref<32x1024xf32, #tpu.memory_space<hbm>>
    tpu.enqueue_dma source(%arg7 : memref<32x1024xf32, #tpu.memory_space<vmem>>) target(%dma_start3A_166 : memref<32x1024xf32, #tpu.memory_space<hbm>>) target_semaphore(%arg13 : memref<!tpu.dma_semaphore, #tpu.memory_space<semaphore_mem>>)
    %dma_wait3A_167 = arith.constant 0 : i32
    %dma_wait3A_168 = tpu.memref_slice %arg4[%add3A_162, %dma_wait3A_167] : memref<16384x1024xf32, #tpu.memory_space<hbm>> -> memref<32x1024xf32, #tpu.memory_space<hbm>>
    %dma_wait3A_169 = arith.constant 0 : i32
    %dma_wait3A_170 = tpu.memref_slice %arg4[%add3A_162, %dma_wait3A_169] : memref<16384x1024xf32, #tpu.memory_space<hbm>> -> memref<32x1024xf32, #tpu.memory_space<hbm>>
    tpu.wait_dma2 semaphore(%arg13 : memref<!tpu.dma_semaphore, #tpu.memory_space<semaphore_mem>>) src(%arg7 : memref<32x1024xf32, #tpu.memory_space<vmem>>) dst(%dma_wait3A_170 : memref<32x1024xf32, #tpu.memory_space<hbm>>)
    %dma_start3A_171 = arith.constant 320 : i32
    %dma_start3A_172 = tpu.memref_slice %arg5[%dma_start3A_171] : memref<512xi32, #tpu.memory_space<vmem>> -> memref<32xi32, #tpu.memory_space<vmem>>
    %dma_start3A_173 = arith.constant 0 : i32
    %dma_start3A_174 = arith.constant 0 : i32
    %dma_start3A_175 = tpu.memref_slice %arg2[%dma_start3A_173, %dma_start3A_174] : memref<24576x1024xf32, #tpu.memory_space<hbm>> -> memref<24576x1024xf32, #tpu.memory_space<hbm>>
    tpu.enqueue_indirect_dma source(%dma_start3A_175 : memref<24576x1024xf32, #tpu.memory_space<hbm>>) target(%arg7 : memref<32x1024xf32, #tpu.memory_space<vmem>>) offsets(%dma_start3A_172 : memref<32xi32, #tpu.memory_space<vmem>>) semaphore(%arg10 : memref<!tpu.dma_semaphore, #tpu.memory_space<semaphore_mem>>)
    %dma_wait3A_176 = arith.constant 256 : i32
    %dma_wait3A_177 = tpu.memref_slice %arg5[%dma_wait3A_176] : memref<512xi32, #tpu.memory_space<vmem>> -> memref<32xi32, #tpu.memory_space<vmem>>
    %dma_wait3A_178 = arith.constant 0 : i32
    %dma_wait3A_179 = arith.constant 0 : i32
    %dma_wait3A_180 = tpu.memref_slice %arg2[%dma_wait3A_178, %dma_wait3A_179] : memref<24576x1024xf32, #tpu.memory_space<hbm>> -> memref<24576x1024xf32, #tpu.memory_space<hbm>>
    tpu.wait_indirect_dma semaphore(%arg11 : memref<!tpu.dma_semaphore, #tpu.memory_space<semaphore_mem>>) src(%dma_wait3A_180 : memref<24576x1024xf32, #tpu.memory_space<hbm>>) dst(%arg8 : memref<32x1024xf32, #tpu.memory_space<vmem>>)
    %add3A_181 = arith.constant 256 : i32
    %add3A_182 = arith.addi %mul3A_2, %add3A_181 : i32
    %dma_start3A_183 = arith.constant 0 : i32
    %dma_start3A_184 = tpu.memref_slice %arg4[%add3A_182, %dma_start3A_183] : memref<16384x1024xf32, #tpu.memory_space<hbm>> -> memref<32x1024xf32, #tpu.memory_space<hbm>>
    %dma_start3A_185 = arith.constant 0 : i32
    %dma_start3A_186 = tpu.memref_slice %arg4[%add3A_182, %dma_start3A_185] : memref<16384x1024xf32, #tpu.memory_space<hbm>> -> memref<32x1024xf32, #tpu.memory_space<hbm>>
    tpu.enqueue_dma source(%arg8 : memref<32x1024xf32, #tpu.memory_space<vmem>>) target(%dma_start3A_186 : memref<32x1024xf32, #tpu.memory_space<hbm>>) target_semaphore(%arg14 : memref<!tpu.dma_semaphore, #tpu.memory_space<semaphore_mem>>)
    %dma_wait3A_187 = arith.constant 0 : i32
    %dma_wait3A_188 = tpu.memref_slice %arg4[%add3A_182, %dma_wait3A_187] : memref<16384x1024xf32, #tpu.memory_space<hbm>> -> memref<32x1024xf32, #tpu.memory_space<hbm>>
    %dma_wait3A_189 = arith.constant 0 : i32
    %dma_wait3A_190 = tpu.memref_slice %arg4[%add3A_182, %dma_wait3A_189] : memref<16384x1024xf32, #tpu.memory_space<hbm>> -> memref<32x1024xf32, #tpu.memory_space<hbm>>
    tpu.wait_dma2 semaphore(%arg14 : memref<!tpu.dma_semaphore, #tpu.memory_space<semaphore_mem>>) src(%arg8 : memref<32x1024xf32, #tpu.memory_space<vmem>>) dst(%dma_wait3A_190 : memref<32x1024xf32, #tpu.memory_space<hbm>>)
    %dma_start3A_191 = arith.constant 352 : i32
    %dma_start3A_192 = tpu.memref_slice %arg5[%dma_start3A_191] : memref<512xi32, #tpu.memory_space<vmem>> -> memref<32xi32, #tpu.memory_space<vmem>>
    %dma_start3A_193 = arith.constant 0 : i32
    %dma_start3A_194 = arith.constant 0 : i32
    %dma_start3A_195 = tpu.memref_slice %arg2[%dma_start3A_193, %dma_start3A_194] : memref<24576x1024xf32, #tpu.memory_space<hbm>> -> memref<24576x1024xf32, #tpu.memory_space<hbm>>
    tpu.enqueue_indirect_dma source(%dma_start3A_195 : memref<24576x1024xf32, #tpu.memory_space<hbm>>) target(%arg8 : memref<32x1024xf32, #tpu.memory_space<vmem>>) offsets(%dma_start3A_192 : memref<32xi32, #tpu.memory_space<vmem>>) semaphore(%arg11 : memref<!tpu.dma_semaphore, #tpu.memory_space<semaphore_mem>>)
    %dma_wait3A_196 = arith.constant 288 : i32
    %dma_wait3A_197 = tpu.memref_slice %arg5[%dma_wait3A_196] : memref<512xi32, #tpu.memory_space<vmem>> -> memref<32xi32, #tpu.memory_space<vmem>>
    %dma_wait3A_198 = arith.constant 0 : i32
    %dma_wait3A_199 = arith.constant 0 : i32
    %dma_wait3A_200 = tpu.memref_slice %arg2[%dma_wait3A_198, %dma_wait3A_199] : memref<24576x1024xf32, #tpu.memory_space<hbm>> -> memref<24576x1024xf32, #tpu.memory_space<hbm>>
    tpu.wait_indirect_dma semaphore(%arg9 : memref<!tpu.dma_semaphore, #tpu.memory_space<semaphore_mem>>) src(%dma_wait3A_200 : memref<24576x1024xf32, #tpu.memory_space<hbm>>) dst(%arg6 : memref<32x1024xf32, #tpu.memory_space<vmem>>)
    %add3A_201 = arith.constant 288 : i32
    %add3A_202 = arith.addi %mul3A_2, %add3A_201 : i32
    %dma_start3A_203 = arith.constant 0 : i32
    %dma_start3A_204 = tpu.memref_slice %arg4[%add3A_202, %dma_start3A_203] : memref<16384x1024xf32, #tpu.memory_space<hbm>> -> memref<32x1024xf32, #tpu.memory_space<hbm>>
    %dma_start3A_205 = arith.constant 0 : i32
    %dma_start3A_206 = tpu.memref_slice %arg4[%add3A_202, %dma_start3A_205] : memref<16384x1024xf32, #tpu.memory_space<hbm>> -> memref<32x1024xf32, #tpu.memory_space<hbm>>
    tpu.enqueue_dma source(%arg6 : memref<32x1024xf32, #tpu.memory_space<vmem>>) target(%dma_start3A_206 : memref<32x1024xf32, #tpu.memory_space<hbm>>) target_semaphore(%arg12 : memref<!tpu.dma_semaphore, #tpu.memory_space<semaphore_mem>>)
    %dma_wait3A_207 = arith.constant 0 : i32
    %dma_wait3A_208 = tpu.memref_slice %arg4[%add3A_202, %dma_wait3A_207] : memref<16384x1024xf32, #tpu.memory_space<hbm>> -> memref<32x1024xf32, #tpu.memory_space<hbm>>
    %dma_wait3A_209 = arith.constant 0 : i32
    %dma_wait3A_210 = tpu.memref_slice %arg4[%add3A_202, %dma_wait3A_209] : memref<16384x1024xf32, #tpu.memory_space<hbm>> -> memref<32x1024xf32, #tpu.memory_space<hbm>>
    tpu.wait_dma2 semaphore(%arg12 : memref<!tpu.dma_semaphore, #tpu.memory_space<semaphore_mem>>) src(%arg6 : memref<32x1024xf32, #tpu.memory_space<vmem>>) dst(%dma_wait3A_210 : memref<32x1024xf32, #tpu.memory_space<hbm>>)
    %dma_start3A_211 = arith.constant 384 : i32
    %dma_start3A_212 = tpu.memref_slice %arg5[%dma_start3A_211] : memref<512xi32, #tpu.memory_space<vmem>> -> memref<32xi32, #tpu.memory_space<vmem>>
    %dma_start3A_213 = arith.constant 0 : i32
    %dma_start3A_214 = arith.constant 0 : i32
    %dma_start3A_215 = tpu.memref_slice %arg2[%dma_start3A_213, %dma_start3A_214] : memref<24576x1024xf32, #tpu.memory_space<hbm>> -> memref<24576x1024xf32, #tpu.memory_space<hbm>>
    tpu.enqueue_indirect_dma source(%dma_start3A_215 : memref<24576x1024xf32, #tpu.memory_space<hbm>>) target(%arg6 : memref<32x1024xf32, #tpu.memory_space<vmem>>) offsets(%dma_start3A_212 : memref<32xi32, #tpu.memory_space<vmem>>) semaphore(%arg9 : memref<!tpu.dma_semaphore, #tpu.memory_space<semaphore_mem>>)
    %dma_wait3A_216 = arith.constant 320 : i32
    %dma_wait3A_217 = tpu.memref_slice %arg5[%dma_wait3A_216] : memref<512xi32, #tpu.memory_space<vmem>> -> memref<32xi32, #tpu.memory_space<vmem>>
    %dma_wait3A_218 = arith.constant 0 : i32
    %dma_wait3A_219 = arith.constant 0 : i32
    %dma_wait3A_220 = tpu.memref_slice %arg2[%dma_wait3A_218, %dma_wait3A_219] : memref<24576x1024xf32, #tpu.memory_space<hbm>> -> memref<24576x1024xf32, #tpu.memory_space<hbm>>
    tpu.wait_indirect_dma semaphore(%arg10 : memref<!tpu.dma_semaphore, #tpu.memory_space<semaphore_mem>>) src(%dma_wait3A_220 : memref<24576x1024xf32, #tpu.memory_space<hbm>>) dst(%arg7 : memref<32x1024xf32, #tpu.memory_space<vmem>>)
    %add3A_221 = arith.constant 320 : i32
    %add3A_222 = arith.addi %mul3A_2, %add3A_221 : i32
    %dma_start3A_223 = arith.constant 0 : i32
    %dma_start3A_224 = tpu.memref_slice %arg4[%add3A_222, %dma_start3A_223] : memref<16384x1024xf32, #tpu.memory_space<hbm>> -> memref<32x1024xf32, #tpu.memory_space<hbm>>
    %dma_start3A_225 = arith.constant 0 : i32
    %dma_start3A_226 = tpu.memref_slice %arg4[%add3A_222, %dma_start3A_225] : memref<16384x1024xf32, #tpu.memory_space<hbm>> -> memref<32x1024xf32, #tpu.memory_space<hbm>>
    tpu.enqueue_dma source(%arg7 : memref<32x1024xf32, #tpu.memory_space<vmem>>) target(%dma_start3A_226 : memref<32x1024xf32, #tpu.memory_space<hbm>>) target_semaphore(%arg13 : memref<!tpu.dma_semaphore, #tpu.memory_space<semaphore_mem>>)
    %dma_wait3A_227 = arith.constant 0 : i32
    %dma_wait3A_228 = tpu.memref_slice %arg4[%add3A_222, %dma_wait3A_227] : memref<16384x1024xf32, #tpu.memory_space<hbm>> -> memref<32x1024xf32, #tpu.memory_space<hbm>>
    %dma_wait3A_229 = arith.constant 0 : i32
    %dma_wait3A_230 = tpu.memref_slice %arg4[%add3A_222, %dma_wait3A_229] : memref<16384x1024xf32, #tpu.memory_space<hbm>> -> memref<32x1024xf32, #tpu.memory_space<hbm>>
    tpu.wait_dma2 semaphore(%arg13 : memref<!tpu.dma_semaphore, #tpu.memory_space<semaphore_mem>>) src(%arg7 : memref<32x1024xf32, #tpu.memory_space<vmem>>) dst(%dma_wait3A_230 : memref<32x1024xf32, #tpu.memory_space<hbm>>)
    %dma_start3A_231 = arith.constant 416 : i32
    %dma_start3A_232 = tpu.memref_slice %arg5[%dma_start3A_231] : memref<512xi32, #tpu.memory_space<vmem>> -> memref<32xi32, #tpu.memory_space<vmem>>
    %dma_start3A_233 = arith.constant 0 : i32
    %dma_start3A_234 = arith.constant 0 : i32
    %dma_start3A_235 = tpu.memref_slice %arg2[%dma_start3A_233, %dma_start3A_234] : memref<24576x1024xf32, #tpu.memory_space<hbm>> -> memref<24576x1024xf32, #tpu.memory_space<hbm>>
    tpu.enqueue_indirect_dma source(%dma_start3A_235 : memref<24576x1024xf32, #tpu.memory_space<hbm>>) target(%arg7 : memref<32x1024xf32, #tpu.memory_space<vmem>>) offsets(%dma_start3A_232 : memref<32xi32, #tpu.memory_space<vmem>>) semaphore(%arg10 : memref<!tpu.dma_semaphore, #tpu.memory_space<semaphore_mem>>)
    %dma_wait3A_236 = arith.constant 352 : i32
    %dma_wait3A_237 = tpu.memref_slice %arg5[%dma_wait3A_236] : memref<512xi32, #tpu.memory_space<vmem>> -> memref<32xi32, #tpu.memory_space<vmem>>
    %dma_wait3A_238 = arith.constant 0 : i32
    %dma_wait3A_239 = arith.constant 0 : i32
    %dma_wait3A_240 = tpu.memref_slice %arg2[%dma_wait3A_238, %dma_wait3A_239] : memref<24576x1024xf32, #tpu.memory_space<hbm>> -> memref<24576x1024xf32, #tpu.memory_space<hbm>>
    tpu.wait_indirect_dma semaphore(%arg11 : memref<!tpu.dma_semaphore, #tpu.memory_space<semaphore_mem>>) src(%dma_wait3A_240 : memref<24576x1024xf32, #tpu.memory_space<hbm>>) dst(%arg8 : memref<32x1024xf32, #tpu.memory_space<vmem>>)
    %add3A_241 = arith.constant 352 : i32
    %add3A_242 = arith.addi %mul3A_2, %add3A_241 : i32
    %dma_start3A_243 = arith.constant 0 : i32
    %dma_start3A_244 = tpu.memref_slice %arg4[%add3A_242, %dma_start3A_243] : memref<16384x1024xf32, #tpu.memory_space<hbm>> -> memref<32x1024xf32, #tpu.memory_space<hbm>>
    %dma_start3A_245 = arith.constant 0 : i32
    %dma_start3A_246 = tpu.memref_slice %arg4[%add3A_242, %dma_start3A_245] : memref<16384x1024xf32, #tpu.memory_space<hbm>> -> memref<32x1024xf32, #tpu.memory_space<hbm>>
    tpu.enqueue_dma source(%arg8 : memref<32x1024xf32, #tpu.memory_space<vmem>>) target(%dma_start3A_246 : memref<32x1024xf32, #tpu.memory_space<hbm>>) target_semaphore(%arg14 : memref<!tpu.dma_semaphore, #tpu.memory_space<semaphore_mem>>)
    %dma_wait3A_247 = arith.constant 0 : i32
    %dma_wait3A_248 = tpu.memref_slice %arg4[%add3A_242, %dma_wait3A_247] : memref<16384x1024xf32, #tpu.memory_space<hbm>> -> memref<32x1024xf32, #tpu.memory_space<hbm>>
    %dma_wait3A_249 = arith.constant 0 : i32
    %dma_wait3A_250 = tpu.memref_slice %arg4[%add3A_242, %dma_wait3A_249] : memref<16384x1024xf32, #tpu.memory_space<hbm>> -> memref<32x1024xf32, #tpu.memory_space<hbm>>
    tpu.wait_dma2 semaphore(%arg14 : memref<!tpu.dma_semaphore, #tpu.memory_space<semaphore_mem>>) src(%arg8 : memref<32x1024xf32, #tpu.memory_space<vmem>>) dst(%dma_wait3A_250 : memref<32x1024xf32, #tpu.memory_space<hbm>>)
    %dma_start3A_251 = arith.constant 448 : i32
    %dma_start3A_252 = tpu.memref_slice %arg5[%dma_start3A_251] : memref<512xi32, #tpu.memory_space<vmem>> -> memref<32xi32, #tpu.memory_space<vmem>>
    %dma_start3A_253 = arith.constant 0 : i32
    %dma_start3A_254 = arith.constant 0 : i32
    %dma_start3A_255 = tpu.memref_slice %arg2[%dma_start3A_253, %dma_start3A_254] : memref<24576x1024xf32, #tpu.memory_space<hbm>> -> memref<24576x1024xf32, #tpu.memory_space<hbm>>
    tpu.enqueue_indirect_dma source(%dma_start3A_255 : memref<24576x1024xf32, #tpu.memory_space<hbm>>) target(%arg8 : memref<32x1024xf32, #tpu.memory_space<vmem>>) offsets(%dma_start3A_252 : memref<32xi32, #tpu.memory_space<vmem>>) semaphore(%arg11 : memref<!tpu.dma_semaphore, #tpu.memory_space<semaphore_mem>>)
    %dma_wait3A_256 = arith.constant 384 : i32
    %dma_wait3A_257 = tpu.memref_slice %arg5[%dma_wait3A_256] : memref<512xi32, #tpu.memory_space<vmem>> -> memref<32xi32, #tpu.memory_space<vmem>>
    %dma_wait3A_258 = arith.constant 0 : i32
    %dma_wait3A_259 = arith.constant 0 : i32
    %dma_wait3A_260 = tpu.memref_slice %arg2[%dma_wait3A_258, %dma_wait3A_259] : memref<24576x1024xf32, #tpu.memory_space<hbm>> -> memref<24576x1024xf32, #tpu.memory_space<hbm>>
    tpu.wait_indirect_dma semaphore(%arg9 : memref<!tpu.dma_semaphore, #tpu.memory_space<semaphore_mem>>) src(%dma_wait3A_260 : memref<24576x1024xf32, #tpu.memory_space<hbm>>) dst(%arg6 : memref<32x1024xf32, #tpu.memory_space<vmem>>)
    %add3A_261 = arith.constant 384 : i32
    %add3A_262 = arith.addi %mul3A_2, %add3A_261 : i32
    %dma_start3A_263 = arith.constant 0 : i32
    %dma_start3A_264 = tpu.memref_slice %arg4[%add3A_262, %dma_start3A_263] : memref<16384x1024xf32, #tpu.memory_space<hbm>> -> memref<32x1024xf32, #tpu.memory_space<hbm>>
    %dma_start3A_265 = arith.constant 0 : i32
    %dma_start3A_266 = tpu.memref_slice %arg4[%add3A_262, %dma_start3A_265] : memref<16384x1024xf32, #tpu.memory_space<hbm>> -> memref<32x1024xf32, #tpu.memory_space<hbm>>
    tpu.enqueue_dma source(%arg6 : memref<32x1024xf32, #tpu.memory_space<vmem>>) target(%dma_start3A_266 : memref<32x1024xf32, #tpu.memory_space<hbm>>) target_semaphore(%arg12 : memref<!tpu.dma_semaphore, #tpu.memory_space<semaphore_mem>>)
    %dma_wait3A_267 = arith.constant 0 : i32
    %dma_wait3A_268 = tpu.memref_slice %arg4[%add3A_262, %dma_wait3A_267] : memref<16384x1024xf32, #tpu.memory_space<hbm>> -> memref<32x1024xf32, #tpu.memory_space<hbm>>
    %dma_wait3A_269 = arith.constant 0 : i32
    %dma_wait3A_270 = tpu.memref_slice %arg4[%add3A_262, %dma_wait3A_269] : memref<16384x1024xf32, #tpu.memory_space<hbm>> -> memref<32x1024xf32, #tpu.memory_space<hbm>>
    tpu.wait_dma2 semaphore(%arg12 : memref<!tpu.dma_semaphore, #tpu.memory_space<semaphore_mem>>) src(%arg6 : memref<32x1024xf32, #tpu.memory_space<vmem>>) dst(%dma_wait3A_270 : memref<32x1024xf32, #tpu.memory_space<hbm>>)
    %dma_start3A_271 = arith.constant 480 : i32
    %dma_start3A_272 = tpu.memref_slice %arg5[%dma_start3A_271] : memref<512xi32, #tpu.memory_space<vmem>> -> memref<32xi32, #tpu.memory_space<vmem>>
    %dma_start3A_273 = arith.constant 0 : i32
    %dma_start3A_274 = arith.constant 0 : i32
    %dma_start3A_275 = tpu.memref_slice %arg2[%dma_start3A_273, %dma_start3A_274] : memref<24576x1024xf32, #tpu.memory_space<hbm>> -> memref<24576x1024xf32, #tpu.memory_space<hbm>>
    tpu.enqueue_indirect_dma source(%dma_start3A_275 : memref<24576x1024xf32, #tpu.memory_space<hbm>>) target(%arg6 : memref<32x1024xf32, #tpu.memory_space<vmem>>) offsets(%dma_start3A_272 : memref<32xi32, #tpu.memory_space<vmem>>) semaphore(%arg9 : memref<!tpu.dma_semaphore, #tpu.memory_space<semaphore_mem>>)
    %dma_wait3A_276 = arith.constant 416 : i32
    %dma_wait3A_277 = tpu.memref_slice %arg5[%dma_wait3A_276] : memref<512xi32, #tpu.memory_space<vmem>> -> memref<32xi32, #tpu.memory_space<vmem>>
    %dma_wait3A_278 = arith.constant 0 : i32
    %dma_wait3A_279 = arith.constant 0 : i32
    %dma_wait3A_280 = tpu.memref_slice %arg2[%dma_wait3A_278, %dma_wait3A_279] : memref<24576x1024xf32, #tpu.memory_space<hbm>> -> memref<24576x1024xf32, #tpu.memory_space<hbm>>
    tpu.wait_indirect_dma semaphore(%arg10 : memref<!tpu.dma_semaphore, #tpu.memory_space<semaphore_mem>>) src(%dma_wait3A_280 : memref<24576x1024xf32, #tpu.memory_space<hbm>>) dst(%arg7 : memref<32x1024xf32, #tpu.memory_space<vmem>>)
    %add3A_281 = arith.constant 416 : i32
    %add3A_282 = arith.addi %mul3A_2, %add3A_281 : i32
    %dma_start3A_283 = arith.constant 0 : i32
    %dma_start3A_284 = tpu.memref_slice %arg4[%add3A_282, %dma_start3A_283] : memref<16384x1024xf32, #tpu.memory_space<hbm>> -> memref<32x1024xf32, #tpu.memory_space<hbm>>
    %dma_start3A_285 = arith.constant 0 : i32
    %dma_start3A_286 = tpu.memref_slice %arg4[%add3A_282, %dma_start3A_285] : memref<16384x1024xf32, #tpu.memory_space<hbm>> -> memref<32x1024xf32, #tpu.memory_space<hbm>>
    tpu.enqueue_dma source(%arg7 : memref<32x1024xf32, #tpu.memory_space<vmem>>) target(%dma_start3A_286 : memref<32x1024xf32, #tpu.memory_space<hbm>>) target_semaphore(%arg13 : memref<!tpu.dma_semaphore, #tpu.memory_space<semaphore_mem>>)
    %dma_wait3A_287 = arith.constant 448 : i32
    %dma_wait3A_288 = tpu.memref_slice %arg5[%dma_wait3A_287] : memref<512xi32, #tpu.memory_space<vmem>> -> memref<32xi32, #tpu.memory_space<vmem>>
    %dma_wait3A_289 = arith.constant 0 : i32
    %dma_wait3A_290 = arith.constant 0 : i32
    %dma_wait3A_291 = tpu.memref_slice %arg2[%dma_wait3A_289, %dma_wait3A_290] : memref<24576x1024xf32, #tpu.memory_space<hbm>> -> memref<24576x1024xf32, #tpu.memory_space<hbm>>
    tpu.wait_indirect_dma semaphore(%arg11 : memref<!tpu.dma_semaphore, #tpu.memory_space<semaphore_mem>>) src(%dma_wait3A_291 : memref<24576x1024xf32, #tpu.memory_space<hbm>>) dst(%arg8 : memref<32x1024xf32, #tpu.memory_space<vmem>>)
    %add3A_292 = arith.constant 448 : i32
    %add3A_293 = arith.addi %mul3A_2, %add3A_292 : i32
    %dma_start3A_294 = arith.constant 0 : i32
    %dma_start3A_295 = tpu.memref_slice %arg4[%add3A_293, %dma_start3A_294] : memref<16384x1024xf32, #tpu.memory_space<hbm>> -> memref<32x1024xf32, #tpu.memory_space<hbm>>
    %dma_start3A_296 = arith.constant 0 : i32
    %dma_start3A_297 = tpu.memref_slice %arg4[%add3A_293, %dma_start3A_296] : memref<16384x1024xf32, #tpu.memory_space<hbm>> -> memref<32x1024xf32, #tpu.memory_space<hbm>>
    tpu.enqueue_dma source(%arg8 : memref<32x1024xf32, #tpu.memory_space<vmem>>) target(%dma_start3A_297 : memref<32x1024xf32, #tpu.memory_space<hbm>>) target_semaphore(%arg14 : memref<!tpu.dma_semaphore, #tpu.memory_space<semaphore_mem>>)
    %dma_wait3A_298 = arith.constant 480 : i32
    %dma_wait3A_299 = tpu.memref_slice %arg5[%dma_wait3A_298] : memref<512xi32, #tpu.memory_space<vmem>> -> memref<32xi32, #tpu.memory_space<vmem>>
    %dma_wait3A_300 = arith.constant 0 : i32
    %dma_wait3A_301 = arith.constant 0 : i32
    %dma_wait3A_302 = tpu.memref_slice %arg2[%dma_wait3A_300, %dma_wait3A_301] : memref<24576x1024xf32, #tpu.memory_space<hbm>> -> memref<24576x1024xf32, #tpu.memory_space<hbm>>
    tpu.wait_indirect_dma semaphore(%arg9 : memref<!tpu.dma_semaphore, #tpu.memory_space<semaphore_mem>>) src(%dma_wait3A_302 : memref<24576x1024xf32, #tpu.memory_space<hbm>>) dst(%arg6 : memref<32x1024xf32, #tpu.memory_space<vmem>>)
    %add3A_303 = arith.constant 480 : i32
    %add3A_304 = arith.addi %mul3A_2, %add3A_303 : i32
    %dma_start3A_305 = arith.constant 0 : i32
    %dma_start3A_306 = tpu.memref_slice %arg4[%add3A_304, %dma_start3A_305] : memref<16384x1024xf32, #tpu.memory_space<hbm>> -> memref<32x1024xf32, #tpu.memory_space<hbm>>
    %dma_start3A_307 = arith.constant 0 : i32
    %dma_start3A_308 = tpu.memref_slice %arg4[%add3A_304, %dma_start3A_307] : memref<16384x1024xf32, #tpu.memory_space<hbm>> -> memref<32x1024xf32, #tpu.memory_space<hbm>>
    tpu.enqueue_dma source(%arg6 : memref<32x1024xf32, #tpu.memory_space<vmem>>) target(%dma_start3A_308 : memref<32x1024xf32, #tpu.memory_space<hbm>>) target_semaphore(%arg12 : memref<!tpu.dma_semaphore, #tpu.memory_space<semaphore_mem>>)
    %dma_wait3A_309 = arith.constant 0 : i32
    %dma_wait3A_310 = tpu.memref_slice %arg4[%add3A_282, %dma_wait3A_309] : memref<16384x1024xf32, #tpu.memory_space<hbm>> -> memref<32x1024xf32, #tpu.memory_space<hbm>>
    %dma_wait3A_311 = arith.constant 0 : i32
    %dma_wait3A_312 = tpu.memref_slice %arg4[%add3A_282, %dma_wait3A_311] : memref<16384x1024xf32, #tpu.memory_space<hbm>> -> memref<32x1024xf32, #tpu.memory_space<hbm>>
    tpu.wait_dma2 semaphore(%arg13 : memref<!tpu.dma_semaphore, #tpu.memory_space<semaphore_mem>>) src(%arg7 : memref<32x1024xf32, #tpu.memory_space<vmem>>) dst(%dma_wait3A_312 : memref<32x1024xf32, #tpu.memory_space<hbm>>)
    %dma_wait3A_313 = arith.constant 0 : i32
    %dma_wait3A_314 = tpu.memref_slice %arg4[%add3A_293, %dma_wait3A_313] : memref<16384x1024xf32, #tpu.memory_space<hbm>> -> memref<32x1024xf32, #tpu.memory_space<hbm>>
    %dma_wait3A_315 = arith.constant 0 : i32
    %dma_wait3A_316 = tpu.memref_slice %arg4[%add3A_293, %dma_wait3A_315] : memref<16384x1024xf32, #tpu.memory_space<hbm>> -> memref<32x1024xf32, #tpu.memory_space<hbm>>
    tpu.wait_dma2 semaphore(%arg14 : memref<!tpu.dma_semaphore, #tpu.memory_space<semaphore_mem>>) src(%arg8 : memref<32x1024xf32, #tpu.memory_space<vmem>>) dst(%dma_wait3A_316 : memref<32x1024xf32, #tpu.memory_space<hbm>>)
    %dma_wait3A_317 = arith.constant 0 : i32
    %dma_wait3A_318 = tpu.memref_slice %arg4[%add3A_304, %dma_wait3A_317] : memref<16384x1024xf32, #tpu.memory_space<hbm>> -> memref<32x1024xf32, #tpu.memory_space<hbm>>
    %dma_wait3A_319 = arith.constant 0 : i32
    %dma_wait3A_320 = tpu.memref_slice %arg4[%add3A_304, %dma_wait3A_319] : memref<16384x1024xf32, #tpu.memory_space<hbm>> -> memref<32x1024xf32, #tpu.memory_space<hbm>>
    tpu.wait_dma2 semaphore(%arg12 : memref<!tpu.dma_semaphore, #tpu.memory_space<semaphore_mem>>) src(%arg6 : memref<32x1024xf32, #tpu.memory_space<vmem>>) dst(%dma_wait3A_320 : memref<32x1024xf32, #tpu.memory_space<hbm>>)
    return
  }
}

#map = affine_map<(d0, d1) -> (0, 0)>
#map1 = affine_map<(d0, d1) -> (0)>
module attributes {stable_mosaic.version = 14 : i64} {
  func.func @gather_kernel(%arg0: i32, %arg1: i32, %arg2: memref<8192x1024xf32, #tpu.memory_space<hbm>>, %arg3: memref<24576xi32, #tpu.memory_space<hbm>>, %arg4: memref<24576x1024xf32, #tpu.memory_space<hbm>>, %arg5: memref<768xi32, #tpu.memory_space<vmem>>, %arg6: memref<32x1024xf32, #tpu.memory_space<vmem>>, %arg7: memref<32x1024xf32, #tpu.memory_space<vmem>>, %arg8: memref<32x1024xf32, #tpu.memory_space<vmem>>, %arg9: memref<!tpu.dma_semaphore, #tpu.memory_space<semaphore_mem>>, %arg10: memref<!tpu.dma_semaphore, #tpu.memory_space<semaphore_mem>>, %arg11: memref<!tpu.dma_semaphore, #tpu.memory_space<semaphore_mem>>, %arg12: memref<!tpu.dma_semaphore, #tpu.memory_space<semaphore_mem>>, %arg13: memref<!tpu.dma_semaphore, #tpu.memory_space<semaphore_mem>>, %arg14: memref<!tpu.dma_semaphore, #tpu.memory_space<semaphore_mem>>) attributes {dimension_semantics = [#tpu.dimension_semantics<core_parallel>, #tpu.dimension_semantics<subcore_parallel>], iteration_bounds = array<i64: 2, 16>, scalar_prefetch = 0 : i64, scratch_operands = 10 : i64, tpu.core_type = #tpu.core_type<sc_vector_subcore>, window_params = [{transform_indices = #map}, {transform_indices = #map1}, {transform_indices = #map}]} {
    %mul3A = arith.constant 2 : i32
    %mul3A_0 = arith.muli %arg1, %mul3A : i32
    %add3A = arith.addi %mul3A_0, %arg0 : i32
    %mul3A_1 = arith.constant 768 : i32
    %mul3A_2 = arith.muli %add3A, %mul3A_1 : i32
    "tpu.region"() ({
      %run_scoped3A = tpu.sem_alloc : memref<!tpu.dma_semaphore, #tpu.memory_space<semaphore_mem>>
      %dma_start3A_481 = tpu.memref_slice %arg3[%mul3A_2] : memref<24576xi32, #tpu.memory_space<hbm>> -> memref<768xi32, #tpu.memory_space<hbm>>
      %dma_start3A_482 = tpu.memref_slice %arg3[%mul3A_2] : memref<24576xi32, #tpu.memory_space<hbm>> -> memref<768xi32, #tpu.memory_space<hbm>>
      tpu.enqueue_dma source(%dma_start3A_482 : memref<768xi32, #tpu.memory_space<hbm>>) target(%arg5 : memref<768xi32, #tpu.memory_space<vmem>>) target_semaphore(%run_scoped3A : memref<!tpu.dma_semaphore, #tpu.memory_space<semaphore_mem>>)
      %dma_wait3A_483 = tpu.memref_slice %arg3[%mul3A_2] : memref<24576xi32, #tpu.memory_space<hbm>> -> memref<768xi32, #tpu.memory_space<hbm>>
      %dma_wait3A_484 = tpu.memref_slice %arg3[%mul3A_2] : memref<24576xi32, #tpu.memory_space<hbm>> -> memref<768xi32, #tpu.memory_space<hbm>>
      tpu.wait_dma2 semaphore(%run_scoped3A : memref<!tpu.dma_semaphore, #tpu.memory_space<semaphore_mem>>) src(%dma_wait3A_484 : memref<768xi32, #tpu.memory_space<hbm>>) dst(%arg5 : memref<768xi32, #tpu.memory_space<vmem>>)
      tpu.yield
    }) : () -> ()
    %dma_start3A = arith.constant 0 : i32
    %dma_start3A_3 = tpu.memref_slice %arg5[%dma_start3A] : memref<768xi32, #tpu.memory_space<vmem>> -> memref<32xi32, #tpu.memory_space<vmem>>
    %dma_start3A_4 = arith.constant 0 : i32
    %dma_start3A_5 = arith.constant 0 : i32
    %dma_start3A_6 = tpu.memref_slice %arg2[%dma_start3A_4, %dma_start3A_5] : memref<8192x1024xf32, #tpu.memory_space<hbm>> -> memref<8192x1024xf32, #tpu.memory_space<hbm>>
    tpu.enqueue_indirect_dma source(%dma_start3A_6 : memref<8192x1024xf32, #tpu.memory_space<hbm>>) target(%arg6 : memref<32x1024xf32, #tpu.memory_space<vmem>>) offsets(%dma_start3A_3 : memref<32xi32, #tpu.memory_space<vmem>>) semaphore(%arg9 : memref<!tpu.dma_semaphore, #tpu.memory_space<semaphore_mem>>)
    %dma_start3A_7 = arith.constant 32 : i32
    %dma_start3A_8 = tpu.memref_slice %arg5[%dma_start3A_7] : memref<768xi32, #tpu.memory_space<vmem>> -> memref<32xi32, #tpu.memory_space<vmem>>
    %dma_start3A_9 = arith.constant 0 : i32
    %dma_start3A_10 = arith.constant 0 : i32
    %dma_start3A_11 = tpu.memref_slice %arg2[%dma_start3A_9, %dma_start3A_10] : memref<8192x1024xf32, #tpu.memory_space<hbm>> -> memref<8192x1024xf32, #tpu.memory_space<hbm>>
    tpu.enqueue_indirect_dma source(%dma_start3A_11 : memref<8192x1024xf32, #tpu.memory_space<hbm>>) target(%arg7 : memref<32x1024xf32, #tpu.memory_space<vmem>>) offsets(%dma_start3A_8 : memref<32xi32, #tpu.memory_space<vmem>>) semaphore(%arg10 : memref<!tpu.dma_semaphore, #tpu.memory_space<semaphore_mem>>)
    %dma_start3A_12 = arith.constant 64 : i32
    %dma_start3A_13 = tpu.memref_slice %arg5[%dma_start3A_12] : memref<768xi32, #tpu.memory_space<vmem>> -> memref<32xi32, #tpu.memory_space<vmem>>
    %dma_start3A_14 = arith.constant 0 : i32
    %dma_start3A_15 = arith.constant 0 : i32
    %dma_start3A_16 = tpu.memref_slice %arg2[%dma_start3A_14, %dma_start3A_15] : memref<8192x1024xf32, #tpu.memory_space<hbm>> -> memref<8192x1024xf32, #tpu.memory_space<hbm>>
    tpu.enqueue_indirect_dma source(%dma_start3A_16 : memref<8192x1024xf32, #tpu.memory_space<hbm>>) target(%arg8 : memref<32x1024xf32, #tpu.memory_space<vmem>>) offsets(%dma_start3A_13 : memref<32xi32, #tpu.memory_space<vmem>>) semaphore(%arg11 : memref<!tpu.dma_semaphore, #tpu.memory_space<semaphore_mem>>)
    %dma_wait3A = arith.constant 0 : i32
    %dma_wait3A_17 = tpu.memref_slice %arg5[%dma_wait3A] : memref<768xi32, #tpu.memory_space<vmem>> -> memref<32xi32, #tpu.memory_space<vmem>>
    %dma_wait3A_18 = arith.constant 0 : i32
    %dma_wait3A_19 = arith.constant 0 : i32
    %dma_wait3A_20 = tpu.memref_slice %arg2[%dma_wait3A_18, %dma_wait3A_19] : memref<8192x1024xf32, #tpu.memory_space<hbm>> -> memref<8192x1024xf32, #tpu.memory_space<hbm>>
    tpu.wait_indirect_dma semaphore(%arg9 : memref<!tpu.dma_semaphore, #tpu.memory_space<semaphore_mem>>) src(%dma_wait3A_20 : memref<8192x1024xf32, #tpu.memory_space<hbm>>) dst(%arg6 : memref<32x1024xf32, #tpu.memory_space<vmem>>)
    %add3A_21 = arith.constant 0 : i32
    %add3A_22 = arith.addi %mul3A_2, %add3A_21 : i32
    %dma_start3A_23 = arith.constant 0 : i32
    %dma_start3A_24 = tpu.memref_slice %arg4[%add3A_22, %dma_start3A_23] : memref<24576x1024xf32, #tpu.memory_space<hbm>> -> memref<32x1024xf32, #tpu.memory_space<hbm>>
    %dma_start3A_25 = arith.constant 0 : i32
    %dma_start3A_26 = tpu.memref_slice %arg4[%add3A_22, %dma_start3A_25] : memref<24576x1024xf32, #tpu.memory_space<hbm>> -> memref<32x1024xf32, #tpu.memory_space<hbm>>
    tpu.enqueue_dma source(%arg6 : memref<32x1024xf32, #tpu.memory_space<vmem>>) target(%dma_start3A_26 : memref<32x1024xf32, #tpu.memory_space<hbm>>) target_semaphore(%arg12 : memref<!tpu.dma_semaphore, #tpu.memory_space<semaphore_mem>>)
    %dma_wait3A_27 = arith.constant 0 : i32
    %dma_wait3A_28 = tpu.memref_slice %arg4[%add3A_22, %dma_wait3A_27] : memref<24576x1024xf32, #tpu.memory_space<hbm>> -> memref<32x1024xf32, #tpu.memory_space<hbm>>
    %dma_wait3A_29 = arith.constant 0 : i32
    %dma_wait3A_30 = tpu.memref_slice %arg4[%add3A_22, %dma_wait3A_29] : memref<24576x1024xf32, #tpu.memory_space<hbm>> -> memref<32x1024xf32, #tpu.memory_space<hbm>>
    tpu.wait_dma2 semaphore(%arg12 : memref<!tpu.dma_semaphore, #tpu.memory_space<semaphore_mem>>) src(%arg6 : memref<32x1024xf32, #tpu.memory_space<vmem>>) dst(%dma_wait3A_30 : memref<32x1024xf32, #tpu.memory_space<hbm>>)
    %dma_start3A_31 = arith.constant 96 : i32
    %dma_start3A_32 = tpu.memref_slice %arg5[%dma_start3A_31] : memref<768xi32, #tpu.memory_space<vmem>> -> memref<32xi32, #tpu.memory_space<vmem>>
    %dma_start3A_33 = arith.constant 0 : i32
    %dma_start3A_34 = arith.constant 0 : i32
    %dma_start3A_35 = tpu.memref_slice %arg2[%dma_start3A_33, %dma_start3A_34] : memref<8192x1024xf32, #tpu.memory_space<hbm>> -> memref<8192x1024xf32, #tpu.memory_space<hbm>>
    tpu.enqueue_indirect_dma source(%dma_start3A_35 : memref<8192x1024xf32, #tpu.memory_space<hbm>>) target(%arg6 : memref<32x1024xf32, #tpu.memory_space<vmem>>) offsets(%dma_start3A_32 : memref<32xi32, #tpu.memory_space<vmem>>) semaphore(%arg9 : memref<!tpu.dma_semaphore, #tpu.memory_space<semaphore_mem>>)
    %dma_wait3A_36 = arith.constant 32 : i32
    %dma_wait3A_37 = tpu.memref_slice %arg5[%dma_wait3A_36] : memref<768xi32, #tpu.memory_space<vmem>> -> memref<32xi32, #tpu.memory_space<vmem>>
    %dma_wait3A_38 = arith.constant 0 : i32
    %dma_wait3A_39 = arith.constant 0 : i32
    %dma_wait3A_40 = tpu.memref_slice %arg2[%dma_wait3A_38, %dma_wait3A_39] : memref<8192x1024xf32, #tpu.memory_space<hbm>> -> memref<8192x1024xf32, #tpu.memory_space<hbm>>
    tpu.wait_indirect_dma semaphore(%arg10 : memref<!tpu.dma_semaphore, #tpu.memory_space<semaphore_mem>>) src(%dma_wait3A_40 : memref<8192x1024xf32, #tpu.memory_space<hbm>>) dst(%arg7 : memref<32x1024xf32, #tpu.memory_space<vmem>>)
    %add3A_41 = arith.constant 32 : i32
    %add3A_42 = arith.addi %mul3A_2, %add3A_41 : i32
    %dma_start3A_43 = arith.constant 0 : i32
    %dma_start3A_44 = tpu.memref_slice %arg4[%add3A_42, %dma_start3A_43] : memref<24576x1024xf32, #tpu.memory_space<hbm>> -> memref<32x1024xf32, #tpu.memory_space<hbm>>
    %dma_start3A_45 = arith.constant 0 : i32
    %dma_start3A_46 = tpu.memref_slice %arg4[%add3A_42, %dma_start3A_45] : memref<24576x1024xf32, #tpu.memory_space<hbm>> -> memref<32x1024xf32, #tpu.memory_space<hbm>>
    tpu.enqueue_dma source(%arg7 : memref<32x1024xf32, #tpu.memory_space<vmem>>) target(%dma_start3A_46 : memref<32x1024xf32, #tpu.memory_space<hbm>>) target_semaphore(%arg13 : memref<!tpu.dma_semaphore, #tpu.memory_space<semaphore_mem>>)
    %dma_wait3A_47 = arith.constant 0 : i32
    %dma_wait3A_48 = tpu.memref_slice %arg4[%add3A_42, %dma_wait3A_47] : memref<24576x1024xf32, #tpu.memory_space<hbm>> -> memref<32x1024xf32, #tpu.memory_space<hbm>>
    %dma_wait3A_49 = arith.constant 0 : i32
    %dma_wait3A_50 = tpu.memref_slice %arg4[%add3A_42, %dma_wait3A_49] : memref<24576x1024xf32, #tpu.memory_space<hbm>> -> memref<32x1024xf32, #tpu.memory_space<hbm>>
    tpu.wait_dma2 semaphore(%arg13 : memref<!tpu.dma_semaphore, #tpu.memory_space<semaphore_mem>>) src(%arg7 : memref<32x1024xf32, #tpu.memory_space<vmem>>) dst(%dma_wait3A_50 : memref<32x1024xf32, #tpu.memory_space<hbm>>)
    %dma_start3A_51 = arith.constant 128 : i32
    %dma_start3A_52 = tpu.memref_slice %arg5[%dma_start3A_51] : memref<768xi32, #tpu.memory_space<vmem>> -> memref<32xi32, #tpu.memory_space<vmem>>
    %dma_start3A_53 = arith.constant 0 : i32
    %dma_start3A_54 = arith.constant 0 : i32
    %dma_start3A_55 = tpu.memref_slice %arg2[%dma_start3A_53, %dma_start3A_54] : memref<8192x1024xf32, #tpu.memory_space<hbm>> -> memref<8192x1024xf32, #tpu.memory_space<hbm>>
    tpu.enqueue_indirect_dma source(%dma_start3A_55 : memref<8192x1024xf32, #tpu.memory_space<hbm>>) target(%arg7 : memref<32x1024xf32, #tpu.memory_space<vmem>>) offsets(%dma_start3A_52 : memref<32xi32, #tpu.memory_space<vmem>>) semaphore(%arg10 : memref<!tpu.dma_semaphore, #tpu.memory_space<semaphore_mem>>)
    %dma_wait3A_56 = arith.constant 64 : i32
    %dma_wait3A_57 = tpu.memref_slice %arg5[%dma_wait3A_56] : memref<768xi32, #tpu.memory_space<vmem>> -> memref<32xi32, #tpu.memory_space<vmem>>
    %dma_wait3A_58 = arith.constant 0 : i32
    %dma_wait3A_59 = arith.constant 0 : i32
    %dma_wait3A_60 = tpu.memref_slice %arg2[%dma_wait3A_58, %dma_wait3A_59] : memref<8192x1024xf32, #tpu.memory_space<hbm>> -> memref<8192x1024xf32, #tpu.memory_space<hbm>>
    tpu.wait_indirect_dma semaphore(%arg11 : memref<!tpu.dma_semaphore, #tpu.memory_space<semaphore_mem>>) src(%dma_wait3A_60 : memref<8192x1024xf32, #tpu.memory_space<hbm>>) dst(%arg8 : memref<32x1024xf32, #tpu.memory_space<vmem>>)
    %add3A_61 = arith.constant 64 : i32
    %add3A_62 = arith.addi %mul3A_2, %add3A_61 : i32
    %dma_start3A_63 = arith.constant 0 : i32
    %dma_start3A_64 = tpu.memref_slice %arg4[%add3A_62, %dma_start3A_63] : memref<24576x1024xf32, #tpu.memory_space<hbm>> -> memref<32x1024xf32, #tpu.memory_space<hbm>>
    %dma_start3A_65 = arith.constant 0 : i32
    %dma_start3A_66 = tpu.memref_slice %arg4[%add3A_62, %dma_start3A_65] : memref<24576x1024xf32, #tpu.memory_space<hbm>> -> memref<32x1024xf32, #tpu.memory_space<hbm>>
    tpu.enqueue_dma source(%arg8 : memref<32x1024xf32, #tpu.memory_space<vmem>>) target(%dma_start3A_66 : memref<32x1024xf32, #tpu.memory_space<hbm>>) target_semaphore(%arg14 : memref<!tpu.dma_semaphore, #tpu.memory_space<semaphore_mem>>)
    %dma_wait3A_67 = arith.constant 0 : i32
    %dma_wait3A_68 = tpu.memref_slice %arg4[%add3A_62, %dma_wait3A_67] : memref<24576x1024xf32, #tpu.memory_space<hbm>> -> memref<32x1024xf32, #tpu.memory_space<hbm>>
    %dma_wait3A_69 = arith.constant 0 : i32
    %dma_wait3A_70 = tpu.memref_slice %arg4[%add3A_62, %dma_wait3A_69] : memref<24576x1024xf32, #tpu.memory_space<hbm>> -> memref<32x1024xf32, #tpu.memory_space<hbm>>
    tpu.wait_dma2 semaphore(%arg14 : memref<!tpu.dma_semaphore, #tpu.memory_space<semaphore_mem>>) src(%arg8 : memref<32x1024xf32, #tpu.memory_space<vmem>>) dst(%dma_wait3A_70 : memref<32x1024xf32, #tpu.memory_space<hbm>>)
    %dma_start3A_71 = arith.constant 160 : i32
    %dma_start3A_72 = tpu.memref_slice %arg5[%dma_start3A_71] : memref<768xi32, #tpu.memory_space<vmem>> -> memref<32xi32, #tpu.memory_space<vmem>>
    %dma_start3A_73 = arith.constant 0 : i32
    %dma_start3A_74 = arith.constant 0 : i32
    %dma_start3A_75 = tpu.memref_slice %arg2[%dma_start3A_73, %dma_start3A_74] : memref<8192x1024xf32, #tpu.memory_space<hbm>> -> memref<8192x1024xf32, #tpu.memory_space<hbm>>
    tpu.enqueue_indirect_dma source(%dma_start3A_75 : memref<8192x1024xf32, #tpu.memory_space<hbm>>) target(%arg8 : memref<32x1024xf32, #tpu.memory_space<vmem>>) offsets(%dma_start3A_72 : memref<32xi32, #tpu.memory_space<vmem>>) semaphore(%arg11 : memref<!tpu.dma_semaphore, #tpu.memory_space<semaphore_mem>>)
    %dma_wait3A_76 = arith.constant 96 : i32
    %dma_wait3A_77 = tpu.memref_slice %arg5[%dma_wait3A_76] : memref<768xi32, #tpu.memory_space<vmem>> -> memref<32xi32, #tpu.memory_space<vmem>>
    %dma_wait3A_78 = arith.constant 0 : i32
    %dma_wait3A_79 = arith.constant 0 : i32
    %dma_wait3A_80 = tpu.memref_slice %arg2[%dma_wait3A_78, %dma_wait3A_79] : memref<8192x1024xf32, #tpu.memory_space<hbm>> -> memref<8192x1024xf32, #tpu.memory_space<hbm>>
    tpu.wait_indirect_dma semaphore(%arg9 : memref<!tpu.dma_semaphore, #tpu.memory_space<semaphore_mem>>) src(%dma_wait3A_80 : memref<8192x1024xf32, #tpu.memory_space<hbm>>) dst(%arg6 : memref<32x1024xf32, #tpu.memory_space<vmem>>)
    %add3A_81 = arith.constant 96 : i32
    %add3A_82 = arith.addi %mul3A_2, %add3A_81 : i32
    %dma_start3A_83 = arith.constant 0 : i32
    %dma_start3A_84 = tpu.memref_slice %arg4[%add3A_82, %dma_start3A_83] : memref<24576x1024xf32, #tpu.memory_space<hbm>> -> memref<32x1024xf32, #tpu.memory_space<hbm>>
    %dma_start3A_85 = arith.constant 0 : i32
    %dma_start3A_86 = tpu.memref_slice %arg4[%add3A_82, %dma_start3A_85] : memref<24576x1024xf32, #tpu.memory_space<hbm>> -> memref<32x1024xf32, #tpu.memory_space<hbm>>
    tpu.enqueue_dma source(%arg6 : memref<32x1024xf32, #tpu.memory_space<vmem>>) target(%dma_start3A_86 : memref<32x1024xf32, #tpu.memory_space<hbm>>) target_semaphore(%arg12 : memref<!tpu.dma_semaphore, #tpu.memory_space<semaphore_mem>>)
    %dma_wait3A_87 = arith.constant 0 : i32
    %dma_wait3A_88 = tpu.memref_slice %arg4[%add3A_82, %dma_wait3A_87] : memref<24576x1024xf32, #tpu.memory_space<hbm>> -> memref<32x1024xf32, #tpu.memory_space<hbm>>
    %dma_wait3A_89 = arith.constant 0 : i32
    %dma_wait3A_90 = tpu.memref_slice %arg4[%add3A_82, %dma_wait3A_89] : memref<24576x1024xf32, #tpu.memory_space<hbm>> -> memref<32x1024xf32, #tpu.memory_space<hbm>>
    tpu.wait_dma2 semaphore(%arg12 : memref<!tpu.dma_semaphore, #tpu.memory_space<semaphore_mem>>) src(%arg6 : memref<32x1024xf32, #tpu.memory_space<vmem>>) dst(%dma_wait3A_90 : memref<32x1024xf32, #tpu.memory_space<hbm>>)
    %dma_start3A_91 = arith.constant 192 : i32
    %dma_start3A_92 = tpu.memref_slice %arg5[%dma_start3A_91] : memref<768xi32, #tpu.memory_space<vmem>> -> memref<32xi32, #tpu.memory_space<vmem>>
    %dma_start3A_93 = arith.constant 0 : i32
    %dma_start3A_94 = arith.constant 0 : i32
    %dma_start3A_95 = tpu.memref_slice %arg2[%dma_start3A_93, %dma_start3A_94] : memref<8192x1024xf32, #tpu.memory_space<hbm>> -> memref<8192x1024xf32, #tpu.memory_space<hbm>>
    tpu.enqueue_indirect_dma source(%dma_start3A_95 : memref<8192x1024xf32, #tpu.memory_space<hbm>>) target(%arg6 : memref<32x1024xf32, #tpu.memory_space<vmem>>) offsets(%dma_start3A_92 : memref<32xi32, #tpu.memory_space<vmem>>) semaphore(%arg9 : memref<!tpu.dma_semaphore, #tpu.memory_space<semaphore_mem>>)
    %dma_wait3A_96 = arith.constant 128 : i32
    %dma_wait3A_97 = tpu.memref_slice %arg5[%dma_wait3A_96] : memref<768xi32, #tpu.memory_space<vmem>> -> memref<32xi32, #tpu.memory_space<vmem>>
    %dma_wait3A_98 = arith.constant 0 : i32
    %dma_wait3A_99 = arith.constant 0 : i32
    %dma_wait3A_100 = tpu.memref_slice %arg2[%dma_wait3A_98, %dma_wait3A_99] : memref<8192x1024xf32, #tpu.memory_space<hbm>> -> memref<8192x1024xf32, #tpu.memory_space<hbm>>
    tpu.wait_indirect_dma semaphore(%arg10 : memref<!tpu.dma_semaphore, #tpu.memory_space<semaphore_mem>>) src(%dma_wait3A_100 : memref<8192x1024xf32, #tpu.memory_space<hbm>>) dst(%arg7 : memref<32x1024xf32, #tpu.memory_space<vmem>>)
    %add3A_101 = arith.constant 128 : i32
    %add3A_102 = arith.addi %mul3A_2, %add3A_101 : i32
    %dma_start3A_103 = arith.constant 0 : i32
    %dma_start3A_104 = tpu.memref_slice %arg4[%add3A_102, %dma_start3A_103] : memref<24576x1024xf32, #tpu.memory_space<hbm>> -> memref<32x1024xf32, #tpu.memory_space<hbm>>
    %dma_start3A_105 = arith.constant 0 : i32
    %dma_start3A_106 = tpu.memref_slice %arg4[%add3A_102, %dma_start3A_105] : memref<24576x1024xf32, #tpu.memory_space<hbm>> -> memref<32x1024xf32, #tpu.memory_space<hbm>>
    tpu.enqueue_dma source(%arg7 : memref<32x1024xf32, #tpu.memory_space<vmem>>) target(%dma_start3A_106 : memref<32x1024xf32, #tpu.memory_space<hbm>>) target_semaphore(%arg13 : memref<!tpu.dma_semaphore, #tpu.memory_space<semaphore_mem>>)
    %dma_wait3A_107 = arith.constant 0 : i32
    %dma_wait3A_108 = tpu.memref_slice %arg4[%add3A_102, %dma_wait3A_107] : memref<24576x1024xf32, #tpu.memory_space<hbm>> -> memref<32x1024xf32, #tpu.memory_space<hbm>>
    %dma_wait3A_109 = arith.constant 0 : i32
    %dma_wait3A_110 = tpu.memref_slice %arg4[%add3A_102, %dma_wait3A_109] : memref<24576x1024xf32, #tpu.memory_space<hbm>> -> memref<32x1024xf32, #tpu.memory_space<hbm>>
    tpu.wait_dma2 semaphore(%arg13 : memref<!tpu.dma_semaphore, #tpu.memory_space<semaphore_mem>>) src(%arg7 : memref<32x1024xf32, #tpu.memory_space<vmem>>) dst(%dma_wait3A_110 : memref<32x1024xf32, #tpu.memory_space<hbm>>)
    %dma_start3A_111 = arith.constant 224 : i32
    %dma_start3A_112 = tpu.memref_slice %arg5[%dma_start3A_111] : memref<768xi32, #tpu.memory_space<vmem>> -> memref<32xi32, #tpu.memory_space<vmem>>
    %dma_start3A_113 = arith.constant 0 : i32
    %dma_start3A_114 = arith.constant 0 : i32
    %dma_start3A_115 = tpu.memref_slice %arg2[%dma_start3A_113, %dma_start3A_114] : memref<8192x1024xf32, #tpu.memory_space<hbm>> -> memref<8192x1024xf32, #tpu.memory_space<hbm>>
    tpu.enqueue_indirect_dma source(%dma_start3A_115 : memref<8192x1024xf32, #tpu.memory_space<hbm>>) target(%arg7 : memref<32x1024xf32, #tpu.memory_space<vmem>>) offsets(%dma_start3A_112 : memref<32xi32, #tpu.memory_space<vmem>>) semaphore(%arg10 : memref<!tpu.dma_semaphore, #tpu.memory_space<semaphore_mem>>)
    %dma_wait3A_116 = arith.constant 160 : i32
    %dma_wait3A_117 = tpu.memref_slice %arg5[%dma_wait3A_116] : memref<768xi32, #tpu.memory_space<vmem>> -> memref<32xi32, #tpu.memory_space<vmem>>
    %dma_wait3A_118 = arith.constant 0 : i32
    %dma_wait3A_119 = arith.constant 0 : i32
    %dma_wait3A_120 = tpu.memref_slice %arg2[%dma_wait3A_118, %dma_wait3A_119] : memref<8192x1024xf32, #tpu.memory_space<hbm>> -> memref<8192x1024xf32, #tpu.memory_space<hbm>>
    tpu.wait_indirect_dma semaphore(%arg11 : memref<!tpu.dma_semaphore, #tpu.memory_space<semaphore_mem>>) src(%dma_wait3A_120 : memref<8192x1024xf32, #tpu.memory_space<hbm>>) dst(%arg8 : memref<32x1024xf32, #tpu.memory_space<vmem>>)
    %add3A_121 = arith.constant 160 : i32
    %add3A_122 = arith.addi %mul3A_2, %add3A_121 : i32
    %dma_start3A_123 = arith.constant 0 : i32
    %dma_start3A_124 = tpu.memref_slice %arg4[%add3A_122, %dma_start3A_123] : memref<24576x1024xf32, #tpu.memory_space<hbm>> -> memref<32x1024xf32, #tpu.memory_space<hbm>>
    %dma_start3A_125 = arith.constant 0 : i32
    %dma_start3A_126 = tpu.memref_slice %arg4[%add3A_122, %dma_start3A_125] : memref<24576x1024xf32, #tpu.memory_space<hbm>> -> memref<32x1024xf32, #tpu.memory_space<hbm>>
    tpu.enqueue_dma source(%arg8 : memref<32x1024xf32, #tpu.memory_space<vmem>>) target(%dma_start3A_126 : memref<32x1024xf32, #tpu.memory_space<hbm>>) target_semaphore(%arg14 : memref<!tpu.dma_semaphore, #tpu.memory_space<semaphore_mem>>)
    %dma_wait3A_127 = arith.constant 0 : i32
    %dma_wait3A_128 = tpu.memref_slice %arg4[%add3A_122, %dma_wait3A_127] : memref<24576x1024xf32, #tpu.memory_space<hbm>> -> memref<32x1024xf32, #tpu.memory_space<hbm>>
    %dma_wait3A_129 = arith.constant 0 : i32
    %dma_wait3A_130 = tpu.memref_slice %arg4[%add3A_122, %dma_wait3A_129] : memref<24576x1024xf32, #tpu.memory_space<hbm>> -> memref<32x1024xf32, #tpu.memory_space<hbm>>
    tpu.wait_dma2 semaphore(%arg14 : memref<!tpu.dma_semaphore, #tpu.memory_space<semaphore_mem>>) src(%arg8 : memref<32x1024xf32, #tpu.memory_space<vmem>>) dst(%dma_wait3A_130 : memref<32x1024xf32, #tpu.memory_space<hbm>>)
    %dma_start3A_131 = arith.constant 256 : i32
    %dma_start3A_132 = tpu.memref_slice %arg5[%dma_start3A_131] : memref<768xi32, #tpu.memory_space<vmem>> -> memref<32xi32, #tpu.memory_space<vmem>>
    %dma_start3A_133 = arith.constant 0 : i32
    %dma_start3A_134 = arith.constant 0 : i32
    %dma_start3A_135 = tpu.memref_slice %arg2[%dma_start3A_133, %dma_start3A_134] : memref<8192x1024xf32, #tpu.memory_space<hbm>> -> memref<8192x1024xf32, #tpu.memory_space<hbm>>
    tpu.enqueue_indirect_dma source(%dma_start3A_135 : memref<8192x1024xf32, #tpu.memory_space<hbm>>) target(%arg8 : memref<32x1024xf32, #tpu.memory_space<vmem>>) offsets(%dma_start3A_132 : memref<32xi32, #tpu.memory_space<vmem>>) semaphore(%arg11 : memref<!tpu.dma_semaphore, #tpu.memory_space<semaphore_mem>>)
    %dma_wait3A_136 = arith.constant 192 : i32
    %dma_wait3A_137 = tpu.memref_slice %arg5[%dma_wait3A_136] : memref<768xi32, #tpu.memory_space<vmem>> -> memref<32xi32, #tpu.memory_space<vmem>>
    %dma_wait3A_138 = arith.constant 0 : i32
    %dma_wait3A_139 = arith.constant 0 : i32
    %dma_wait3A_140 = tpu.memref_slice %arg2[%dma_wait3A_138, %dma_wait3A_139] : memref<8192x1024xf32, #tpu.memory_space<hbm>> -> memref<8192x1024xf32, #tpu.memory_space<hbm>>
    tpu.wait_indirect_dma semaphore(%arg9 : memref<!tpu.dma_semaphore, #tpu.memory_space<semaphore_mem>>) src(%dma_wait3A_140 : memref<8192x1024xf32, #tpu.memory_space<hbm>>) dst(%arg6 : memref<32x1024xf32, #tpu.memory_space<vmem>>)
    %add3A_141 = arith.constant 192 : i32
    %add3A_142 = arith.addi %mul3A_2, %add3A_141 : i32
    %dma_start3A_143 = arith.constant 0 : i32
    %dma_start3A_144 = tpu.memref_slice %arg4[%add3A_142, %dma_start3A_143] : memref<24576x1024xf32, #tpu.memory_space<hbm>> -> memref<32x1024xf32, #tpu.memory_space<hbm>>
    %dma_start3A_145 = arith.constant 0 : i32
    %dma_start3A_146 = tpu.memref_slice %arg4[%add3A_142, %dma_start3A_145] : memref<24576x1024xf32, #tpu.memory_space<hbm>> -> memref<32x1024xf32, #tpu.memory_space<hbm>>
    tpu.enqueue_dma source(%arg6 : memref<32x1024xf32, #tpu.memory_space<vmem>>) target(%dma_start3A_146 : memref<32x1024xf32, #tpu.memory_space<hbm>>) target_semaphore(%arg12 : memref<!tpu.dma_semaphore, #tpu.memory_space<semaphore_mem>>)
    %dma_wait3A_147 = arith.constant 0 : i32
    %dma_wait3A_148 = tpu.memref_slice %arg4[%add3A_142, %dma_wait3A_147] : memref<24576x1024xf32, #tpu.memory_space<hbm>> -> memref<32x1024xf32, #tpu.memory_space<hbm>>
    %dma_wait3A_149 = arith.constant 0 : i32
    %dma_wait3A_150 = tpu.memref_slice %arg4[%add3A_142, %dma_wait3A_149] : memref<24576x1024xf32, #tpu.memory_space<hbm>> -> memref<32x1024xf32, #tpu.memory_space<hbm>>
    tpu.wait_dma2 semaphore(%arg12 : memref<!tpu.dma_semaphore, #tpu.memory_space<semaphore_mem>>) src(%arg6 : memref<32x1024xf32, #tpu.memory_space<vmem>>) dst(%dma_wait3A_150 : memref<32x1024xf32, #tpu.memory_space<hbm>>)
    %dma_start3A_151 = arith.constant 288 : i32
    %dma_start3A_152 = tpu.memref_slice %arg5[%dma_start3A_151] : memref<768xi32, #tpu.memory_space<vmem>> -> memref<32xi32, #tpu.memory_space<vmem>>
    %dma_start3A_153 = arith.constant 0 : i32
    %dma_start3A_154 = arith.constant 0 : i32
    %dma_start3A_155 = tpu.memref_slice %arg2[%dma_start3A_153, %dma_start3A_154] : memref<8192x1024xf32, #tpu.memory_space<hbm>> -> memref<8192x1024xf32, #tpu.memory_space<hbm>>
    tpu.enqueue_indirect_dma source(%dma_start3A_155 : memref<8192x1024xf32, #tpu.memory_space<hbm>>) target(%arg6 : memref<32x1024xf32, #tpu.memory_space<vmem>>) offsets(%dma_start3A_152 : memref<32xi32, #tpu.memory_space<vmem>>) semaphore(%arg9 : memref<!tpu.dma_semaphore, #tpu.memory_space<semaphore_mem>>)
    %dma_wait3A_156 = arith.constant 224 : i32
    %dma_wait3A_157 = tpu.memref_slice %arg5[%dma_wait3A_156] : memref<768xi32, #tpu.memory_space<vmem>> -> memref<32xi32, #tpu.memory_space<vmem>>
    %dma_wait3A_158 = arith.constant 0 : i32
    %dma_wait3A_159 = arith.constant 0 : i32
    %dma_wait3A_160 = tpu.memref_slice %arg2[%dma_wait3A_158, %dma_wait3A_159] : memref<8192x1024xf32, #tpu.memory_space<hbm>> -> memref<8192x1024xf32, #tpu.memory_space<hbm>>
    tpu.wait_indirect_dma semaphore(%arg10 : memref<!tpu.dma_semaphore, #tpu.memory_space<semaphore_mem>>) src(%dma_wait3A_160 : memref<8192x1024xf32, #tpu.memory_space<hbm>>) dst(%arg7 : memref<32x1024xf32, #tpu.memory_space<vmem>>)
    %add3A_161 = arith.constant 224 : i32
    %add3A_162 = arith.addi %mul3A_2, %add3A_161 : i32
    %dma_start3A_163 = arith.constant 0 : i32
    %dma_start3A_164 = tpu.memref_slice %arg4[%add3A_162, %dma_start3A_163] : memref<24576x1024xf32, #tpu.memory_space<hbm>> -> memref<32x1024xf32, #tpu.memory_space<hbm>>
    %dma_start3A_165 = arith.constant 0 : i32
    %dma_start3A_166 = tpu.memref_slice %arg4[%add3A_162, %dma_start3A_165] : memref<24576x1024xf32, #tpu.memory_space<hbm>> -> memref<32x1024xf32, #tpu.memory_space<hbm>>
    tpu.enqueue_dma source(%arg7 : memref<32x1024xf32, #tpu.memory_space<vmem>>) target(%dma_start3A_166 : memref<32x1024xf32, #tpu.memory_space<hbm>>) target_semaphore(%arg13 : memref<!tpu.dma_semaphore, #tpu.memory_space<semaphore_mem>>)
    %dma_wait3A_167 = arith.constant 0 : i32
    %dma_wait3A_168 = tpu.memref_slice %arg4[%add3A_162, %dma_wait3A_167] : memref<24576x1024xf32, #tpu.memory_space<hbm>> -> memref<32x1024xf32, #tpu.memory_space<hbm>>
    %dma_wait3A_169 = arith.constant 0 : i32
    %dma_wait3A_170 = tpu.memref_slice %arg4[%add3A_162, %dma_wait3A_169] : memref<24576x1024xf32, #tpu.memory_space<hbm>> -> memref<32x1024xf32, #tpu.memory_space<hbm>>
    tpu.wait_dma2 semaphore(%arg13 : memref<!tpu.dma_semaphore, #tpu.memory_space<semaphore_mem>>) src(%arg7 : memref<32x1024xf32, #tpu.memory_space<vmem>>) dst(%dma_wait3A_170 : memref<32x1024xf32, #tpu.memory_space<hbm>>)
    %dma_start3A_171 = arith.constant 320 : i32
    %dma_start3A_172 = tpu.memref_slice %arg5[%dma_start3A_171] : memref<768xi32, #tpu.memory_space<vmem>> -> memref<32xi32, #tpu.memory_space<vmem>>
    %dma_start3A_173 = arith.constant 0 : i32
    %dma_start3A_174 = arith.constant 0 : i32
    %dma_start3A_175 = tpu.memref_slice %arg2[%dma_start3A_173, %dma_start3A_174] : memref<8192x1024xf32, #tpu.memory_space<hbm>> -> memref<8192x1024xf32, #tpu.memory_space<hbm>>
    tpu.enqueue_indirect_dma source(%dma_start3A_175 : memref<8192x1024xf32, #tpu.memory_space<hbm>>) target(%arg7 : memref<32x1024xf32, #tpu.memory_space<vmem>>) offsets(%dma_start3A_172 : memref<32xi32, #tpu.memory_space<vmem>>) semaphore(%arg10 : memref<!tpu.dma_semaphore, #tpu.memory_space<semaphore_mem>>)
    %dma_wait3A_176 = arith.constant 256 : i32
    %dma_wait3A_177 = tpu.memref_slice %arg5[%dma_wait3A_176] : memref<768xi32, #tpu.memory_space<vmem>> -> memref<32xi32, #tpu.memory_space<vmem>>
    %dma_wait3A_178 = arith.constant 0 : i32
    %dma_wait3A_179 = arith.constant 0 : i32
    %dma_wait3A_180 = tpu.memref_slice %arg2[%dma_wait3A_178, %dma_wait3A_179] : memref<8192x1024xf32, #tpu.memory_space<hbm>> -> memref<8192x1024xf32, #tpu.memory_space<hbm>>
    tpu.wait_indirect_dma semaphore(%arg11 : memref<!tpu.dma_semaphore, #tpu.memory_space<semaphore_mem>>) src(%dma_wait3A_180 : memref<8192x1024xf32, #tpu.memory_space<hbm>>) dst(%arg8 : memref<32x1024xf32, #tpu.memory_space<vmem>>)
    %add3A_181 = arith.constant 256 : i32
    %add3A_182 = arith.addi %mul3A_2, %add3A_181 : i32
    %dma_start3A_183 = arith.constant 0 : i32
    %dma_start3A_184 = tpu.memref_slice %arg4[%add3A_182, %dma_start3A_183] : memref<24576x1024xf32, #tpu.memory_space<hbm>> -> memref<32x1024xf32, #tpu.memory_space<hbm>>
    %dma_start3A_185 = arith.constant 0 : i32
    %dma_start3A_186 = tpu.memref_slice %arg4[%add3A_182, %dma_start3A_185] : memref<24576x1024xf32, #tpu.memory_space<hbm>> -> memref<32x1024xf32, #tpu.memory_space<hbm>>
    tpu.enqueue_dma source(%arg8 : memref<32x1024xf32, #tpu.memory_space<vmem>>) target(%dma_start3A_186 : memref<32x1024xf32, #tpu.memory_space<hbm>>) target_semaphore(%arg14 : memref<!tpu.dma_semaphore, #tpu.memory_space<semaphore_mem>>)
    %dma_wait3A_187 = arith.constant 0 : i32
    %dma_wait3A_188 = tpu.memref_slice %arg4[%add3A_182, %dma_wait3A_187] : memref<24576x1024xf32, #tpu.memory_space<hbm>> -> memref<32x1024xf32, #tpu.memory_space<hbm>>
    %dma_wait3A_189 = arith.constant 0 : i32
    %dma_wait3A_190 = tpu.memref_slice %arg4[%add3A_182, %dma_wait3A_189] : memref<24576x1024xf32, #tpu.memory_space<hbm>> -> memref<32x1024xf32, #tpu.memory_space<hbm>>
    tpu.wait_dma2 semaphore(%arg14 : memref<!tpu.dma_semaphore, #tpu.memory_space<semaphore_mem>>) src(%arg8 : memref<32x1024xf32, #tpu.memory_space<vmem>>) dst(%dma_wait3A_190 : memref<32x1024xf32, #tpu.memory_space<hbm>>)
    %dma_start3A_191 = arith.constant 352 : i32
    %dma_start3A_192 = tpu.memref_slice %arg5[%dma_start3A_191] : memref<768xi32, #tpu.memory_space<vmem>> -> memref<32xi32, #tpu.memory_space<vmem>>
    %dma_start3A_193 = arith.constant 0 : i32
    %dma_start3A_194 = arith.constant 0 : i32
    %dma_start3A_195 = tpu.memref_slice %arg2[%dma_start3A_193, %dma_start3A_194] : memref<8192x1024xf32, #tpu.memory_space<hbm>> -> memref<8192x1024xf32, #tpu.memory_space<hbm>>
    tpu.enqueue_indirect_dma source(%dma_start3A_195 : memref<8192x1024xf32, #tpu.memory_space<hbm>>) target(%arg8 : memref<32x1024xf32, #tpu.memory_space<vmem>>) offsets(%dma_start3A_192 : memref<32xi32, #tpu.memory_space<vmem>>) semaphore(%arg11 : memref<!tpu.dma_semaphore, #tpu.memory_space<semaphore_mem>>)
    %dma_wait3A_196 = arith.constant 288 : i32
    %dma_wait3A_197 = tpu.memref_slice %arg5[%dma_wait3A_196] : memref<768xi32, #tpu.memory_space<vmem>> -> memref<32xi32, #tpu.memory_space<vmem>>
    %dma_wait3A_198 = arith.constant 0 : i32
    %dma_wait3A_199 = arith.constant 0 : i32
    %dma_wait3A_200 = tpu.memref_slice %arg2[%dma_wait3A_198, %dma_wait3A_199] : memref<8192x1024xf32, #tpu.memory_space<hbm>> -> memref<8192x1024xf32, #tpu.memory_space<hbm>>
    tpu.wait_indirect_dma semaphore(%arg9 : memref<!tpu.dma_semaphore, #tpu.memory_space<semaphore_mem>>) src(%dma_wait3A_200 : memref<8192x1024xf32, #tpu.memory_space<hbm>>) dst(%arg6 : memref<32x1024xf32, #tpu.memory_space<vmem>>)
    %add3A_201 = arith.constant 288 : i32
    %add3A_202 = arith.addi %mul3A_2, %add3A_201 : i32
    %dma_start3A_203 = arith.constant 0 : i32
    %dma_start3A_204 = tpu.memref_slice %arg4[%add3A_202, %dma_start3A_203] : memref<24576x1024xf32, #tpu.memory_space<hbm>> -> memref<32x1024xf32, #tpu.memory_space<hbm>>
    %dma_start3A_205 = arith.constant 0 : i32
    %dma_start3A_206 = tpu.memref_slice %arg4[%add3A_202, %dma_start3A_205] : memref<24576x1024xf32, #tpu.memory_space<hbm>> -> memref<32x1024xf32, #tpu.memory_space<hbm>>
    tpu.enqueue_dma source(%arg6 : memref<32x1024xf32, #tpu.memory_space<vmem>>) target(%dma_start3A_206 : memref<32x1024xf32, #tpu.memory_space<hbm>>) target_semaphore(%arg12 : memref<!tpu.dma_semaphore, #tpu.memory_space<semaphore_mem>>)
    %dma_wait3A_207 = arith.constant 0 : i32
    %dma_wait3A_208 = tpu.memref_slice %arg4[%add3A_202, %dma_wait3A_207] : memref<24576x1024xf32, #tpu.memory_space<hbm>> -> memref<32x1024xf32, #tpu.memory_space<hbm>>
    %dma_wait3A_209 = arith.constant 0 : i32
    %dma_wait3A_210 = tpu.memref_slice %arg4[%add3A_202, %dma_wait3A_209] : memref<24576x1024xf32, #tpu.memory_space<hbm>> -> memref<32x1024xf32, #tpu.memory_space<hbm>>
    tpu.wait_dma2 semaphore(%arg12 : memref<!tpu.dma_semaphore, #tpu.memory_space<semaphore_mem>>) src(%arg6 : memref<32x1024xf32, #tpu.memory_space<vmem>>) dst(%dma_wait3A_210 : memref<32x1024xf32, #tpu.memory_space<hbm>>)
    %dma_start3A_211 = arith.constant 384 : i32
    %dma_start3A_212 = tpu.memref_slice %arg5[%dma_start3A_211] : memref<768xi32, #tpu.memory_space<vmem>> -> memref<32xi32, #tpu.memory_space<vmem>>
    %dma_start3A_213 = arith.constant 0 : i32
    %dma_start3A_214 = arith.constant 0 : i32
    %dma_start3A_215 = tpu.memref_slice %arg2[%dma_start3A_213, %dma_start3A_214] : memref<8192x1024xf32, #tpu.memory_space<hbm>> -> memref<8192x1024xf32, #tpu.memory_space<hbm>>
    tpu.enqueue_indirect_dma source(%dma_start3A_215 : memref<8192x1024xf32, #tpu.memory_space<hbm>>) target(%arg6 : memref<32x1024xf32, #tpu.memory_space<vmem>>) offsets(%dma_start3A_212 : memref<32xi32, #tpu.memory_space<vmem>>) semaphore(%arg9 : memref<!tpu.dma_semaphore, #tpu.memory_space<semaphore_mem>>)
    %dma_wait3A_216 = arith.constant 320 : i32
    %dma_wait3A_217 = tpu.memref_slice %arg5[%dma_wait3A_216] : memref<768xi32, #tpu.memory_space<vmem>> -> memref<32xi32, #tpu.memory_space<vmem>>
    %dma_wait3A_218 = arith.constant 0 : i32
    %dma_wait3A_219 = arith.constant 0 : i32
    %dma_wait3A_220 = tpu.memref_slice %arg2[%dma_wait3A_218, %dma_wait3A_219] : memref<8192x1024xf32, #tpu.memory_space<hbm>> -> memref<8192x1024xf32, #tpu.memory_space<hbm>>
    tpu.wait_indirect_dma semaphore(%arg10 : memref<!tpu.dma_semaphore, #tpu.memory_space<semaphore_mem>>) src(%dma_wait3A_220 : memref<8192x1024xf32, #tpu.memory_space<hbm>>) dst(%arg7 : memref<32x1024xf32, #tpu.memory_space<vmem>>)
    %add3A_221 = arith.constant 320 : i32
    %add3A_222 = arith.addi %mul3A_2, %add3A_221 : i32
    %dma_start3A_223 = arith.constant 0 : i32
    %dma_start3A_224 = tpu.memref_slice %arg4[%add3A_222, %dma_start3A_223] : memref<24576x1024xf32, #tpu.memory_space<hbm>> -> memref<32x1024xf32, #tpu.memory_space<hbm>>
    %dma_start3A_225 = arith.constant 0 : i32
    %dma_start3A_226 = tpu.memref_slice %arg4[%add3A_222, %dma_start3A_225] : memref<24576x1024xf32, #tpu.memory_space<hbm>> -> memref<32x1024xf32, #tpu.memory_space<hbm>>
    tpu.enqueue_dma source(%arg7 : memref<32x1024xf32, #tpu.memory_space<vmem>>) target(%dma_start3A_226 : memref<32x1024xf32, #tpu.memory_space<hbm>>) target_semaphore(%arg13 : memref<!tpu.dma_semaphore, #tpu.memory_space<semaphore_mem>>)
    %dma_wait3A_227 = arith.constant 0 : i32
    %dma_wait3A_228 = tpu.memref_slice %arg4[%add3A_222, %dma_wait3A_227] : memref<24576x1024xf32, #tpu.memory_space<hbm>> -> memref<32x1024xf32, #tpu.memory_space<hbm>>
    %dma_wait3A_229 = arith.constant 0 : i32
    %dma_wait3A_230 = tpu.memref_slice %arg4[%add3A_222, %dma_wait3A_229] : memref<24576x1024xf32, #tpu.memory_space<hbm>> -> memref<32x1024xf32, #tpu.memory_space<hbm>>
    tpu.wait_dma2 semaphore(%arg13 : memref<!tpu.dma_semaphore, #tpu.memory_space<semaphore_mem>>) src(%arg7 : memref<32x1024xf32, #tpu.memory_space<vmem>>) dst(%dma_wait3A_230 : memref<32x1024xf32, #tpu.memory_space<hbm>>)
    %dma_start3A_231 = arith.constant 416 : i32
    %dma_start3A_232 = tpu.memref_slice %arg5[%dma_start3A_231] : memref<768xi32, #tpu.memory_space<vmem>> -> memref<32xi32, #tpu.memory_space<vmem>>
    %dma_start3A_233 = arith.constant 0 : i32
    %dma_start3A_234 = arith.constant 0 : i32
    %dma_start3A_235 = tpu.memref_slice %arg2[%dma_start3A_233, %dma_start3A_234] : memref<8192x1024xf32, #tpu.memory_space<hbm>> -> memref<8192x1024xf32, #tpu.memory_space<hbm>>
    tpu.enqueue_indirect_dma source(%dma_start3A_235 : memref<8192x1024xf32, #tpu.memory_space<hbm>>) target(%arg7 : memref<32x1024xf32, #tpu.memory_space<vmem>>) offsets(%dma_start3A_232 : memref<32xi32, #tpu.memory_space<vmem>>) semaphore(%arg10 : memref<!tpu.dma_semaphore, #tpu.memory_space<semaphore_mem>>)
    %dma_wait3A_236 = arith.constant 352 : i32
    %dma_wait3A_237 = tpu.memref_slice %arg5[%dma_wait3A_236] : memref<768xi32, #tpu.memory_space<vmem>> -> memref<32xi32, #tpu.memory_space<vmem>>
    %dma_wait3A_238 = arith.constant 0 : i32
    %dma_wait3A_239 = arith.constant 0 : i32
    %dma_wait3A_240 = tpu.memref_slice %arg2[%dma_wait3A_238, %dma_wait3A_239] : memref<8192x1024xf32, #tpu.memory_space<hbm>> -> memref<8192x1024xf32, #tpu.memory_space<hbm>>
    tpu.wait_indirect_dma semaphore(%arg11 : memref<!tpu.dma_semaphore, #tpu.memory_space<semaphore_mem>>) src(%dma_wait3A_240 : memref<8192x1024xf32, #tpu.memory_space<hbm>>) dst(%arg8 : memref<32x1024xf32, #tpu.memory_space<vmem>>)
    %add3A_241 = arith.constant 352 : i32
    %add3A_242 = arith.addi %mul3A_2, %add3A_241 : i32
    %dma_start3A_243 = arith.constant 0 : i32
    %dma_start3A_244 = tpu.memref_slice %arg4[%add3A_242, %dma_start3A_243] : memref<24576x1024xf32, #tpu.memory_space<hbm>> -> memref<32x1024xf32, #tpu.memory_space<hbm>>
    %dma_start3A_245 = arith.constant 0 : i32
    %dma_start3A_246 = tpu.memref_slice %arg4[%add3A_242, %dma_start3A_245] : memref<24576x1024xf32, #tpu.memory_space<hbm>> -> memref<32x1024xf32, #tpu.memory_space<hbm>>
    tpu.enqueue_dma source(%arg8 : memref<32x1024xf32, #tpu.memory_space<vmem>>) target(%dma_start3A_246 : memref<32x1024xf32, #tpu.memory_space<hbm>>) target_semaphore(%arg14 : memref<!tpu.dma_semaphore, #tpu.memory_space<semaphore_mem>>)
    %dma_wait3A_247 = arith.constant 0 : i32
    %dma_wait3A_248 = tpu.memref_slice %arg4[%add3A_242, %dma_wait3A_247] : memref<24576x1024xf32, #tpu.memory_space<hbm>> -> memref<32x1024xf32, #tpu.memory_space<hbm>>
    %dma_wait3A_249 = arith.constant 0 : i32
    %dma_wait3A_250 = tpu.memref_slice %arg4[%add3A_242, %dma_wait3A_249] : memref<24576x1024xf32, #tpu.memory_space<hbm>> -> memref<32x1024xf32, #tpu.memory_space<hbm>>
    tpu.wait_dma2 semaphore(%arg14 : memref<!tpu.dma_semaphore, #tpu.memory_space<semaphore_mem>>) src(%arg8 : memref<32x1024xf32, #tpu.memory_space<vmem>>) dst(%dma_wait3A_250 : memref<32x1024xf32, #tpu.memory_space<hbm>>)
    %dma_start3A_251 = arith.constant 448 : i32
    %dma_start3A_252 = tpu.memref_slice %arg5[%dma_start3A_251] : memref<768xi32, #tpu.memory_space<vmem>> -> memref<32xi32, #tpu.memory_space<vmem>>
    %dma_start3A_253 = arith.constant 0 : i32
    %dma_start3A_254 = arith.constant 0 : i32
    %dma_start3A_255 = tpu.memref_slice %arg2[%dma_start3A_253, %dma_start3A_254] : memref<8192x1024xf32, #tpu.memory_space<hbm>> -> memref<8192x1024xf32, #tpu.memory_space<hbm>>
    tpu.enqueue_indirect_dma source(%dma_start3A_255 : memref<8192x1024xf32, #tpu.memory_space<hbm>>) target(%arg8 : memref<32x1024xf32, #tpu.memory_space<vmem>>) offsets(%dma_start3A_252 : memref<32xi32, #tpu.memory_space<vmem>>) semaphore(%arg11 : memref<!tpu.dma_semaphore, #tpu.memory_space<semaphore_mem>>)
    %dma_wait3A_256 = arith.constant 384 : i32
    %dma_wait3A_257 = tpu.memref_slice %arg5[%dma_wait3A_256] : memref<768xi32, #tpu.memory_space<vmem>> -> memref<32xi32, #tpu.memory_space<vmem>>
    %dma_wait3A_258 = arith.constant 0 : i32
    %dma_wait3A_259 = arith.constant 0 : i32
    %dma_wait3A_260 = tpu.memref_slice %arg2[%dma_wait3A_258, %dma_wait3A_259] : memref<8192x1024xf32, #tpu.memory_space<hbm>> -> memref<8192x1024xf32, #tpu.memory_space<hbm>>
    tpu.wait_indirect_dma semaphore(%arg9 : memref<!tpu.dma_semaphore, #tpu.memory_space<semaphore_mem>>) src(%dma_wait3A_260 : memref<8192x1024xf32, #tpu.memory_space<hbm>>) dst(%arg6 : memref<32x1024xf32, #tpu.memory_space<vmem>>)
    %add3A_261 = arith.constant 384 : i32
    %add3A_262 = arith.addi %mul3A_2, %add3A_261 : i32
    %dma_start3A_263 = arith.constant 0 : i32
    %dma_start3A_264 = tpu.memref_slice %arg4[%add3A_262, %dma_start3A_263] : memref<24576x1024xf32, #tpu.memory_space<hbm>> -> memref<32x1024xf32, #tpu.memory_space<hbm>>
    %dma_start3A_265 = arith.constant 0 : i32
    %dma_start3A_266 = tpu.memref_slice %arg4[%add3A_262, %dma_start3A_265] : memref<24576x1024xf32, #tpu.memory_space<hbm>> -> memref<32x1024xf32, #tpu.memory_space<hbm>>
    tpu.enqueue_dma source(%arg6 : memref<32x1024xf32, #tpu.memory_space<vmem>>) target(%dma_start3A_266 : memref<32x1024xf32, #tpu.memory_space<hbm>>) target_semaphore(%arg12 : memref<!tpu.dma_semaphore, #tpu.memory_space<semaphore_mem>>)
    %dma_wait3A_267 = arith.constant 0 : i32
    %dma_wait3A_268 = tpu.memref_slice %arg4[%add3A_262, %dma_wait3A_267] : memref<24576x1024xf32, #tpu.memory_space<hbm>> -> memref<32x1024xf32, #tpu.memory_space<hbm>>
    %dma_wait3A_269 = arith.constant 0 : i32
    %dma_wait3A_270 = tpu.memref_slice %arg4[%add3A_262, %dma_wait3A_269] : memref<24576x1024xf32, #tpu.memory_space<hbm>> -> memref<32x1024xf32, #tpu.memory_space<hbm>>
    tpu.wait_dma2 semaphore(%arg12 : memref<!tpu.dma_semaphore, #tpu.memory_space<semaphore_mem>>) src(%arg6 : memref<32x1024xf32, #tpu.memory_space<vmem>>) dst(%dma_wait3A_270 : memref<32x1024xf32, #tpu.memory_space<hbm>>)
    %dma_start3A_271 = arith.constant 480 : i32
    %dma_start3A_272 = tpu.memref_slice %arg5[%dma_start3A_271] : memref<768xi32, #tpu.memory_space<vmem>> -> memref<32xi32, #tpu.memory_space<vmem>>
    %dma_start3A_273 = arith.constant 0 : i32
    %dma_start3A_274 = arith.constant 0 : i32
    %dma_start3A_275 = tpu.memref_slice %arg2[%dma_start3A_273, %dma_start3A_274] : memref<8192x1024xf32, #tpu.memory_space<hbm>> -> memref<8192x1024xf32, #tpu.memory_space<hbm>>
    tpu.enqueue_indirect_dma source(%dma_start3A_275 : memref<8192x1024xf32, #tpu.memory_space<hbm>>) target(%arg6 : memref<32x1024xf32, #tpu.memory_space<vmem>>) offsets(%dma_start3A_272 : memref<32xi32, #tpu.memory_space<vmem>>) semaphore(%arg9 : memref<!tpu.dma_semaphore, #tpu.memory_space<semaphore_mem>>)
    %dma_wait3A_276 = arith.constant 416 : i32
    %dma_wait3A_277 = tpu.memref_slice %arg5[%dma_wait3A_276] : memref<768xi32, #tpu.memory_space<vmem>> -> memref<32xi32, #tpu.memory_space<vmem>>
    %dma_wait3A_278 = arith.constant 0 : i32
    %dma_wait3A_279 = arith.constant 0 : i32
    %dma_wait3A_280 = tpu.memref_slice %arg2[%dma_wait3A_278, %dma_wait3A_279] : memref<8192x1024xf32, #tpu.memory_space<hbm>> -> memref<8192x1024xf32, #tpu.memory_space<hbm>>
    tpu.wait_indirect_dma semaphore(%arg10 : memref<!tpu.dma_semaphore, #tpu.memory_space<semaphore_mem>>) src(%dma_wait3A_280 : memref<8192x1024xf32, #tpu.memory_space<hbm>>) dst(%arg7 : memref<32x1024xf32, #tpu.memory_space<vmem>>)
    %add3A_281 = arith.constant 416 : i32
    %add3A_282 = arith.addi %mul3A_2, %add3A_281 : i32
    %dma_start3A_283 = arith.constant 0 : i32
    %dma_start3A_284 = tpu.memref_slice %arg4[%add3A_282, %dma_start3A_283] : memref<24576x1024xf32, #tpu.memory_space<hbm>> -> memref<32x1024xf32, #tpu.memory_space<hbm>>
    %dma_start3A_285 = arith.constant 0 : i32
    %dma_start3A_286 = tpu.memref_slice %arg4[%add3A_282, %dma_start3A_285] : memref<24576x1024xf32, #tpu.memory_space<hbm>> -> memref<32x1024xf32, #tpu.memory_space<hbm>>
    tpu.enqueue_dma source(%arg7 : memref<32x1024xf32, #tpu.memory_space<vmem>>) target(%dma_start3A_286 : memref<32x1024xf32, #tpu.memory_space<hbm>>) target_semaphore(%arg13 : memref<!tpu.dma_semaphore, #tpu.memory_space<semaphore_mem>>)
    %dma_wait3A_287 = arith.constant 0 : i32
    %dma_wait3A_288 = tpu.memref_slice %arg4[%add3A_282, %dma_wait3A_287] : memref<24576x1024xf32, #tpu.memory_space<hbm>> -> memref<32x1024xf32, #tpu.memory_space<hbm>>
    %dma_wait3A_289 = arith.constant 0 : i32
    %dma_wait3A_290 = tpu.memref_slice %arg4[%add3A_282, %dma_wait3A_289] : memref<24576x1024xf32, #tpu.memory_space<hbm>> -> memref<32x1024xf32, #tpu.memory_space<hbm>>
    tpu.wait_dma2 semaphore(%arg13 : memref<!tpu.dma_semaphore, #tpu.memory_space<semaphore_mem>>) src(%arg7 : memref<32x1024xf32, #tpu.memory_space<vmem>>) dst(%dma_wait3A_290 : memref<32x1024xf32, #tpu.memory_space<hbm>>)
    %dma_start3A_291 = arith.constant 512 : i32
    %dma_start3A_292 = tpu.memref_slice %arg5[%dma_start3A_291] : memref<768xi32, #tpu.memory_space<vmem>> -> memref<32xi32, #tpu.memory_space<vmem>>
    %dma_start3A_293 = arith.constant 0 : i32
    %dma_start3A_294 = arith.constant 0 : i32
    %dma_start3A_295 = tpu.memref_slice %arg2[%dma_start3A_293, %dma_start3A_294] : memref<8192x1024xf32, #tpu.memory_space<hbm>> -> memref<8192x1024xf32, #tpu.memory_space<hbm>>
    tpu.enqueue_indirect_dma source(%dma_start3A_295 : memref<8192x1024xf32, #tpu.memory_space<hbm>>) target(%arg7 : memref<32x1024xf32, #tpu.memory_space<vmem>>) offsets(%dma_start3A_292 : memref<32xi32, #tpu.memory_space<vmem>>) semaphore(%arg10 : memref<!tpu.dma_semaphore, #tpu.memory_space<semaphore_mem>>)
    %dma_wait3A_296 = arith.constant 448 : i32
    %dma_wait3A_297 = tpu.memref_slice %arg5[%dma_wait3A_296] : memref<768xi32, #tpu.memory_space<vmem>> -> memref<32xi32, #tpu.memory_space<vmem>>
    %dma_wait3A_298 = arith.constant 0 : i32
    %dma_wait3A_299 = arith.constant 0 : i32
    %dma_wait3A_300 = tpu.memref_slice %arg2[%dma_wait3A_298, %dma_wait3A_299] : memref<8192x1024xf32, #tpu.memory_space<hbm>> -> memref<8192x1024xf32, #tpu.memory_space<hbm>>
    tpu.wait_indirect_dma semaphore(%arg11 : memref<!tpu.dma_semaphore, #tpu.memory_space<semaphore_mem>>) src(%dma_wait3A_300 : memref<8192x1024xf32, #tpu.memory_space<hbm>>) dst(%arg8 : memref<32x1024xf32, #tpu.memory_space<vmem>>)
    %add3A_301 = arith.constant 448 : i32
    %add3A_302 = arith.addi %mul3A_2, %add3A_301 : i32
    %dma_start3A_303 = arith.constant 0 : i32
    %dma_start3A_304 = tpu.memref_slice %arg4[%add3A_302, %dma_start3A_303] : memref<24576x1024xf32, #tpu.memory_space<hbm>> -> memref<32x1024xf32, #tpu.memory_space<hbm>>
    %dma_start3A_305 = arith.constant 0 : i32
    %dma_start3A_306 = tpu.memref_slice %arg4[%add3A_302, %dma_start3A_305] : memref<24576x1024xf32, #tpu.memory_space<hbm>> -> memref<32x1024xf32, #tpu.memory_space<hbm>>
    tpu.enqueue_dma source(%arg8 : memref<32x1024xf32, #tpu.memory_space<vmem>>) target(%dma_start3A_306 : memref<32x1024xf32, #tpu.memory_space<hbm>>) target_semaphore(%arg14 : memref<!tpu.dma_semaphore, #tpu.memory_space<semaphore_mem>>)
    %dma_wait3A_307 = arith.constant 0 : i32
    %dma_wait3A_308 = tpu.memref_slice %arg4[%add3A_302, %dma_wait3A_307] : memref<24576x1024xf32, #tpu.memory_space<hbm>> -> memref<32x1024xf32, #tpu.memory_space<hbm>>
    %dma_wait3A_309 = arith.constant 0 : i32
    %dma_wait3A_310 = tpu.memref_slice %arg4[%add3A_302, %dma_wait3A_309] : memref<24576x1024xf32, #tpu.memory_space<hbm>> -> memref<32x1024xf32, #tpu.memory_space<hbm>>
    tpu.wait_dma2 semaphore(%arg14 : memref<!tpu.dma_semaphore, #tpu.memory_space<semaphore_mem>>) src(%arg8 : memref<32x1024xf32, #tpu.memory_space<vmem>>) dst(%dma_wait3A_310 : memref<32x1024xf32, #tpu.memory_space<hbm>>)
    %dma_start3A_311 = arith.constant 544 : i32
    %dma_start3A_312 = tpu.memref_slice %arg5[%dma_start3A_311] : memref<768xi32, #tpu.memory_space<vmem>> -> memref<32xi32, #tpu.memory_space<vmem>>
    %dma_start3A_313 = arith.constant 0 : i32
    %dma_start3A_314 = arith.constant 0 : i32
    %dma_start3A_315 = tpu.memref_slice %arg2[%dma_start3A_313, %dma_start3A_314] : memref<8192x1024xf32, #tpu.memory_space<hbm>> -> memref<8192x1024xf32, #tpu.memory_space<hbm>>
    tpu.enqueue_indirect_dma source(%dma_start3A_315 : memref<8192x1024xf32, #tpu.memory_space<hbm>>) target(%arg8 : memref<32x1024xf32, #tpu.memory_space<vmem>>) offsets(%dma_start3A_312 : memref<32xi32, #tpu.memory_space<vmem>>) semaphore(%arg11 : memref<!tpu.dma_semaphore, #tpu.memory_space<semaphore_mem>>)
    %dma_wait3A_316 = arith.constant 480 : i32
    %dma_wait3A_317 = tpu.memref_slice %arg5[%dma_wait3A_316] : memref<768xi32, #tpu.memory_space<vmem>> -> memref<32xi32, #tpu.memory_space<vmem>>
    %dma_wait3A_318 = arith.constant 0 : i32
    %dma_wait3A_319 = arith.constant 0 : i32
    %dma_wait3A_320 = tpu.memref_slice %arg2[%dma_wait3A_318, %dma_wait3A_319] : memref<8192x1024xf32, #tpu.memory_space<hbm>> -> memref<8192x1024xf32, #tpu.memory_space<hbm>>
    tpu.wait_indirect_dma semaphore(%arg9 : memref<!tpu.dma_semaphore, #tpu.memory_space<semaphore_mem>>) src(%dma_wait3A_320 : memref<8192x1024xf32, #tpu.memory_space<hbm>>) dst(%arg6 : memref<32x1024xf32, #tpu.memory_space<vmem>>)
    %add3A_321 = arith.constant 480 : i32
    %add3A_322 = arith.addi %mul3A_2, %add3A_321 : i32
    %dma_start3A_323 = arith.constant 0 : i32
    %dma_start3A_324 = tpu.memref_slice %arg4[%add3A_322, %dma_start3A_323] : memref<24576x1024xf32, #tpu.memory_space<hbm>> -> memref<32x1024xf32, #tpu.memory_space<hbm>>
    %dma_start3A_325 = arith.constant 0 : i32
    %dma_start3A_326 = tpu.memref_slice %arg4[%add3A_322, %dma_start3A_325] : memref<24576x1024xf32, #tpu.memory_space<hbm>> -> memref<32x1024xf32, #tpu.memory_space<hbm>>
    tpu.enqueue_dma source(%arg6 : memref<32x1024xf32, #tpu.memory_space<vmem>>) target(%dma_start3A_326 : memref<32x1024xf32, #tpu.memory_space<hbm>>) target_semaphore(%arg12 : memref<!tpu.dma_semaphore, #tpu.memory_space<semaphore_mem>>)
    %dma_wait3A_327 = arith.constant 0 : i32
    %dma_wait3A_328 = tpu.memref_slice %arg4[%add3A_322, %dma_wait3A_327] : memref<24576x1024xf32, #tpu.memory_space<hbm>> -> memref<32x1024xf32, #tpu.memory_space<hbm>>
    %dma_wait3A_329 = arith.constant 0 : i32
    %dma_wait3A_330 = tpu.memref_slice %arg4[%add3A_322, %dma_wait3A_329] : memref<24576x1024xf32, #tpu.memory_space<hbm>> -> memref<32x1024xf32, #tpu.memory_space<hbm>>
    tpu.wait_dma2 semaphore(%arg12 : memref<!tpu.dma_semaphore, #tpu.memory_space<semaphore_mem>>) src(%arg6 : memref<32x1024xf32, #tpu.memory_space<vmem>>) dst(%dma_wait3A_330 : memref<32x1024xf32, #tpu.memory_space<hbm>>)
    %dma_start3A_331 = arith.constant 576 : i32
    %dma_start3A_332 = tpu.memref_slice %arg5[%dma_start3A_331] : memref<768xi32, #tpu.memory_space<vmem>> -> memref<32xi32, #tpu.memory_space<vmem>>
    %dma_start3A_333 = arith.constant 0 : i32
    %dma_start3A_334 = arith.constant 0 : i32
    %dma_start3A_335 = tpu.memref_slice %arg2[%dma_start3A_333, %dma_start3A_334] : memref<8192x1024xf32, #tpu.memory_space<hbm>> -> memref<8192x1024xf32, #tpu.memory_space<hbm>>
    tpu.enqueue_indirect_dma source(%dma_start3A_335 : memref<8192x1024xf32, #tpu.memory_space<hbm>>) target(%arg6 : memref<32x1024xf32, #tpu.memory_space<vmem>>) offsets(%dma_start3A_332 : memref<32xi32, #tpu.memory_space<vmem>>) semaphore(%arg9 : memref<!tpu.dma_semaphore, #tpu.memory_space<semaphore_mem>>)
    %dma_wait3A_336 = arith.constant 512 : i32
    %dma_wait3A_337 = tpu.memref_slice %arg5[%dma_wait3A_336] : memref<768xi32, #tpu.memory_space<vmem>> -> memref<32xi32, #tpu.memory_space<vmem>>
    %dma_wait3A_338 = arith.constant 0 : i32
    %dma_wait3A_339 = arith.constant 0 : i32
    %dma_wait3A_340 = tpu.memref_slice %arg2[%dma_wait3A_338, %dma_wait3A_339] : memref<8192x1024xf32, #tpu.memory_space<hbm>> -> memref<8192x1024xf32, #tpu.memory_space<hbm>>
    tpu.wait_indirect_dma semaphore(%arg10 : memref<!tpu.dma_semaphore, #tpu.memory_space<semaphore_mem>>) src(%dma_wait3A_340 : memref<8192x1024xf32, #tpu.memory_space<hbm>>) dst(%arg7 : memref<32x1024xf32, #tpu.memory_space<vmem>>)
    %add3A_341 = arith.constant 512 : i32
    %add3A_342 = arith.addi %mul3A_2, %add3A_341 : i32
    %dma_start3A_343 = arith.constant 0 : i32
    %dma_start3A_344 = tpu.memref_slice %arg4[%add3A_342, %dma_start3A_343] : memref<24576x1024xf32, #tpu.memory_space<hbm>> -> memref<32x1024xf32, #tpu.memory_space<hbm>>
    %dma_start3A_345 = arith.constant 0 : i32
    %dma_start3A_346 = tpu.memref_slice %arg4[%add3A_342, %dma_start3A_345] : memref<24576x1024xf32, #tpu.memory_space<hbm>> -> memref<32x1024xf32, #tpu.memory_space<hbm>>
    tpu.enqueue_dma source(%arg7 : memref<32x1024xf32, #tpu.memory_space<vmem>>) target(%dma_start3A_346 : memref<32x1024xf32, #tpu.memory_space<hbm>>) target_semaphore(%arg13 : memref<!tpu.dma_semaphore, #tpu.memory_space<semaphore_mem>>)
    %dma_wait3A_347 = arith.constant 0 : i32
    %dma_wait3A_348 = tpu.memref_slice %arg4[%add3A_342, %dma_wait3A_347] : memref<24576x1024xf32, #tpu.memory_space<hbm>> -> memref<32x1024xf32, #tpu.memory_space<hbm>>
    %dma_wait3A_349 = arith.constant 0 : i32
    %dma_wait3A_350 = tpu.memref_slice %arg4[%add3A_342, %dma_wait3A_349] : memref<24576x1024xf32, #tpu.memory_space<hbm>> -> memref<32x1024xf32, #tpu.memory_space<hbm>>
    tpu.wait_dma2 semaphore(%arg13 : memref<!tpu.dma_semaphore, #tpu.memory_space<semaphore_mem>>) src(%arg7 : memref<32x1024xf32, #tpu.memory_space<vmem>>) dst(%dma_wait3A_350 : memref<32x1024xf32, #tpu.memory_space<hbm>>)
    %dma_start3A_351 = arith.constant 608 : i32
    %dma_start3A_352 = tpu.memref_slice %arg5[%dma_start3A_351] : memref<768xi32, #tpu.memory_space<vmem>> -> memref<32xi32, #tpu.memory_space<vmem>>
    %dma_start3A_353 = arith.constant 0 : i32
    %dma_start3A_354 = arith.constant 0 : i32
    %dma_start3A_355 = tpu.memref_slice %arg2[%dma_start3A_353, %dma_start3A_354] : memref<8192x1024xf32, #tpu.memory_space<hbm>> -> memref<8192x1024xf32, #tpu.memory_space<hbm>>
    tpu.enqueue_indirect_dma source(%dma_start3A_355 : memref<8192x1024xf32, #tpu.memory_space<hbm>>) target(%arg7 : memref<32x1024xf32, #tpu.memory_space<vmem>>) offsets(%dma_start3A_352 : memref<32xi32, #tpu.memory_space<vmem>>) semaphore(%arg10 : memref<!tpu.dma_semaphore, #tpu.memory_space<semaphore_mem>>)
    %dma_wait3A_356 = arith.constant 544 : i32
    %dma_wait3A_357 = tpu.memref_slice %arg5[%dma_wait3A_356] : memref<768xi32, #tpu.memory_space<vmem>> -> memref<32xi32, #tpu.memory_space<vmem>>
    %dma_wait3A_358 = arith.constant 0 : i32
    %dma_wait3A_359 = arith.constant 0 : i32
    %dma_wait3A_360 = tpu.memref_slice %arg2[%dma_wait3A_358, %dma_wait3A_359] : memref<8192x1024xf32, #tpu.memory_space<hbm>> -> memref<8192x1024xf32, #tpu.memory_space<hbm>>
    tpu.wait_indirect_dma semaphore(%arg11 : memref<!tpu.dma_semaphore, #tpu.memory_space<semaphore_mem>>) src(%dma_wait3A_360 : memref<8192x1024xf32, #tpu.memory_space<hbm>>) dst(%arg8 : memref<32x1024xf32, #tpu.memory_space<vmem>>)
    %add3A_361 = arith.constant 544 : i32
    %add3A_362 = arith.addi %mul3A_2, %add3A_361 : i32
    %dma_start3A_363 = arith.constant 0 : i32
    %dma_start3A_364 = tpu.memref_slice %arg4[%add3A_362, %dma_start3A_363] : memref<24576x1024xf32, #tpu.memory_space<hbm>> -> memref<32x1024xf32, #tpu.memory_space<hbm>>
    %dma_start3A_365 = arith.constant 0 : i32
    %dma_start3A_366 = tpu.memref_slice %arg4[%add3A_362, %dma_start3A_365] : memref<24576x1024xf32, #tpu.memory_space<hbm>> -> memref<32x1024xf32, #tpu.memory_space<hbm>>
    tpu.enqueue_dma source(%arg8 : memref<32x1024xf32, #tpu.memory_space<vmem>>) target(%dma_start3A_366 : memref<32x1024xf32, #tpu.memory_space<hbm>>) target_semaphore(%arg14 : memref<!tpu.dma_semaphore, #tpu.memory_space<semaphore_mem>>)
    %dma_wait3A_367 = arith.constant 0 : i32
    %dma_wait3A_368 = tpu.memref_slice %arg4[%add3A_362, %dma_wait3A_367] : memref<24576x1024xf32, #tpu.memory_space<hbm>> -> memref<32x1024xf32, #tpu.memory_space<hbm>>
    %dma_wait3A_369 = arith.constant 0 : i32
    %dma_wait3A_370 = tpu.memref_slice %arg4[%add3A_362, %dma_wait3A_369] : memref<24576x1024xf32, #tpu.memory_space<hbm>> -> memref<32x1024xf32, #tpu.memory_space<hbm>>
    tpu.wait_dma2 semaphore(%arg14 : memref<!tpu.dma_semaphore, #tpu.memory_space<semaphore_mem>>) src(%arg8 : memref<32x1024xf32, #tpu.memory_space<vmem>>) dst(%dma_wait3A_370 : memref<32x1024xf32, #tpu.memory_space<hbm>>)
    %dma_start3A_371 = arith.constant 640 : i32
    %dma_start3A_372 = tpu.memref_slice %arg5[%dma_start3A_371] : memref<768xi32, #tpu.memory_space<vmem>> -> memref<32xi32, #tpu.memory_space<vmem>>
    %dma_start3A_373 = arith.constant 0 : i32
    %dma_start3A_374 = arith.constant 0 : i32
    %dma_start3A_375 = tpu.memref_slice %arg2[%dma_start3A_373, %dma_start3A_374] : memref<8192x1024xf32, #tpu.memory_space<hbm>> -> memref<8192x1024xf32, #tpu.memory_space<hbm>>
    tpu.enqueue_indirect_dma source(%dma_start3A_375 : memref<8192x1024xf32, #tpu.memory_space<hbm>>) target(%arg8 : memref<32x1024xf32, #tpu.memory_space<vmem>>) offsets(%dma_start3A_372 : memref<32xi32, #tpu.memory_space<vmem>>) semaphore(%arg11 : memref<!tpu.dma_semaphore, #tpu.memory_space<semaphore_mem>>)
    %dma_wait3A_376 = arith.constant 576 : i32
    %dma_wait3A_377 = tpu.memref_slice %arg5[%dma_wait3A_376] : memref<768xi32, #tpu.memory_space<vmem>> -> memref<32xi32, #tpu.memory_space<vmem>>
    %dma_wait3A_378 = arith.constant 0 : i32
    %dma_wait3A_379 = arith.constant 0 : i32
    %dma_wait3A_380 = tpu.memref_slice %arg2[%dma_wait3A_378, %dma_wait3A_379] : memref<8192x1024xf32, #tpu.memory_space<hbm>> -> memref<8192x1024xf32, #tpu.memory_space<hbm>>
    tpu.wait_indirect_dma semaphore(%arg9 : memref<!tpu.dma_semaphore, #tpu.memory_space<semaphore_mem>>) src(%dma_wait3A_380 : memref<8192x1024xf32, #tpu.memory_space<hbm>>) dst(%arg6 : memref<32x1024xf32, #tpu.memory_space<vmem>>)
    %add3A_381 = arith.constant 576 : i32
    %add3A_382 = arith.addi %mul3A_2, %add3A_381 : i32
    %dma_start3A_383 = arith.constant 0 : i32
    %dma_start3A_384 = tpu.memref_slice %arg4[%add3A_382, %dma_start3A_383] : memref<24576x1024xf32, #tpu.memory_space<hbm>> -> memref<32x1024xf32, #tpu.memory_space<hbm>>
    %dma_start3A_385 = arith.constant 0 : i32
    %dma_start3A_386 = tpu.memref_slice %arg4[%add3A_382, %dma_start3A_385] : memref<24576x1024xf32, #tpu.memory_space<hbm>> -> memref<32x1024xf32, #tpu.memory_space<hbm>>
    tpu.enqueue_dma source(%arg6 : memref<32x1024xf32, #tpu.memory_space<vmem>>) target(%dma_start3A_386 : memref<32x1024xf32, #tpu.memory_space<hbm>>) target_semaphore(%arg12 : memref<!tpu.dma_semaphore, #tpu.memory_space<semaphore_mem>>)
    %dma_wait3A_387 = arith.constant 0 : i32
    %dma_wait3A_388 = tpu.memref_slice %arg4[%add3A_382, %dma_wait3A_387] : memref<24576x1024xf32, #tpu.memory_space<hbm>> -> memref<32x1024xf32, #tpu.memory_space<hbm>>
    %dma_wait3A_389 = arith.constant 0 : i32
    %dma_wait3A_390 = tpu.memref_slice %arg4[%add3A_382, %dma_wait3A_389] : memref<24576x1024xf32, #tpu.memory_space<hbm>> -> memref<32x1024xf32, #tpu.memory_space<hbm>>
    tpu.wait_dma2 semaphore(%arg12 : memref<!tpu.dma_semaphore, #tpu.memory_space<semaphore_mem>>) src(%arg6 : memref<32x1024xf32, #tpu.memory_space<vmem>>) dst(%dma_wait3A_390 : memref<32x1024xf32, #tpu.memory_space<hbm>>)
    %dma_start3A_391 = arith.constant 672 : i32
    %dma_start3A_392 = tpu.memref_slice %arg5[%dma_start3A_391] : memref<768xi32, #tpu.memory_space<vmem>> -> memref<32xi32, #tpu.memory_space<vmem>>
    %dma_start3A_393 = arith.constant 0 : i32
    %dma_start3A_394 = arith.constant 0 : i32
    %dma_start3A_395 = tpu.memref_slice %arg2[%dma_start3A_393, %dma_start3A_394] : memref<8192x1024xf32, #tpu.memory_space<hbm>> -> memref<8192x1024xf32, #tpu.memory_space<hbm>>
    tpu.enqueue_indirect_dma source(%dma_start3A_395 : memref<8192x1024xf32, #tpu.memory_space<hbm>>) target(%arg6 : memref<32x1024xf32, #tpu.memory_space<vmem>>) offsets(%dma_start3A_392 : memref<32xi32, #tpu.memory_space<vmem>>) semaphore(%arg9 : memref<!tpu.dma_semaphore, #tpu.memory_space<semaphore_mem>>)
    %dma_wait3A_396 = arith.constant 608 : i32
    %dma_wait3A_397 = tpu.memref_slice %arg5[%dma_wait3A_396] : memref<768xi32, #tpu.memory_space<vmem>> -> memref<32xi32, #tpu.memory_space<vmem>>
    %dma_wait3A_398 = arith.constant 0 : i32
    %dma_wait3A_399 = arith.constant 0 : i32
    %dma_wait3A_400 = tpu.memref_slice %arg2[%dma_wait3A_398, %dma_wait3A_399] : memref<8192x1024xf32, #tpu.memory_space<hbm>> -> memref<8192x1024xf32, #tpu.memory_space<hbm>>
    tpu.wait_indirect_dma semaphore(%arg10 : memref<!tpu.dma_semaphore, #tpu.memory_space<semaphore_mem>>) src(%dma_wait3A_400 : memref<8192x1024xf32, #tpu.memory_space<hbm>>) dst(%arg7 : memref<32x1024xf32, #tpu.memory_space<vmem>>)
    %add3A_401 = arith.constant 608 : i32
    %add3A_402 = arith.addi %mul3A_2, %add3A_401 : i32
    %dma_start3A_403 = arith.constant 0 : i32
    %dma_start3A_404 = tpu.memref_slice %arg4[%add3A_402, %dma_start3A_403] : memref<24576x1024xf32, #tpu.memory_space<hbm>> -> memref<32x1024xf32, #tpu.memory_space<hbm>>
    %dma_start3A_405 = arith.constant 0 : i32
    %dma_start3A_406 = tpu.memref_slice %arg4[%add3A_402, %dma_start3A_405] : memref<24576x1024xf32, #tpu.memory_space<hbm>> -> memref<32x1024xf32, #tpu.memory_space<hbm>>
    tpu.enqueue_dma source(%arg7 : memref<32x1024xf32, #tpu.memory_space<vmem>>) target(%dma_start3A_406 : memref<32x1024xf32, #tpu.memory_space<hbm>>) target_semaphore(%arg13 : memref<!tpu.dma_semaphore, #tpu.memory_space<semaphore_mem>>)
    %dma_wait3A_407 = arith.constant 0 : i32
    %dma_wait3A_408 = tpu.memref_slice %arg4[%add3A_402, %dma_wait3A_407] : memref<24576x1024xf32, #tpu.memory_space<hbm>> -> memref<32x1024xf32, #tpu.memory_space<hbm>>
    %dma_wait3A_409 = arith.constant 0 : i32
    %dma_wait3A_410 = tpu.memref_slice %arg4[%add3A_402, %dma_wait3A_409] : memref<24576x1024xf32, #tpu.memory_space<hbm>> -> memref<32x1024xf32, #tpu.memory_space<hbm>>
    tpu.wait_dma2 semaphore(%arg13 : memref<!tpu.dma_semaphore, #tpu.memory_space<semaphore_mem>>) src(%arg7 : memref<32x1024xf32, #tpu.memory_space<vmem>>) dst(%dma_wait3A_410 : memref<32x1024xf32, #tpu.memory_space<hbm>>)
    %dma_start3A_411 = arith.constant 704 : i32
    %dma_start3A_412 = tpu.memref_slice %arg5[%dma_start3A_411] : memref<768xi32, #tpu.memory_space<vmem>> -> memref<32xi32, #tpu.memory_space<vmem>>
    %dma_start3A_413 = arith.constant 0 : i32
    %dma_start3A_414 = arith.constant 0 : i32
    %dma_start3A_415 = tpu.memref_slice %arg2[%dma_start3A_413, %dma_start3A_414] : memref<8192x1024xf32, #tpu.memory_space<hbm>> -> memref<8192x1024xf32, #tpu.memory_space<hbm>>
    tpu.enqueue_indirect_dma source(%dma_start3A_415 : memref<8192x1024xf32, #tpu.memory_space<hbm>>) target(%arg7 : memref<32x1024xf32, #tpu.memory_space<vmem>>) offsets(%dma_start3A_412 : memref<32xi32, #tpu.memory_space<vmem>>) semaphore(%arg10 : memref<!tpu.dma_semaphore, #tpu.memory_space<semaphore_mem>>)
    %dma_wait3A_416 = arith.constant 640 : i32
    %dma_wait3A_417 = tpu.memref_slice %arg5[%dma_wait3A_416] : memref<768xi32, #tpu.memory_space<vmem>> -> memref<32xi32, #tpu.memory_space<vmem>>
    %dma_wait3A_418 = arith.constant 0 : i32
    %dma_wait3A_419 = arith.constant 0 : i32
    %dma_wait3A_420 = tpu.memref_slice %arg2[%dma_wait3A_418, %dma_wait3A_419] : memref<8192x1024xf32, #tpu.memory_space<hbm>> -> memref<8192x1024xf32, #tpu.memory_space<hbm>>
    tpu.wait_indirect_dma semaphore(%arg11 : memref<!tpu.dma_semaphore, #tpu.memory_space<semaphore_mem>>) src(%dma_wait3A_420 : memref<8192x1024xf32, #tpu.memory_space<hbm>>) dst(%arg8 : memref<32x1024xf32, #tpu.memory_space<vmem>>)
    %add3A_421 = arith.constant 640 : i32
    %add3A_422 = arith.addi %mul3A_2, %add3A_421 : i32
    %dma_start3A_423 = arith.constant 0 : i32
    %dma_start3A_424 = tpu.memref_slice %arg4[%add3A_422, %dma_start3A_423] : memref<24576x1024xf32, #tpu.memory_space<hbm>> -> memref<32x1024xf32, #tpu.memory_space<hbm>>
    %dma_start3A_425 = arith.constant 0 : i32
    %dma_start3A_426 = tpu.memref_slice %arg4[%add3A_422, %dma_start3A_425] : memref<24576x1024xf32, #tpu.memory_space<hbm>> -> memref<32x1024xf32, #tpu.memory_space<hbm>>
    tpu.enqueue_dma source(%arg8 : memref<32x1024xf32, #tpu.memory_space<vmem>>) target(%dma_start3A_426 : memref<32x1024xf32, #tpu.memory_space<hbm>>) target_semaphore(%arg14 : memref<!tpu.dma_semaphore, #tpu.memory_space<semaphore_mem>>)
    %dma_wait3A_427 = arith.constant 0 : i32
    %dma_wait3A_428 = tpu.memref_slice %arg4[%add3A_422, %dma_wait3A_427] : memref<24576x1024xf32, #tpu.memory_space<hbm>> -> memref<32x1024xf32, #tpu.memory_space<hbm>>
    %dma_wait3A_429 = arith.constant 0 : i32
    %dma_wait3A_430 = tpu.memref_slice %arg4[%add3A_422, %dma_wait3A_429] : memref<24576x1024xf32, #tpu.memory_space<hbm>> -> memref<32x1024xf32, #tpu.memory_space<hbm>>
    tpu.wait_dma2 semaphore(%arg14 : memref<!tpu.dma_semaphore, #tpu.memory_space<semaphore_mem>>) src(%arg8 : memref<32x1024xf32, #tpu.memory_space<vmem>>) dst(%dma_wait3A_430 : memref<32x1024xf32, #tpu.memory_space<hbm>>)
    %dma_start3A_431 = arith.constant 736 : i32
    %dma_start3A_432 = tpu.memref_slice %arg5[%dma_start3A_431] : memref<768xi32, #tpu.memory_space<vmem>> -> memref<32xi32, #tpu.memory_space<vmem>>
    %dma_start3A_433 = arith.constant 0 : i32
    %dma_start3A_434 = arith.constant 0 : i32
    %dma_start3A_435 = tpu.memref_slice %arg2[%dma_start3A_433, %dma_start3A_434] : memref<8192x1024xf32, #tpu.memory_space<hbm>> -> memref<8192x1024xf32, #tpu.memory_space<hbm>>
    tpu.enqueue_indirect_dma source(%dma_start3A_435 : memref<8192x1024xf32, #tpu.memory_space<hbm>>) target(%arg8 : memref<32x1024xf32, #tpu.memory_space<vmem>>) offsets(%dma_start3A_432 : memref<32xi32, #tpu.memory_space<vmem>>) semaphore(%arg11 : memref<!tpu.dma_semaphore, #tpu.memory_space<semaphore_mem>>)
    %dma_wait3A_436 = arith.constant 672 : i32
    %dma_wait3A_437 = tpu.memref_slice %arg5[%dma_wait3A_436] : memref<768xi32, #tpu.memory_space<vmem>> -> memref<32xi32, #tpu.memory_space<vmem>>
    %dma_wait3A_438 = arith.constant 0 : i32
    %dma_wait3A_439 = arith.constant 0 : i32
    %dma_wait3A_440 = tpu.memref_slice %arg2[%dma_wait3A_438, %dma_wait3A_439] : memref<8192x1024xf32, #tpu.memory_space<hbm>> -> memref<8192x1024xf32, #tpu.memory_space<hbm>>
    tpu.wait_indirect_dma semaphore(%arg9 : memref<!tpu.dma_semaphore, #tpu.memory_space<semaphore_mem>>) src(%dma_wait3A_440 : memref<8192x1024xf32, #tpu.memory_space<hbm>>) dst(%arg6 : memref<32x1024xf32, #tpu.memory_space<vmem>>)
    %add3A_441 = arith.constant 672 : i32
    %add3A_442 = arith.addi %mul3A_2, %add3A_441 : i32
    %dma_start3A_443 = arith.constant 0 : i32
    %dma_start3A_444 = tpu.memref_slice %arg4[%add3A_442, %dma_start3A_443] : memref<24576x1024xf32, #tpu.memory_space<hbm>> -> memref<32x1024xf32, #tpu.memory_space<hbm>>
    %dma_start3A_445 = arith.constant 0 : i32
    %dma_start3A_446 = tpu.memref_slice %arg4[%add3A_442, %dma_start3A_445] : memref<24576x1024xf32, #tpu.memory_space<hbm>> -> memref<32x1024xf32, #tpu.memory_space<hbm>>
    tpu.enqueue_dma source(%arg6 : memref<32x1024xf32, #tpu.memory_space<vmem>>) target(%dma_start3A_446 : memref<32x1024xf32, #tpu.memory_space<hbm>>) target_semaphore(%arg12 : memref<!tpu.dma_semaphore, #tpu.memory_space<semaphore_mem>>)
    %dma_wait3A_447 = arith.constant 704 : i32
    %dma_wait3A_448 = tpu.memref_slice %arg5[%dma_wait3A_447] : memref<768xi32, #tpu.memory_space<vmem>> -> memref<32xi32, #tpu.memory_space<vmem>>
    %dma_wait3A_449 = arith.constant 0 : i32
    %dma_wait3A_450 = arith.constant 0 : i32
    %dma_wait3A_451 = tpu.memref_slice %arg2[%dma_wait3A_449, %dma_wait3A_450] : memref<8192x1024xf32, #tpu.memory_space<hbm>> -> memref<8192x1024xf32, #tpu.memory_space<hbm>>
    tpu.wait_indirect_dma semaphore(%arg10 : memref<!tpu.dma_semaphore, #tpu.memory_space<semaphore_mem>>) src(%dma_wait3A_451 : memref<8192x1024xf32, #tpu.memory_space<hbm>>) dst(%arg7 : memref<32x1024xf32, #tpu.memory_space<vmem>>)
    %add3A_452 = arith.constant 704 : i32
    %add3A_453 = arith.addi %mul3A_2, %add3A_452 : i32
    %dma_start3A_454 = arith.constant 0 : i32
    %dma_start3A_455 = tpu.memref_slice %arg4[%add3A_453, %dma_start3A_454] : memref<24576x1024xf32, #tpu.memory_space<hbm>> -> memref<32x1024xf32, #tpu.memory_space<hbm>>
    %dma_start3A_456 = arith.constant 0 : i32
    %dma_start3A_457 = tpu.memref_slice %arg4[%add3A_453, %dma_start3A_456] : memref<24576x1024xf32, #tpu.memory_space<hbm>> -> memref<32x1024xf32, #tpu.memory_space<hbm>>
    tpu.enqueue_dma source(%arg7 : memref<32x1024xf32, #tpu.memory_space<vmem>>) target(%dma_start3A_457 : memref<32x1024xf32, #tpu.memory_space<hbm>>) target_semaphore(%arg13 : memref<!tpu.dma_semaphore, #tpu.memory_space<semaphore_mem>>)
    %dma_wait3A_458 = arith.constant 736 : i32
    %dma_wait3A_459 = tpu.memref_slice %arg5[%dma_wait3A_458] : memref<768xi32, #tpu.memory_space<vmem>> -> memref<32xi32, #tpu.memory_space<vmem>>
    %dma_wait3A_460 = arith.constant 0 : i32
    %dma_wait3A_461 = arith.constant 0 : i32
    %dma_wait3A_462 = tpu.memref_slice %arg2[%dma_wait3A_460, %dma_wait3A_461] : memref<8192x1024xf32, #tpu.memory_space<hbm>> -> memref<8192x1024xf32, #tpu.memory_space<hbm>>
    tpu.wait_indirect_dma semaphore(%arg11 : memref<!tpu.dma_semaphore, #tpu.memory_space<semaphore_mem>>) src(%dma_wait3A_462 : memref<8192x1024xf32, #tpu.memory_space<hbm>>) dst(%arg8 : memref<32x1024xf32, #tpu.memory_space<vmem>>)
    %add3A_463 = arith.constant 736 : i32
    %add3A_464 = arith.addi %mul3A_2, %add3A_463 : i32
    %dma_start3A_465 = arith.constant 0 : i32
    %dma_start3A_466 = tpu.memref_slice %arg4[%add3A_464, %dma_start3A_465] : memref<24576x1024xf32, #tpu.memory_space<hbm>> -> memref<32x1024xf32, #tpu.memory_space<hbm>>
    %dma_start3A_467 = arith.constant 0 : i32
    %dma_start3A_468 = tpu.memref_slice %arg4[%add3A_464, %dma_start3A_467] : memref<24576x1024xf32, #tpu.memory_space<hbm>> -> memref<32x1024xf32, #tpu.memory_space<hbm>>
    tpu.enqueue_dma source(%arg8 : memref<32x1024xf32, #tpu.memory_space<vmem>>) target(%dma_start3A_468 : memref<32x1024xf32, #tpu.memory_space<hbm>>) target_semaphore(%arg14 : memref<!tpu.dma_semaphore, #tpu.memory_space<semaphore_mem>>)
    %dma_wait3A_469 = arith.constant 0 : i32
    %dma_wait3A_470 = tpu.memref_slice %arg4[%add3A_442, %dma_wait3A_469] : memref<24576x1024xf32, #tpu.memory_space<hbm>> -> memref<32x1024xf32, #tpu.memory_space<hbm>>
    %dma_wait3A_471 = arith.constant 0 : i32
    %dma_wait3A_472 = tpu.memref_slice %arg4[%add3A_442, %dma_wait3A_471] : memref<24576x1024xf32, #tpu.memory_space<hbm>> -> memref<32x1024xf32, #tpu.memory_space<hbm>>
    tpu.wait_dma2 semaphore(%arg12 : memref<!tpu.dma_semaphore, #tpu.memory_space<semaphore_mem>>) src(%arg6 : memref<32x1024xf32, #tpu.memory_space<vmem>>) dst(%dma_wait3A_472 : memref<32x1024xf32, #tpu.memory_space<hbm>>)
    %dma_wait3A_473 = arith.constant 0 : i32
    %dma_wait3A_474 = tpu.memref_slice %arg4[%add3A_453, %dma_wait3A_473] : memref<24576x1024xf32, #tpu.memory_space<hbm>> -> memref<32x1024xf32, #tpu.memory_space<hbm>>
    %dma_wait3A_475 = arith.constant 0 : i32
    %dma_wait3A_476 = tpu.memref_slice %arg4[%add3A_453, %dma_wait3A_475] : memref<24576x1024xf32, #tpu.memory_space<hbm>> -> memref<32x1024xf32, #tpu.memory_space<hbm>>
    tpu.wait_dma2 semaphore(%arg13 : memref<!tpu.dma_semaphore, #tpu.memory_space<semaphore_mem>>) src(%arg7 : memref<32x1024xf32, #tpu.memory_space<vmem>>) dst(%dma_wait3A_476 : memref<32x1024xf32, #tpu.memory_space<hbm>>)
    %dma_wait3A_477 = arith.constant 0 : i32
    %dma_wait3A_478 = tpu.memref_slice %arg4[%add3A_464, %dma_wait3A_477] : memref<24576x1024xf32, #tpu.memory_space<hbm>> -> memref<32x1024xf32, #tpu.memory_space<hbm>>
    %dma_wait3A_479 = arith.constant 0 : i32
    %dma_wait3A_480 = tpu.memref_slice %arg4[%add3A_464, %dma_wait3A_479] : memref<24576x1024xf32, #tpu.memory_space<hbm>> -> memref<32x1024xf32, #tpu.memory_space<hbm>>
    tpu.wait_dma2 semaphore(%arg14 : memref<!tpu.dma_semaphore, #tpu.memory_space<semaphore_mem>>) src(%arg8 : memref<32x1024xf32, #tpu.memory_space<vmem>>) dst(%dma_wait3A_480 : memref<32x1024xf32, #tpu.memory_space<hbm>>)
    return
  }
}

module attributes {stable_mosaic.version = 14 : i64} {
  func.func @body(%arg0: i32, %arg1: memref<192xi32, #tpu.memory_space<smem>>, %arg2: memref<192xi32, #tpu.memory_space<smem>>, %arg3: memref<128x1024xf32, #tpu.memory_space<vmem>>, %arg4: memref<1x1024x1024xf32, #tpu.memory_space<vmem>>, %arg5: memref<1x512x1024xf32, #tpu.memory_space<vmem>>, %arg6: memref<1x1x128xf32, #tpu.memory_space<vmem>>, %arg7: memref<128x1024xf32, #tpu.memory_space<vmem>>) attributes {dimension_semantics = [#tpu.dimension_semantics<arbitrary>], iteration_bounds = array<i64: 192>, scalar_prefetch = 2 : i64, scratch_operands = 0 : i64, tpu.core_type = #tpu.core_type<tc>, window_params = [{transform_indices = @transform_0, window_bounds = array<i64: 128, 1024>}, {transform_indices = @transform_1, window_bounds = array<i64: 1, 1024, 1024>}, {transform_indices = @transform_2, window_bounds = array<i64: 1, 512, 1024>}, {transform_indices = @transform_3, window_bounds = array<i64: 1, 1, 128>}, {transform_indices = @transform_4, window_bounds = array<i64: 128, 1024>}]} {
    %get3A = arith.index_cast %arg0 : i32 to index
    %get3A_0 = memref.load %arg2[%get3A] : memref<192xi32, #tpu.memory_space<smem>>
    %eq3A = arith.constant 1 : i32
    %eq3A_1 = arith.cmpi eq, %get3A_0, %eq3A : i32
    %convert_element_type3A = arith.extui %eq3A_1 : i1 to i32
    %cond3A = arith.constant 0 : i32
    %cond3A_2 = arith.cmpi ne, %convert_element_type3A, %cond3A : i32
    scf.if %cond3A_2 {
      %get3A_3 = arith.constant 0 : index
      %get3A_4 = arith.constant 0 : index
      %get3A_5 = vector.load %arg3[%get3A_3, %get3A_4] : memref<128x1024xf32, #tpu.memory_space<vmem>>, vector<128x1024xf32>
      %get3A_6 = arith.constant 0 : index
      %get3A_7 = arith.constant 0 : index
      %get3A_8 = arith.constant 0 : index
      %get3A_9 = vector.load %arg4[%get3A_6, %get3A_7, %get3A_8] : memref<1x1024x1024xf32, #tpu.memory_space<vmem>>, vector<1x1024x1024xf32>
      %get3A_10 = vector.shape_cast %get3A_9 : vector<1x1024x1024xf32> to vector<1024x1024xf32>
      %dot_general3A = arith.constant dense<0.000000e+00> : vector<128x1024xf32>
      %dot_general3A_11 = tpu.matmul %get3A_5, %get3A_10, %dot_general3A {dimension_numbers = #tpu.dot_dimension_numbers<[1], [0], [0], [1], [0, 0, 1, 1], [], []>, transpose_lhs_hint = false} : vector<128x1024xf32>, vector<1024x1024xf32>, vector<128x1024xf32> -> vector<128x1024xf32>
      %slice3A = vector.extract_strided_slice %dot_general3A_11 {offsets = [0, 0], sizes = [128, 512], strides = [1, 1]} : vector<128x1024xf32> to vector<128x512xf32>
      %slice3A_12 = vector.extract_strided_slice %dot_general3A_11 {offsets = [0, 512], sizes = [128, 512], strides = [1, 1]} : vector<128x1024xf32> to vector<128x512xf32>
      %logistic3A = arith.negf %slice3A : vector<128x512xf32>
      %logistic3A_13 = math.exp %logistic3A : vector<128x512xf32>
      %logistic3A_14 = arith.constant 1.000000e+00 : f32
      %logistic3A_15 = vector.broadcast %logistic3A_14 : f32 to vector<128x512xf32>
      %logistic3A_16 = arith.addf %logistic3A_15, %logistic3A_13 : vector<128x512xf32>
      %logistic3A_17 = arith.divf %logistic3A_15, %logistic3A_16 : vector<128x512xf32>
      %mul3A = arith.mulf %slice3A, %logistic3A_17 : vector<128x512xf32>
      %mul3A_18 = arith.mulf %mul3A, %slice3A_12 : vector<128x512xf32>
      %get3A_19 = arith.constant 0 : index
      %get3A_20 = arith.constant 0 : index
      %get3A_21 = arith.constant 0 : index
      %get3A_22 = vector.load %arg5[%get3A_19, %get3A_20, %get3A_21] : memref<1x512x1024xf32, #tpu.memory_space<vmem>>, vector<1x512x1024xf32>
      %get3A_23 = vector.shape_cast %get3A_22 : vector<1x512x1024xf32> to vector<512x1024xf32>
      %dot_general3A_24 = arith.constant dense<0.000000e+00> : vector<128x1024xf32>
      %dot_general3A_25 = tpu.matmul %mul3A_18, %get3A_23, %dot_general3A_24 {dimension_numbers = #tpu.dot_dimension_numbers<[1], [0], [0], [1], [0, 0, 1, 1], [], []>, transpose_lhs_hint = false} : vector<128x512xf32>, vector<512x1024xf32>, vector<128x1024xf32> -> vector<128x1024xf32>
      %get3A_26 = arith.constant 0 : index
      %get3A_27 = arith.constant 0 : index
      %get3A_28 = arith.constant 0 : index
      %get3A_29 = vector.load %arg6[%get3A_26, %get3A_27, %get3A_28] : memref<1x1x128xf32, #tpu.memory_space<vmem>>, vector<1x1x128xf32>
      %get3A_30 = vector.shape_cast %get3A_29 : vector<1x1x128xf32> to vector<128xf32>
      %broadcast_in_dim3A = vector.shape_cast %get3A_30 : vector<128xf32> to vector<128x1xf32>
      %mul3A_31 = vector.broadcast %broadcast_in_dim3A : vector<128x1xf32> to vector<128x1024xf32>
      %mul3A_32 = arith.mulf %dot_general3A_25, %mul3A_31 : vector<128x1024xf32>
      %swap3A = arith.constant 0 : index
      %swap3A_33 = arith.constant 0 : index
      %swap3A_34 = vector.load %arg7[%swap3A, %swap3A_33] : memref<128x1024xf32, #tpu.memory_space<vmem>>, vector<128x1024xf32>
      tpu.vector_store %arg7[%swap3A, %swap3A_33], %mul3A_32 {strides = array<i32>} : memref<128x1024xf32, #tpu.memory_space<vmem>>, vector<128x1024xf32>,
    } else {
    }
    return
  }
  func.func @transform_0(%arg0: i32, %arg1: memref<192xi32, #tpu.memory_space<smem>>, %arg2: memref<192xi32, #tpu.memory_space<smem>>) -> (i32, i32) {
    %c0_i32 = arith.constant 0 : i32
    %c0_i32_0 = arith.constant 0 : i32
    return %arg0, %c0_i32 : i32, i32
  }
  func.func @transform_1(%arg0: i32, %arg1: memref<192xi32, #tpu.memory_space<smem>>, %arg2: memref<192xi32, #tpu.memory_space<smem>>) -> (i32, i32, i32) {
    %get3A = arith.index_cast %arg0 : i32 to index
    %get3A_0 = memref.load %arg1[%get3A] : memref<192xi32, #tpu.memory_space<smem>>
    %c0_i32 = arith.constant 0 : i32
    %c0_i32_1 = arith.constant 0 : i32
    %c0_i32_2 = arith.constant 0 : i32
    return %get3A_0, %c0_i32, %c0_i32_1 : i32, i32, i32
  }
  func.func @transform_2(%arg0: i32, %arg1: memref<192xi32, #tpu.memory_space<smem>>, %arg2: memref<192xi32, #tpu.memory_space<smem>>) -> (i32, i32, i32) {
    %get3A = arith.index_cast %arg0 : i32 to index
    %get3A_0 = memref.load %arg1[%get3A] : memref<192xi32, #tpu.memory_space<smem>>
    %c0_i32 = arith.constant 0 : i32
    %c0_i32_1 = arith.constant 0 : i32
    %c0_i32_2 = arith.constant 0 : i32
    return %get3A_0, %c0_i32, %c0_i32_1 : i32, i32, i32
  }
  func.func @transform_3(%arg0: i32, %arg1: memref<192xi32, #tpu.memory_space<smem>>, %arg2: memref<192xi32, #tpu.memory_space<smem>>) -> (i32, i32, i32) {
    %c0_i32 = arith.constant 0 : i32
    %c0_i32_0 = arith.constant 0 : i32
    %c0_i32_1 = arith.constant 0 : i32
    return %arg0, %c0_i32, %c0_i32_0 : i32, i32, i32
  }
  func.func @transform_4(%arg0: i32, %arg1: memref<192xi32, #tpu.memory_space<smem>>, %arg2: memref<192xi32, #tpu.memory_space<smem>>) -> (i32, i32) {
    %c0_i32 = arith.constant 0 : i32
    %c0_i32_0 = arith.constant 0 : i32
    return %arg0, %c0_i32 : i32, i32
  }
}

module attributes {stable_mosaic.version = 14 : i64} {
  func.func @body(%arg0: i32, %arg1: memref<256x1024xf32, #tpu.memory_space<vmem>>, %arg2: memref<256x1024xf32, #tpu.memory_space<vmem>>, %arg3: memref<256x1024xf32, #tpu.memory_space<vmem>>) attributes {dimension_semantics = [#tpu.dimension_semantics<arbitrary>], iteration_bounds = array<i64: 32>, scalar_prefetch = 0 : i64, scratch_operands = 0 : i64, tpu.core_type = #tpu.core_type<tc>, window_params = [{transform_indices = @transform_0, window_bounds = array<i64: 256, 1024>}, {transform_indices = @transform_1, window_bounds = array<i64: 256, 1024>}, {transform_indices = @transform_2, window_bounds = array<i64: 256, 1024>}]} {
    %get3A = arith.constant 0 : index
    %get3A_0 = arith.constant 0 : index
    %get3A_1 = vector.load %arg1[%get3A, %get3A_0] : memref<256x1024xf32, #tpu.memory_space<vmem>>, vector<256x1024xf32>
    %get3A_2 = arith.constant 0 : index
    %get3A_3 = arith.constant 0 : index
    %get3A_4 = vector.load %arg2[%get3A_2, %get3A_3] : memref<256x1024xf32, #tpu.memory_space<vmem>>, vector<256x1024xf32>
    %add3A = arith.addf %get3A_1, %get3A_4 : vector<256x1024xf32>
    %swap3A = arith.constant 0 : index
    %swap3A_5 = arith.constant 0 : index
    %swap3A_6 = vector.load %arg3[%swap3A, %swap3A_5] : memref<256x1024xf32, #tpu.memory_space<vmem>>, vector<256x1024xf32>
    tpu.vector_store %arg3[%swap3A, %swap3A_5], %add3A {strides = array<i32>} : memref<256x1024xf32, #tpu.memory_space<vmem>>, vector<256x1024xf32>,
    return
  }
  func.func @transform_0(%arg0: i32) -> (i32, i32) {
    %c0_i32 = arith.constant 0 : i32
    %c0_i32_0 = arith.constant 0 : i32
    return %arg0, %c0_i32 : i32, i32
  }
  func.func @transform_1(%arg0: i32) -> (i32, i32) {
    %add3A = arith.constant 32 : i32
    %add3A_0 = arith.addi %arg0, %add3A : i32
    %c0_i32 = arith.constant 0 : i32
    %c0_i32_1 = arith.constant 0 : i32
    return %add3A_0, %c0_i32 : i32, i32
  }
  func.func @transform_2(%arg0: i32) -> (i32, i32) {
    %c0_i32 = arith.constant 0 : i32
    %c0_i32_0 = arith.constant 0 : i32
    return %arg0, %c0_i32 : i32, i32
  }
}

</mosaic_0001>

<sc_bundles>
// kernel: kernel.10.cloned.1.call-start
scs
__scs_entry_jumppad:
0x0: {  	(pc) =	sbr.rel $0x88, $3  }
0x1: {  	(tag) =	ssettag $0x0;
	lr =	simm.s32 $0x1  }
0x2: {  	[smem:$0x3F9C] =	sst lr;
	_ =	strace $0xD0000000  }
0x3: {  	_ = 	snop  }
0x4: {  	_ = 	snop  }
0x5: {  	_ = 	snop  }
0x6: {  	_ = 	snop  }
0x7: {  	_ = 	snop  }
__scs_overlays_trampoline_lowered:
0x8: {  	[smem:$0x3FAB] =	sst s0  }
0x9: {  	[smem:$0x3FAC] =	sst s1  }
0xa: {  	[smem:$0x3FAD] =	sst s2  }
0xb: {  	[smem:$0x3FAE] =	sst s3  }
0xc: {  	[smem:$0x3FAF] =	sst s4  }
0xd: {  	[smem:$0x3FB0] =	sst s5  }
0xe: {  	[smem:$0x3FB1] =	sst s6  }
0xf: {  	[smem:$0x3FB2] =	sst s7  }
0x10: {  	[smem:$0x3FB3] =	sst s8  }
0x11: {  	[smem:$0x3FB4] =	sst s9;
	s0 =	simm.s32 @!p0 $0x0  }
0x12: {  	s1 =	sld [smem:$0x3F9A];
	s0 =	simm.s32 @p0 $0x1  }
0x13: {  	[smem:$0x3FB5] =	sst s0;
	s0 =	simm.s32 @!p1 $0x0  }
0x14: {  	s2 =	sld [smem:$0x3F99];
	s0 =	simm.s32 @p1 $0x1  }
0x15: {  	[smem:$0x3FB6] =	sst s0;
	s0 =	simm.s32 @!p2 $0x0  }
0x16: {  	s3 =	sld [smem:$0x3FDB];
	s0 =	simm.s32 @p2 $0x1  }
0x17: {  	s4 =	simm.s32 $0x1BF5;
	[smem:$0x3FB8] =	sst s0  }
0x18: {  	s0 =	sld [smem:$0x3F9B];
	_ =	swait.ge [sflag:s4], $0x0  }
0x19: {  	s7 =	sld [smem:$0x3F9C]  }
0x1a: {  	s8 =	sadd.s32 $0xFFFFE003, lr  }
0x1b: {  	s9 =	sadd.s32 $0xFFFFFEF7, lr;
	s5 =	simm.s32 $0xFFFFFFFF;
	p2 =	slt.u32 s8, $0xFFFFF086  }
0x1c: {  	p1 =	slt.u32 s9, $0xF7A;
	s5 =	simm.s32 @!p2 $0x0  }
0x1d: {  	s5 =	simm.s32 @p1 $0x1;
	p0 =	seq.s32 s7, s2  }
0x1e: {  	s7 =	smul.u32 @!p0 $0xF7A, s2;
	p2 =	seq.s32 @!p0 s5, $0x0  }
0x1f: {  	s9 =	smul.u32 $0xF7A, s1;
	s8 =	simm.s32 @!p0 $0x1BF5;
	p2 =	por !p2, p0  }
0x20: {  	[sflag:s8] =	ssyncset.s32 @!p0 $0xFFFFF086;
	s6 =	sadd.s32 @!p0 s3, s7;
	s7 =	simm.s32 @!p0 $0x108  }
0x21: {  	s3 =	sadd.s32 s3, s9;
	s6 =	sadd.s32 @!p0 $0x88, s6;
	s7 =	simm.s32 @p2 $0x1082  }
0x22: {  	[simem:s7], [sflag:s8] =	dma.local @!p0 [hbm:s6], $0xF7A  }
0x23: {  	s9 =	sor.u32 $0xD0000000, s2;
	s6 =	simm.s32 $0x108;
	_ =	swait.ge @!p0 [sflag:s8], $0x0  }
0x24: {  	s3 =	sadd.s32 $0x88, s3;
	s6 =	simm.s32 @!p1 $0x1082;
	[sflag:s4] =	ssyncset.s32 $0xFFFFF086  }
0x25: {  	[simem:s6], [sflag:s4] =	dma.local [hbm:s3], $0xF7A  }
0x26: {  	[smem:$0x3F9C] =	sst s1;
	(tag) =	ssettag s2;
	_ =	strace s9  }
0x27: {  	s1 =	sld [smem:$0x3FAC]  }
0x28: {  	s2 =	sld [smem:$0x3FAD]  }
0x29: {  	s4 =	sld [smem:$0x3FAF]  }
0x2a: {  	p0 =	seq.s32 s5, $0x0;
	s5 =	sld [smem:$0x3FB0]  }
0x2b: {  	s6 =	sld [smem:$0x3FB1]  }
0x2c: {  	s7 =	sld [smem:$0x3FB2]  }
0x2d: {  	s3 =	simm.s32 $0x108;
	s8 =	sld [smem:$0x3FB3]  }
0x2e: {  	s3 =	simm.s32 @!p0 $0x1082;
	s9 =	sld [smem:$0x3FB4]  }
0x2f: {  	lr =	sadd.s32 s0, s3;
	s0 =	sld [smem:$0x3FAB]  }
0x30: {  	s3 =	sld [smem:$0x3FAE]  }
0x31: {  	[smem:$0x3FB7] =	sst s10  }
0x32: {  	s10 =	sld [smem:$0x3FB5];
	_ =	sdelay $0x3  }
0x33: {  	p0 =	seq.s32 s10, $0x1;
	s10 =	sld [smem:$0x3FB7];
	_ =	sdelay $0x3  }
0x34: {  	[smem:$0x3FB7] =	sst s10  }
0x35: {  	s10 =	sld [smem:$0x3FB6];
	_ =	sdelay $0x3  }
0x36: {  	p1 =	seq.s32 s10, $0x1;
	s10 =	sld [smem:$0x3FB7];
	_ =	sdelay $0x3  }
0x37: {  	[smem:$0x3FB7] =	sst s10  }
0x38: {  	s10 =	sld [smem:$0x3FB8]  }
0x39: {  	_ = 	snop;
	(pc) =	sbr.ind lr, $3  }
0x3a: {  	_ = 	snop  }
0x3b: {  	_ = 	snop  }
0x3c: {  	p2 =	seq.s32 s10, $0x1;
	s10 =	sld [smem:$0x3FB7]  }
0x3d: {  	_ =	shalt  }
0x3e: {  	_ =	shalt  }
0x3f: {  	_ =	shalt  }
0x40: {  	_ =	shalt  }
0x41: {  	_ =	shalt  }
0x42: {  	_ =	shalt  }
0x43: {  	_ =	shalt  }
0x44: {  	_ =	shalt  }
0x45: {  	_ =	shalt  }
0x46: {  	_ =	shalt  }
0x47: {  	_ =	shalt  }
0x48: {  	_ =	shalt  }
0x49: {  	_ =	shalt  }
0x4a: {  	_ =	shalt  }
0x4b: {  	_ =	shalt  }
0x4c: {  	_ =	shalt  }
0x4d: {  	_ =	shalt  }
0x4e: {  	_ =	shalt  }
0x4f: {  	_ =	shalt  }
0x50: {  	_ =	shalt  }
0x51: {  	_ =	shalt  }
0x52: {  	_ =	shalt  }
0x53: {  	_ =	shalt  }
0x54: {  	_ =	shalt  }
0x55: {  	_ =	shalt  }
0x56: {  	_ =	shalt  }
0x57: {  	_ =	shalt  }
0x58: {  	_ =	shalt  }
0x59: {  	_ =	shalt  }
0x5a: {  	_ =	shalt  }
0x5b: {  	_ =	shalt  }
0x5c: {  	_ =	shalt  }
0x5d: {  	_ =	shalt  }
0x5e: {  	_ =	shalt  }
0x5f: {  	_ =	shalt  }
0x60: {  	_ =	shalt  }
0x61: {  	_ =	shalt  }
0x62: {  	_ =	shalt  }
0x63: {  	_ =	shalt  }
0x64: {  	_ =	shalt  }
0x65: {  	_ =	shalt  }
0x66: {  	_ =	shalt  }
0x67: {  	_ =	shalt  }
0x68: {  	_ =	shalt  }
0x69: {  	_ =	shalt  }
0x6a: {  	_ =	shalt  }
0x6b: {  	_ =	shalt  }
0x6c: {  	_ =	shalt  }
0x6d: {  	_ =	shalt  }
0x6e: {  	_ =	shalt  }
0x6f: {  	_ =	shalt  }
0x70: {  	_ =	shalt  }
0x71: {  	_ =	shalt  }
0x72: {  	_ =	shalt  }
0x73: {  	_ =	shalt  }
0x74: {  	_ =	shalt  }
0x75: {  	_ =	shalt  }
0x76: {  	_ =	shalt  }
0x77: {  	_ =	shalt  }
0x78: {  	_ =	shalt  }
0x79: {  	_ =	shalt  }
0x7a: {  	_ =	shalt  }
0x7b: {  	_ =	shalt  }
0x7c: {  	_ =	shalt  }
0x7d: {  	_ =	shalt  }
0x7e: {  	_ =	shalt  }
0x7f: {  	_ =	shalt  }
0x80: {  	_ =	shalt  }
0x81: {  	_ =	shalt  }
0x82: {  	_ =	shalt  }
0x83: {  	_ =	shalt  }
0x84: {  	_ =	shalt  }
0x85: {  	_ =	shalt  }
0x86: {  	_ =	shalt  }
0x87: {  	_ =	shalt  }
.Lfunc_end0:
.L_simem_size_0:
called_computation.3_lowered:
.L_overlay_start_0:
0x88: {  	s2 =	sld [smem:$0x3FD9]  }
0x89: {  	s3 =	sld [smem:$0x3FFE];
	_ =	sdelay $0x1  }
0x8a: {  	s1 =	srdreg.scid  }
0x8b: {  	s0 =	sand.u32 $0x1, s1  }
0x8c: {  	s17 =	sshll.u32 s0, $0xA;
	s2 =	sadd.s32 s3, s2  }
0x8d: {  	s2 =	sadd.s32 s2, s17  }
0x8e: {  	[smem:$0x3FC3] =	sst s2  }
0x8f: {  	_ = 	snop  }
0x90: {  	s18 =	sld [smem:$0x3FC9];
	(tm) =	ssettm $0x1  }
0x91: {  	s19 =	sld [smem:$0x3FFB];
	_ =	sdelay $0x3  }
0x92: {  	_ =	strace s19  }
0x93: {  	s2 =	sld [smem:$0x3FFC];
	_ =	sdelay $0x3  }
0x94: {  	_ =	strace s2  }
0x95: {  	s2 =	sld [smem:$0x3FFD];
	_ =	sdelay $0x3  }
0x96: {  	_ =	strace s2  }
0x97: {  	_ =	strace $0x8FFFFFFF  }
0x98: {  	s20 =	sld [smem:$0x3FDB];
	_ =	sdelay $0x1  }
0x99: {  	s4 =	simm.s32 $_scs_section_size  }
0x9a: {  	s5 =	simm.s32 $_size__tile_overlayer_lowered;
	s6 =	simm.s32 $_tile_overlayer_lowered  }
0x9b: {  	s7 =	simm.s32 $0x1BFF;
	s21 =	sshll.u32 s6, $0x1;
	s4 =	sadd.s32 s4, s20  }
0x9c: {  	s22 =	simm.s32 $0x0;
	s5 =	sshll.u32 s5, $0x1;
	s6 =	sadd.s32 s21, s4  }
0x9d: {  	[timem:s22], [sflag:s7] =	dma.local [hbm:s6], s5  }
0x9e: {  	_ =	swait.ge [sflag:s7], s5  }
0x9f: {  	s5 =	ssub.s32 $0x0, s5;
	[sflag:s7] =	ssyncset.done $0x0  }
0xa0: {  	[sflag:s7] =	ssyncadd.s32 s5;
	_ =	sdelay $0x1  }
0xa1: {  	s23 =	simm.s32 $0x1B8B  }
0xa2: {  	_ =	swait.ge [sflag:s23], $0x1  }
0xa3: {  	[sflag:s23] =	ssyncset.done $0x0  }
0xa4: {  	[sflag:s23] =	ssyncadd.s32 $0xFFFFFFFF  }
0xa5: {  	s5 =	sld [smem:$0x0]  }
0xa6: {  	s6 =	sand.u32 $0xFFFFFFFE, s1  }
0xa7: {  	p0 =	sne.s32 s1, s6  }
0xa8: {  	s6 =	sshll.u32 @p0 s6, $0xE  }
0xa9: {  	s6 =	sadd.s32 @p0 $0x11B8D, s6;
	s7 =	sshll.u32 @p0 s5, $0x11  }
0xaa: {  	s6 =	sor.u32 @p0 s7, s6  }
0xab: {  	[sflag:s6] =	ssyncadd.remote.s32 @p0 $0x1;
	_ =	sdelay $0x1  }
0xac: {  	s6 =	simm.s32 @p0 $0x1B8D  }
0xad: {  	_ =	swait.eq @p0 [sflag:s6], $0x1  }
0xae: {  	[sflag:s6] =	ssyncadd.s32 @p0 $0xFFFFFFFF  }
0xaf: {  	s7 =	sshll.u32 @!p0 s1, $0xE  }
0xb0: {  	s7 =	sor.u32 @!p0 $0x4000, s7;
	s6 =	simm.s32 @!p0 $0x1B8D  }
0xb1: {  	s5 =	sshll.u32 @!p0 s5, $0x11;
	s7 =	sadd.s32 @!p0 $0x11B8D, s7;
	_ =	swait.eq @!p0 [sflag:s6], $0x1  }
0xb2: {  	s5 =	sor.u32 @!p0 s5, s7;
	[sflag:s6] =	ssyncadd.s32 @!p0 $0xFFFFFFFF  }
0xb3: {  	s25 =	simm.s32 $0x1B8E;
	s24 =	sld [smem:$0x3FFE];
	[sflag:s5] =	ssyncadd.remote.s32 @!p0 $0x1  }
0xb4: {  	s26 =	simm.s32 $execute0_lowered;
	[smem:$0x3FD2] =	sst s25  }
0xb5: {  	s6 =	sshll.u32 s26, $0x1;
	_ =	strace $0x8000004F;
	[dreg:$0x1] =	wrdreg $0xFFFFFFFF  }
0xb6: {  	s28 =	simm.s32 $_size_execute0_lowered;
	s4 =	sadd.s32 s4, s6;
	[dreg:$0x0] =	wrdreg $0x0  }
0xb7: {  	s6 =	sshll.u32 s28, $0x1;
	[dreg:$0x2] =	wrdreg s4  }
0xb8: {  	[dreg:$0x3] =	wrdreg s6  }
0xb9: {  	[dreg:$0x4] =	wrdreg $0xC0  }
0xba: {  	_ =	task [dreg:s22], $0x5FFFF  }
0xbb: {  	[dreg:$0x1] =	wrdreg $0xFFFFFFFF  }
0xbc: {  	[dreg:$0x0] =	wrdreg $0x60  }
0xbd: {  	[dreg:$0x2] =	wrdreg s18  }
0xbe: {  	[dreg:$0x3] =	wrdreg s24  }
0xbf: {  	[dreg:$0x4] =	wrdreg $0xA  }
0xc0: {  	_ =	task.clear_ibuf [dreg:s22], $0x5FFFF;
	_ =	strace $0x9000004F  }
0xc1: {  	s29 =	simm.s32 $0xA;
	_ =	strace $0x80000051  }
0xc2: {  	_ =	swait.ge [sflag:s29], $0x1  }
0xc3: {  	[sflag:s29] =	ssyncadd.s32 $0xFFFFFFFF  }
0xc4: {  	_ =	strace $0x90000051  }
0xc5: {  	_ =	sfence  }
0xc6: {  	s30 =	sld [smem:$0x0];
	_ =	sdelay $0x2  }
0xc7: {  	s31 =	sshll.u32 s1, $0xD;
	s1 =	sshrl.u32 s1, $0x2  }
0xc8: {  	s4 =	sand.u32 $0x4000, s31;
	s1 =	sadd.s32 s1, s30  }
0xc9: {  	s0 =	sor.u32 s4, s0;
	s1 =	sshll.u32 s1, $0x11  }
0xca: {  	s0 =	sor.u32 s1, s0  }
0xcb: {  	s0 =	sadd.s32 $0x8F2B, s0  }
0xcc: {  	[sflag:s0] =	ssyncadd.remote.s32 $0x1  }
0xcd: {  	_ =	sfence.sel $0xFFFF  }
0xce: {  	[dreg:$0x0] =	wrdreg $0xFFFFFFFF;
	(pc) =	sbr.abs _section_cstart, $3  }
0xcf: {  	[dreg:$0x1] =	wrdreg $0xFFFFFFFF  }
0xd0: {  	_ =	task.clear_ibuf [dreg:s22], $0x2FFFF;
	_ =	strace $0x9FFFFFFF  }
0xd1: {  	(tm) =	ssettm $0x7FFFFFFF  }
tec
execute0_lowered:
.L_overlay_start_1:
0x0: {  	(tag) =	ssettag $0x1  }
0x1: {  	s0 =	srdreg.scid;
	s1 =	stileid.u32  }
0x2: {  	s0 =	sand.u32 $0x1, s0;
	s1 =	sshll.u32 s1, $0x1  }
0x3: {  	s1 =	sor.u32 s0, s1  }
0x4: {  	s2 =	rddreg [dreg:$0x0];
	s5 =	smul.u32 $0x60, s1  }
0x5: {  	s4 =	rddreg [dreg:$0x1]  }
0x6: {  	s3 =	simm.s32 $0x0;
	s6 =	smul.u32 $0x18000, s1;
	s5 =	sadd.s32 s5, s4  }
0x7: {  	[smem:$0x7FF] =	sst s3;
	s4 =	sadd.s32 $0x4600, s4;
	s5 =	sadd.s32 $0x1800, s5  }
0x8: {  	_ =	strace $0x80000050;
	s6 =	sadd.s32 s4, s6;
	[dreg:$0x3] =	wrdreg s5  }
0x9: {  	s9 =	sadd.s32 $0x1000, s6;
	[dreg:$0x1b] =	wrdreg s6  }
0xa: {  	s10 =	sadd.s32 $0x2000, s6;
	[dreg:$0x4] =	wrdreg s9  }
0xb: {  	s11 =	sadd.s32 $0x3000, s6;
	[dreg:$0x5] =	wrdreg s10  }
0xc: {  	s1 =	smul.u32 $0xC0000, s1;
	s12 =	sadd.s32 $0x4000, s6;
	[dreg:$0x6] =	wrdreg s11  }
0xd: {  	s13 =	sadd.s32 $0x5000, s6;
	[dreg:$0x7] =	wrdreg s12  }
0xe: {  	s1 =	sshrl.u32 s1, $0x3;
	s14 =	sadd.s32 $0x6000, s6;
	[dreg:$0x8] =	wrdreg s13  }
0xf: {  	s1 =	sadd.s32 s4, s1;
	s15 =	sadd.s32 $0x7000, s6;
	[dreg:$0x9] =	wrdreg s14  }
0x10: {  	s4 =	sadd.s32 $0x8000, s1;
	[dreg:$0xa] =	wrdreg s15  }
0x11: {  	s16 =	sadd.s32 $0x9000, s1;
	[dreg:$0xb] =	wrdreg s4  }
0x12: {  	s17 =	sadd.s32 $0xA000, s1;
	[dreg:$0xc] =	wrdreg s16  }
0x13: {  	s18 =	sadd.s32 $0xB000, s1;
	[dreg:$0xd] =	wrdreg s17  }
0x14: {  	s19 =	sadd.s32 $0xC000, s1;
	[dreg:$0xe] =	wrdreg s18  }
0x15: {  	s20 =	sadd.s32 $0xD000, s1;
	[dreg:$0xf] =	wrdreg s19  }
0x16: {  	s21 =	sadd.s32 $0xE000, s1;
	[dreg:$0x10] =	wrdreg s20  }
0x17: {  	s22 =	sadd.s32 $0xF000, s1;
	[dreg:$0x11] =	wrdreg s21  }
0x18: {  	s7 =	sadd.s32 $0x300, s2;
	s23 =	sadd.s32 $0x10000, s1;
	[dreg:$0x12] =	wrdreg s22  }
0x19: {  	s0 =	ssub.s32 $0x2, s0;
	s24 =	sadd.s32 $0x11000, s1;
	[dreg:$0x13] =	wrdreg s23  }
0x1a: {  	s26 =	sshrl.u32 s0, $0x1;
	s25 =	sadd.s32 $0x12000, s1;
	[dreg:$0x14] =	wrdreg s24  }
0x1b: {  	s0 =	ssub.s32 s0, s26;
	s28 =	sadd.s32 $0x13000, s1;
	[dreg:$0x15] =	wrdreg s25  }
0x1c: {  	s26 =	simm.s32 $0x8300;
	s29 =	sadd.s32 $0x14000, s1;
	[dreg:$0x16] =	wrdreg s28  }
0x1d: {  	s0 =	smax.u32 s0, $0x1;
	s30 =	sadd.s32 $0x15000, s1;
	[dreg:$0x17] =	wrdreg s29  }
0x1e: {  	s5 =	sadd.s32 $0x100, s2;
	s31 =	sadd.s32 $0x16000, s1;
	[dreg:$0x18] =	wrdreg s30  }
0x1f: {  	s6 =	sadd.s32 $0x200, s2;
	s1 =	sadd.s32 $0x17000, s1;
	[dreg:$0x19] =	wrdreg s31  }
0x20: {  	v2 =	vlaneseq.u32;
	[dreg:$0x1a] =	wrdreg s1;
	s23 =	simm.s32 $0x300;
	s18 =	simm.s32 $0x10300  }
0x21: {  	vm0 =	vmmov $0xffff;
	v1 =	vshrl.u32 v2, $0x3;
	s11 =	simm.s32 $0x1;
	s12 =	simm.s32 $0x4;
	s13 =	simm.s32 $0x2  }
0x22: {  	v0 =	vand.u32 $0x7, v2;
	v2 =	vor.u32 $0x8, v2;
	v1 =	vmul.u32 $0x8, v1;
	s14 =	simm.s32 $0x5;
	s15 =	simm.s32 $0x3;
	s16 =	simm.s32 $0x6  }
.LBB2_1:
0x23: {  	[dreg:$0x1c] =	wrdreg s0  }
0x24: {  	s17 =	rddreg [dreg:$0x3];
	s1 =	simm.s32 $0x7  }
0x25: {  	[tilespmem:s3], [sflag:$0x7] =	stream.linear.gather [hbm4b:s17+s3], $0x300, $0x38;
	[tilespmem:$0x18300] =	vst v63  }
0x26: {  	_ =	swait.ge [sflag:s1], $0x300  }
0x27: {  	[sflag:s1] =	ssyncset.done $0x0  }
0x28: {  	[sflag:s1] =	ssyncadd.s32 $0xFFFFFD00  }
0x29: {  	v3 =	vld [tilespmem:$0x0];
	_ =	sdelay $0x4  }
0x2a: {  	v4 =	vshll.u32 v3, $0x3  }
0x2b: {  	v3 =	vand.u32 $0x7, v3;
	v4 =	vand.u32 $0xFFFFFFC0, v4  }
0x2c: {  	v3 =	vor.u32 v3, v4  }
0x2d: {  	v4 =	vperm.xlane v3, v0;
	_ =	sdelay $0x1  }
0x2e: {  	v4 =	vadd.s32 v1, v4;
	_ =	sdelay $0x4  }
0x2f: {  	[tilespmem:s23], [sflag:$0x1] =	stream.indirect_vreg.gather [hbm4b:s2+s3], $0x80, v4, vm0, $0xb8;
	[tilespmem:$0x18300] =	vst v63  }
0x30: {  	s4 =	simm.s32 $0xB00;
	v3 =	vperm.xlane v3, v2  }
0x31: {  	[tilespmem:s4], [sflag:$0x1] =	stream.indirect_vreg.gather [hbm4b:s5+s3], $0x80, v4, vm0, $0xb8;
	[tilespmem:$0x18300] =	vst v63  }
0x32: {  	s8 =	simm.s32 $0x1300;
	v3 =	vadd.s32 v1, v3  }
0x33: {  	[tilespmem:s8], [sflag:$0x1] =	stream.indirect_vreg.gather [hbm4b:s6+s3], $0x80, v4, vm0, $0xb8;
	[tilespmem:$0x18300] =	vst v63  }
0x34: {  	s9 =	simm.s32 $0x1B00  }
0x35: {  	[tilespmem:s9], [sflag:$0x1] =	stream.indirect_vreg.gather [hbm4b:s7+s3], $0x80, v4, vm0, $0xb8;
	[tilespmem:$0x18300] =	vst v63  }
0x36: {  	s10 =	simm.s32 $0x2300  }
0x37: {  	[tilespmem:s10], [sflag:$0x1] =	stream.indirect_vreg.gather [hbm4b:s2+s3], $0x80, v3, vm0, $0xb8;
	[tilespmem:$0x18300] =	vst v63  }
0x38: {  	s17 =	simm.s32 $0x2B00  }
0x39: {  	[tilespmem:s17], [sflag:$0x1] =	stream.indirect_vreg.gather [hbm4b:s5+s3], $0x80, v3, vm0, $0xb8;
	[tilespmem:$0x18300] =	vst v63  }
0x3a: {  	s19 =	simm.s32 $0x3300  }
0x3b: {  	[tilespmem:s19], [sflag:$0x1] =	stream.indirect_vreg.gather [hbm4b:s6+s3], $0x80, v3, vm0, $0xb8;
	[tilespmem:$0x18300] =	vst v63  }
0x3c: {  	s24 =	simm.s32 $0x3B00  }
0x3d: {  	[tilespmem:s24], [sflag:$0x1] =	stream.indirect_vreg.gather [hbm4b:s7+s3], $0x80, v3, vm0, $0xb8;
	[tilespmem:$0x18300] =	vst v63  }
0x3e: {  	v3 =	vld [tilespmem:$0x10];
	_ =	sdelay $0x4  }
0x3f: {  	v17 =	vshll.u32 v3, $0x3  }
0x40: {  	v3 =	vand.u32 $0x7, v3;
	v4 =	vand.u32 $0xFFFFFFC0, v17  }
0x41: {  	v3 =	vor.u32 v3, v4  }
0x42: {  	v4 =	vperm.xlane v3, v0;
	_ =	sdelay $0x1  }
0x43: {  	v4 =	vadd.s32 v1, v4;
	_ =	sdelay $0x3  }
0x44: {  	s25 =	simm.s32 $0x4300  }
0x45: {  	[tilespmem:s25], [sflag:$0x1] =	stream.indirect_vreg.gather [hbm4b:s2+s3], $0x80, v4, vm0, $0xb8;
	[tilespmem:$0x18300] =	vst v63  }
0x46: {  	s28 =	simm.s32 $0x4B00;
	v3 =	vperm.xlane v3, v2  }
0x47: {  	[tilespmem:s28], [sflag:$0x1] =	stream.indirect_vreg.gather [hbm4b:s5+s3], $0x80, v4, vm0, $0xb8;
	[tilespmem:$0x18300] =	vst v63  }
0x48: {  	s29 =	simm.s32 $0x5300;
	v3 =	vadd.s32 v1, v3  }
0x49: {  	[tilespmem:s29], [sflag:$0x1] =	stream.indirect_vreg.gather [hbm4b:s6+s3], $0x80, v4, vm0, $0xb8;
	[tilespmem:$0x18300] =	vst v63  }
0x4a: {  	s30 =	simm.s32 $0x5B00  }
0x4b: {  	[tilespmem:s30], [sflag:$0x1] =	stream.indirect_vreg.gather [hbm4b:s7+s3], $0x80, v4, vm0, $0xb8;
	[tilespmem:$0x18300] =	vst v63  }
0x4c: {  	s1 =	simm.s32 $0x6300  }
0x4d: {  	[tilespmem:s1], [sflag:$0x1] =	stream.indirect_vreg.gather [hbm4b:s2+s3], $0x80, v3, vm0, $0xb8;
	[tilespmem:$0x18300] =	vst v63  }
0x4e: {  	s9 =	simm.s32 $0x6B00  }
0x4f: {  	[tilespmem:s9], [sflag:$0x1] =	stream.indirect_vreg.gather [hbm4b:s5+s3], $0x80, v3, vm0, $0xb8;
	[tilespmem:$0x18300] =	vst v63  }
0x50: {  	s10 =	simm.s32 $0x7300  }
0x51: {  	[tilespmem:s10], [sflag:$0x1] =	stream.indirect_vreg.gather [hbm4b:s6+s3], $0x80, v3, vm0, $0xb8;
	[tilespmem:$0x18300] =	vst v63  }
0x52: {  	s17 =	simm.s32 $0x7B00  }
0x53: {  	[tilespmem:s17], [sflag:$0x1] =	stream.indirect_vreg.gather [hbm4b:s7+s3], $0x80, v3, vm0, $0xb8;
	[tilespmem:$0x18300] =	vst v63  }
0x54: {  	v3 =	vld [tilespmem:$0x20];
	_ =	sdelay $0x4  }
0x55: {  	v18 =	vshll.u32 v3, $0x3  }
0x56: {  	v3 =	vand.u32 $0x7, v3;
	v4 =	vand.u32 $0xFFFFFFC0, v18  }
0x57: {  	v3 =	vor.u32 v3, v4  }
0x58: {  	v4 =	vperm.xlane v3, v0;
	_ =	sdelay $0x1  }
0x59: {  	v4 =	vadd.s32 v1, v4;
	_ =	sdelay $0x4  }
0x5a: {  	[tilespmem:s26], [sflag:$0x2] =	stream.indirect_vreg.gather [hbm4b:s2+s3], $0x80, v4, vm0, $0xb8;
	[tilespmem:$0x18300] =	vst v63  }
0x5b: {  	s19 =	simm.s32 $0x8B00;
	v3 =	vperm.xlane v3, v2  }
0x5c: {  	[tilespmem:s19], [sflag:$0x2] =	stream.indirect_vreg.gather [hbm4b:s5+s3], $0x80, v4, vm0, $0xb8;
	[tilespmem:$0x18300] =	vst v63  }
0x5d: {  	s29 =	simm.s32 $0x9300;
	v3 =	vadd.s32 v1, v3  }
0x5e: {  	[tilespmem:s29], [sflag:$0x2] =	stream.indirect_vreg.gather [hbm4b:s6+s3], $0x80, v4, vm0, $0xb8;
	[tilespmem:$0x18300] =	vst v63  }
0x5f: {  	s30 =	simm.s32 $0x9B00  }
0x60: {  	[tilespmem:s30], [sflag:$0x2] =	stream.indirect_vreg.gather [hbm4b:s7+s3], $0x80, v4, vm0, $0xb8;
	[tilespmem:$0x18300] =	vst v63  }
0x61: {  	s9 =	simm.s32 $0xA300  }
0x62: {  	[tilespmem:s9], [sflag:$0x2] =	stream.indirect_vreg.gather [hbm4b:s2+s3], $0x80, v3, vm0, $0xb8;
	[tilespmem:$0x18300] =	vst v63  }
0x63: {  	s10 =	simm.s32 $0xAB00  }
0x64: {  	[tilespmem:s10], [sflag:$0x2] =	stream.indirect_vreg.gather [hbm4b:s5+s3], $0x80, v3, vm0, $0xb8;
	[tilespmem:$0x18300] =	vst v63  }
0x65: {  	s17 =	simm.s32 $0xB300  }
0x66: {  	[tilespmem:s17], [sflag:$0x2] =	stream.indirect_vreg.gather [hbm4b:s6+s3], $0x80, v3, vm0, $0xb8;
	[tilespmem:$0x18300] =	vst v63  }
0x67: {  	s19 =	simm.s32 $0xBB00  }
0x68: {  	[tilespmem:s19], [sflag:$0x2] =	stream.indirect_vreg.gather [hbm4b:s7+s3], $0x80, v3, vm0, $0xb8;
	[tilespmem:$0x18300] =	vst v63  }
0x69: {  	v3 =	vld [tilespmem:$0x30];
	_ =	sdelay $0x4  }
0x6a: {  	v19 =	vshll.u32 v3, $0x3  }
0x6b: {  	v3 =	vand.u32 $0x7, v3;
	v4 =	vand.u32 $0xFFFFFFC0, v19  }
0x6c: {  	v3 =	vor.u32 v3, v4  }
0x6d: {  	v4 =	vperm.xlane v3, v0;
	_ =	sdelay $0x1  }
0x6e: {  	v4 =	vadd.s32 v1, v4;
	_ =	sdelay $0x3  }
0x6f: {  	s29 =	simm.s32 $0xC300  }
0x70: {  	[tilespmem:s29], [sflag:$0x2] =	stream.indirect_vreg.gather [hbm4b:s2+s3], $0x80, v4, vm0, $0xb8;
	[tilespmem:$0x18300] =	vst v63  }
0x71: {  	s30 =	simm.s32 $0xCB00;
	v3 =	vperm.xlane v3, v2  }
0x72: {  	[tilespmem:s30], [sflag:$0x2] =	stream.indirect_vreg.gather [hbm4b:s5+s3], $0x80, v4, vm0, $0xb8;
	[tilespmem:$0x18300] =	vst v63  }
0x73: {  	s17 =	simm.s32 $0xD300;
	v3 =	vadd.s32 v1, v3  }
0x74: {  	[tilespmem:s17], [sflag:$0x2] =	stream.indirect_vreg.gather [hbm4b:s6+s3], $0x80, v4, vm0, $0xb8;
	[tilespmem:$0x18300] =	vst v63  }
0x75: {  	s29 =	simm.s32 $0xDB00  }
0x76: {  	[tilespmem:s29], [sflag:$0x2] =	stream.indirect_vreg.gather [hbm4b:s7+s3], $0x80, v4, vm0, $0xb8;
	[tilespmem:$0x18300] =	vst v63  }
0x77: {  	s30 =	simm.s32 $0xE300  }
0x78: {  	[tilespmem:s30], [sflag:$0x2] =	stream.indirect_vreg.gather [hbm4b:s2+s3], $0x80, v3, vm0, $0xb8;
	[tilespmem:$0x18300] =	vst v63  }
0x79: {  	s17 =	simm.s32 $0xEB00  }
0x7a: {  	[tilespmem:s17], [sflag:$0x2] =	stream.indirect_vreg.gather [hbm4b:s5+s3], $0x80, v3, vm0, $0xb8;
	[tilespmem:$0x18300] =	vst v63  }
0x7b: {  	s29 =	simm.s32 $0xF300  }
0x7c: {  	[tilespmem:s29], [sflag:$0x2] =	stream.indirect_vreg.gather [hbm4b:s6+s3], $0x80, v3, vm0, $0xb8;
	[tilespmem:$0x18300] =	vst v63  }
0x7d: {  	s30 =	simm.s32 $0xFB00  }
0x7e: {  	[tilespmem:s30], [sflag:$0x2] =	stream.indirect_vreg.gather [hbm4b:s7+s3], $0x80, v3, vm0, $0xb8;
	[tilespmem:$0x18300] =	vst v63  }
0x7f: {  	v3 =	vld [tilespmem:$0x40];
	_ =	sdelay $0x4  }
0x80: {  	v20 =	vshll.u32 v3, $0x3  }
0x81: {  	v3 =	vand.u32 $0x7, v3;
	v4 =	vand.u32 $0xFFFFFFC0, v20  }
0x82: {  	v3 =	vor.u32 v3, v4  }
0x83: {  	v4 =	vperm.xlane v3, v0;
	_ =	sdelay $0x1  }
0x84: {  	v4 =	vadd.s32 v1, v4;
	_ =	sdelay $0x4  }
0x85: {  	[tilespmem:s18], [sflag:$0x3] =	stream.indirect_vreg.gather [hbm4b:s2+s3], $0x80, v4, vm0, $0xb8;
	[tilespmem:$0x18300] =	vst v63  }
0x86: {  	s0 =	simm.s32 $0x10B00;
	v3 =	vperm.xlane v3, v2  }
0x87: {  	[tilespmem:s0], [sflag:$0x3] =	stream.indirect_vreg.gather [hbm4b:s5+s3], $0x80, v4, vm0, $0xb8;
	[tilespmem:$0x18300] =	vst v63  }
0x88: {  	s29 =	simm.s32 $0x11300;
	v3 =	vadd.s32 v1, v3  }
0x89: {  	[tilespmem:s29], [sflag:$0x3] =	stream.indirect_vreg.gather [hbm4b:s6+s3], $0x80, v4, vm0, $0xb8;
	[tilespmem:$0x18300] =	vst v63  }
0x8a: {  	s30 =	simm.s32 $0x11B00  }
0x8b: {  	[tilespmem:s30], [sflag:$0x3] =	stream.indirect_vreg.gather [hbm4b:s7+s3], $0x80, v4, vm0, $0xb8;
	[tilespmem:$0x18300] =	vst v63  }
0x8c: {  	s0 =	simm.s32 $0x12300  }
0x8d: {  	[tilespmem:s0], [sflag:$0x3] =	stream.indirect_vreg.gather [hbm4b:s2+s3], $0x80, v3, vm0, $0xb8;
	[tilespmem:$0x18300] =	vst v63  }
0x8e: {  	s29 =	simm.s32 $0x12B00  }
0x8f: {  	[tilespmem:s29], [sflag:$0x3] =	stream.indirect_vreg.gather [hbm4b:s5+s3], $0x80, v3, vm0, $0xb8;
	[tilespmem:$0x18300] =	vst v63  }
0x90: {  	s30 =	simm.s32 $0x13300  }
0x91: {  	[tilespmem:s30], [sflag:$0x3] =	stream.indirect_vreg.gather [hbm4b:s6+s3], $0x80, v3, vm0, $0xb8;
	[tilespmem:$0x18300] =	vst v63  }
0x92: {  	s0 =	simm.s32 $0x13B00  }
0x93: {  	[tilespmem:s0], [sflag:$0x3] =	stream.indirect_vreg.gather [hbm4b:s7+s3], $0x80, v3, vm0, $0xb8;
	[tilespmem:$0x18300] =	vst v63  }
0x94: {  	v3 =	vld [tilespmem:$0x50];
	_ =	sdelay $0x4  }
0x95: {  	v21 =	vshll.u32 v3, $0x3  }
0x96: {  	v3 =	vand.u32 $0x7, v3;
	v4 =	vand.u32 $0xFFFFFFC0, v21  }
0x97: {  	v3 =	vor.u32 v3, v4  }
0x98: {  	v4 =	vperm.xlane v3, v0;
	_ =	sdelay $0x1  }
0x99: {  	v4 =	vadd.s32 v1, v4;
	_ =	sdelay $0x3  }
0x9a: {  	s29 =	simm.s32 $0x14300  }
0x9b: {  	[tilespmem:s29], [sflag:$0x3] =	stream.indirect_vreg.gather [hbm4b:s2+s3], $0x80, v4, vm0, $0xb8;
	[tilespmem:$0x18300] =	vst v63  }
0x9c: {  	s30 =	simm.s32 $0x14B00;
	v3 =	vperm.xlane v3, v2  }
0x9d: {  	[tilespmem:s30], [sflag:$0x3] =	stream.indirect_vreg.gather [hbm4b:s5+s3], $0x80, v4, vm0, $0xb8;
	[tilespmem:$0x18300] =	vst v63  }
0x9e: {  	s0 =	simm.s32 $0x15300;
	v3 =	vadd.s32 v1, v3  }
0x9f: {  	[tilespmem:s0], [sflag:$0x3] =	stream.indirect_vreg.gather [hbm4b:s6+s3], $0x80, v4, vm0, $0xb8;
	[tilespmem:$0x18300] =	vst v63  }
0xa0: {  	s29 =	simm.s32 $0x15B00  }
0xa1: {  	[tilespmem:s29], [sflag:$0x3] =	stream.indirect_vreg.gather [hbm4b:s7+s3], $0x80, v4, vm0, $0xb8;
	[tilespmem:$0x18300] =	vst v63  }
0xa2: {  	s30 =	simm.s32 $0x16300  }
0xa3: {  	[tilespmem:s30], [sflag:$0x3] =	stream.indirect_vreg.gather [hbm4b:s2+s3], $0x80, v3, vm0, $0xb8;
	[tilespmem:$0x18300] =	vst v63  }
0xa4: {  	s0 =	simm.s32 $0x16B00  }
0xa5: {  	[tilespmem:s0], [sflag:$0x3] =	stream.indirect_vreg.gather [hbm4b:s5+s3], $0x80, v3, vm0, $0xb8;
	[tilespmem:$0x18300] =	vst v63  }
0xa6: {  	s29 =	simm.s32 $0x17300  }
0xa7: {  	[tilespmem:s29], [sflag:$0x3] =	stream.indirect_vreg.gather [hbm4b:s6+s3], $0x80, v3, vm0, $0xb8;
	[tilespmem:$0x18300] =	vst v63  }
0xa8: {  	s30 =	simm.s32 $0x17B00  }
0xa9: {  	[tilespmem:s30], [sflag:$0x3] =	stream.indirect_vreg.gather [hbm4b:s7+s3], $0x80, v3, vm0, $0xb8;
	[tilespmem:$0x18300] =	vst v63  }
0xaa: {  	_ =	swait.ge [sflag:s11], $0x8000  }
0xab: {  	[sflag:s11] =	ssyncset.done $0x0  }
0xac: {  	s0 =	rddreg [dreg:$0x1b];
	[sflag:s11] =	ssyncadd.s32 $0xFFFF8000  }
0xad: {  	[hbm4b:s0+s3] =	stream.linear.scatter [tilespmem:s23], [sflag:$0x4], $0x8000, $0x38;
	[tilespmem:$0x18300] =	vst v63  }
0xae: {  	_ =	swait.ge [sflag:s12], $0x8000  }
0xaf: {  	[sflag:s12] =	ssyncset.done $0x0  }
0xb0: {  	[sflag:s12] =	ssyncadd.s32 $0xFFFF8000  }
0xb1: {  	v3 =	vld [tilespmem:$0x60];
	_ =	sdelay $0x4  }
0xb2: {  	v22 =	vshll.u32 v3, $0x3  }
0xb3: {  	v3 =	vand.u32 $0x7, v3;
	v4 =	vand.u32 $0xFFFFFFC0, v22  }
0xb4: {  	v3 =	vor.u32 v3, v4  }
0xb5: {  	v4 =	vperm.xlane v3, v0;
	_ =	sdelay $0x1  }
0xb6: {  	v4 =	vadd.s32 v1, v4;
	_ =	sdelay $0x4  }
0xb7: {  	[tilespmem:s23], [sflag:$0x1] =	stream.indirect_vreg.gather [hbm4b:s2+s3], $0x80, v4, vm0, $0xb8;
	[tilespmem:$0x18300] =	vst v63  }
0xb8: {  	s22 =	simm.s32 $0xB00;
	v3 =	vperm.xlane v3, v2  }
0xb9: {  	[tilespmem:s22], [sflag:$0x1] =	stream.indirect_vreg.gather [hbm4b:s5+s3], $0x80, v4, vm0, $0xb8;
	[tilespmem:$0x18300] =	vst v63  }
0xba: {  	s4 =	simm.s32 $0x1300;
	v3 =	vadd.s32 v1, v3  }
0xbb: {  	[tilespmem:s4], [sflag:$0x1] =	stream.indirect_vreg.gather [hbm4b:s6+s3], $0x80, v4, vm0, $0xb8;
	[tilespmem:$0x18300] =	vst v63  }
0xbc: {  	s8 =	simm.s32 $0x1B00  }
0xbd: {  	[tilespmem:s8], [sflag:$0x1] =	stream.indirect_vreg.gather [hbm4b:s7+s3], $0x80, v4, vm0, $0xb8;
	[tilespmem:$0x18300] =	vst v63  }
0xbe: {  	s20 =	simm.s32 $0x2300  }
0xbf: {  	[tilespmem:s20], [sflag:$0x1] =	stream.indirect_vreg.gather [hbm4b:s2+s3], $0x80, v3, vm0, $0xb8;
	[tilespmem:$0x18300] =	vst v63  }
0xc0: {  	s21 =	simm.s32 $0x2B00  }
0xc1: {  	[tilespmem:s21], [sflag:$0x1] =	stream.indirect_vreg.gather [hbm4b:s5+s3], $0x80, v3, vm0, $0xb8;
	[tilespmem:$0x18300] =	vst v63  }
0xc2: {  	s31 =	simm.s32 $0x3300  }
0xc3: {  	[tilespmem:s31], [sflag:$0x1] =	stream.indirect_vreg.gather [hbm4b:s6+s3], $0x80, v3, vm0, $0xb8;
	[tilespmem:$0x18300] =	vst v63  }
0xc4: {  	s24 =	simm.s32 $0x3B00  }
0xc5: {  	[tilespmem:s24], [sflag:$0x1] =	stream.indirect_vreg.gather [hbm4b:s7+s3], $0x80, v3, vm0, $0xb8;
	[tilespmem:$0x18300] =	vst v63  }
0xc6: {  	v3 =	vld [tilespmem:$0x70];
	_ =	sdelay $0x4  }
0xc7: {  	v23 =	vshll.u32 v3, $0x3  }
0xc8: {  	v3 =	vand.u32 $0x7, v3;
	v4 =	vand.u32 $0xFFFFFFC0, v23  }
0xc9: {  	v3 =	vor.u32 v3, v4  }
0xca: {  	v4 =	vperm.xlane v3, v0;
	_ =	sdelay $0x1  }
0xcb: {  	v4 =	vadd.s32 v1, v4;
	_ =	sdelay $0x3  }
0xcc: {  	s25 =	simm.s32 $0x4300  }
0xcd: {  	[tilespmem:s25], [sflag:$0x1] =	stream.indirect_vreg.gather [hbm4b:s2+s3], $0x80, v4, vm0, $0xb8;
	[tilespmem:$0x18300] =	vst v63  }
0xce: {  	s28 =	simm.s32 $0x4B00;
	v3 =	vperm.xlane v3, v2  }
0xcf: {  	[tilespmem:s28], [sflag:$0x1] =	stream.indirect_vreg.gather [hbm4b:s5+s3], $0x80, v4, vm0, $0xb8;
	[tilespmem:$0x18300] =	vst v63  }
0xd0: {  	s22 =	simm.s32 $0x5300;
	v3 =	vadd.s32 v1, v3  }
0xd1: {  	[tilespmem:s22], [sflag:$0x1] =	stream.indirect_vreg.gather [hbm4b:s6+s3], $0x80, v4, vm0, $0xb8;
	[tilespmem:$0x18300] =	vst v63  }
0xd2: {  	s24 =	simm.s32 $0x5B00  }
0xd3: {  	[tilespmem:s24], [sflag:$0x1] =	stream.indirect_vreg.gather [hbm4b:s7+s3], $0x80, v4, vm0, $0xb8;
	[tilespmem:$0x18300] =	vst v63  }
0xd4: {  	s25 =	simm.s32 $0x6300  }
0xd5: {  	[tilespmem:s25], [sflag:$0x1] =	stream.indirect_vreg.gather [hbm4b:s2+s3], $0x80, v3, vm0, $0xb8;
	[tilespmem:$0x18300] =	vst v63  }
0xd6: {  	s28 =	simm.s32 $0x6B00  }
0xd7: {  	[tilespmem:s28], [sflag:$0x1] =	stream.indirect_vreg.gather [hbm4b:s5+s3], $0x80, v3, vm0, $0xb8;
	[tilespmem:$0x18300] =	vst v63  }
0xd8: {  	s29 =	simm.s32 $0x7300  }
0xd9: {  	[tilespmem:s29], [sflag:$0x1] =	stream.indirect_vreg.gather [hbm4b:s6+s3], $0x80, v3, vm0, $0xb8;
	[tilespmem:$0x18300] =	vst v63  }
0xda: {  	s30 =	simm.s32 $0x7B00  }
0xdb: {  	[tilespmem:s30], [sflag:$0x1] =	stream.indirect_vreg.gather [hbm4b:s7+s3], $0x80, v3, vm0, $0xb8;
	[tilespmem:$0x18300] =	vst v63  }
0xdc: {  	_ =	swait.ge [sflag:s13], $0x8000  }
0xdd: {  	[sflag:s13] =	ssyncset.done $0x0  }
0xde: {  	s21 =	rddreg [dreg:$0x4];
	[sflag:s13] =	ssyncadd.s32 $0xFFFF8000  }
0xdf: {  	[hbm4b:s21+s3] =	stream.linear.scatter [tilespmem:s26], [sflag:$0x5], $0x8000, $0x38;
	[tilespmem:$0x18300] =	vst v63  }
0xe0: {  	_ =	swait.ge [sflag:s14], $0x8000  }
0xe1: {  	[sflag:s14] =	ssyncset.done $0x0  }
0xe2: {  	[sflag:s14] =	ssyncadd.s32 $0xFFFF8000  }
0xe3: {  	v3 =	vld [tilespmem:$0x80];
	_ =	sdelay $0x4  }
0xe4: {  	v24 =	vshll.u32 v3, $0x3  }
0xe5: {  	v3 =	vand.u32 $0x7, v3;
	v4 =	vand.u32 $0xFFFFFFC0, v24  }
0xe6: {  	v3 =	vor.u32 v3, v4  }
0xe7: {  	v4 =	vperm.xlane v3, v0;
	_ =	sdelay $0x1  }
0xe8: {  	v4 =	vadd.s32 v1, v4;
	_ =	sdelay $0x4  }
0xe9: {  	[tilespmem:s26], [sflag:$0x2] =	stream.indirect_vreg.gather [hbm4b:s2+s3], $0x80, v4, vm0, $0xb8;
	[tilespmem:$0x18300] =	vst v63  }
0xea: {  	s1 =	simm.s32 $0x8B00;
	v3 =	vperm.xlane v3, v2  }
0xeb: {  	[tilespmem:s1], [sflag:$0x2] =	stream.indirect_vreg.gather [hbm4b:s5+s3], $0x80, v4, vm0, $0xb8;
	[tilespmem:$0x18300] =	vst v63  }
0xec: {  	s31 =	simm.s32 $0x9300;
	v3 =	vadd.s32 v1, v3  }
0xed: {  	[tilespmem:s31], [sflag:$0x2] =	stream.indirect_vreg.gather [hbm4b:s6+s3], $0x80, v4, vm0, $0xb8;
	[tilespmem:$0x18300] =	vst v63  }
0xee: {  	s0 =	simm.s32 $0x9B00  }
0xef: {  	[tilespmem:s0], [sflag:$0x2] =	stream.indirect_vreg.gather [hbm4b:s7+s3], $0x80, v4, vm0, $0xb8;
	[tilespmem:$0x18300] =	vst v63  }
0xf0: {  	s1 =	simm.s32 $0xA300  }
0xf1: {  	[tilespmem:s1], [sflag:$0x2] =	stream.indirect_vreg.gather [hbm4b:s2+s3], $0x80, v3, vm0, $0xb8;
	[tilespmem:$0x18300] =	vst v63  }
0xf2: {  	s4 =	simm.s32 $0xAB00  }
0xf3: {  	[tilespmem:s4], [sflag:$0x2] =	stream.indirect_vreg.gather [hbm4b:s5+s3], $0x80, v3, vm0, $0xb8;
	[tilespmem:$0x18300] =	vst v63  }
0xf4: {  	s8 =	simm.s32 $0xB300  }
0xf5: {  	[tilespmem:s8], [sflag:$0x2] =	stream.indirect_vreg.gather [hbm4b:s6+s3], $0x80, v3, vm0, $0xb8;
	[tilespmem:$0x18300] =	vst v63  }
0xf6: {  	s9 =	simm.s32 $0xBB00  }
0xf7: {  	[tilespmem:s9], [sflag:$0x2] =	stream.indirect_vreg.gather [hbm4b:s7+s3], $0x80, v3, vm0, $0xb8;
	[tilespmem:$0x18300] =	vst v63  }
0xf8: {  	v3 =	vld [tilespmem:$0x90];
	_ =	sdelay $0x4  }
0xf9: {  	v25 =	vshll.u32 v3, $0x3  }
0xfa: {  	v3 =	vand.u32 $0x7, v3;
	v4 =	vand.u32 $0xFFFFFFC0, v25  }
0xfb: {  	v3 =	vor.u32 v3, v4  }
0xfc: {  	v4 =	vperm.xlane v3, v0;
	_ =	sdelay $0x1  }
0xfd: {  	v4 =	vadd.s32 v1, v4;
	_ =	sdelay $0x3  }
0xfe: {  	s10 =	simm.s32 $0xC300  }
0xff: {  	[tilespmem:s10], [sflag:$0x2] =	stream.indirect_vreg.gather [hbm4b:s2+s3], $0x80, v4, vm0, $0xb8;
	[tilespmem:$0x18300] =	vst v63  }
0x100: {  	s19 =	simm.s32 $0xCB00;
	v3 =	vperm.xlane v3, v2  }
0x101: {  	[tilespmem:s19], [sflag:$0x2] =	stream.indirect_vreg.gather [hbm4b:s5+s3], $0x80, v4, vm0, $0xb8;
	[tilespmem:$0x18300] =	vst v63  }
0x102: {  	s9 =	simm.s32 $0xD300;
	v3 =	vadd.s32 v1, v3  }
0x103: {  	[tilespmem:s9], [sflag:$0x2] =	stream.indirect_vreg.gather [hbm4b:s6+s3], $0x80, v4, vm0, $0xb8;
	[tilespmem:$0x18300] =	vst v63  }
0x104: {  	s10 =	simm.s32 $0xDB00  }
0x105: {  	[tilespmem:s10], [sflag:$0x2] =	stream.indirect_vreg.gather [hbm4b:s7+s3], $0x80, v4, vm0, $0xb8;
	[tilespmem:$0x18300] =	vst v63  }
0x106: {  	s19 =	simm.s32 $0xE300  }
0x107: {  	[tilespmem:s19], [sflag:$0x2] =	stream.indirect_vreg.gather [hbm4b:s2+s3], $0x80, v3, vm0, $0xb8;
	[tilespmem:$0x18300] =	vst v63  }
0x108: {  	s20 =	simm.s32 $0xEB00  }
0x109: {  	[tilespmem:s20], [sflag:$0x2] =	stream.indirect_vreg.gather [hbm4b:s5+s3], $0x80, v3, vm0, $0xb8;
	[tilespmem:$0x18300] =	vst v63  }
0x10a: {  	s21 =	simm.s32 $0xF300  }
0x10b: {  	[tilespmem:s21], [sflag:$0x2] =	stream.indirect_vreg.gather [hbm4b:s6+s3], $0x80, v3, vm0, $0xb8;
	[tilespmem:$0x18300] =	vst v63  }
0x10c: {  	s17 =	simm.s32 $0xFB00  }
0x10d: {  	[tilespmem:s17], [sflag:$0x2] =	stream.indirect_vreg.gather [hbm4b:s7+s3], $0x80, v3, vm0, $0xb8;
	[tilespmem:$0x18300] =	vst v63  }
0x10e: {  	_ =	swait.ge [sflag:s15], $0x8000  }
0x10f: {  	[sflag:s15] =	ssyncset.done $0x0  }
0x110: {  	s17 =	rddreg [dreg:$0x5];
	[sflag:s15] =	ssyncadd.s32 $0xFFFF8000  }
0x111: {  	[hbm4b:s17+s3] =	stream.linear.scatter [tilespmem:s18], [sflag:$0x6], $0x8000, $0x38;
	[tilespmem:$0x18300] =	vst v63  }
0x112: {  	_ =	swait.ge [sflag:s16], $0x8000  }
0x113: {  	[sflag:s16] =	ssyncset.done $0x0  }
0x114: {  	[sflag:s16] =	ssyncadd.s32 $0xFFFF8000  }
0x115: {  	v3 =	vld [tilespmem:$0xA0];
	_ =	sdelay $0x4  }
0x116: {  	v26 =	vshll.u32 v3, $0x3  }
0x117: {  	v3 =	vand.u32 $0x7, v3;
	v4 =	vand.u32 $0xFFFFFFC0, v26  }
0x118: {  	v3 =	vor.u32 v3, v4  }
0x119: {  	v4 =	vperm.xlane v3, v0;
	_ =	sdelay $0x1  }
0x11a: {  	v4 =	vadd.s32 v1, v4;
	_ =	sdelay $0x4  }
0x11b: {  	[tilespmem:s18], [sflag:$0x3] =	stream.indirect_vreg.gather [hbm4b:s2+s3], $0x80, v4, vm0, $0xb8;
	[tilespmem:$0x18300] =	vst v63  }
0x11c: {  	s17 =	simm.s32 $0x10B00;
	v3 =	vperm.xlane v3, v2  }
0x11d: {  	[tilespmem:s17], [sflag:$0x3] =	stream.indirect_vreg.gather [hbm4b:s5+s3], $0x80, v4, vm0, $0xb8;
	[tilespmem:$0x18300] =	vst v63  }
0x11e: {  	v3 =	vadd.s32 v1, v3;
	s17 =	simm.s32 $0x11300  }
0x11f: {  	[tilespmem:s17], [sflag:$0x3] =	stream.indirect_vreg.gather [hbm4b:s6+s3], $0x80, v4, vm0, $0xb8;
	[tilespmem:$0x18300] =	vst v63  }
0x120: {  	s17 =	simm.s32 $0x11B00  }
0x121: {  	[tilespmem:s17], [sflag:$0x3] =	stream.indirect_vreg.gather [hbm4b:s7+s3], $0x80, v4, vm0, $0xb8;
	[tilespmem:$0x18300] =	vst v63  }
0x122: {  	s17 =	simm.s32 $0x12300  }
0x123: {  	[tilespmem:s17], [sflag:$0x3] =	stream.indirect_vreg.gather [hbm4b:s2+s3], $0x80, v3, vm0, $0xb8;
	[tilespmem:$0x18300] =	vst v63  }
0x124: {  	s17 =	simm.s32 $0x12B00  }
0x125: {  	[tilespmem:s17], [sflag:$0x3] =	stream.indirect_vreg.gather [hbm4b:s5+s3], $0x80, v3, vm0, $0xb8;
	[tilespmem:$0x18300] =	vst v63  }
0x126: {  	s17 =	simm.s32 $0x13300  }
0x127: {  	[tilespmem:s17], [sflag:$0x3] =	stream.indirect_vreg.gather [hbm4b:s6+s3], $0x80, v3, vm0, $0xb8;
	[tilespmem:$0x18300] =	vst v63  }
0x128: {  	s17 =	simm.s32 $0x13B00  }
0x129: {  	[tilespmem:s17], [sflag:$0x3] =	stream.indirect_vreg.gather [hbm4b:s7+s3], $0x80, v3, vm0, $0xb8;
	[tilespmem:$0x18300] =	vst v63  }
0x12a: {  	v3 =	vld [tilespmem:$0xB0];
	_ =	sdelay $0x4  }
0x12b: {  	v27 =	vshll.u32 v3, $0x3  }
0x12c: {  	v3 =	vand.u32 $0x7, v3;
	v4 =	vand.u32 $0xFFFFFFC0, v27  }
0x12d: {  	v3 =	vor.u32 v3, v4  }
0x12e: {  	v4 =	vperm.xlane v3, v0;
	_ =	sdelay $0x1  }
0x12f: {  	v4 =	vadd.s32 v1, v4;
	_ =	sdelay $0x3  }
0x130: {  	s17 =	simm.s32 $0x14300  }
0x131: {  	[tilespmem:s17], [sflag:$0x3] =	stream.indirect_vreg.gather [hbm4b:s2+s3], $0x80, v4, vm0, $0xb8;
	[tilespmem:$0x18300] =	vst v63  }
0x132: {  	v3 =	vperm.xlane v3, v2;
	s17 =	simm.s32 $0x14B00  }
0x133: {  	[tilespmem:s17], [sflag:$0x3] =	stream.indirect_vreg.gather [hbm4b:s5+s3], $0x80, v4, vm0, $0xb8;
	[tilespmem:$0x18300] =	vst v63  }
0x134: {  	v3 =	vadd.s32 v1, v3;
	s17 =	simm.s32 $0x15300  }
0x135: {  	[tilespmem:s17], [sflag:$0x3] =	stream.indirect_vreg.gather [hbm4b:s6+s3], $0x80, v4, vm0, $0xb8;
	[tilespmem:$0x18300] =	vst v63  }
0x136: {  	s17 =	simm.s32 $0x15B00  }
0x137: {  	[tilespmem:s17], [sflag:$0x3] =	stream.indirect_vreg.gather [hbm4b:s7+s3], $0x80, v4, vm0, $0xb8;
	[tilespmem:$0x18300] =	vst v63  }
0x138: {  	s17 =	simm.s32 $0x16300  }
0x139: {  	[tilespmem:s17], [sflag:$0x3] =	stream.indirect_vreg.gather [hbm4b:s2+s3], $0x80, v3, vm0, $0xb8;
	[tilespmem:$0x18300] =	vst v63  }
0x13a: {  	s17 =	simm.s32 $0x16B00  }
0x13b: {  	[tilespmem:s17], [sflag:$0x3] =	stream.indirect_vreg.gather [hbm4b:s5+s3], $0x80, v3, vm0, $0xb8;
	[tilespmem:$0x18300] =	vst v63  }
0x13c: {  	s17 =	simm.s32 $0x17300  }
0x13d: {  	[tilespmem:s17], [sflag:$0x3] =	stream.indirect_vreg.gather [hbm4b:s6+s3], $0x80, v3, vm0, $0xb8;
	[tilespmem:$0x18300] =	vst v63  }
0x13e: {  	s17 =	simm.s32 $0x17B00  }
0x13f: {  	[tilespmem:s17], [sflag:$0x3] =	stream.indirect_vreg.gather [hbm4b:s7+s3], $0x80, v3, vm0, $0xb8;
	[tilespmem:$0x18300] =	vst v63  }
0x140: {  	_ =	swait.ge [sflag:s11], $0x8000  }
0x141: {  	[sflag:s11] =	ssyncset.done $0x0  }
0x142: {  	s17 =	rddreg [dreg:$0x6];
	[sflag:s11] =	ssyncadd.s32 $0xFFFF8000  }
0x143: {  	[hbm4b:s17+s3] =	stream.linear.scatter [tilespmem:s23], [sflag:$0x4], $0x8000, $0x38;
	[tilespmem:$0x18300] =	vst v63  }
0x144: {  	_ =	swait.ge [sflag:s12], $0x8000  }
0x145: {  	[sflag:s12] =	ssyncset.done $0x0  }
0x146: {  	[sflag:s12] =	ssyncadd.s32 $0xFFFF8000  }
0x147: {  	v3 =	vld [tilespmem:$0xC0];
	_ =	sdelay $0x4  }
0x148: {  	v28 =	vshll.u32 v3, $0x3  }
0x149: {  	v3 =	vand.u32 $0x7, v3;
	v4 =	vand.u32 $0xFFFFFFC0, v28  }
0x14a: {  	v3 =	vor.u32 v3, v4  }
0x14b: {  	v4 =	vperm.xlane v3, v0;
	_ =	sdelay $0x1  }
0x14c: {  	v4 =	vadd.s32 v1, v4;
	_ =	sdelay $0x4  }
0x14d: {  	[tilespmem:s23], [sflag:$0x1] =	stream.indirect_vreg.gather [hbm4b:s2+s3], $0x80, v4, vm0, $0xb8;
	[tilespmem:$0x18300] =	vst v63  }
0x14e: {  	s17 =	simm.s32 $0xB00;
	v3 =	vperm.xlane v3, v2  }
0x14f: {  	[tilespmem:s17], [sflag:$0x1] =	stream.indirect_vreg.gather [hbm4b:s5+s3], $0x80, v4, vm0, $0xb8;
	[tilespmem:$0x18300] =	vst v63  }
0x150: {  	v3 =	vadd.s32 v1, v3;
	s17 =	simm.s32 $0x1300  }
0x151: {  	[tilespmem:s17], [sflag:$0x1] =	stream.indirect_vreg.gather [hbm4b:s6+s3], $0x80, v4, vm0, $0xb8;
	[tilespmem:$0x18300] =	vst v63  }
0x152: {  	s17 =	simm.s32 $0x1B00  }
0x153: {  	[tilespmem:s17], [sflag:$0x1] =	stream.indirect_vreg.gather [hbm4b:s7+s3], $0x80, v4, vm0, $0xb8;
	[tilespmem:$0x18300] =	vst v63  }
0x154: {  	s17 =	simm.s32 $0x2300  }
0x155: {  	[tilespmem:s17], [sflag:$0x1] =	stream.indirect_vreg.gather [hbm4b:s2+s3], $0x80, v3, vm0, $0xb8;
	[tilespmem:$0x18300] =	vst v63  }
0x156: {  	s17 =	simm.s32 $0x2B00  }
0x157: {  	[tilespmem:s17], [sflag:$0x1] =	stream.indirect_vreg.gather [hbm4b:s5+s3], $0x80, v3, vm0, $0xb8;
	[tilespmem:$0x18300] =	vst v63  }
0x158: {  	s17 =	simm.s32 $0x3300  }
0x159: {  	[tilespmem:s17], [sflag:$0x1] =	stream.indirect_vreg.gather [hbm4b:s6+s3], $0x80, v3, vm0, $0xb8;
	[tilespmem:$0x18300] =	vst v63  }
0x15a: {  	s17 =	simm.s32 $0x3B00  }
0x15b: {  	[tilespmem:s17], [sflag:$0x1] =	stream.indirect_vreg.gather [hbm4b:s7+s3], $0x80, v3, vm0, $0xb8;
	[tilespmem:$0x18300] =	vst v63  }
0x15c: {  	v3 =	vld [tilespmem:$0xD0];
	_ =	sdelay $0x4  }
0x15d: {  	v29 =	vshll.u32 v3, $0x3  }
0x15e: {  	v3 =	vand.u32 $0x7, v3;
	v4 =	vand.u32 $0xFFFFFFC0, v29  }
0x15f: {  	v3 =	vor.u32 v3, v4  }
0x160: {  	v4 =	vperm.xlane v3, v0;
	_ =	sdelay $0x1  }
0x161: {  	v4 =	vadd.s32 v1, v4;
	_ =	sdelay $0x3  }
0x162: {  	s17 =	simm.s32 $0x4300  }
0x163: {  	[tilespmem:s17], [sflag:$0x1] =	stream.indirect_vreg.gather [hbm4b:s2+s3], $0x80, v4, vm0, $0xb8;
	[tilespmem:$0x18300] =	vst v63  }
0x164: {  	v3 =	vperm.xlane v3, v2;
	s17 =	simm.s32 $0x4B00  }
0x165: {  	[tilespmem:s17], [sflag:$0x1] =	stream.indirect_vreg.gather [hbm4b:s5+s3], $0x80, v4, vm0, $0xb8;
	[tilespmem:$0x18300] =	vst v63  }
0x166: {  	v3 =	vadd.s32 v1, v3  }
0x167: {  	[tilespmem:s22], [sflag:$0x1] =	stream.indirect_vreg.gather [hbm4b:s6+s3], $0x80, v4, vm0, $0xb8;
	[tilespmem:$0x18300] =	vst v63  }
0x168: {  	_ = 	snop  }
0x169: {  	[tilespmem:s24], [sflag:$0x1] =	stream.indirect_vreg.gather [hbm4b:s7+s3], $0x80, v4, vm0, $0xb8;
	[tilespmem:$0x18300] =	vst v63  }
0x16a: {  	_ = 	snop  }
0x16b: {  	[tilespmem:s25], [sflag:$0x1] =	stream.indirect_vreg.gather [hbm4b:s2+s3], $0x80, v3, vm0, $0xb8;
	[tilespmem:$0x18300] =	vst v63  }
0x16c: {  	_ = 	snop  }
0x16d: {  	[tilespmem:s28], [sflag:$0x1] =	stream.indirect_vreg.gather [hbm4b:s5+s3], $0x80, v3, vm0, $0xb8;
	[tilespmem:$0x18300] =	vst v63  }
0x16e: {  	_ = 	snop  }
0x16f: {  	[tilespmem:s29], [sflag:$0x1] =	stream.indirect_vreg.gather [hbm4b:s6+s3], $0x80, v3, vm0, $0xb8;
	[tilespmem:$0x18300] =	vst v63  }
0x170: {  	_ = 	snop  }
0x171: {  	[tilespmem:s30], [sflag:$0x1] =	stream.indirect_vreg.gather [hbm4b:s7+s3], $0x80, v3, vm0, $0xb8;
	[tilespmem:$0x18300] =	vst v63  }
0x172: {  	_ =	swait.ge [sflag:s13], $0x8000  }
0x173: {  	[sflag:s13] =	ssyncset.done $0x0  }
0x174: {  	s29 =	rddreg [dreg:$0x7];
	[sflag:s13] =	ssyncadd.s32 $0xFFFF8000  }
0x175: {  	[hbm4b:s29+s3] =	stream.linear.scatter [tilespmem:s26], [sflag:$0x5], $0x8000, $0x38;
	[tilespmem:$0x18300] =	vst v63  }
0x176: {  	_ =	swait.ge [sflag:s14], $0x8000  }
0x177: {  	[sflag:s14] =	ssyncset.done $0x0  }
0x178: {  	[sflag:s14] =	ssyncadd.s32 $0xFFFF8000  }
0x179: {  	v3 =	vld [tilespmem:$0xE0];
	_ =	sdelay $0x4  }
0x17a: {  	v30 =	vshll.u32 v3, $0x3  }
0x17b: {  	v3 =	vand.u32 $0x7, v3;
	v4 =	vand.u32 $0xFFFFFFC0, v30  }
0x17c: {  	v3 =	vor.u32 v3, v4  }
0x17d: {  	v4 =	vperm.xlane v3, v0;
	_ =	sdelay $0x1  }
0x17e: {  	v4 =	vadd.s32 v1, v4;
	_ =	sdelay $0x4  }
0x17f: {  	[tilespmem:s26], [sflag:$0x2] =	stream.indirect_vreg.gather [hbm4b:s2+s3], $0x80, v4, vm0, $0xb8;
	[tilespmem:$0x18300] =	vst v63  }
0x180: {  	s30 =	simm.s32 $0x8B00;
	v3 =	vperm.xlane v3, v2  }
0x181: {  	[tilespmem:s30], [sflag:$0x2] =	stream.indirect_vreg.gather [hbm4b:s5+s3], $0x80, v4, vm0, $0xb8;
	[tilespmem:$0x18300] =	vst v63  }
0x182: {  	v3 =	vadd.s32 v1, v3  }
0x183: {  	[tilespmem:s31], [sflag:$0x2] =	stream.indirect_vreg.gather [hbm4b:s6+s3], $0x80, v4, vm0, $0xb8;
	[tilespmem:$0x18300] =	vst v63  }
0x184: {  	_ = 	snop  }
0x185: {  	[tilespmem:s0], [sflag:$0x2] =	stream.indirect_vreg.gather [hbm4b:s7+s3], $0x80, v4, vm0, $0xb8;
	[tilespmem:$0x18300] =	vst v63  }
0x186: {  	_ = 	snop  }
0x187: {  	[tilespmem:s1], [sflag:$0x2] =	stream.indirect_vreg.gather [hbm4b:s2+s3], $0x80, v3, vm0, $0xb8;
	[tilespmem:$0x18300] =	vst v63  }
0x188: {  	_ = 	snop  }
0x189: {  	[tilespmem:s4], [sflag:$0x2] =	stream.indirect_vreg.gather [hbm4b:s5+s3], $0x80, v3, vm0, $0xb8;
	[tilespmem:$0x18300] =	vst v63  }
0x18a: {  	_ = 	snop  }
0x18b: {  	[tilespmem:s8], [sflag:$0x2] =	stream.indirect_vreg.gather [hbm4b:s6+s3], $0x80, v3, vm0, $0xb8;
	[tilespmem:$0x18300] =	vst v63  }
0x18c: {  	s17 =	simm.s32 $0xBB00  }
0x18d: {  	[tilespmem:s17], [sflag:$0x2] =	stream.indirect_vreg.gather [hbm4b:s7+s3], $0x80, v3, vm0, $0xb8;
	[tilespmem:$0x18300] =	vst v63  }
0x18e: {  	v3 =	vld [tilespmem:$0xF0];
	_ =	sdelay $0x4  }
0x18f: {  	v31 =	vshll.u32 v3, $0x3  }
0x190: {  	v3 =	vand.u32 $0x7, v3;
	v4 =	vand.u32 $0xFFFFFFC0, v31  }
0x191: {  	v3 =	vor.u32 v3, v4  }
0x192: {  	v4 =	vperm.xlane v3, v0;
	_ =	sdelay $0x1  }
0x193: {  	v4 =	vadd.s32 v1, v4;
	_ =	sdelay $0x3  }
0x194: {  	s31 =	simm.s32 $0xC300  }
0x195: {  	[tilespmem:s31], [sflag:$0x2] =	stream.indirect_vreg.gather [hbm4b:s2+s3], $0x80, v4, vm0, $0xb8;
	[tilespmem:$0x18300] =	vst v63  }
0x196: {  	s17 =	simm.s32 $0xCB00;
	v3 =	vperm.xlane v3, v2  }
0x197: {  	[tilespmem:s17], [sflag:$0x2] =	stream.indirect_vreg.gather [hbm4b:s5+s3], $0x80, v4, vm0, $0xb8;
	[tilespmem:$0x18300] =	vst v63  }
0x198: {  	v3 =	vadd.s32 v1, v3  }
0x199: {  	[tilespmem:s9], [sflag:$0x2] =	stream.indirect_vreg.gather [hbm4b:s6+s3], $0x80, v4, vm0, $0xb8;
	[tilespmem:$0x18300] =	vst v63  }
0x19a: {  	_ = 	snop  }
0x19b: {  	[tilespmem:s10], [sflag:$0x2] =	stream.indirect_vreg.gather [hbm4b:s7+s3], $0x80, v4, vm0, $0xb8;
	[tilespmem:$0x18300] =	vst v63  }
0x19c: {  	_ = 	snop  }
0x19d: {  	[tilespmem:s19], [sflag:$0x2] =	stream.indirect_vreg.gather [hbm4b:s2+s3], $0x80, v3, vm0, $0xb8;
	[tilespmem:$0x18300] =	vst v63  }
0x19e: {  	_ = 	snop  }
0x19f: {  	[tilespmem:s20], [sflag:$0x2] =	stream.indirect_vreg.gather [hbm4b:s5+s3], $0x80, v3, vm0, $0xb8;
	[tilespmem:$0x18300] =	vst v63  }
0x1a0: {  	_ = 	snop  }
0x1a1: {  	[tilespmem:s21], [sflag:$0x2] =	stream.indirect_vreg.gather [hbm4b:s6+s3], $0x80, v3, vm0, $0xb8;
	[tilespmem:$0x18300] =	vst v63  }
0x1a2: {  	s31 =	simm.s32 $0xFB00  }
0x1a3: {  	[tilespmem:s31], [sflag:$0x2] =	stream.indirect_vreg.gather [hbm4b:s7+s3], $0x80, v3, vm0, $0xb8;
	[tilespmem:$0x18300] =	vst v63  }
0x1a4: {  	_ =	swait.ge [sflag:s15], $0x8000  }
0x1a5: {  	[sflag:s15] =	ssyncset.done $0x0  }
0x1a6: {  	s21 =	rddreg [dreg:$0x8];
	[sflag:s15] =	ssyncadd.s32 $0xFFFF8000  }
0x1a7: {  	[hbm4b:s21+s3] =	stream.linear.scatter [tilespmem:s18], [sflag:$0x6], $0x8000, $0x38;
	[tilespmem:$0x18300] =	vst v63  }
0x1a8: {  	_ =	swait.ge [sflag:s16], $0x8000  }
0x1a9: {  	[sflag:s16] =	ssyncset.done $0x0  }
0x1aa: {  	[sflag:s16] =	ssyncadd.s32 $0xFFFF8000  }
0x1ab: {  	v3 =	vld [tilespmem:$0x100];
	_ =	sdelay $0x4  }
0x1ac: {  	v32 =	vshll.u32 v3, $0x3  }
0x1ad: {  	v3 =	vand.u32 $0x7, v3;
	v4 =	vand.u32 $0xFFFFFFC0, v32  }
0x1ae: {  	v3 =	vor.u32 v3, v4  }
0x1af: {  	v4 =	vperm.xlane v3, v0;
	_ =	sdelay $0x1  }
0x1b0: {  	v4 =	vadd.s32 v1, v4;
	_ =	sdelay $0x4  }
0x1b1: {  	[tilespmem:s18], [sflag:$0x3] =	stream.indirect_vreg.gather [hbm4b:s2+s3], $0x80, v4, vm0, $0xb8;
	[tilespmem:$0x18300] =	vst v63  }
0x1b2: {  	s31 =	simm.s32 $0x10B00;
	v3 =	vperm.xlane v3, v2  }
0x1b3: {  	[tilespmem:s31], [sflag:$0x3] =	stream.indirect_vreg.gather [hbm4b:s5+s3], $0x80, v4, vm0, $0xb8;
	[tilespmem:$0x18300] =	vst v63  }
0x1b4: {  	s21 =	simm.s32 $0x11300;
	v3 =	vadd.s32 v1, v3  }
0x1b5: {  	[tilespmem:s21], [sflag:$0x3] =	stream.indirect_vreg.gather [hbm4b:s6+s3], $0x80, v4, vm0, $0xb8;
	[tilespmem:$0x18300] =	vst v63  }
0x1b6: {  	s31 =	simm.s32 $0x11B00  }
0x1b7: {  	[tilespmem:s31], [sflag:$0x3] =	stream.indirect_vreg.gather [hbm4b:s7+s3], $0x80, v4, vm0, $0xb8;
	[tilespmem:$0x18300] =	vst v63  }
0x1b8: {  	s17 =	simm.s32 $0x12300  }
0x1b9: {  	[tilespmem:s17], [sflag:$0x3] =	stream.indirect_vreg.gather [hbm4b:s2+s3], $0x80, v3, vm0, $0xb8;
	[tilespmem:$0x18300] =	vst v63  }
0x1ba: {  	s17 =	simm.s32 $0x12B00  }
0x1bb: {  	[tilespmem:s17], [sflag:$0x3] =	stream.indirect_vreg.gather [hbm4b:s5+s3], $0x80, v3, vm0, $0xb8;
	[tilespmem:$0x18300] =	vst v63  }
0x1bc: {  	s17 =	simm.s32 $0x13300  }
0x1bd: {  	[tilespmem:s17], [sflag:$0x3] =	stream.indirect_vreg.gather [hbm4b:s6+s3], $0x80, v3, vm0, $0xb8;
	[tilespmem:$0x18300] =	vst v63  }
0x1be: {  	s17 =	simm.s32 $0x13B00  }
0x1bf: {  	[tilespmem:s17], [sflag:$0x3] =	stream.indirect_vreg.gather [hbm4b:s7+s3], $0x80, v3, vm0, $0xb8;
	[tilespmem:$0x18300] =	vst v63  }
0x1c0: {  	v3 =	vld [tilespmem:$0x110];
	_ =	sdelay $0x4  }
0x1c1: {  	v33 =	vshll.u32 v3, $0x3  }
0x1c2: {  	v3 =	vand.u32 $0x7, v3;
	v4 =	vand.u32 $0xFFFFFFC0, v33  }
0x1c3: {  	v3 =	vor.u32 v3, v4  }
0x1c4: {  	v4 =	vperm.xlane v3, v0;
	_ =	sdelay $0x1  }
0x1c5: {  	v4 =	vadd.s32 v1, v4;
	_ =	sdelay $0x3  }
0x1c6: {  	s17 =	simm.s32 $0x14300  }
0x1c7: {  	[tilespmem:s17], [sflag:$0x3] =	stream.indirect_vreg.gather [hbm4b:s2+s3], $0x80, v4, vm0, $0xb8;
	[tilespmem:$0x18300] =	vst v63  }
0x1c8: {  	v3 =	vperm.xlane v3, v2;
	s17 =	simm.s32 $0x14B00  }
0x1c9: {  	[tilespmem:s17], [sflag:$0x3] =	stream.indirect_vreg.gather [hbm4b:s5+s3], $0x80, v4, vm0, $0xb8;
	[tilespmem:$0x18300] =	vst v63  }
0x1ca: {  	v3 =	vadd.s32 v1, v3;
	s17 =	simm.s32 $0x15300  }
0x1cb: {  	[tilespmem:s17], [sflag:$0x3] =	stream.indirect_vreg.gather [hbm4b:s6+s3], $0x80, v4, vm0, $0xb8;
	[tilespmem:$0x18300] =	vst v63  }
0x1cc: {  	s17 =	simm.s32 $0x15B00  }
0x1cd: {  	[tilespmem:s17], [sflag:$0x3] =	stream.indirect_vreg.gather [hbm4b:s7+s3], $0x80, v4, vm0, $0xb8;
	[tilespmem:$0x18300] =	vst v63  }
0x1ce: {  	s17 =	simm.s32 $0x16300  }
0x1cf: {  	[tilespmem:s17], [sflag:$0x3] =	stream.indirect_vreg.gather [hbm4b:s2+s3], $0x80, v3, vm0, $0xb8;
	[tilespmem:$0x18300] =	vst v63  }
0x1d0: {  	s17 =	simm.s32 $0x16B00  }
0x1d1: {  	[tilespmem:s17], [sflag:$0x3] =	stream.indirect_vreg.gather [hbm4b:s5+s3], $0x80, v3, vm0, $0xb8;
	[tilespmem:$0x18300] =	vst v63  }
0x1d2: {  	s17 =	simm.s32 $0x17300  }
0x1d3: {  	[tilespmem:s17], [sflag:$0x3] =	stream.indirect_vreg.gather [hbm4b:s6+s3], $0x80, v3, vm0, $0xb8;
	[tilespmem:$0x18300] =	vst v63  }
0x1d4: {  	s17 =	simm.s32 $0x17B00  }
0x1d5: {  	[tilespmem:s17], [sflag:$0x3] =	stream.indirect_vreg.gather [hbm4b:s7+s3], $0x80, v3, vm0, $0xb8;
	[tilespmem:$0x18300] =	vst v63  }
0x1d6: {  	_ =	swait.ge [sflag:s11], $0x8000  }
0x1d7: {  	[sflag:s11] =	ssyncset.done $0x0  }
0x1d8: {  	s17 =	rddreg [dreg:$0x9];
	[sflag:s11] =	ssyncadd.s32 $0xFFFF8000  }
0x1d9: {  	[hbm4b:s17+s3] =	stream.linear.scatter [tilespmem:s23], [sflag:$0x4], $0x8000, $0x38;
	[tilespmem:$0x18300] =	vst v63  }
0x1da: {  	_ =	swait.ge [sflag:s12], $0x8000  }
0x1db: {  	[sflag:s12] =	ssyncset.done $0x0  }
0x1dc: {  	[sflag:s12] =	ssyncadd.s32 $0xFFFF8000  }
0x1dd: {  	v3 =	vld [tilespmem:$0x120];
	_ =	sdelay $0x4  }
0x1de: {  	v34 =	vshll.u32 v3, $0x3  }
0x1df: {  	v3 =	vand.u32 $0x7, v3;
	v4 =	vand.u32 $0xFFFFFFC0, v34  }
0x1e0: {  	v3 =	vor.u32 v3, v4  }
0x1e1: {  	v4 =	vperm.xlane v3, v0;
	_ =	sdelay $0x1  }
0x1e2: {  	v4 =	vadd.s32 v1, v4;
	_ =	sdelay $0x4  }
0x1e3: {  	[tilespmem:s23], [sflag:$0x1] =	stream.indirect_vreg.gather [hbm4b:s2+s3], $0x80, v4, vm0, $0xb8;
	[tilespmem:$0x18300] =	vst v63  }
0x1e4: {  	s17 =	simm.s32 $0xB00;
	v3 =	vperm.xlane v3, v2  }
0x1e5: {  	[tilespmem:s17], [sflag:$0x1] =	stream.indirect_vreg.gather [hbm4b:s5+s3], $0x80, v4, vm0, $0xb8;
	[tilespmem:$0x18300] =	vst v63  }
0x1e6: {  	v3 =	vadd.s32 v1, v3;
	s17 =	simm.s32 $0x1300  }
0x1e7: {  	[tilespmem:s17], [sflag:$0x1] =	stream.indirect_vreg.gather [hbm4b:s6+s3], $0x80, v4, vm0, $0xb8;
	[tilespmem:$0x18300] =	vst v63  }
0x1e8: {  	s17 =	simm.s32 $0x1B00  }
0x1e9: {  	[tilespmem:s17], [sflag:$0x1] =	stream.indirect_vreg.gather [hbm4b:s7+s3], $0x80, v4, vm0, $0xb8;
	[tilespmem:$0x18300] =	vst v63  }
0x1ea: {  	s17 =	simm.s32 $0x2300  }
0x1eb: {  	[tilespmem:s17], [sflag:$0x1] =	stream.indirect_vreg.gather [hbm4b:s2+s3], $0x80, v3, vm0, $0xb8;
	[tilespmem:$0x18300] =	vst v63  }
0x1ec: {  	s17 =	simm.s32 $0x2B00  }
0x1ed: {  	[tilespmem:s17], [sflag:$0x1] =	stream.indirect_vreg.gather [hbm4b:s5+s3], $0x80, v3, vm0, $0xb8;
	[tilespmem:$0x18300] =	vst v63  }
0x1ee: {  	s17 =	simm.s32 $0x3300  }
0x1ef: {  	[tilespmem:s17], [sflag:$0x1] =	stream.indirect_vreg.gather [hbm4b:s6+s3], $0x80, v3, vm0, $0xb8;
	[tilespmem:$0x18300] =	vst v63  }
0x1f0: {  	s17 =	simm.s32 $0x3B00  }
0x1f1: {  	[tilespmem:s17], [sflag:$0x1] =	stream.indirect_vreg.gather [hbm4b:s7+s3], $0x80, v3, vm0, $0xb8;
	[tilespmem:$0x18300] =	vst v63  }
0x1f2: {  	v3 =	vld [tilespmem:$0x130];
	_ =	sdelay $0x4  }
0x1f3: {  	v35 =	vshll.u32 v3, $0x3  }
0x1f4: {  	v3 =	vand.u32 $0x7, v3;
	v4 =	vand.u32 $0xFFFFFFC0, v35  }
0x1f5: {  	v3 =	vor.u32 v3, v4  }
0x1f6: {  	v4 =	vperm.xlane v3, v0;
	_ =	sdelay $0x1  }
0x1f7: {  	v4 =	vadd.s32 v1, v4;
	_ =	sdelay $0x3  }
0x1f8: {  	s17 =	simm.s32 $0x4300  }
0x1f9: {  	[tilespmem:s17], [sflag:$0x1] =	stream.indirect_vreg.gather [hbm4b:s2+s3], $0x80, v4, vm0, $0xb8;
	[tilespmem:$0x18300] =	vst v63  }
0x1fa: {  	v3 =	vperm.xlane v3, v2;
	s17 =	simm.s32 $0x4B00  }
0x1fb: {  	[tilespmem:s17], [sflag:$0x1] =	stream.indirect_vreg.gather [hbm4b:s5+s3], $0x80, v4, vm0, $0xb8;
	[tilespmem:$0x18300] =	vst v63  }
0x1fc: {  	s22 =	simm.s32 $0x5300;
	v3 =	vadd.s32 v1, v3  }
0x1fd: {  	[tilespmem:s22], [sflag:$0x1] =	stream.indirect_vreg.gather [hbm4b:s6+s3], $0x80, v4, vm0, $0xb8;
	[tilespmem:$0x18300] =	vst v63  }
0x1fe: {  	s24 =	simm.s32 $0x5B00  }
0x1ff: {  	[tilespmem:s24], [sflag:$0x1] =	stream.indirect_vreg.gather [hbm4b:s7+s3], $0x80, v4, vm0, $0xb8;
	[tilespmem:$0x18300] =	vst v63  }
0x200: {  	s25 =	simm.s32 $0x6300  }
0x201: {  	[tilespmem:s25], [sflag:$0x1] =	stream.indirect_vreg.gather [hbm4b:s2+s3], $0x80, v3, vm0, $0xb8;
	[tilespmem:$0x18300] =	vst v63  }
0x202: {  	s28 =	simm.s32 $0x6B00  }
0x203: {  	[tilespmem:s28], [sflag:$0x1] =	stream.indirect_vreg.gather [hbm4b:s5+s3], $0x80, v3, vm0, $0xb8;
	[tilespmem:$0x18300] =	vst v63  }
0x204: {  	s24 =	simm.s32 $0x7300  }
0x205: {  	[tilespmem:s24], [sflag:$0x1] =	stream.indirect_vreg.gather [hbm4b:s6+s3], $0x80, v3, vm0, $0xb8;
	[tilespmem:$0x18300] =	vst v63  }
0x206: {  	s17 =	simm.s32 $0x7B00  }
0x207: {  	[tilespmem:s17], [sflag:$0x1] =	stream.indirect_vreg.gather [hbm4b:s7+s3], $0x80, v3, vm0, $0xb8;
	[tilespmem:$0x18300] =	vst v63  }
0x208: {  	_ =	swait.ge [sflag:s13], $0x8000  }
0x209: {  	[sflag:s13] =	ssyncset.done $0x0  }
0x20a: {  	s17 =	rddreg [dreg:$0xa];
	[sflag:s13] =	ssyncadd.s32 $0xFFFF8000  }
0x20b: {  	[hbm4b:s17+s3] =	stream.linear.scatter [tilespmem:s26], [sflag:$0x5], $0x8000, $0x38;
	[tilespmem:$0x18300] =	vst v63  }
0x20c: {  	_ =	swait.ge [sflag:s14], $0x8000  }
0x20d: {  	[sflag:s14] =	ssyncset.done $0x0  }
0x20e: {  	[sflag:s14] =	ssyncadd.s32 $0xFFFF8000  }
0x20f: {  	v3 =	vld [tilespmem:$0x140];
	_ =	sdelay $0x4  }
0x210: {  	v36 =	vshll.u32 v3, $0x3  }
0x211: {  	v3 =	vand.u32 $0x7, v3;
	v4 =	vand.u32 $0xFFFFFFC0, v36  }
0x212: {  	v3 =	vor.u32 v3, v4  }
0x213: {  	v4 =	vperm.xlane v3, v0;
	_ =	sdelay $0x1  }
0x214: {  	v4 =	vadd.s32 v1, v4;
	_ =	sdelay $0x4  }
0x215: {  	[tilespmem:s26], [sflag:$0x2] =	stream.indirect_vreg.gather [hbm4b:s2+s3], $0x80, v4, vm0, $0xb8;
	[tilespmem:$0x18300] =	vst v63  }
0x216: {  	s17 =	simm.s32 $0x8B00;
	v3 =	vperm.xlane v3, v2  }
0x217: {  	[tilespmem:s17], [sflag:$0x2] =	stream.indirect_vreg.gather [hbm4b:s5+s3], $0x80, v4, vm0, $0xb8;
	[tilespmem:$0x18300] =	vst v63  }
0x218: {  	s29 =	simm.s32 $0x9300;
	v3 =	vadd.s32 v1, v3  }
0x219: {  	[tilespmem:s29], [sflag:$0x2] =	stream.indirect_vreg.gather [hbm4b:s6+s3], $0x80, v4, vm0, $0xb8;
	[tilespmem:$0x18300] =	vst v63  }
0x21a: {  	s30 =	simm.s32 $0x9B00  }
0x21b: {  	[tilespmem:s30], [sflag:$0x2] =	stream.indirect_vreg.gather [hbm4b:s7+s3], $0x80, v4, vm0, $0xb8;
	[tilespmem:$0x18300] =	vst v63  }
0x21c: {  	s0 =	simm.s32 $0xA300  }
0x21d: {  	[tilespmem:s0], [sflag:$0x2] =	stream.indirect_vreg.gather [hbm4b:s2+s3], $0x80, v3, vm0, $0xb8;
	[tilespmem:$0x18300] =	vst v63  }
0x21e: {  	s1 =	simm.s32 $0xAB00  }
0x21f: {  	[tilespmem:s1], [sflag:$0x2] =	stream.indirect_vreg.gather [hbm4b:s5+s3], $0x80, v3, vm0, $0xb8;
	[tilespmem:$0x18300] =	vst v63  }
0x220: {  	s4 =	simm.s32 $0xB300  }
0x221: {  	[tilespmem:s4], [sflag:$0x2] =	stream.indirect_vreg.gather [hbm4b:s6+s3], $0x80, v3, vm0, $0xb8;
	[tilespmem:$0x18300] =	vst v63  }
0x222: {  	s17 =	simm.s32 $0xBB00  }
0x223: {  	[tilespmem:s17], [sflag:$0x2] =	stream.indirect_vreg.gather [hbm4b:s7+s3], $0x80, v3, vm0, $0xb8;
	[tilespmem:$0x18300] =	vst v63  }
0x224: {  	v3 =	vld [tilespmem:$0x150];
	_ =	sdelay $0x4  }
0x225: {  	v37 =	vshll.u32 v3, $0x3  }
0x226: {  	v3 =	vand.u32 $0x7, v3;
	v4 =	vand.u32 $0xFFFFFFC0, v37  }
0x227: {  	v3 =	vor.u32 v3, v4  }
0x228: {  	v4 =	vperm.xlane v3, v0;
	_ =	sdelay $0x1  }
0x229: {  	v4 =	vadd.s32 v1, v4;
	_ =	sdelay $0x3  }
0x22a: {  	s17 =	simm.s32 $0xC300  }
0x22b: {  	[tilespmem:s17], [sflag:$0x2] =	stream.indirect_vreg.gather [hbm4b:s2+s3], $0x80, v4, vm0, $0xb8;
	[tilespmem:$0x18300] =	vst v63  }
0x22c: {  	v3 =	vperm.xlane v3, v2;
	s17 =	simm.s32 $0xCB00  }
0x22d: {  	[tilespmem:s17], [sflag:$0x2] =	stream.indirect_vreg.gather [hbm4b:s5+s3], $0x80, v4, vm0, $0xb8;
	[tilespmem:$0x18300] =	vst v63  }
0x22e: {  	s8 =	simm.s32 $0xD300;
	v3 =	vadd.s32 v1, v3  }
0x22f: {  	[tilespmem:s8], [sflag:$0x2] =	stream.indirect_vreg.gather [hbm4b:s6+s3], $0x80, v4, vm0, $0xb8;
	[tilespmem:$0x18300] =	vst v63  }
0x230: {  	s9 =	simm.s32 $0xDB00  }
0x231: {  	[tilespmem:s9], [sflag:$0x2] =	stream.indirect_vreg.gather [hbm4b:s7+s3], $0x80, v4, vm0, $0xb8;
	[tilespmem:$0x18300] =	vst v63  }
0x232: {  	s10 =	simm.s32 $0xE300  }
0x233: {  	[tilespmem:s10], [sflag:$0x2] =	stream.indirect_vreg.gather [hbm4b:s2+s3], $0x80, v3, vm0, $0xb8;
	[tilespmem:$0x18300] =	vst v63  }
0x234: {  	s19 =	simm.s32 $0xEB00  }
0x235: {  	[tilespmem:s19], [sflag:$0x2] =	stream.indirect_vreg.gather [hbm4b:s5+s3], $0x80, v3, vm0, $0xb8;
	[tilespmem:$0x18300] =	vst v63  }
0x236: {  	s20 =	simm.s32 $0xF300  }
0x237: {  	[tilespmem:s20], [sflag:$0x2] =	stream.indirect_vreg.gather [hbm4b:s6+s3], $0x80, v3, vm0, $0xb8;
	[tilespmem:$0x18300] =	vst v63  }
0x238: {  	s17 =	simm.s32 $0xFB00  }
0x239: {  	[tilespmem:s17], [sflag:$0x2] =	stream.indirect_vreg.gather [hbm4b:s7+s3], $0x80, v3, vm0, $0xb8;
	[tilespmem:$0x18300] =	vst v63  }
0x23a: {  	_ =	swait.ge [sflag:s15], $0x8000  }
0x23b: {  	[sflag:s15] =	ssyncset.done $0x0  }
0x23c: {  	s17 =	rddreg [dreg:$0xb];
	[sflag:s15] =	ssyncadd.s32 $0xFFFF8000  }
0x23d: {  	[hbm4b:s17+s3] =	stream.linear.scatter [tilespmem:s18], [sflag:$0x6], $0x8000, $0x38;
	[tilespmem:$0x18300] =	vst v63  }
0x23e: {  	_ =	swait.ge [sflag:s16], $0x8000  }
0x23f: {  	[sflag:s16] =	ssyncset.done $0x0  }
0x240: {  	[sflag:s16] =	ssyncadd.s32 $0xFFFF8000  }
0x241: {  	v3 =	vld [tilespmem:$0x160];
	_ =	sdelay $0x4  }
0x242: {  	v38 =	vshll.u32 v3, $0x3  }
0x243: {  	v3 =	vand.u32 $0x7, v3;
	v4 =	vand.u32 $0xFFFFFFC0, v38  }
0x244: {  	v3 =	vor.u32 v3, v4  }
0x245: {  	v4 =	vperm.xlane v3, v0;
	_ =	sdelay $0x1  }
0x246: {  	v4 =	vadd.s32 v1, v4;
	_ =	sdelay $0x4  }
0x247: {  	[tilespmem:s18], [sflag:$0x3] =	stream.indirect_vreg.gather [hbm4b:s2+s3], $0x80, v4, vm0, $0xb8;
	[tilespmem:$0x18300] =	vst v63  }
0x248: {  	s17 =	simm.s32 $0x10B00;
	v3 =	vperm.xlane v3, v2  }
0x249: {  	[tilespmem:s17], [sflag:$0x3] =	stream.indirect_vreg.gather [hbm4b:s5+s3], $0x80, v4, vm0, $0xb8;
	[tilespmem:$0x18300] =	vst v63  }
0x24a: {  	s21 =	simm.s32 $0x11300;
	v3 =	vadd.s32 v1, v3  }
0x24b: {  	[tilespmem:s21], [sflag:$0x3] =	stream.indirect_vreg.gather [hbm4b:s6+s3], $0x80, v4, vm0, $0xb8;
	[tilespmem:$0x18300] =	vst v63  }
0x24c: {  	s31 =	simm.s32 $0x11B00  }
0x24d: {  	[tilespmem:s31], [sflag:$0x3] =	stream.indirect_vreg.gather [hbm4b:s7+s3], $0x80, v4, vm0, $0xb8;
	[tilespmem:$0x18300] =	vst v63  }
0x24e: {  	s17 =	simm.s32 $0x12300  }
0x24f: {  	[tilespmem:s17], [sflag:$0x3] =	stream.indirect_vreg.gather [hbm4b:s2+s3], $0x80, v3, vm0, $0xb8;
	[tilespmem:$0x18300] =	vst v63  }
0x250: {  	s17 =	simm.s32 $0x12B00  }
0x251: {  	[tilespmem:s17], [sflag:$0x3] =	stream.indirect_vreg.gather [hbm4b:s5+s3], $0x80, v3, vm0, $0xb8;
	[tilespmem:$0x18300] =	vst v63  }
0x252: {  	s17 =	simm.s32 $0x13300  }
0x253: {  	[tilespmem:s17], [sflag:$0x3] =	stream.indirect_vreg.gather [hbm4b:s6+s3], $0x80, v3, vm0, $0xb8;
	[tilespmem:$0x18300] =	vst v63  }
0x254: {  	s17 =	simm.s32 $0x13B00  }
0x255: {  	[tilespmem:s17], [sflag:$0x3] =	stream.indirect_vreg.gather [hbm4b:s7+s3], $0x80, v3, vm0, $0xb8;
	[tilespmem:$0x18300] =	vst v63  }
0x256: {  	v3 =	vld [tilespmem:$0x170];
	_ =	sdelay $0x4  }
0x257: {  	v39 =	vshll.u32 v3, $0x3  }
0x258: {  	v3 =	vand.u32 $0x7, v3;
	v4 =	vand.u32 $0xFFFFFFC0, v39  }
0x259: {  	v3 =	vor.u32 v3, v4  }
0x25a: {  	v4 =	vperm.xlane v3, v0;
	_ =	sdelay $0x1  }
0x25b: {  	v4 =	vadd.s32 v1, v4;
	_ =	sdelay $0x3  }
0x25c: {  	s17 =	simm.s32 $0x14300  }
0x25d: {  	[tilespmem:s17], [sflag:$0x3] =	stream.indirect_vreg.gather [hbm4b:s2+s3], $0x80, v4, vm0, $0xb8;
	[tilespmem:$0x18300] =	vst v63  }
0x25e: {  	v3 =	vperm.xlane v3, v2;
	s17 =	simm.s32 $0x14B00  }
0x25f: {  	[tilespmem:s17], [sflag:$0x3] =	stream.indirect_vreg.gather [hbm4b:s5+s3], $0x80, v4, vm0, $0xb8;
	[tilespmem:$0x18300] =	vst v63  }
0x260: {  	v3 =	vadd.s32 v1, v3;
	s17 =	simm.s32 $0x15300  }
0x261: {  	[tilespmem:s17], [sflag:$0x3] =	stream.indirect_vreg.gather [hbm4b:s6+s3], $0x80, v4, vm0, $0xb8;
	[tilespmem:$0x18300] =	vst v63  }
0x262: {  	s17 =	simm.s32 $0x15B00  }
0x263: {  	[tilespmem:s17], [sflag:$0x3] =	stream.indirect_vreg.gather [hbm4b:s7+s3], $0x80, v4, vm0, $0xb8;
	[tilespmem:$0x18300] =	vst v63  }
0x264: {  	s17 =	simm.s32 $0x16300  }
0x265: {  	[tilespmem:s17], [sflag:$0x3] =	stream.indirect_vreg.gather [hbm4b:s2+s3], $0x80, v3, vm0, $0xb8;
	[tilespmem:$0x18300] =	vst v63  }
0x266: {  	s17 =	simm.s32 $0x16B00  }
0x267: {  	[tilespmem:s17], [sflag:$0x3] =	stream.indirect_vreg.gather [hbm4b:s5+s3], $0x80, v3, vm0, $0xb8;
	[tilespmem:$0x18300] =	vst v63  }
0x268: {  	s17 =	simm.s32 $0x17300  }
0x269: {  	[tilespmem:s17], [sflag:$0x3] =	stream.indirect_vreg.gather [hbm4b:s6+s3], $0x80, v3, vm0, $0xb8;
	[tilespmem:$0x18300] =	vst v63  }
0x26a: {  	s17 =	simm.s32 $0x17B00  }
0x26b: {  	[tilespmem:s17], [sflag:$0x3] =	stream.indirect_vreg.gather [hbm4b:s7+s3], $0x80, v3, vm0, $0xb8;
	[tilespmem:$0x18300] =	vst v63  }
0x26c: {  	_ =	swait.ge [sflag:s11], $0x8000  }
0x26d: {  	[sflag:s11] =	ssyncset.done $0x0  }
0x26e: {  	s17 =	rddreg [dreg:$0xc];
	[sflag:s11] =	ssyncadd.s32 $0xFFFF8000  }
0x26f: {  	[hbm4b:s17+s3] =	stream.linear.scatter [tilespmem:s23], [sflag:$0x4], $0x8000, $0x38;
	[tilespmem:$0x18300] =	vst v63  }
0x270: {  	_ =	swait.ge [sflag:s12], $0x8000  }
0x271: {  	[sflag:s12] =	ssyncset.done $0x0  }
0x272: {  	[sflag:s12] =	ssyncadd.s32 $0xFFFF8000  }
0x273: {  	v3 =	vld [tilespmem:$0x180];
	_ =	sdelay $0x4  }
0x274: {  	v40 =	vshll.u32 v3, $0x3  }
0x275: {  	v3 =	vand.u32 $0x7, v3;
	v4 =	vand.u32 $0xFFFFFFC0, v40  }
0x276: {  	v3 =	vor.u32 v3, v4  }
0x277: {  	v4 =	vperm.xlane v3, v0;
	_ =	sdelay $0x1  }
0x278: {  	v4 =	vadd.s32 v1, v4;
	_ =	sdelay $0x4  }
0x279: {  	[tilespmem:s23], [sflag:$0x1] =	stream.indirect_vreg.gather [hbm4b:s2+s3], $0x80, v4, vm0, $0xb8;
	[tilespmem:$0x18300] =	vst v63  }
0x27a: {  	s17 =	simm.s32 $0xB00;
	v3 =	vperm.xlane v3, v2  }
0x27b: {  	[tilespmem:s17], [sflag:$0x1] =	stream.indirect_vreg.gather [hbm4b:s5+s3], $0x80, v4, vm0, $0xb8;
	[tilespmem:$0x18300] =	vst v63  }
0x27c: {  	v3 =	vadd.s32 v1, v3;
	s17 =	simm.s32 $0x1300  }
0x27d: {  	[tilespmem:s17], [sflag:$0x1] =	stream.indirect_vreg.gather [hbm4b:s6+s3], $0x80, v4, vm0, $0xb8;
	[tilespmem:$0x18300] =	vst v63  }
0x27e: {  	s17 =	simm.s32 $0x1B00  }
0x27f: {  	[tilespmem:s17], [sflag:$0x1] =	stream.indirect_vreg.gather [hbm4b:s7+s3], $0x80, v4, vm0, $0xb8;
	[tilespmem:$0x18300] =	vst v63  }
0x280: {  	s17 =	simm.s32 $0x2300  }
0x281: {  	[tilespmem:s17], [sflag:$0x1] =	stream.indirect_vreg.gather [hbm4b:s2+s3], $0x80, v3, vm0, $0xb8;
	[tilespmem:$0x18300] =	vst v63  }
0x282: {  	s17 =	simm.s32 $0x2B00  }
0x283: {  	[tilespmem:s17], [sflag:$0x1] =	stream.indirect_vreg.gather [hbm4b:s5+s3], $0x80, v3, vm0, $0xb8;
	[tilespmem:$0x18300] =	vst v63  }
0x284: {  	s17 =	simm.s32 $0x3300  }
0x285: {  	[tilespmem:s17], [sflag:$0x1] =	stream.indirect_vreg.gather [hbm4b:s6+s3], $0x80, v3, vm0, $0xb8;
	[tilespmem:$0x18300] =	vst v63  }
0x286: {  	s17 =	simm.s32 $0x3B00  }
0x287: {  	[tilespmem:s17], [sflag:$0x1] =	stream.indirect_vreg.gather [hbm4b:s7+s3], $0x80, v3, vm0, $0xb8;
	[tilespmem:$0x18300] =	vst v63  }
0x288: {  	v3 =	vld [tilespmem:$0x190];
	_ =	sdelay $0x4  }
0x289: {  	v41 =	vshll.u32 v3, $0x3  }
0x28a: {  	v3 =	vand.u32 $0x7, v3;
	v4 =	vand.u32 $0xFFFFFFC0, v41  }
0x28b: {  	v3 =	vor.u32 v3, v4  }
0x28c: {  	v4 =	vperm.xlane v3, v0;
	_ =	sdelay $0x1  }
0x28d: {  	v4 =	vadd.s32 v1, v4;
	_ =	sdelay $0x3  }
0x28e: {  	s17 =	simm.s32 $0x4300  }
0x28f: {  	[tilespmem:s17], [sflag:$0x1] =	stream.indirect_vreg.gather [hbm4b:s2+s3], $0x80, v4, vm0, $0xb8;
	[tilespmem:$0x18300] =	vst v63  }
0x290: {  	v3 =	vperm.xlane v3, v2;
	s17 =	simm.s32 $0x4B00  }
0x291: {  	[tilespmem:s17], [sflag:$0x1] =	stream.indirect_vreg.gather [hbm4b:s5+s3], $0x80, v4, vm0, $0xb8;
	[tilespmem:$0x18300] =	vst v63  }
0x292: {  	s22 =	simm.s32 $0x5300;
	v3 =	vadd.s32 v1, v3  }
0x293: {  	[tilespmem:s22], [sflag:$0x1] =	stream.indirect_vreg.gather [hbm4b:s6+s3], $0x80, v4, vm0, $0xb8;
	[tilespmem:$0x18300] =	vst v63  }
0x294: {  	s17 =	simm.s32 $0x5B00  }
0x295: {  	[tilespmem:s17], [sflag:$0x1] =	stream.indirect_vreg.gather [hbm4b:s7+s3], $0x80, v4, vm0, $0xb8;
	[tilespmem:$0x18300] =	vst v63  }
0x296: {  	s25 =	simm.s32 $0x6300  }
0x297: {  	[tilespmem:s25], [sflag:$0x1] =	stream.indirect_vreg.gather [hbm4b:s2+s3], $0x80, v3, vm0, $0xb8;
	[tilespmem:$0x18300] =	vst v63  }
0x298: {  	s28 =	simm.s32 $0x6B00  }
0x299: {  	[tilespmem:s28], [sflag:$0x1] =	stream.indirect_vreg.gather [hbm4b:s5+s3], $0x80, v3, vm0, $0xb8;
	[tilespmem:$0x18300] =	vst v63  }
0x29a: {  	s24 =	simm.s32 $0x7300  }
0x29b: {  	[tilespmem:s24], [sflag:$0x1] =	stream.indirect_vreg.gather [hbm4b:s6+s3], $0x80, v3, vm0, $0xb8;
	[tilespmem:$0x18300] =	vst v63  }
0x29c: {  	s24 =	simm.s32 $0x7B00  }
0x29d: {  	[tilespmem:s24], [sflag:$0x1] =	stream.indirect_vreg.gather [hbm4b:s7+s3], $0x80, v3, vm0, $0xb8;
	[tilespmem:$0x18300] =	vst v63  }
0x29e: {  	_ =	swait.ge [sflag:s13], $0x8000  }
0x29f: {  	[sflag:s13] =	ssyncset.done $0x0  }
0x2a0: {  	s24 =	rddreg [dreg:$0xd];
	[sflag:s13] =	ssyncadd.s32 $0xFFFF8000  }
0x2a1: {  	[hbm4b:s24+s3] =	stream.linear.scatter [tilespmem:s26], [sflag:$0x5], $0x8000, $0x38;
	[tilespmem:$0x18300] =	vst v63  }
0x2a2: {  	_ =	swait.ge [sflag:s14], $0x8000  }
0x2a3: {  	[sflag:s14] =	ssyncset.done $0x0  }
0x2a4: {  	[sflag:s14] =	ssyncadd.s32 $0xFFFF8000  }
0x2a5: {  	v3 =	vld [tilespmem:$0x1A0];
	_ =	sdelay $0x4  }
0x2a6: {  	v42 =	vshll.u32 v3, $0x3  }
0x2a7: {  	v3 =	vand.u32 $0x7, v3;
	v4 =	vand.u32 $0xFFFFFFC0, v42  }
0x2a8: {  	v3 =	vor.u32 v3, v4  }
0x2a9: {  	v4 =	vperm.xlane v3, v0;
	_ =	sdelay $0x1  }
0x2aa: {  	v4 =	vadd.s32 v1, v4;
	_ =	sdelay $0x4  }
0x2ab: {  	[tilespmem:s26], [sflag:$0x2] =	stream.indirect_vreg.gather [hbm4b:s2+s3], $0x80, v4, vm0, $0xb8;
	[tilespmem:$0x18300] =	vst v63  }
0x2ac: {  	s24 =	simm.s32 $0x8B00;
	v3 =	vperm.xlane v3, v2  }
0x2ad: {  	[tilespmem:s24], [sflag:$0x2] =	stream.indirect_vreg.gather [hbm4b:s5+s3], $0x80, v4, vm0, $0xb8;
	[tilespmem:$0x18300] =	vst v63  }
0x2ae: {  	s29 =	simm.s32 $0x9300;
	v3 =	vadd.s32 v1, v3  }
0x2af: {  	[tilespmem:s29], [sflag:$0x2] =	stream.indirect_vreg.gather [hbm4b:s6+s3], $0x80, v4, vm0, $0xb8;
	[tilespmem:$0x18300] =	vst v63  }
0x2b0: {  	s30 =	simm.s32 $0x9B00  }
0x2b1: {  	[tilespmem:s30], [sflag:$0x2] =	stream.indirect_vreg.gather [hbm4b:s7+s3], $0x80, v4, vm0, $0xb8;
	[tilespmem:$0x18300] =	vst v63  }
0x2b2: {  	s0 =	simm.s32 $0xA300  }
0x2b3: {  	[tilespmem:s0], [sflag:$0x2] =	stream.indirect_vreg.gather [hbm4b:s2+s3], $0x80, v3, vm0, $0xb8;
	[tilespmem:$0x18300] =	vst v63  }
0x2b4: {  	s1 =	simm.s32 $0xAB00  }
0x2b5: {  	[tilespmem:s1], [sflag:$0x2] =	stream.indirect_vreg.gather [hbm4b:s5+s3], $0x80, v3, vm0, $0xb8;
	[tilespmem:$0x18300] =	vst v63  }
0x2b6: {  	s4 =	simm.s32 $0xB300  }
0x2b7: {  	[tilespmem:s4], [sflag:$0x2] =	stream.indirect_vreg.gather [hbm4b:s6+s3], $0x80, v3, vm0, $0xb8;
	[tilespmem:$0x18300] =	vst v63  }
0x2b8: {  	s30 =	simm.s32 $0xBB00  }
0x2b9: {  	[tilespmem:s30], [sflag:$0x2] =	stream.indirect_vreg.gather [hbm4b:s7+s3], $0x80, v3, vm0, $0xb8;
	[tilespmem:$0x18300] =	vst v63  }
0x2ba: {  	v3 =	vld [tilespmem:$0x1B0];
	_ =	sdelay $0x4  }
0x2bb: {  	v43 =	vshll.u32 v3, $0x3  }
0x2bc: {  	v3 =	vand.u32 $0x7, v3;
	v4 =	vand.u32 $0xFFFFFFC0, v43  }
0x2bd: {  	v3 =	vor.u32 v3, v4  }
0x2be: {  	v4 =	vperm.xlane v3, v0;
	_ =	sdelay $0x1  }
0x2bf: {  	v4 =	vadd.s32 v1, v4;
	_ =	sdelay $0x3  }
0x2c0: {  	s30 =	simm.s32 $0xC300  }
0x2c1: {  	[tilespmem:s30], [sflag:$0x2] =	stream.indirect_vreg.gather [hbm4b:s2+s3], $0x80, v4, vm0, $0xb8;
	[tilespmem:$0x18300] =	vst v63  }
0x2c2: {  	v3 =	vperm.xlane v3, v2;
	s30 =	simm.s32 $0xCB00  }
0x2c3: {  	[tilespmem:s30], [sflag:$0x2] =	stream.indirect_vreg.gather [hbm4b:s5+s3], $0x80, v4, vm0, $0xb8;
	[tilespmem:$0x18300] =	vst v63  }
0x2c4: {  	s8 =	simm.s32 $0xD300;
	v3 =	vadd.s32 v1, v3  }
0x2c5: {  	[tilespmem:s8], [sflag:$0x2] =	stream.indirect_vreg.gather [hbm4b:s6+s3], $0x80, v4, vm0, $0xb8;
	[tilespmem:$0x18300] =	vst v63  }
0x2c6: {  	s9 =	simm.s32 $0xDB00  }
0x2c7: {  	[tilespmem:s9], [sflag:$0x2] =	stream.indirect_vreg.gather [hbm4b:s7+s3], $0x80, v4, vm0, $0xb8;
	[tilespmem:$0x18300] =	vst v63  }
0x2c8: {  	s10 =	simm.s32 $0xE300  }
0x2c9: {  	[tilespmem:s10], [sflag:$0x2] =	stream.indirect_vreg.gather [hbm4b:s2+s3], $0x80, v3, vm0, $0xb8;
	[tilespmem:$0x18300] =	vst v63  }
0x2ca: {  	s19 =	simm.s32 $0xEB00  }
0x2cb: {  	[tilespmem:s19], [sflag:$0x2] =	stream.indirect_vreg.gather [hbm4b:s5+s3], $0x80, v3, vm0, $0xb8;
	[tilespmem:$0x18300] =	vst v63  }
0x2cc: {  	s20 =	simm.s32 $0xF300  }
0x2cd: {  	[tilespmem:s20], [sflag:$0x2] =	stream.indirect_vreg.gather [hbm4b:s6+s3], $0x80, v3, vm0, $0xb8;
	[tilespmem:$0x18300] =	vst v63  }
0x2ce: {  	s30 =	simm.s32 $0xFB00  }
0x2cf: {  	[tilespmem:s30], [sflag:$0x2] =	stream.indirect_vreg.gather [hbm4b:s7+s3], $0x80, v3, vm0, $0xb8;
	[tilespmem:$0x18300] =	vst v63  }
0x2d0: {  	_ =	swait.ge [sflag:s15], $0x8000  }
0x2d1: {  	[sflag:s15] =	ssyncset.done $0x0  }
0x2d2: {  	s30 =	rddreg [dreg:$0xe];
	[sflag:s15] =	ssyncadd.s32 $0xFFFF8000  }
0x2d3: {  	[hbm4b:s30+s3] =	stream.linear.scatter [tilespmem:s18], [sflag:$0x6], $0x8000, $0x38;
	[tilespmem:$0x18300] =	vst v63  }
0x2d4: {  	_ =	swait.ge [sflag:s16], $0x8000  }
0x2d5: {  	[sflag:s16] =	ssyncset.done $0x0  }
0x2d6: {  	[sflag:s16] =	ssyncadd.s32 $0xFFFF8000  }
0x2d7: {  	v3 =	vld [tilespmem:$0x1C0];
	_ =	sdelay $0x4  }
0x2d8: {  	v44 =	vshll.u32 v3, $0x3  }
0x2d9: {  	v3 =	vand.u32 $0x7, v3;
	v4 =	vand.u32 $0xFFFFFFC0, v44  }
0x2da: {  	v3 =	vor.u32 v3, v4  }
0x2db: {  	v4 =	vperm.xlane v3, v0;
	_ =	sdelay $0x1  }
0x2dc: {  	v4 =	vadd.s32 v1, v4;
	_ =	sdelay $0x4  }
0x2dd: {  	[tilespmem:s18], [sflag:$0x3] =	stream.indirect_vreg.gather [hbm4b:s2+s3], $0x80, v4, vm0, $0xb8;
	[tilespmem:$0x18300] =	vst v63  }
0x2de: {  	s30 =	simm.s32 $0x10B00;
	v3 =	vperm.xlane v3, v2  }
0x2df: {  	[tilespmem:s30], [sflag:$0x3] =	stream.indirect_vreg.gather [hbm4b:s5+s3], $0x80, v4, vm0, $0xb8;
	[tilespmem:$0x18300] =	vst v63  }
0x2e0: {  	s21 =	simm.s32 $0x11300;
	v3 =	vadd.s32 v1, v3  }
0x2e1: {  	[tilespmem:s21], [sflag:$0x3] =	stream.indirect_vreg.gather [hbm4b:s6+s3], $0x80, v4, vm0, $0xb8;
	[tilespmem:$0x18300] =	vst v63  }
0x2e2: {  	s31 =	simm.s32 $0x11B00  }
0x2e3: {  	[tilespmem:s31], [sflag:$0x3] =	stream.indirect_vreg.gather [hbm4b:s7+s3], $0x80, v4, vm0, $0xb8;
	[tilespmem:$0x18300] =	vst v63  }
0x2e4: {  	s31 =	simm.s32 $0x12300  }
0x2e5: {  	[tilespmem:s31], [sflag:$0x3] =	stream.indirect_vreg.gather [hbm4b:s2+s3], $0x80, v3, vm0, $0xb8;
	[tilespmem:$0x18300] =	vst v63  }
0x2e6: {  	s17 =	simm.s32 $0x12B00  }
0x2e7: {  	[tilespmem:s17], [sflag:$0x3] =	stream.indirect_vreg.gather [hbm4b:s5+s3], $0x80, v3, vm0, $0xb8;
	[tilespmem:$0x18300] =	vst v63  }
0x2e8: {  	s17 =	simm.s32 $0x13300  }
0x2e9: {  	[tilespmem:s17], [sflag:$0x3] =	stream.indirect_vreg.gather [hbm4b:s6+s3], $0x80, v3, vm0, $0xb8;
	[tilespmem:$0x18300] =	vst v63  }
0x2ea: {  	s17 =	simm.s32 $0x13B00  }
0x2eb: {  	[tilespmem:s17], [sflag:$0x3] =	stream.indirect_vreg.gather [hbm4b:s7+s3], $0x80, v3, vm0, $0xb8;
	[tilespmem:$0x18300] =	vst v63  }
0x2ec: {  	v3 =	vld [tilespmem:$0x1D0];
	_ =	sdelay $0x4  }
0x2ed: {  	v45 =	vshll.u32 v3, $0x3  }
0x2ee: {  	v3 =	vand.u32 $0x7, v3;
	v4 =	vand.u32 $0xFFFFFFC0, v45  }
0x2ef: {  	v3 =	vor.u32 v3, v4  }
0x2f0: {  	v4 =	vperm.xlane v3, v0;
	_ =	sdelay $0x1  }
0x2f1: {  	v4 =	vadd.s32 v1, v4;
	_ =	sdelay $0x3  }
0x2f2: {  	s17 =	simm.s32 $0x14300  }
0x2f3: {  	[tilespmem:s17], [sflag:$0x3] =	stream.indirect_vreg.gather [hbm4b:s2+s3], $0x80, v4, vm0, $0xb8;
	[tilespmem:$0x18300] =	vst v63  }
0x2f4: {  	v3 =	vperm.xlane v3, v2;
	s17 =	simm.s32 $0x14B00  }
0x2f5: {  	[tilespmem:s17], [sflag:$0x3] =	stream.indirect_vreg.gather [hbm4b:s5+s3], $0x80, v4, vm0, $0xb8;
	[tilespmem:$0x18300] =	vst v63  }
0x2f6: {  	v3 =	vadd.s32 v1, v3;
	s17 =	simm.s32 $0x15300  }
0x2f7: {  	[tilespmem:s17], [sflag:$0x3] =	stream.indirect_vreg.gather [hbm4b:s6+s3], $0x80, v4, vm0, $0xb8;
	[tilespmem:$0x18300] =	vst v63  }
0x2f8: {  	s17 =	simm.s32 $0x15B00  }
0x2f9: {  	[tilespmem:s17], [sflag:$0x3] =	stream.indirect_vreg.gather [hbm4b:s7+s3], $0x80, v4, vm0, $0xb8;
	[tilespmem:$0x18300] =	vst v63  }
0x2fa: {  	s17 =	simm.s32 $0x16300  }
0x2fb: {  	[tilespmem:s17], [sflag:$0x3] =	stream.indirect_vreg.gather [hbm4b:s2+s3], $0x80, v3, vm0, $0xb8;
	[tilespmem:$0x18300] =	vst v63  }
0x2fc: {  	s17 =	simm.s32 $0x16B00  }
0x2fd: {  	[tilespmem:s17], [sflag:$0x3] =	stream.indirect_vreg.gather [hbm4b:s5+s3], $0x80, v3, vm0, $0xb8;
	[tilespmem:$0x18300] =	vst v63  }
0x2fe: {  	s17 =	simm.s32 $0x17300  }
0x2ff: {  	[tilespmem:s17], [sflag:$0x3] =	stream.indirect_vreg.gather [hbm4b:s6+s3], $0x80, v3, vm0, $0xb8;
	[tilespmem:$0x18300] =	vst v63  }
0x300: {  	s17 =	simm.s32 $0x17B00  }
0x301: {  	[tilespmem:s17], [sflag:$0x3] =	stream.indirect_vreg.gather [hbm4b:s7+s3], $0x80, v3, vm0, $0xb8;
	[tilespmem:$0x18300] =	vst v63  }
0x302: {  	_ =	swait.ge [sflag:s11], $0x8000  }
0x303: {  	[sflag:s11] =	ssyncset.done $0x0  }
0x304: {  	s17 =	rddreg [dreg:$0xf];
	[sflag:s11] =	ssyncadd.s32 $0xFFFF8000  }
0x305: {  	[hbm4b:s17+s3] =	stream.linear.scatter [tilespmem:s23], [sflag:$0x4], $0x8000, $0x38;
	[tilespmem:$0x18300] =	vst v63  }
0x306: {  	_ =	swait.ge [sflag:s12], $0x8000  }
0x307: {  	[sflag:s12] =	ssyncset.done $0x0  }
0x308: {  	[sflag:s12] =	ssyncadd.s32 $0xFFFF8000  }
0x309: {  	v3 =	vld [tilespmem:$0x1E0];
	_ =	sdelay $0x4  }
0x30a: {  	v46 =	vshll.u32 v3, $0x3  }
0x30b: {  	v3 =	vand.u32 $0x7, v3;
	v4 =	vand.u32 $0xFFFFFFC0, v46  }
0x30c: {  	v3 =	vor.u32 v3, v4  }
0x30d: {  	v4 =	vperm.xlane v3, v0;
	_ =	sdelay $0x1  }
0x30e: {  	v4 =	vadd.s32 v1, v4;
	_ =	sdelay $0x4  }
0x30f: {  	[tilespmem:s23], [sflag:$0x1] =	stream.indirect_vreg.gather [hbm4b:s2+s3], $0x80, v4, vm0, $0xb8;
	[tilespmem:$0x18300] =	vst v63  }
0x310: {  	s17 =	simm.s32 $0xB00;
	v3 =	vperm.xlane v3, v2  }
0x311: {  	[tilespmem:s17], [sflag:$0x1] =	stream.indirect_vreg.gather [hbm4b:s5+s3], $0x80, v4, vm0, $0xb8;
	[tilespmem:$0x18300] =	vst v63  }
0x312: {  	v3 =	vadd.s32 v1, v3;
	s17 =	simm.s32 $0x1300  }
0x313: {  	[tilespmem:s17], [sflag:$0x1] =	stream.indirect_vreg.gather [hbm4b:s6+s3], $0x80, v4, vm0, $0xb8;
	[tilespmem:$0x18300] =	vst v63  }
0x314: {  	s17 =	simm.s32 $0x1B00  }
0x315: {  	[tilespmem:s17], [sflag:$0x1] =	stream.indirect_vreg.gather [hbm4b:s7+s3], $0x80, v4, vm0, $0xb8;
	[tilespmem:$0x18300] =	vst v63  }
0x316: {  	s17 =	simm.s32 $0x2300  }
0x317: {  	[tilespmem:s17], [sflag:$0x1] =	stream.indirect_vreg.gather [hbm4b:s2+s3], $0x80, v3, vm0, $0xb8;
	[tilespmem:$0x18300] =	vst v63  }
0x318: {  	s17 =	simm.s32 $0x2B00  }
0x319: {  	[tilespmem:s17], [sflag:$0x1] =	stream.indirect_vreg.gather [hbm4b:s5+s3], $0x80, v3, vm0, $0xb8;
	[tilespmem:$0x18300] =	vst v63  }
0x31a: {  	s17 =	simm.s32 $0x3300  }
0x31b: {  	[tilespmem:s17], [sflag:$0x1] =	stream.indirect_vreg.gather [hbm4b:s6+s3], $0x80, v3, vm0, $0xb8;
	[tilespmem:$0x18300] =	vst v63  }
0x31c: {  	s17 =	simm.s32 $0x3B00  }
0x31d: {  	[tilespmem:s17], [sflag:$0x1] =	stream.indirect_vreg.gather [hbm4b:s7+s3], $0x80, v3, vm0, $0xb8;
	[tilespmem:$0x18300] =	vst v63  }
0x31e: {  	v3 =	vld [tilespmem:$0x1F0];
	_ =	sdelay $0x4  }
0x31f: {  	v47 =	vshll.u32 v3, $0x3  }
0x320: {  	v3 =	vand.u32 $0x7, v3;
	v4 =	vand.u32 $0xFFFFFFC0, v47  }
0x321: {  	v3 =	vor.u32 v3, v4  }
0x322: {  	v4 =	vperm.xlane v3, v0;
	_ =	sdelay $0x1  }
0x323: {  	v4 =	vadd.s32 v1, v4;
	_ =	sdelay $0x3  }
0x324: {  	s17 =	simm.s32 $0x4300  }
0x325: {  	[tilespmem:s17], [sflag:$0x1] =	stream.indirect_vreg.gather [hbm4b:s2+s3], $0x80, v4, vm0, $0xb8;
	[tilespmem:$0x18300] =	vst v63  }
0x326: {  	v3 =	vperm.xlane v3, v2;
	s17 =	simm.s32 $0x4B00  }
0x327: {  	[tilespmem:s17], [sflag:$0x1] =	stream.indirect_vreg.gather [hbm4b:s5+s3], $0x80, v4, vm0, $0xb8;
	[tilespmem:$0x18300] =	vst v63  }
0x328: {  	s22 =	simm.s32 $0x5300;
	v3 =	vadd.s32 v1, v3  }
0x329: {  	[tilespmem:s22], [sflag:$0x1] =	stream.indirect_vreg.gather [hbm4b:s6+s3], $0x80, v4, vm0, $0xb8;
	[tilespmem:$0x18300] =	vst v63  }
0x32a: {  	s17 =	simm.s32 $0x5B00  }
0x32b: {  	[tilespmem:s17], [sflag:$0x1] =	stream.indirect_vreg.gather [hbm4b:s7+s3], $0x80, v4, vm0, $0xb8;
	[tilespmem:$0x18300] =	vst v63  }
0x32c: {  	s17 =	simm.s32 $0x6300  }
0x32d: {  	[tilespmem:s17], [sflag:$0x1] =	stream.indirect_vreg.gather [hbm4b:s2+s3], $0x80, v3, vm0, $0xb8;
	[tilespmem:$0x18300] =	vst v63  }
0x32e: {  	s28 =	simm.s32 $0x6B00  }
0x32f: {  	[tilespmem:s28], [sflag:$0x1] =	stream.indirect_vreg.gather [hbm4b:s5+s3], $0x80, v3, vm0, $0xb8;
	[tilespmem:$0x18300] =	vst v63  }
0x330: {  	s25 =	simm.s32 $0x7300  }
0x331: {  	[tilespmem:s25], [sflag:$0x1] =	stream.indirect_vreg.gather [hbm4b:s6+s3], $0x80, v3, vm0, $0xb8;
	[tilespmem:$0x18300] =	vst v63  }
0x332: {  	s25 =	simm.s32 $0x7B00  }
0x333: {  	[tilespmem:s25], [sflag:$0x1] =	stream.indirect_vreg.gather [hbm4b:s7+s3], $0x80, v3, vm0, $0xb8;
	[tilespmem:$0x18300] =	vst v63  }
0x334: {  	_ =	swait.ge [sflag:s13], $0x8000  }
0x335: {  	[sflag:s13] =	ssyncset.done $0x0  }
0x336: {  	s25 =	rddreg [dreg:$0x10];
	[sflag:s13] =	ssyncadd.s32 $0xFFFF8000  }
0x337: {  	[hbm4b:s25+s3] =	stream.linear.scatter [tilespmem:s26], [sflag:$0x5], $0x8000, $0x38;
	[tilespmem:$0x18300] =	vst v63  }
0x338: {  	_ =	swait.ge [sflag:s14], $0x8000  }
0x339: {  	[sflag:s14] =	ssyncset.done $0x0  }
0x33a: {  	[sflag:s14] =	ssyncadd.s32 $0xFFFF8000  }
0x33b: {  	v3 =	vld [tilespmem:$0x200];
	_ =	sdelay $0x4  }
0x33c: {  	v48 =	vshll.u32 v3, $0x3  }
0x33d: {  	v3 =	vand.u32 $0x7, v3;
	v4 =	vand.u32 $0xFFFFFFC0, v48  }
0x33e: {  	v3 =	vor.u32 v3, v4  }
0x33f: {  	v4 =	vperm.xlane v3, v0;
	_ =	sdelay $0x1  }
0x340: {  	v4 =	vadd.s32 v1, v4;
	_ =	sdelay $0x4  }
0x341: {  	[tilespmem:s26], [sflag:$0x2] =	stream.indirect_vreg.gather [hbm4b:s2+s3], $0x80, v4, vm0, $0xb8;
	[tilespmem:$0x18300] =	vst v63  }
0x342: {  	s25 =	simm.s32 $0x8B00;
	v3 =	vperm.xlane v3, v2  }
0x343: {  	[tilespmem:s25], [sflag:$0x2] =	stream.indirect_vreg.gather [hbm4b:s5+s3], $0x80, v4, vm0, $0xb8;
	[tilespmem:$0x18300] =	vst v63  }
0x344: {  	s24 =	simm.s32 $0x9300;
	v3 =	vadd.s32 v1, v3  }
0x345: {  	[tilespmem:s24], [sflag:$0x2] =	stream.indirect_vreg.gather [hbm4b:s6+s3], $0x80, v4, vm0, $0xb8;
	[tilespmem:$0x18300] =	vst v63  }
0x346: {  	s29 =	simm.s32 $0x9B00  }
0x347: {  	[tilespmem:s29], [sflag:$0x2] =	stream.indirect_vreg.gather [hbm4b:s7+s3], $0x80, v4, vm0, $0xb8;
	[tilespmem:$0x18300] =	vst v63  }
0x348: {  	s0 =	simm.s32 $0xA300  }
0x349: {  	[tilespmem:s0], [sflag:$0x2] =	stream.indirect_vreg.gather [hbm4b:s2+s3], $0x80, v3, vm0, $0xb8;
	[tilespmem:$0x18300] =	vst v63  }
0x34a: {  	s1 =	simm.s32 $0xAB00  }
0x34b: {  	[tilespmem:s1], [sflag:$0x2] =	stream.indirect_vreg.gather [hbm4b:s5+s3], $0x80, v3, vm0, $0xb8;
	[tilespmem:$0x18300] =	vst v63  }
0x34c: {  	s4 =	simm.s32 $0xB300  }
0x34d: {  	[tilespmem:s4], [sflag:$0x2] =	stream.indirect_vreg.gather [hbm4b:s6+s3], $0x80, v3, vm0, $0xb8;
	[tilespmem:$0x18300] =	vst v63  }
0x34e: {  	s17 =	simm.s32 $0xBB00  }
0x34f: {  	[tilespmem:s17], [sflag:$0x2] =	stream.indirect_vreg.gather [hbm4b:s7+s3], $0x80, v3, vm0, $0xb8;
	[tilespmem:$0x18300] =	vst v63  }
0x350: {  	v3 =	vld [tilespmem:$0x210];
	_ =	sdelay $0x4  }
0x351: {  	v49 =	vshll.u32 v3, $0x3  }
0x352: {  	v3 =	vand.u32 $0x7, v3;
	v4 =	vand.u32 $0xFFFFFFC0, v49  }
0x353: {  	v3 =	vor.u32 v3, v4  }
0x354: {  	v4 =	vperm.xlane v3, v0;
	_ =	sdelay $0x1  }
0x355: {  	v4 =	vadd.s32 v1, v4;
	_ =	sdelay $0x3  }
0x356: {  	s25 =	simm.s32 $0xC300  }
0x357: {  	[tilespmem:s25], [sflag:$0x2] =	stream.indirect_vreg.gather [hbm4b:s2+s3], $0x80, v4, vm0, $0xb8;
	[tilespmem:$0x18300] =	vst v63  }
0x358: {  	s29 =	simm.s32 $0xCB00;
	v3 =	vperm.xlane v3, v2  }
0x359: {  	[tilespmem:s29], [sflag:$0x2] =	stream.indirect_vreg.gather [hbm4b:s5+s3], $0x80, v4, vm0, $0xb8;
	[tilespmem:$0x18300] =	vst v63  }
0x35a: {  	s8 =	simm.s32 $0xD300;
	v3 =	vadd.s32 v1, v3  }
0x35b: {  	[tilespmem:s8], [sflag:$0x2] =	stream.indirect_vreg.gather [hbm4b:s6+s3], $0x80, v4, vm0, $0xb8;
	[tilespmem:$0x18300] =	vst v63  }
0x35c: {  	s9 =	simm.s32 $0xDB00  }
0x35d: {  	[tilespmem:s9], [sflag:$0x2] =	stream.indirect_vreg.gather [hbm4b:s7+s3], $0x80, v4, vm0, $0xb8;
	[tilespmem:$0x18300] =	vst v63  }
0x35e: {  	s10 =	simm.s32 $0xE300  }
0x35f: {  	[tilespmem:s10], [sflag:$0x2] =	stream.indirect_vreg.gather [hbm4b:s2+s3], $0x80, v3, vm0, $0xb8;
	[tilespmem:$0x18300] =	vst v63  }
0x360: {  	s19 =	simm.s32 $0xEB00  }
0x361: {  	[tilespmem:s19], [sflag:$0x2] =	stream.indirect_vreg.gather [hbm4b:s5+s3], $0x80, v3, vm0, $0xb8;
	[tilespmem:$0x18300] =	vst v63  }
0x362: {  	s20 =	simm.s32 $0xF300  }
0x363: {  	[tilespmem:s20], [sflag:$0x2] =	stream.indirect_vreg.gather [hbm4b:s6+s3], $0x80, v3, vm0, $0xb8;
	[tilespmem:$0x18300] =	vst v63  }
0x364: {  	s17 =	simm.s32 $0xFB00  }
0x365: {  	[tilespmem:s17], [sflag:$0x2] =	stream.indirect_vreg.gather [hbm4b:s7+s3], $0x80, v3, vm0, $0xb8;
	[tilespmem:$0x18300] =	vst v63  }
0x366: {  	_ =	swait.ge [sflag:s15], $0x8000  }
0x367: {  	[sflag:s15] =	ssyncset.done $0x0  }
0x368: {  	s25 =	rddreg [dreg:$0x11];
	[sflag:s15] =	ssyncadd.s32 $0xFFFF8000  }
0x369: {  	[hbm4b:s25+s3] =	stream.linear.scatter [tilespmem:s18], [sflag:$0x6], $0x8000, $0x38;
	[tilespmem:$0x18300] =	vst v63  }
0x36a: {  	_ =	swait.ge [sflag:s16], $0x8000  }
0x36b: {  	[sflag:s16] =	ssyncset.done $0x0  }
0x36c: {  	[sflag:s16] =	ssyncadd.s32 $0xFFFF8000  }
0x36d: {  	v3 =	vld [tilespmem:$0x220];
	_ =	sdelay $0x4  }
0x36e: {  	v50 =	vshll.u32 v3, $0x3  }
0x36f: {  	v3 =	vand.u32 $0x7, v3;
	v4 =	vand.u32 $0xFFFFFFC0, v50  }
0x370: {  	v3 =	vor.u32 v3, v4  }
0x371: {  	v4 =	vperm.xlane v3, v0;
	_ =	sdelay $0x1  }
0x372: {  	v4 =	vadd.s32 v1, v4;
	_ =	sdelay $0x4  }
0x373: {  	[tilespmem:s18], [sflag:$0x3] =	stream.indirect_vreg.gather [hbm4b:s2+s3], $0x80, v4, vm0, $0xb8;
	[tilespmem:$0x18300] =	vst v63  }
0x374: {  	s29 =	simm.s32 $0x10B00;
	v3 =	vperm.xlane v3, v2  }
0x375: {  	[tilespmem:s29], [sflag:$0x3] =	stream.indirect_vreg.gather [hbm4b:s5+s3], $0x80, v4, vm0, $0xb8;
	[tilespmem:$0x18300] =	vst v63  }
0x376: {  	s21 =	simm.s32 $0x11300;
	v3 =	vadd.s32 v1, v3  }
0x377: {  	[tilespmem:s21], [sflag:$0x3] =	stream.indirect_vreg.gather [hbm4b:s6+s3], $0x80, v4, vm0, $0xb8;
	[tilespmem:$0x18300] =	vst v63  }
0x378: {  	s30 =	simm.s32 $0x11B00  }
0x379: {  	[tilespmem:s30], [sflag:$0x3] =	stream.indirect_vreg.gather [hbm4b:s7+s3], $0x80, v4, vm0, $0xb8;
	[tilespmem:$0x18300] =	vst v63  }
0x37a: {  	s31 =	simm.s32 $0x12300  }
0x37b: {  	[tilespmem:s31], [sflag:$0x3] =	stream.indirect_vreg.gather [hbm4b:s2+s3], $0x80, v3, vm0, $0xb8;
	[tilespmem:$0x18300] =	vst v63  }
0x37c: {  	s31 =	simm.s32 $0x12B00  }
0x37d: {  	[tilespmem:s31], [sflag:$0x3] =	stream.indirect_vreg.gather [hbm4b:s5+s3], $0x80, v3, vm0, $0xb8;
	[tilespmem:$0x18300] =	vst v63  }
0x37e: {  	s17 =	simm.s32 $0x13300  }
0x37f: {  	[tilespmem:s17], [sflag:$0x3] =	stream.indirect_vreg.gather [hbm4b:s6+s3], $0x80, v3, vm0, $0xb8;
	[tilespmem:$0x18300] =	vst v63  }
0x380: {  	s21 =	simm.s32 $0x13B00  }
0x381: {  	[tilespmem:s21], [sflag:$0x3] =	stream.indirect_vreg.gather [hbm4b:s7+s3], $0x80, v3, vm0, $0xb8;
	[tilespmem:$0x18300] =	vst v63  }
0x382: {  	v3 =	vld [tilespmem:$0x230];
	_ =	sdelay $0x4  }
0x383: {  	v51 =	vshll.u32 v3, $0x3  }
0x384: {  	v3 =	vand.u32 $0x7, v3;
	v4 =	vand.u32 $0xFFFFFFC0, v51  }
0x385: {  	v3 =	vor.u32 v3, v4  }
0x386: {  	v4 =	vperm.xlane v3, v0;
	_ =	sdelay $0x1  }
0x387: {  	v4 =	vadd.s32 v1, v4;
	_ =	sdelay $0x3  }
0x388: {  	s25 =	simm.s32 $0x14300  }
0x389: {  	[tilespmem:s25], [sflag:$0x3] =	stream.indirect_vreg.gather [hbm4b:s2+s3], $0x80, v4, vm0, $0xb8;
	[tilespmem:$0x18300] =	vst v63  }
0x38a: {  	s29 =	simm.s32 $0x14B00;
	v3 =	vperm.xlane v3, v2  }
0x38b: {  	[tilespmem:s29], [sflag:$0x3] =	stream.indirect_vreg.gather [hbm4b:s5+s3], $0x80, v4, vm0, $0xb8;
	[tilespmem:$0x18300] =	vst v63  }
0x38c: {  	s30 =	simm.s32 $0x15300;
	v3 =	vadd.s32 v1, v3  }
0x38d: {  	[tilespmem:s30], [sflag:$0x3] =	stream.indirect_vreg.gather [hbm4b:s6+s3], $0x80, v4, vm0, $0xb8;
	[tilespmem:$0x18300] =	vst v63  }
0x38e: {  	s31 =	simm.s32 $0x15B00  }
0x38f: {  	[tilespmem:s31], [sflag:$0x3] =	stream.indirect_vreg.gather [hbm4b:s7+s3], $0x80, v4, vm0, $0xb8;
	[tilespmem:$0x18300] =	vst v63  }
0x390: {  	s17 =	simm.s32 $0x16300  }
0x391: {  	[tilespmem:s17], [sflag:$0x3] =	stream.indirect_vreg.gather [hbm4b:s2+s3], $0x80, v3, vm0, $0xb8;
	[tilespmem:$0x18300] =	vst v63  }
0x392: {  	s21 =	simm.s32 $0x16B00  }
0x393: {  	[tilespmem:s21], [sflag:$0x3] =	stream.indirect_vreg.gather [hbm4b:s5+s3], $0x80, v3, vm0, $0xb8;
	[tilespmem:$0x18300] =	vst v63  }
0x394: {  	s25 =	simm.s32 $0x17300  }
0x395: {  	[tilespmem:s25], [sflag:$0x3] =	stream.indirect_vreg.gather [hbm4b:s6+s3], $0x80, v3, vm0, $0xb8;
	[tilespmem:$0x18300] =	vst v63  }
0x396: {  	s29 =	simm.s32 $0x17B00  }
0x397: {  	[tilespmem:s29], [sflag:$0x3] =	stream.indirect_vreg.gather [hbm4b:s7+s3], $0x80, v3, vm0, $0xb8;
	[tilespmem:$0x18300] =	vst v63  }
0x398: {  	_ =	swait.ge [sflag:s11], $0x8000  }
0x399: {  	[sflag:s11] =	ssyncset.done $0x0  }
0x39a: {  	s30 =	rddreg [dreg:$0x12];
	[sflag:s11] =	ssyncadd.s32 $0xFFFF8000  }
0x39b: {  	[hbm4b:s30+s3] =	stream.linear.scatter [tilespmem:s23], [sflag:$0x4], $0x8000, $0x38;
	[tilespmem:$0x18300] =	vst v63  }
0x39c: {  	_ =	swait.ge [sflag:s12], $0x8000  }
0x39d: {  	[sflag:s12] =	ssyncset.done $0x0  }
0x39e: {  	[sflag:s12] =	ssyncadd.s32 $0xFFFF8000  }
0x39f: {  	v3 =	vld [tilespmem:$0x240];
	_ =	sdelay $0x4  }
0x3a0: {  	v52 =	vshll.u32 v3, $0x3  }
0x3a1: {  	v3 =	vand.u32 $0x7, v3;
	v4 =	vand.u32 $0xFFFFFFC0, v52  }
0x3a2: {  	v3 =	vor.u32 v3, v4  }
0x3a3: {  	v4 =	vperm.xlane v3, v0;
	_ =	sdelay $0x1  }
0x3a4: {  	v4 =	vadd.s32 v1, v4;
	_ =	sdelay $0x4  }
0x3a5: {  	[tilespmem:s23], [sflag:$0x1] =	stream.indirect_vreg.gather [hbm4b:s2+s3], $0x80, v4, vm0, $0xb8;
	[tilespmem:$0x18300] =	vst v63  }
0x3a6: {  	s31 =	simm.s32 $0xB00;
	v3 =	vperm.xlane v3, v2  }
0x3a7: {  	[tilespmem:s31], [sflag:$0x1] =	stream.indirect_vreg.gather [hbm4b:s5+s3], $0x80, v4, vm0, $0xb8;
	[tilespmem:$0x18300] =	vst v63  }
0x3a8: {  	s17 =	simm.s32 $0x1300;
	v3 =	vadd.s32 v1, v3  }
0x3a9: {  	[tilespmem:s17], [sflag:$0x1] =	stream.indirect_vreg.gather [hbm4b:s6+s3], $0x80, v4, vm0, $0xb8;
	[tilespmem:$0x18300] =	vst v63  }
0x3aa: {  	s21 =	simm.s32 $0x1B00  }
0x3ab: {  	[tilespmem:s21], [sflag:$0x1] =	stream.indirect_vreg.gather [hbm4b:s7+s3], $0x80, v4, vm0, $0xb8;
	[tilespmem:$0x18300] =	vst v63  }
0x3ac: {  	s25 =	simm.s32 $0x2300  }
0x3ad: {  	[tilespmem:s25], [sflag:$0x1] =	stream.indirect_vreg.gather [hbm4b:s2+s3], $0x80, v3, vm0, $0xb8;
	[tilespmem:$0x18300] =	vst v63  }
0x3ae: {  	s29 =	simm.s32 $0x2B00  }
0x3af: {  	[tilespmem:s29], [sflag:$0x1] =	stream.indirect_vreg.gather [hbm4b:s5+s3], $0x80, v3, vm0, $0xb8;
	[tilespmem:$0x18300] =	vst v63  }
0x3b0: {  	s30 =	simm.s32 $0x3300  }
0x3b1: {  	[tilespmem:s30], [sflag:$0x1] =	stream.indirect_vreg.gather [hbm4b:s6+s3], $0x80, v3, vm0, $0xb8;
	[tilespmem:$0x18300] =	vst v63  }
0x3b2: {  	s31 =	simm.s32 $0x3B00  }
0x3b3: {  	[tilespmem:s31], [sflag:$0x1] =	stream.indirect_vreg.gather [hbm4b:s7+s3], $0x80, v3, vm0, $0xb8;
	[tilespmem:$0x18300] =	vst v63  }
0x3b4: {  	v3 =	vld [tilespmem:$0x250];
	_ =	sdelay $0x4  }
0x3b5: {  	v53 =	vshll.u32 v3, $0x3  }
0x3b6: {  	v3 =	vand.u32 $0x7, v3;
	v4 =	vand.u32 $0xFFFFFFC0, v53  }
0x3b7: {  	v3 =	vor.u32 v3, v4  }
0x3b8: {  	v4 =	vperm.xlane v3, v0;
	_ =	sdelay $0x1  }
0x3b9: {  	v4 =	vadd.s32 v1, v4;
	_ =	sdelay $0x3  }
0x3ba: {  	s17 =	simm.s32 $0x4300  }
0x3bb: {  	[tilespmem:s17], [sflag:$0x1] =	stream.indirect_vreg.gather [hbm4b:s2+s3], $0x80, v4, vm0, $0xb8;
	[tilespmem:$0x18300] =	vst v63  }
0x3bc: {  	s21 =	simm.s32 $0x4B00;
	v3 =	vperm.xlane v3, v2  }
0x3bd: {  	[tilespmem:s21], [sflag:$0x1] =	stream.indirect_vreg.gather [hbm4b:s5+s3], $0x80, v4, vm0, $0xb8;
	[tilespmem:$0x18300] =	vst v63  }
0x3be: {  	s22 =	simm.s32 $0x5300;
	v3 =	vadd.s32 v1, v3  }
0x3bf: {  	[tilespmem:s22], [sflag:$0x1] =	stream.indirect_vreg.gather [hbm4b:s6+s3], $0x80, v4, vm0, $0xb8;
	[tilespmem:$0x18300] =	vst v63  }
0x3c0: {  	s22 =	simm.s32 $0x5B00  }
0x3c1: {  	[tilespmem:s22], [sflag:$0x1] =	stream.indirect_vreg.gather [hbm4b:s7+s3], $0x80, v4, vm0, $0xb8;
	[tilespmem:$0x18300] =	vst v63  }
0x3c2: {  	s25 =	simm.s32 $0x6300  }
0x3c3: {  	[tilespmem:s25], [sflag:$0x1] =	stream.indirect_vreg.gather [hbm4b:s2+s3], $0x80, v3, vm0, $0xb8;
	[tilespmem:$0x18300] =	vst v63  }
0x3c4: {  	s29 =	simm.s32 $0x6B00  }
0x3c5: {  	[tilespmem:s29], [sflag:$0x1] =	stream.indirect_vreg.gather [hbm4b:s5+s3], $0x80, v3, vm0, $0xb8;
	[tilespmem:$0x18300] =	vst v63  }
0x3c6: {  	s28 =	simm.s32 $0x7300  }
0x3c7: {  	[tilespmem:s28], [sflag:$0x1] =	stream.indirect_vreg.gather [hbm4b:s6+s3], $0x80, v3, vm0, $0xb8;
	[tilespmem:$0x18300] =	vst v63  }
0x3c8: {  	s30 =	simm.s32 $0x7B00  }
0x3c9: {  	[tilespmem:s30], [sflag:$0x1] =	stream.indirect_vreg.gather [hbm4b:s7+s3], $0x80, v3, vm0, $0xb8;
	[tilespmem:$0x18300] =	vst v63  }
0x3ca: {  	_ =	swait.ge [sflag:s13], $0x8000  }
0x3cb: {  	[sflag:s13] =	ssyncset.done $0x0  }
0x3cc: {  	s31 =	rddreg [dreg:$0x13];
	[sflag:s13] =	ssyncadd.s32 $0xFFFF8000  }
0x3cd: {  	[hbm4b:s31+s3] =	stream.linear.scatter [tilespmem:s26], [sflag:$0x5], $0x8000, $0x38;
	[tilespmem:$0x18300] =	vst v63  }
0x3ce: {  	_ =	swait.ge [sflag:s14], $0x8000  }
0x3cf: {  	[sflag:s14] =	ssyncset.done $0x0  }
0x3d0: {  	[sflag:s14] =	ssyncadd.s32 $0xFFFF8000  }
0x3d1: {  	v3 =	vld [tilespmem:$0x260];
	_ =	sdelay $0x4  }
0x3d2: {  	v54 =	vshll.u32 v3, $0x3  }
0x3d3: {  	v3 =	vand.u32 $0x7, v3;
	v4 =	vand.u32 $0xFFFFFFC0, v54  }
0x3d4: {  	v3 =	vor.u32 v3, v4  }
0x3d5: {  	v4 =	vperm.xlane v3, v0;
	_ =	sdelay $0x1  }
0x3d6: {  	v4 =	vadd.s32 v1, v4;
	_ =	sdelay $0x4  }
0x3d7: {  	[tilespmem:s26], [sflag:$0x2] =	stream.indirect_vreg.gather [hbm4b:s2+s3], $0x80, v4, vm0, $0xb8;
	[tilespmem:$0x18300] =	vst v63  }
0x3d8: {  	s22 =	simm.s32 $0x8B00;
	v3 =	vperm.xlane v3, v2  }
0x3d9: {  	[tilespmem:s22], [sflag:$0x2] =	stream.indirect_vreg.gather [hbm4b:s5+s3], $0x80, v4, vm0, $0xb8;
	[tilespmem:$0x18300] =	vst v63  }
0x3da: {  	s30 =	simm.s32 $0x9300;
	v3 =	vadd.s32 v1, v3  }
0x3db: {  	[tilespmem:s30], [sflag:$0x2] =	stream.indirect_vreg.gather [hbm4b:s6+s3], $0x80, v4, vm0, $0xb8;
	[tilespmem:$0x18300] =	vst v63  }
0x3dc: {  	s31 =	simm.s32 $0x9B00  }
0x3dd: {  	[tilespmem:s31], [sflag:$0x2] =	stream.indirect_vreg.gather [hbm4b:s7+s3], $0x80, v4, vm0, $0xb8;
	[tilespmem:$0x18300] =	vst v63  }
0x3de: {  	s24 =	simm.s32 $0xA300  }
0x3df: {  	[tilespmem:s24], [sflag:$0x2] =	stream.indirect_vreg.gather [hbm4b:s2+s3], $0x80, v3, vm0, $0xb8;
	[tilespmem:$0x18300] =	vst v63  }
0x3e0: {  	s1 =	simm.s32 $0xAB00  }
0x3e1: {  	[tilespmem:s1], [sflag:$0x2] =	stream.indirect_vreg.gather [hbm4b:s5+s3], $0x80, v3, vm0, $0xb8;
	[tilespmem:$0x18300] =	vst v63  }
0x3e2: {  	s4 =	simm.s32 $0xB300  }
0x3e3: {  	[tilespmem:s4], [sflag:$0x2] =	stream.indirect_vreg.gather [hbm4b:s6+s3], $0x80, v3, vm0, $0xb8;
	[tilespmem:$0x18300] =	vst v63  }
0x3e4: {  	s17 =	simm.s32 $0xBB00  }
0x3e5: {  	[tilespmem:s17], [sflag:$0x2] =	stream.indirect_vreg.gather [hbm4b:s7+s3], $0x80, v3, vm0, $0xb8;
	[tilespmem:$0x18300] =	vst v63  }
0x3e6: {  	v3 =	vld [tilespmem:$0x270];
	_ =	sdelay $0x4  }
0x3e7: {  	v55 =	vshll.u32 v3, $0x3  }
0x3e8: {  	v3 =	vand.u32 $0x7, v3;
	v4 =	vand.u32 $0xFFFFFFC0, v55  }
0x3e9: {  	v3 =	vor.u32 v3, v4  }
0x3ea: {  	v4 =	vperm.xlane v3, v0;
	_ =	sdelay $0x1  }
0x3eb: {  	v4 =	vadd.s32 v1, v4;
	_ =	sdelay $0x3  }
0x3ec: {  	s17 =	simm.s32 $0xC300  }
0x3ed: {  	[tilespmem:s17], [sflag:$0x2] =	stream.indirect_vreg.gather [hbm4b:s2+s3], $0x80, v4, vm0, $0xb8;
	[tilespmem:$0x18300] =	vst v63  }
0x3ee: {  	v3 =	vperm.xlane v3, v2;
	s17 =	simm.s32 $0xCB00  }
0x3ef: {  	[tilespmem:s17], [sflag:$0x2] =	stream.indirect_vreg.gather [hbm4b:s5+s3], $0x80, v4, vm0, $0xb8;
	[tilespmem:$0x18300] =	vst v63  }
0x3f0: {  	s8 =	simm.s32 $0xD300;
	v3 =	vadd.s32 v1, v3  }
0x3f1: {  	[tilespmem:s8], [sflag:$0x2] =	stream.indirect_vreg.gather [hbm4b:s6+s3], $0x80, v4, vm0, $0xb8;
	[tilespmem:$0x18300] =	vst v63  }
0x3f2: {  	s9 =	simm.s32 $0xDB00  }
0x3f3: {  	[tilespmem:s9], [sflag:$0x2] =	stream.indirect_vreg.gather [hbm4b:s7+s3], $0x80, v4, vm0, $0xb8;
	[tilespmem:$0x18300] =	vst v63  }
0x3f4: {  	s10 =	simm.s32 $0xE300  }
0x3f5: {  	[tilespmem:s10], [sflag:$0x2] =	stream.indirect_vreg.gather [hbm4b:s2+s3], $0x80, v3, vm0, $0xb8;
	[tilespmem:$0x18300] =	vst v63  }
0x3f6: {  	s19 =	simm.s32 $0xEB00  }
0x3f7: {  	[tilespmem:s19], [sflag:$0x2] =	stream.indirect_vreg.gather [hbm4b:s5+s3], $0x80, v3, vm0, $0xb8;
	[tilespmem:$0x18300] =	vst v63  }
0x3f8: {  	s20 =	simm.s32 $0xF300  }
0x3f9: {  	[tilespmem:s20], [sflag:$0x2] =	stream.indirect_vreg.gather [hbm4b:s6+s3], $0x80, v3, vm0, $0xb8;
	[tilespmem:$0x18300] =	vst v63  }
0x3fa: {  	s20 =	simm.s32 $0xFB00  }
0x3fb: {  	[tilespmem:s20], [sflag:$0x2] =	stream.indirect_vreg.gather [hbm4b:s7+s3], $0x80, v3, vm0, $0xb8;
	[tilespmem:$0x18300] =	vst v63  }
0x3fc: {  	_ =	swait.ge [sflag:s15], $0x8000  }
0x3fd: {  	[sflag:s15] =	ssyncset.done $0x0  }
0x3fe: {  	s20 =	rddreg [dreg:$0x14];
	[sflag:s15] =	ssyncadd.s32 $0xFFFF8000  }
0x3ff: {  	[hbm4b:s20+s3] =	stream.linear.scatter [tilespmem:s18], [sflag:$0x6], $0x8000, $0x38;
	[tilespmem:$0x18300] =	vst v63  }
0x400: {  	_ =	swait.ge [sflag:s16], $0x8000  }
0x401: {  	[sflag:s16] =	ssyncset.done $0x0  }
0x402: {  	[sflag:s16] =	ssyncadd.s32 $0xFFFF8000  }
0x403: {  	v3 =	vld [tilespmem:$0x280];
	_ =	sdelay $0x4  }
0x404: {  	v56 =	vshll.u32 v3, $0x3  }
0x405: {  	v3 =	vand.u32 $0x7, v3;
	v4 =	vand.u32 $0xFFFFFFC0, v56  }
0x406: {  	v3 =	vor.u32 v3, v4  }
0x407: {  	v4 =	vperm.xlane v3, v0;
	_ =	sdelay $0x1  }
0x408: {  	v4 =	vadd.s32 v1, v4;
	_ =	sdelay $0x4  }
0x409: {  	[tilespmem:s18], [sflag:$0x3] =	stream.indirect_vreg.gather [hbm4b:s2+s3], $0x80, v4, vm0, $0xb8;
	[tilespmem:$0x18300] =	vst v63  }
0x40a: {  	s20 =	simm.s32 $0x10B00;
	v3 =	vperm.xlane v3, v2  }
0x40b: {  	[tilespmem:s20], [sflag:$0x3] =	stream.indirect_vreg.gather [hbm4b:s5+s3], $0x80, v4, vm0, $0xb8;
	[tilespmem:$0x18300] =	vst v63  }
0x40c: {  	v3 =	vadd.s32 v1, v3;
	s20 =	simm.s32 $0x11300  }
0x40d: {  	[tilespmem:s20], [sflag:$0x3] =	stream.indirect_vreg.gather [hbm4b:s6+s3], $0x80, v4, vm0, $0xb8;
	[tilespmem:$0x18300] =	vst v63  }
0x40e: {  	s17 =	simm.s32 $0x11B00  }
0x40f: {  	[tilespmem:s17], [sflag:$0x3] =	stream.indirect_vreg.gather [hbm4b:s7+s3], $0x80, v4, vm0, $0xb8;
	[tilespmem:$0x18300] =	vst v63  }
0x410: {  	s17 =	simm.s32 $0x12300  }
0x411: {  	[tilespmem:s17], [sflag:$0x3] =	stream.indirect_vreg.gather [hbm4b:s2+s3], $0x80, v3, vm0, $0xb8;
	[tilespmem:$0x18300] =	vst v63  }
0x412: {  	s17 =	simm.s32 $0x12B00  }
0x413: {  	[tilespmem:s17], [sflag:$0x3] =	stream.indirect_vreg.gather [hbm4b:s5+s3], $0x80, v3, vm0, $0xb8;
	[tilespmem:$0x18300] =	vst v63  }
0x414: {  	s17 =	simm.s32 $0x13300  }
0x415: {  	[tilespmem:s17], [sflag:$0x3] =	stream.indirect_vreg.gather [hbm4b:s6+s3], $0x80, v3, vm0, $0xb8;
	[tilespmem:$0x18300] =	vst v63  }
0x416: {  	s17 =	simm.s32 $0x13B00  }
0x417: {  	[tilespmem:s17], [sflag:$0x3] =	stream.indirect_vreg.gather [hbm4b:s7+s3], $0x80, v3, vm0, $0xb8;
	[tilespmem:$0x18300] =	vst v63  }
0x418: {  	v3 =	vld [tilespmem:$0x290];
	_ =	sdelay $0x4  }
0x419: {  	v57 =	vshll.u32 v3, $0x3  }
0x41a: {  	v3 =	vand.u32 $0x7, v3;
	v4 =	vand.u32 $0xFFFFFFC0, v57  }
0x41b: {  	v3 =	vor.u32 v3, v4  }
0x41c: {  	v4 =	vperm.xlane v3, v0;
	_ =	sdelay $0x1  }
0x41d: {  	v4 =	vadd.s32 v1, v4;
	_ =	sdelay $0x3  }
0x41e: {  	s17 =	simm.s32 $0x14300  }
0x41f: {  	[tilespmem:s17], [sflag:$0x3] =	stream.indirect_vreg.gather [hbm4b:s2+s3], $0x80, v4, vm0, $0xb8;
	[tilespmem:$0x18300] =	vst v63  }
0x420: {  	v3 =	vperm.xlane v3, v2;
	s17 =	simm.s32 $0x14B00  }
0x421: {  	[tilespmem:s17], [sflag:$0x3] =	stream.indirect_vreg.gather [hbm4b:s5+s3], $0x80, v4, vm0, $0xb8;
	[tilespmem:$0x18300] =	vst v63  }
0x422: {  	v3 =	vadd.s32 v1, v3;
	s17 =	simm.s32 $0x15300  }
0x423: {  	[tilespmem:s17], [sflag:$0x3] =	stream.indirect_vreg.gather [hbm4b:s6+s3], $0x80, v4, vm0, $0xb8;
	[tilespmem:$0x18300] =	vst v63  }
0x424: {  	s17 =	simm.s32 $0x15B00  }
0x425: {  	[tilespmem:s17], [sflag:$0x3] =	stream.indirect_vreg.gather [hbm4b:s7+s3], $0x80, v4, vm0, $0xb8;
	[tilespmem:$0x18300] =	vst v63  }
0x426: {  	s17 =	simm.s32 $0x16300  }
0x427: {  	[tilespmem:s17], [sflag:$0x3] =	stream.indirect_vreg.gather [hbm4b:s2+s3], $0x80, v3, vm0, $0xb8;
	[tilespmem:$0x18300] =	vst v63  }
0x428: {  	s17 =	simm.s32 $0x16B00  }
0x429: {  	[tilespmem:s17], [sflag:$0x3] =	stream.indirect_vreg.gather [hbm4b:s5+s3], $0x80, v3, vm0, $0xb8;
	[tilespmem:$0x18300] =	vst v63  }
0x42a: {  	s17 =	simm.s32 $0x17300  }
0x42b: {  	[tilespmem:s17], [sflag:$0x3] =	stream.indirect_vreg.gather [hbm4b:s6+s3], $0x80, v3, vm0, $0xb8;
	[tilespmem:$0x18300] =	vst v63  }
0x42c: {  	s17 =	simm.s32 $0x17B00  }
0x42d: {  	[tilespmem:s17], [sflag:$0x3] =	stream.indirect_vreg.gather [hbm4b:s7+s3], $0x80, v3, vm0, $0xb8;
	[tilespmem:$0x18300] =	vst v63  }
0x42e: {  	_ =	swait.ge [sflag:s11], $0x8000  }
0x42f: {  	[sflag:s11] =	ssyncset.done $0x0  }
0x430: {  	s17 =	rddreg [dreg:$0x15];
	[sflag:s11] =	ssyncadd.s32 $0xFFFF8000  }
0x431: {  	[hbm4b:s17+s3] =	stream.linear.scatter [tilespmem:s23], [sflag:$0x4], $0x8000, $0x38;
	[tilespmem:$0x18300] =	vst v63  }
0x432: {  	_ =	swait.ge [sflag:s12], $0x8000  }
0x433: {  	[sflag:s12] =	ssyncset.done $0x0  }
0x434: {  	[sflag:s12] =	ssyncadd.s32 $0xFFFF8000  }
0x435: {  	v3 =	vld [tilespmem:$0x2A0];
	_ =	sdelay $0x4  }
0x436: {  	v58 =	vshll.u32 v3, $0x3  }
0x437: {  	v3 =	vand.u32 $0x7, v3;
	v4 =	vand.u32 $0xFFFFFFC0, v58  }
0x438: {  	v3 =	vor.u32 v3, v4  }
0x439: {  	v4 =	vperm.xlane v3, v0;
	_ =	sdelay $0x1  }
0x43a: {  	v4 =	vadd.s32 v1, v4;
	_ =	sdelay $0x4  }
0x43b: {  	[tilespmem:s23], [sflag:$0x1] =	stream.indirect_vreg.gather [hbm4b:s2+s3], $0x80, v4, vm0, $0xb8;
	[tilespmem:$0x18300] =	vst v63  }
0x43c: {  	s17 =	simm.s32 $0xB00;
	v3 =	vperm.xlane v3, v2  }
0x43d: {  	[tilespmem:s17], [sflag:$0x1] =	stream.indirect_vreg.gather [hbm4b:s5+s3], $0x80, v4, vm0, $0xb8;
	[tilespmem:$0x18300] =	vst v63  }
0x43e: {  	v3 =	vadd.s32 v1, v3;
	s17 =	simm.s32 $0x1300  }
0x43f: {  	[tilespmem:s17], [sflag:$0x1] =	stream.indirect_vreg.gather [hbm4b:s6+s3], $0x80, v4, vm0, $0xb8;
	[tilespmem:$0x18300] =	vst v63  }
0x440: {  	s17 =	simm.s32 $0x1B00  }
0x441: {  	[tilespmem:s17], [sflag:$0x1] =	stream.indirect_vreg.gather [hbm4b:s7+s3], $0x80, v4, vm0, $0xb8;
	[tilespmem:$0x18300] =	vst v63  }
0x442: {  	s17 =	simm.s32 $0x2300  }
0x443: {  	[tilespmem:s17], [sflag:$0x1] =	stream.indirect_vreg.gather [hbm4b:s2+s3], $0x80, v3, vm0, $0xb8;
	[tilespmem:$0x18300] =	vst v63  }
0x444: {  	s17 =	simm.s32 $0x2B00  }
0x445: {  	[tilespmem:s17], [sflag:$0x1] =	stream.indirect_vreg.gather [hbm4b:s5+s3], $0x80, v3, vm0, $0xb8;
	[tilespmem:$0x18300] =	vst v63  }
0x446: {  	s17 =	simm.s32 $0x3300  }
0x447: {  	[tilespmem:s17], [sflag:$0x1] =	stream.indirect_vreg.gather [hbm4b:s6+s3], $0x80, v3, vm0, $0xb8;
	[tilespmem:$0x18300] =	vst v63  }
0x448: {  	s17 =	simm.s32 $0x3B00  }
0x449: {  	[tilespmem:s17], [sflag:$0x1] =	stream.indirect_vreg.gather [hbm4b:s7+s3], $0x80, v3, vm0, $0xb8;
	[tilespmem:$0x18300] =	vst v63  }
0x44a: {  	v3 =	vld [tilespmem:$0x2B0];
	_ =	sdelay $0x4  }
0x44b: {  	v59 =	vshll.u32 v3, $0x3  }
0x44c: {  	v3 =	vand.u32 $0x7, v3;
	v4 =	vand.u32 $0xFFFFFFC0, v59  }
0x44d: {  	v3 =	vor.u32 v3, v4  }
0x44e: {  	v4 =	vperm.xlane v3, v0;
	_ =	sdelay $0x1  }
0x44f: {  	v4 =	vadd.s32 v1, v4;
	_ =	sdelay $0x3  }
0x450: {  	s17 =	simm.s32 $0x4300  }
0x451: {  	[tilespmem:s17], [sflag:$0x1] =	stream.indirect_vreg.gather [hbm4b:s2+s3], $0x80, v4, vm0, $0xb8;
	[tilespmem:$0x18300] =	vst v63  }
0x452: {  	v3 =	vperm.xlane v3, v2;
	s17 =	simm.s32 $0x4B00  }
0x453: {  	[tilespmem:s17], [sflag:$0x1] =	stream.indirect_vreg.gather [hbm4b:s5+s3], $0x80, v4, vm0, $0xb8;
	[tilespmem:$0x18300] =	vst v63  }
0x454: {  	s0 =	simm.s32 $0x5300;
	v3 =	vadd.s32 v1, v3  }
0x455: {  	[tilespmem:s0], [sflag:$0x1] =	stream.indirect_vreg.gather [hbm4b:s6+s3], $0x80, v4, vm0, $0xb8;
	[tilespmem:$0x18300] =	vst v63  }
0x456: {  	s21 =	simm.s32 $0x5B00  }
0x457: {  	[tilespmem:s21], [sflag:$0x1] =	stream.indirect_vreg.gather [hbm4b:s7+s3], $0x80, v4, vm0, $0xb8;
	[tilespmem:$0x18300] =	vst v63  }
0x458: {  	s25 =	simm.s32 $0x6300  }
0x459: {  	[tilespmem:s25], [sflag:$0x1] =	stream.indirect_vreg.gather [hbm4b:s2+s3], $0x80, v3, vm0, $0xb8;
	[tilespmem:$0x18300] =	vst v63  }
0x45a: {  	s29 =	simm.s32 $0x6B00  }
0x45b: {  	[tilespmem:s29], [sflag:$0x1] =	stream.indirect_vreg.gather [hbm4b:s5+s3], $0x80, v3, vm0, $0xb8;
	[tilespmem:$0x18300] =	vst v63  }
0x45c: {  	s28 =	simm.s32 $0x7300  }
0x45d: {  	[tilespmem:s28], [sflag:$0x1] =	stream.indirect_vreg.gather [hbm4b:s6+s3], $0x80, v3, vm0, $0xb8;
	[tilespmem:$0x18300] =	vst v63  }
0x45e: {  	s29 =	simm.s32 $0x7B00  }
0x45f: {  	[tilespmem:s29], [sflag:$0x1] =	stream.indirect_vreg.gather [hbm4b:s7+s3], $0x80, v3, vm0, $0xb8;
	[tilespmem:$0x18300] =	vst v63  }
0x460: {  	_ =	swait.ge [sflag:s13], $0x8000  }
0x461: {  	[sflag:s13] =	ssyncset.done $0x0  }
0x462: {  	s0 =	rddreg [dreg:$0x16];
	[sflag:s13] =	ssyncadd.s32 $0xFFFF8000  }
0x463: {  	[hbm4b:s0+s3] =	stream.linear.scatter [tilespmem:s26], [sflag:$0x5], $0x8000, $0x38;
	[tilespmem:$0x18300] =	vst v63  }
0x464: {  	_ =	swait.ge [sflag:s14], $0x8000  }
0x465: {  	[sflag:s14] =	ssyncset.done $0x0  }
0x466: {  	[sflag:s14] =	ssyncadd.s32 $0xFFFF8000  }
0x467: {  	v3 =	vld [tilespmem:$0x2C0];
	_ =	sdelay $0x4  }
0x468: {  	v60 =	vshll.u32 v3, $0x3  }
0x469: {  	v3 =	vand.u32 $0x7, v3;
	v4 =	vand.u32 $0xFFFFFFC0, v60  }
0x46a: {  	v3 =	vor.u32 v3, v4  }
0x46b: {  	v4 =	vperm.xlane v3, v0;
	_ =	sdelay $0x1  }
0x46c: {  	v4 =	vadd.s32 v1, v4;
	_ =	sdelay $0x4  }
0x46d: {  	[tilespmem:s26], [sflag:$0x2] =	stream.indirect_vreg.gather [hbm4b:s2+s3], $0x80, v4, vm0, $0xb8;
	[tilespmem:$0x18300] =	vst v63  }
0x46e: {  	s21 =	simm.s32 $0x8B00;
	v3 =	vperm.xlane v3, v2  }
0x46f: {  	[tilespmem:s21], [sflag:$0x2] =	stream.indirect_vreg.gather [hbm4b:s5+s3], $0x80, v4, vm0, $0xb8;
	[tilespmem:$0x18300] =	vst v63  }
0x470: {  	s30 =	simm.s32 $0x9300;
	v3 =	vadd.s32 v1, v3  }
0x471: {  	[tilespmem:s30], [sflag:$0x2] =	stream.indirect_vreg.gather [hbm4b:s6+s3], $0x80, v4, vm0, $0xb8;
	[tilespmem:$0x18300] =	vst v63  }
0x472: {  	s31 =	simm.s32 $0x9B00  }
0x473: {  	[tilespmem:s31], [sflag:$0x2] =	stream.indirect_vreg.gather [hbm4b:s7+s3], $0x80, v4, vm0, $0xb8;
	[tilespmem:$0x18300] =	vst v63  }
0x474: {  	s22 =	simm.s32 $0xA300  }
0x475: {  	[tilespmem:s22], [sflag:$0x2] =	stream.indirect_vreg.gather [hbm4b:s2+s3], $0x80, v3, vm0, $0xb8;
	[tilespmem:$0x18300] =	vst v63  }
0x476: {  	s24 =	simm.s32 $0xAB00  }
0x477: {  	[tilespmem:s24], [sflag:$0x2] =	stream.indirect_vreg.gather [hbm4b:s5+s3], $0x80, v3, vm0, $0xb8;
	[tilespmem:$0x18300] =	vst v63  }
0x478: {  	s1 =	simm.s32 $0xB300  }
0x479: {  	[tilespmem:s1], [sflag:$0x2] =	stream.indirect_vreg.gather [hbm4b:s6+s3], $0x80, v3, vm0, $0xb8;
	[tilespmem:$0x18300] =	vst v63  }
0x47a: {  	s24 =	simm.s32 $0xBB00  }
0x47b: {  	[tilespmem:s24], [sflag:$0x2] =	stream.indirect_vreg.gather [hbm4b:s7+s3], $0x80, v3, vm0, $0xb8;
	[tilespmem:$0x18300] =	vst v63  }
0x47c: {  	v3 =	vld [tilespmem:$0x2D0];
	_ =	sdelay $0x4  }
0x47d: {  	v61 =	vshll.u32 v3, $0x3  }
0x47e: {  	v3 =	vand.u32 $0x7, v3;
	v4 =	vand.u32 $0xFFFFFFC0, v61  }
0x47f: {  	v3 =	vor.u32 v3, v4  }
0x480: {  	v4 =	vperm.xlane v3, v0;
	_ =	sdelay $0x1  }
0x481: {  	v4 =	vadd.s32 v1, v4;
	_ =	sdelay $0x3  }
0x482: {  	s25 =	simm.s32 $0xC300  }
0x483: {  	[tilespmem:s25], [sflag:$0x2] =	stream.indirect_vreg.gather [hbm4b:s2+s3], $0x80, v4, vm0, $0xb8;
	[tilespmem:$0x18300] =	vst v63  }
0x484: {  	s28 =	simm.s32 $0xCB00;
	v3 =	vperm.xlane v3, v2  }
0x485: {  	[tilespmem:s28], [sflag:$0x2] =	stream.indirect_vreg.gather [hbm4b:s5+s3], $0x80, v4, vm0, $0xb8;
	[tilespmem:$0x18300] =	vst v63  }
0x486: {  	s4 =	simm.s32 $0xD300;
	v3 =	vadd.s32 v1, v3  }
0x487: {  	[tilespmem:s4], [sflag:$0x2] =	stream.indirect_vreg.gather [hbm4b:s6+s3], $0x80, v4, vm0, $0xb8;
	[tilespmem:$0x18300] =	vst v63  }
0x488: {  	s8 =	simm.s32 $0xDB00  }
0x489: {  	[tilespmem:s8], [sflag:$0x2] =	stream.indirect_vreg.gather [hbm4b:s7+s3], $0x80, v4, vm0, $0xb8;
	[tilespmem:$0x18300] =	vst v63  }
0x48a: {  	s9 =	simm.s32 $0xE300  }
0x48b: {  	[tilespmem:s9], [sflag:$0x2] =	stream.indirect_vreg.gather [hbm4b:s2+s3], $0x80, v3, vm0, $0xb8;
	[tilespmem:$0x18300] =	vst v63  }
0x48c: {  	s10 =	simm.s32 $0xEB00  }
0x48d: {  	[tilespmem:s10], [sflag:$0x2] =	stream.indirect_vreg.gather [hbm4b:s5+s3], $0x80, v3, vm0, $0xb8;
	[tilespmem:$0x18300] =	vst v63  }
0x48e: {  	s19 =	simm.s32 $0xF300  }
0x48f: {  	[tilespmem:s19], [sflag:$0x2] =	stream.indirect_vreg.gather [hbm4b:s6+s3], $0x80, v3, vm0, $0xb8;
	[tilespmem:$0x18300] =	vst v63  }
0x490: {  	s29 =	simm.s32 $0xFB00  }
0x491: {  	[tilespmem:s29], [sflag:$0x2] =	stream.indirect_vreg.gather [hbm4b:s7+s3], $0x80, v3, vm0, $0xb8;
	[tilespmem:$0x18300] =	vst v63  }
0x492: {  	_ =	swait.ge [sflag:s15], $0x8000  }
0x493: {  	[sflag:s15] =	ssyncset.done $0x0  }
0x494: {  	s30 =	rddreg [dreg:$0x17];
	[sflag:s15] =	ssyncadd.s32 $0xFFFF8000  }
0x495: {  	[hbm4b:s30+s3] =	stream.linear.scatter [tilespmem:s18], [sflag:$0x6], $0x8000, $0x38;
	[tilespmem:$0x18300] =	vst v63  }
0x496: {  	_ =	swait.ge [sflag:s16], $0x8000  }
0x497: {  	[sflag:s16] =	ssyncset.done $0x0  }
0x498: {  	[sflag:s16] =	ssyncadd.s32 $0xFFFF8000  }
0x499: {  	v3 =	vld [tilespmem:$0x2E0];
	_ =	sdelay $0x4  }
0x49a: {  	v62 =	vshll.u32 v3, $0x3  }
0x49b: {  	v3 =	vand.u32 $0x7, v3;
	v4 =	vand.u32 $0xFFFFFFC0, v62  }
0x49c: {  	v3 =	vor.u32 v3, v4  }
0x49d: {  	v4 =	vperm.xlane v3, v0;
	_ =	sdelay $0x1  }
0x49e: {  	v4 =	vadd.s32 v1, v4;
	_ =	sdelay $0x4  }
0x49f: {  	[tilespmem:s18], [sflag:$0x3] =	stream.indirect_vreg.gather [hbm4b:s2+s3], $0x80, v4, vm0, $0xb8;
	[tilespmem:$0x18300] =	vst v63  }
0x4a0: {  	s31 =	simm.s32 $0x10B00;
	v3 =	vperm.xlane v3, v2  }
0x4a1: {  	[tilespmem:s31], [sflag:$0x3] =	stream.indirect_vreg.gather [hbm4b:s5+s3], $0x80, v4, vm0, $0xb8;
	[tilespmem:$0x18300] =	vst v63  }
0x4a2: {  	s20 =	simm.s32 $0x11300;
	v3 =	vadd.s32 v1, v3  }
0x4a3: {  	[tilespmem:s20], [sflag:$0x3] =	stream.indirect_vreg.gather [hbm4b:s6+s3], $0x80, v4, vm0, $0xb8;
	[tilespmem:$0x18300] =	vst v63  }
0x4a4: {  	s1 =	simm.s32 $0x11B00  }
0x4a5: {  	[tilespmem:s1], [sflag:$0x3] =	stream.indirect_vreg.gather [hbm4b:s7+s3], $0x80, v4, vm0, $0xb8;
	[tilespmem:$0x18300] =	vst v63  }
0x4a6: {  	s4 =	simm.s32 $0x12300  }
0x4a7: {  	[tilespmem:s4], [sflag:$0x3] =	stream.indirect_vreg.gather [hbm4b:s2+s3], $0x80, v3, vm0, $0xb8;
	[tilespmem:$0x18300] =	vst v63  }
0x4a8: {  	s8 =	simm.s32 $0x12B00  }
0x4a9: {  	[tilespmem:s8], [sflag:$0x3] =	stream.indirect_vreg.gather [hbm4b:s5+s3], $0x80, v3, vm0, $0xb8;
	[tilespmem:$0x18300] =	vst v63  }
0x4aa: {  	s9 =	simm.s32 $0x13300  }
0x4ab: {  	[tilespmem:s9], [sflag:$0x3] =	stream.indirect_vreg.gather [hbm4b:s6+s3], $0x80, v3, vm0, $0xb8;
	[tilespmem:$0x18300] =	vst v63  }
0x4ac: {  	s10 =	simm.s32 $0x13B00  }
0x4ad: {  	[tilespmem:s10], [sflag:$0x3] =	stream.indirect_vreg.gather [hbm4b:s7+s3], $0x80, v3, vm0, $0xb8;
	[tilespmem:$0x18300] =	vst v63  }
0x4ae: {  	v3 =	vld [tilespmem:$0x2F0];
	_ =	sdelay $0x4  }
0x4af: {  	v63 =	vshll.u32 v3, $0x3  }
0x4b0: {  	v3 =	vand.u32 $0x7, v3;
	v4 =	vand.u32 $0xFFFFFFC0, v63  }
0x4b1: {  	v3 =	vor.u32 v3, v4  }
0x4b2: {  	v4 =	vperm.xlane v3, v0;
	_ =	sdelay $0x1  }
0x4b3: {  	v4 =	vadd.s32 v1, v4;
	_ =	sdelay $0x3  }
0x4b4: {  	s17 =	simm.s32 $0x14300  }
0x4b5: {  	[tilespmem:s17], [sflag:$0x3] =	stream.indirect_vreg.gather [hbm4b:s2+s3], $0x80, v4, vm0, $0xb8;
	[tilespmem:$0x18300] =	vst v63  }
0x4b6: {  	s19 =	simm.s32 $0x14B00;
	v3 =	vperm.xlane v3, v2  }
0x4b7: {  	[tilespmem:s19], [sflag:$0x3] =	stream.indirect_vreg.gather [hbm4b:s5+s3], $0x80, v4, vm0, $0xb8;
	[tilespmem:$0x18300] =	vst v63  }
0x4b8: {  	s20 =	simm.s32 $0x15300;
	v3 =	vadd.s32 v1, v3  }
0x4b9: {  	[tilespmem:s20], [sflag:$0x3] =	stream.indirect_vreg.gather [hbm4b:s6+s3], $0x80, v4, vm0, $0xb8;
	[tilespmem:$0x18300] =	vst v63  }
0x4ba: {  	s21 =	simm.s32 $0x15B00  }
0x4bb: {  	[tilespmem:s21], [sflag:$0x3] =	stream.indirect_vreg.gather [hbm4b:s7+s3], $0x80, v4, vm0, $0xb8;
	[tilespmem:$0x18300] =	vst v63  }
0x4bc: {  	s22 =	simm.s32 $0x16300  }
0x4bd: {  	[tilespmem:s22], [sflag:$0x3] =	stream.indirect_vreg.gather [hbm4b:s2+s3], $0x80, v3, vm0, $0xb8;
	[tilespmem:$0x18300] =	vst v63  }
0x4be: {  	s24 =	simm.s32 $0x16B00  }
0x4bf: {  	[tilespmem:s24], [sflag:$0x3] =	stream.indirect_vreg.gather [hbm4b:s5+s3], $0x80, v3, vm0, $0xb8;
	[tilespmem:$0x18300] =	vst v63  }
0x4c0: {  	s25 =	simm.s32 $0x17300  }
0x4c1: {  	[tilespmem:s25], [sflag:$0x3] =	stream.indirect_vreg.gather [hbm4b:s6+s3], $0x80, v3, vm0, $0xb8;
	[tilespmem:$0x18300] =	vst v63  }
0x4c2: {  	s28 =	simm.s32 $0x17B00  }
0x4c3: {  	[tilespmem:s28], [sflag:$0x3] =	stream.indirect_vreg.gather [hbm4b:s7+s3], $0x80, v3, vm0, $0xb8;
	[tilespmem:$0x18300] =	vst v63  }
0x4c4: {  	s0 =	rddreg [dreg:$0x1c];
	_ =	swait.ge [sflag:s11], $0x8000  }
0x4c5: {  	[sflag:s11] =	ssyncset.done $0x0  }
0x4c6: {  	s29 =	rddreg [dreg:$0x18];
	[sflag:s11] =	ssyncadd.s32 $0xFFFF8000  }
0x4c7: {  	[hbm4b:s29+s3] =	stream.linear.scatter [tilespmem:s23], [sflag:$0x4], $0x8000, $0x38;
	[tilespmem:$0x18300] =	vst v63  }
0x4c8: {  	_ =	swait.ge [sflag:s13], $0x8000  }
0x4c9: {  	[sflag:s13] =	ssyncset.done $0x0  }
0x4ca: {  	s30 =	rddreg [dreg:$0x19];
	[sflag:s13] =	ssyncadd.s32 $0xFFFF8000  }
0x4cb: {  	[hbm4b:s30+s3] =	stream.linear.scatter [tilespmem:s26], [sflag:$0x5], $0x8000, $0x38;
	[tilespmem:$0x18300] =	vst v63  }
0x4cc: {  	_ =	swait.ge [sflag:s15], $0x8000  }
0x4cd: {  	[sflag:s15] =	ssyncset.done $0x0  }
0x4ce: {  	s31 =	rddreg [dreg:$0x1a];
	[sflag:s15] =	ssyncadd.s32 $0xFFFF8000  }
0x4cf: {  	[hbm4b:s31+s3] =	stream.linear.scatter [tilespmem:s18], [sflag:$0x6], $0x8000, $0x38;
	[tilespmem:$0x18300] =	vst v63  }
0x4d0: {  	_ =	swait.ge [sflag:s12], $0x8000  }
0x4d1: {  	[sflag:s12] =	ssyncset.done $0x0  }
0x4d2: {  	[sflag:s12] =	ssyncadd.s32 $0xFFFF8000  }
0x4d3: {  	p0 =	sne.s32 s0, $0x1;
	_ =	swait.ge [sflag:s14], $0x8000  }
.Ltmp0:
0x4d4: {  	[sflag:s14] =	ssyncset.done $0x0;
	(pc) =	sbr.rel @p0 .LBB2_1-.Ltmp0, $4  }
0x4d5: {  	[sflag:s14] =	ssyncadd.s32 $0xFFFF8000  }
0x4d6: {  	_ =	swait.ge [sflag:s16], $0x8000  }
0x4d7: {  	[sflag:s16] =	ssyncset.done $0x0  }
0x4d8: {  	s0 =	sadd.s32 $0xFFFFFFFF, s0;
	[sflag:s16] =	ssyncadd.s32 $0xFFFF8000  }
0x4d9: {  	_ =	sfence.sel $0x180000  }
0x4da: {  	[bflag:$0x0] =	sbarrier.arrive $0xFFFF  }
0x4db: {  	_ =	strace $0x90000050  }
0x4dc: {  	s0 =	stileid.u32;
	[bflag:$0x2] =	sbarrier.arrive $0xFFFF  }
0x4dd: {  	p0 =	sne.s32 s0, $0x0;
	s0 =	rddreg [dreg:$0x2]  }
0x4de: {  	s0 =	sadd.s32 @!p0 $0x100000, s0  }
0x4df: {  	[sflag:s0] =	ssyncadd.tile.s32 @!p0 $0x1;
	_ =	shalt  }
.Lfunc_end2:
_tile_overlayer_lowered:
.L_overlay_start_2:
0x4e0: {  	(tag) =	ssettag $0x2  }
0x4e1: {  	s0 =	rddreg [dreg:$0x0];
	s2 =	stileid.u32  }
0x4e2: {  	s1 =	rddreg [dreg:$0x1];
	p0 =	sne.s32 s2, $0x0  }
0x4e3: {  	s3 =	rddreg [dreg:$0x2];
	[bflag:$0x3] =	sbarrier.arrive $0xFFFF;
	s2 =	simm.s32 @!p0 $0x1C07  }
0x4e4: {  	[timem:s3], [sflag:s2] =	dma.local @!p0 [hbm:s0], s1  }
0x4e5: {  	s0 =	simm.s32 @!p0 $0x7  }
0x4e6: {  	_ =	swait.ge @!p0 [sflag:s0], s1  }
0x4e7: {  	s1 =	ssub.s32 @!p0 $0x0, s1;
	[sflag:s0] =	ssyncset.done @!p0 $0x0  }
0x4e8: {  	[sflag:s0] =	ssyncadd.s32 @!p0 s1  }
0x4e9: {  	[bflag:$0x3] =	sbarrier.arrive $0xFFFF  }
0x4ea: {  	_ =	shalt  }

// kernel: kernel.13.cloned.1.call-start
scs
__scs_entry_jumppad:
0x0: {  	(pc) =	sbr.rel $0x88, $3  }
0x1: {  	(tag) =	ssettag $0x0;
	lr =	simm.s32 $0x1  }
0x2: {  	[smem:$0x3F9C] =	sst lr;
	_ =	strace $0xD0000000  }
0x3: {  	_ = 	snop  }
0x4: {  	_ = 	snop  }
0x5: {  	_ = 	snop  }
0x6: {  	_ = 	snop  }
0x7: {  	_ = 	snop  }
__scs_overlays_trampoline_lowered:
0x8: {  	[smem:$0x3FAB] =	sst s0  }
0x9: {  	[smem:$0x3FAC] =	sst s1  }
0xa: {  	[smem:$0x3FAD] =	sst s2  }
0xb: {  	[smem:$0x3FAE] =	sst s3  }
0xc: {  	[smem:$0x3FAF] =	sst s4  }
0xd: {  	[smem:$0x3FB0] =	sst s5  }
0xe: {  	[smem:$0x3FB1] =	sst s6  }
0xf: {  	[smem:$0x3FB2] =	sst s7  }
0x10: {  	[smem:$0x3FB3] =	sst s8  }
0x11: {  	[smem:$0x3FB4] =	sst s9;
	s0 =	simm.s32 @!p0 $0x0  }
0x12: {  	s1 =	sld [smem:$0x3F9A];
	s0 =	simm.s32 @p0 $0x1  }
0x13: {  	[smem:$0x3FB5] =	sst s0;
	s0 =	simm.s32 @!p1 $0x0  }
0x14: {  	s2 =	sld [smem:$0x3F99];
	s0 =	simm.s32 @p1 $0x1  }
0x15: {  	[smem:$0x3FB6] =	sst s0;
	s0 =	simm.s32 @!p2 $0x0  }
0x16: {  	s3 =	sld [smem:$0x3FDB];
	s0 =	simm.s32 @p2 $0x1  }
0x17: {  	s4 =	simm.s32 $0x1BF5;
	[smem:$0x3FB8] =	sst s0  }
0x18: {  	s0 =	sld [smem:$0x3F9B];
	_ =	swait.ge [sflag:s4], $0x0  }
0x19: {  	s7 =	sld [smem:$0x3F9C]  }
0x1a: {  	s8 =	sadd.s32 $0xFFFFE003, lr  }
0x1b: {  	s9 =	sadd.s32 $0xFFFFFEF7, lr;
	s5 =	simm.s32 $0xFFFFFFFF;
	p2 =	slt.u32 s8, $0xFFFFF086  }
0x1c: {  	p1 =	slt.u32 s9, $0xF7A;
	s5 =	simm.s32 @!p2 $0x0  }
0x1d: {  	s5 =	simm.s32 @p1 $0x1;
	p0 =	seq.s32 s7, s2  }
0x1e: {  	s7 =	smul.u32 @!p0 $0xF7A, s2;
	p2 =	seq.s32 @!p0 s5, $0x0  }
0x1f: {  	s9 =	smul.u32 $0xF7A, s1;
	s8 =	simm.s32 @!p0 $0x1BF5;
	p2 =	por !p2, p0  }
0x20: {  	[sflag:s8] =	ssyncset.s32 @!p0 $0xFFFFF086;
	s6 =	sadd.s32 @!p0 s3, s7;
	s7 =	simm.s32 @!p0 $0x108  }
0x21: {  	s3 =	sadd.s32 s3, s9;
	s6 =	sadd.s32 @!p0 $0x88, s6;
	s7 =	simm.s32 @p2 $0x1082  }
0x22: {  	[simem:s7], [sflag:s8] =	dma.local @!p0 [hbm:s6], $0xF7A  }
0x23: {  	s9 =	sor.u32 $0xD0000000, s2;
	s6 =	simm.s32 $0x108;
	_ =	swait.ge @!p0 [sflag:s8], $0x0  }
0x24: {  	s3 =	sadd.s32 $0x88, s3;
	s6 =	simm.s32 @!p1 $0x1082;
	[sflag:s4] =	ssyncset.s32 $0xFFFFF086  }
0x25: {  	[simem:s6], [sflag:s4] =	dma.local [hbm:s3], $0xF7A  }
0x26: {  	[smem:$0x3F9C] =	sst s1;
	(tag) =	ssettag s2;
	_ =	strace s9  }
0x27: {  	s1 =	sld [smem:$0x3FAC]  }
0x28: {  	s2 =	sld [smem:$0x3FAD]  }
0x29: {  	s4 =	sld [smem:$0x3FAF]  }
0x2a: {  	p0 =	seq.s32 s5, $0x0;
	s5 =	sld [smem:$0x3FB0]  }
0x2b: {  	s6 =	sld [smem:$0x3FB1]  }
0x2c: {  	s7 =	sld [smem:$0x3FB2]  }
0x2d: {  	s3 =	simm.s32 $0x108;
	s8 =	sld [smem:$0x3FB3]  }
0x2e: {  	s3 =	simm.s32 @!p0 $0x1082;
	s9 =	sld [smem:$0x3FB4]  }
0x2f: {  	lr =	sadd.s32 s0, s3;
	s0 =	sld [smem:$0x3FAB]  }
0x30: {  	s3 =	sld [smem:$0x3FAE]  }
0x31: {  	[smem:$0x3FB7] =	sst s10  }
0x32: {  	s10 =	sld [smem:$0x3FB5];
	_ =	sdelay $0x3  }
0x33: {  	p0 =	seq.s32 s10, $0x1;
	s10 =	sld [smem:$0x3FB7];
	_ =	sdelay $0x3  }
0x34: {  	[smem:$0x3FB7] =	sst s10  }
0x35: {  	s10 =	sld [smem:$0x3FB6];
	_ =	sdelay $0x3  }
0x36: {  	p1 =	seq.s32 s10, $0x1;
	s10 =	sld [smem:$0x3FB7];
	_ =	sdelay $0x3  }
0x37: {  	[smem:$0x3FB7] =	sst s10  }
0x38: {  	s10 =	sld [smem:$0x3FB8]  }
0x39: {  	_ = 	snop;
	(pc) =	sbr.ind lr, $3  }
0x3a: {  	_ = 	snop  }
0x3b: {  	_ = 	snop  }
0x3c: {  	p2 =	seq.s32 s10, $0x1;
	s10 =	sld [smem:$0x3FB7]  }
0x3d: {  	_ =	shalt  }
0x3e: {  	_ =	shalt  }
0x3f: {  	_ =	shalt  }
0x40: {  	_ =	shalt  }
0x41: {  	_ =	shalt  }
0x42: {  	_ =	shalt  }
0x43: {  	_ =	shalt  }
0x44: {  	_ =	shalt  }
0x45: {  	_ =	shalt  }
0x46: {  	_ =	shalt  }
0x47: {  	_ =	shalt  }
0x48: {  	_ =	shalt  }
0x49: {  	_ =	shalt  }
0x4a: {  	_ =	shalt  }
0x4b: {  	_ =	shalt  }
0x4c: {  	_ =	shalt  }
0x4d: {  	_ =	shalt  }
0x4e: {  	_ =	shalt  }
0x4f: {  	_ =	shalt  }
0x50: {  	_ =	shalt  }
0x51: {  	_ =	shalt  }
0x52: {  	_ =	shalt  }
0x53: {  	_ =	shalt  }
0x54: {  	_ =	shalt  }
0x55: {  	_ =	shalt  }
0x56: {  	_ =	shalt  }
0x57: {  	_ =	shalt  }
0x58: {  	_ =	shalt  }
0x59: {  	_ =	shalt  }
0x5a: {  	_ =	shalt  }
0x5b: {  	_ =	shalt  }
0x5c: {  	_ =	shalt  }
0x5d: {  	_ =	shalt  }
0x5e: {  	_ =	shalt  }
0x5f: {  	_ =	shalt  }
0x60: {  	_ =	shalt  }
0x61: {  	_ =	shalt  }
0x62: {  	_ =	shalt  }
0x63: {  	_ =	shalt  }
0x64: {  	_ =	shalt  }
0x65: {  	_ =	shalt  }
0x66: {  	_ =	shalt  }
0x67: {  	_ =	shalt  }
0x68: {  	_ =	shalt  }
0x69: {  	_ =	shalt  }
0x6a: {  	_ =	shalt  }
0x6b: {  	_ =	shalt  }
0x6c: {  	_ =	shalt  }
0x6d: {  	_ =	shalt  }
0x6e: {  	_ =	shalt  }
0x6f: {  	_ =	shalt  }
0x70: {  	_ =	shalt  }
0x71: {  	_ =	shalt  }
0x72: {  	_ =	shalt  }
0x73: {  	_ =	shalt  }
0x74: {  	_ =	shalt  }
0x75: {  	_ =	shalt  }
0x76: {  	_ =	shalt  }
0x77: {  	_ =	shalt  }
0x78: {  	_ =	shalt  }
0x79: {  	_ =	shalt  }
0x7a: {  	_ =	shalt  }
0x7b: {  	_ =	shalt  }
0x7c: {  	_ =	shalt  }
0x7d: {  	_ =	shalt  }
0x7e: {  	_ =	shalt  }
0x7f: {  	_ =	shalt  }
0x80: {  	_ =	shalt  }
0x81: {  	_ =	shalt  }
0x82: {  	_ =	shalt  }
0x83: {  	_ =	shalt  }
0x84: {  	_ =	shalt  }
0x85: {  	_ =	shalt  }
0x86: {  	_ =	shalt  }
0x87: {  	_ =	shalt  }
.Lfunc_end0:
.L_simem_size_0:
called_computation.4_lowered:
.L_overlay_start_0:
0x88: {  	s2 =	sld [smem:$0x3FD9]  }
0x89: {  	s3 =	sld [smem:$0x3FFE];
	_ =	sdelay $0x1  }
0x8a: {  	s1 =	srdreg.scid  }
0x8b: {  	s0 =	sand.u32 $0x1, s1  }
0x8c: {  	s16 =	sshll.u32 s0, $0xA;
	s2 =	sadd.s32 s3, s2  }
0x8d: {  	s2 =	sadd.s32 s2, s16  }
0x8e: {  	[smem:$0x3FC3] =	sst s2  }
0x8f: {  	_ = 	snop  }
0x90: {  	(tm) =	ssettm $0x1  }
0x91: {  	s17 =	sld [smem:$0x3FFB];
	_ =	sdelay $0x3  }
0x92: {  	_ =	strace s17  }
0x93: {  	s2 =	sld [smem:$0x3FFC];
	_ =	sdelay $0x3  }
0x94: {  	_ =	strace s2  }
0x95: {  	s2 =	sld [smem:$0x3FFD];
	_ =	sdelay $0x3  }
0x96: {  	_ =	strace s2  }
0x97: {  	_ =	strace $0x8FFFFFFF  }
0x98: {  	s18 =	sld [smem:$0x3FDB];
	_ =	sdelay $0x1  }
0x99: {  	s19 =	simm.s32 $_scs_section_size  }
0x9a: {  	s4 =	simm.s32 $_size__tile_overlayer_lowered;
	s5 =	simm.s32 $_tile_overlayer_lowered  }
0x9b: {  	s22 =	simm.s32 $0x1BFF;
	s21 =	sshll.u32 s5, $0x1;
	s2 =	sadd.s32 s19, s18  }
0x9c: {  	s6 =	simm.s32 $0x0;
	s20 =	sshll.u32 s4, $0x1;
	s4 =	sadd.s32 s21, s2  }
0x9d: {  	[timem:s6], [sflag:s22] =	dma.local [hbm:s4], s20  }
0x9e: {  	_ =	swait.ge [sflag:s22], s20  }
0x9f: {  	s3 =	ssub.s32 $0x0, s20;
	[sflag:s22] =	ssyncset.done $0x0  }
0xa0: {  	[sflag:s22] =	ssyncadd.s32 s3;
	_ =	sdelay $0x1  }
0xa1: {  	s23 =	simm.s32 $0x1B8B  }
0xa2: {  	_ =	swait.ge [sflag:s23], $0x1  }
0xa3: {  	[sflag:s23] =	ssyncset.done $0x0  }
0xa4: {  	s25 =	simm.s32 $0x1B8E;
	s24 =	sld [smem:$0x3FFE];
	[sflag:s23] =	ssyncadd.s32 $0xFFFFFFFF  }
0xa5: {  	s26 =	simm.s32 $execute0_lowered;
	[smem:$0x3FD2] =	sst s25  }
0xa6: {  	s4 =	sshll.u32 s26, $0x1;
	_ =	strace $0x80000052;
	[dreg:$0x1] =	wrdreg $0xFFFFFFFF  }
0xa7: {  	s28 =	simm.s32 $_size_execute0_lowered;
	s2 =	sadd.s32 s2, s4;
	[dreg:$0x0] =	wrdreg $0x0  }
0xa8: {  	s4 =	sshll.u32 s28, $0x1;
	[dreg:$0x2] =	wrdreg s2  }
0xa9: {  	[dreg:$0x3] =	wrdreg s4  }
0xaa: {  	[dreg:$0x4] =	wrdreg $0xC0  }
0xab: {  	_ =	task [dreg:s6], $0x5FFFF  }
0xac: {  	[dreg:$0x1] =	wrdreg $0xFFFFFFFF  }
0xad: {  	[dreg:$0x0] =	wrdreg $0x60  }
0xae: {  	[dreg:$0x2] =	wrdreg s24  }
0xaf: {  	[dreg:$0x3] =	wrdreg $0x9  }
0xb0: {  	_ =	task.clear_ibuf [dreg:s6], $0x4FFFF;
	_ =	strace $0x90000052  }
0xb1: {  	s29 =	simm.s32 $0x9;
	_ =	strace $0x80000054  }
0xb2: {  	_ =	swait.ge [sflag:s29], $0x1  }
0xb3: {  	[sflag:s29] =	ssyncadd.s32 $0xFFFFFFFF  }
0xb4: {  	_ =	strace $0x90000054  }
0xb5: {  	_ =	sfence  }
0xb6: {  	s30 =	sld [smem:$0x0];
	_ =	sdelay $0x2  }
0xb7: {  	s31 =	sshll.u32 s1, $0xD;
	s1 =	sshrl.u32 s1, $0x2  }
0xb8: {  	s3 =	sand.u32 $0x4000, s31;
	s1 =	sadd.s32 s1, s30  }
0xb9: {  	s0 =	sor.u32 s3, s0;
	s1 =	sshll.u32 s1, $0x11  }
0xba: {  	s0 =	sor.u32 s1, s0  }
0xbb: {  	s0 =	sadd.s32 $0x8F2B, s0  }
0xbc: {  	[sflag:s0] =	ssyncadd.remote.s32 $0x1  }
0xbd: {  	_ =	sfence.sel $0xFFFF  }
0xbe: {  	[dreg:$0x0] =	wrdreg $0xFFFFFFFF;
	(pc) =	sbr.abs _section_cstart, $3  }
0xbf: {  	[dreg:$0x1] =	wrdreg $0xFFFFFFFF  }
0xc0: {  	_ =	task.clear_ibuf [dreg:s6], $0x2FFFF;
	_ =	strace $0x9FFFFFFF  }
0xc1: {  	(tm) =	ssettm $0x7FFFFFFF  }
tec
execute0_lowered:
.L_overlay_start_1:
0x0: {  	(tag) =	ssettag $0x1  }
0x1: {  	s0 =	srdreg.scid  }
0x2: {  	s1 =	stileid.u32;
	s0 =	sand.u32 $0x1, s0  }
0x3: {  	s1 =	sshll.u32 s1, $0xA;
	s2 =	sshll.u32 s0, $0x9  }
0x4: {  	s1 =	sor.u32 s2, s1  }
0x5: {  	s6 =	rddreg [dreg:$0x0];
	s3 =	sshrl.u32 s1, $0x3  }
0x6: {  	s2 =	simm.s32 $0x0;
	s1 =	sshll.u32 s1, $0x7;
	s3 =	sadd.s32 s3, s6  }
0x7: {  	[smem:$0x7FF] =	sst s2;
	s1 =	sadd.s32 s1, s6;
	s3 =	sadd.s32 $0x3E00, s3  }
0x8: {  	_ =	strace $0x80000053;
	s15 =	sadd.s32 $0x4600, s1;
	[dreg:$0x2] =	wrdreg s3  }
0x9: {  	s16 =	sadd.s32 $0x5600, s1;
	[dreg:$0x3] =	wrdreg s15  }
0xa: {  	s17 =	sadd.s32 $0x6600, s1;
	[dreg:$0x4] =	wrdreg s16  }
0xb: {  	s18 =	sadd.s32 $0x7600, s1;
	[dreg:$0x5] =	wrdreg s17  }
0xc: {  	s19 =	sadd.s32 $0x8600, s1;
	[dreg:$0x6] =	wrdreg s18  }
0xd: {  	s20 =	sadd.s32 $0x9600, s1;
	[dreg:$0x7] =	wrdreg s19  }
0xe: {  	s21 =	sadd.s32 $0xA600, s1;
	[dreg:$0x8] =	wrdreg s20  }
0xf: {  	s28 =	simm.s32 $0x1;
	s22 =	sadd.s32 $0xB600, s1;
	[dreg:$0x9] =	wrdreg s21  }
0x10: {  	s29 =	simm.s32 $0x4;
	s4 =	sadd.s32 $0xC600, s1;
	[dreg:$0xa] =	wrdreg s22  }
0x11: {  	s9 =	simm.s32 $0x2;
	s23 =	sadd.s32 $0xD600, s1;
	[dreg:$0xb] =	wrdreg s4  }
0x12: {  	s31 =	simm.s32 $0x5;
	s24 =	sadd.s32 $0xE600, s1;
	[dreg:$0xc] =	wrdreg s23  }
0x13: {  	s0 =	ssub.s32 $0x2, s0;
	s25 =	sadd.s32 $0xF600, s1;
	[dreg:$0xd] =	wrdreg s24  }
0x14: {  	s5 =	sshrl.u32 s0, $0x1;
	s26 =	sadd.s32 $0x10600, s1;
	[dreg:$0xe] =	wrdreg s25  }
0x15: {  	s0 =	ssub.s32 s0, s5;
	s7 =	sadd.s32 $0x11600, s1;
	[dreg:$0xf] =	wrdreg s26  }
0x16: {  	s5 =	sadd.s32 $0x304800, s6;
	s30 =	sadd.s32 $0x12600, s1;
	[dreg:$0x10] =	wrdreg s7  }
0x17: {  	v2 =	vlaneseq.u32;
	s1 =	sadd.s32 $0x13600, s1;
	s3 =	sadd.s32 $0x304600, s6;
	[dreg:$0x11] =	wrdreg s30  }
0x18: {  	vm0 =	vmmov $0xffff;
	v1 =	vshrl.u32 v2, $0x3;
	s4 =	sadd.s32 $0x304700, s6;
	s6 =	sadd.s32 $0x304900, s6;
	[dreg:$0x12] =	wrdreg s1  }
0x19: {  	v0 =	vand.u32 $0x7, v2;
	v2 =	vor.u32 $0x8, v2;
	v1 =	vmul.u32 $0x8, v1;
	s7 =	smax.u32 s0, $0x1;
	s1 =	simm.s32 $0x3;
	s0 =	simm.s32 $0x6  }
.LBB2_1:
0x1a: {  	[dreg:$0x13] =	wrdreg s7  }
0x1b: {  	s26 =	rddreg [dreg:$0x2];
	s17 =	simm.s32 $0x7  }
0x1c: {  	[tilespmem:s2], [sflag:$0x7] =	stream.linear.gather [hbm4b:s26+s2], $0x200, $0x38;
	[tilespmem:$0x18200] =	vst v63  }
0x1d: {  	_ =	swait.ge [sflag:s17], $0x200  }
0x1e: {  	[sflag:s17] =	ssyncset.done $0x0  }
0x1f: {  	[sflag:s17] =	ssyncadd.s32 $0xFFFFFE00  }
0x20: {  	v3 =	vld [tilespmem:$0x0];
	_ =	sdelay $0x4  }
0x21: {  	v4 =	vshll.u32 v3, $0x3  }
0x22: {  	v3 =	vand.u32 $0x7, v3;
	v4 =	vand.u32 $0xFFFFFFC0, v4  }
0x23: {  	v3 =	vor.u32 v3, v4  }
0x24: {  	v4 =	vperm.xlane v3, v0;
	_ =	sdelay $0x1  }
0x25: {  	v4 =	vadd.s32 v1, v4;
	_ =	sdelay $0x3  }
0x26: {  	s18 =	simm.s32 $0x200  }
0x27: {  	[tilespmem:s18], [sflag:$0x1] =	stream.indirect_vreg.gather [hbm4b:s3+s2], $0x80, v4, vm0, $0xb8;
	[tilespmem:$0x18200] =	vst v63  }
0x28: {  	s10 =	simm.s32 $0xA00;
	v3 =	vperm.xlane v3, v2  }
0x29: {  	[tilespmem:s10], [sflag:$0x1] =	stream.indirect_vreg.gather [hbm4b:s4+s2], $0x80, v4, vm0, $0xb8;
	[tilespmem:$0x18200] =	vst v63  }
0x2a: {  	s19 =	simm.s32 $0x1200;
	v3 =	vadd.s32 v1, v3  }
0x2b: {  	[tilespmem:s19], [sflag:$0x1] =	stream.indirect_vreg.gather [hbm4b:s5+s2], $0x80, v4, vm0, $0xb8;
	[tilespmem:$0x18200] =	vst v63  }
0x2c: {  	s20 =	simm.s32 $0x1A00  }
0x2d: {  	[tilespmem:s20], [sflag:$0x1] =	stream.indirect_vreg.gather [hbm4b:s6+s2], $0x80, v4, vm0, $0xb8;
	[tilespmem:$0x18200] =	vst v63  }
0x2e: {  	s21 =	simm.s32 $0x2200  }
0x2f: {  	[tilespmem:s21], [sflag:$0x1] =	stream.indirect_vreg.gather [hbm4b:s3+s2], $0x80, v3, vm0, $0xb8;
	[tilespmem:$0x18200] =	vst v63  }
0x30: {  	s22 =	simm.s32 $0x2A00  }
0x31: {  	[tilespmem:s22], [sflag:$0x1] =	stream.indirect_vreg.gather [hbm4b:s4+s2], $0x80, v3, vm0, $0xb8;
	[tilespmem:$0x18200] =	vst v63  }
0x32: {  	s23 =	simm.s32 $0x3200  }
0x33: {  	[tilespmem:s23], [sflag:$0x1] =	stream.indirect_vreg.gather [hbm4b:s5+s2], $0x80, v3, vm0, $0xb8;
	[tilespmem:$0x18200] =	vst v63  }
0x34: {  	s24 =	simm.s32 $0x3A00  }
0x35: {  	[tilespmem:s24], [sflag:$0x1] =	stream.indirect_vreg.gather [hbm4b:s6+s2], $0x80, v3, vm0, $0xb8;
	[tilespmem:$0x18200] =	vst v63  }
0x36: {  	v3 =	vld [tilespmem:$0x10];
	_ =	sdelay $0x4  }
0x37: {  	v33 =	vshll.u32 v3, $0x3  }
0x38: {  	v3 =	vand.u32 $0x7, v3;
	v4 =	vand.u32 $0xFFFFFFC0, v33  }
0x39: {  	v3 =	vor.u32 v3, v4  }
0x3a: {  	v4 =	vperm.xlane v3, v0;
	_ =	sdelay $0x1  }
0x3b: {  	v4 =	vadd.s32 v1, v4;
	_ =	sdelay $0x3  }
0x3c: {  	s25 =	simm.s32 $0x4200  }
0x3d: {  	[tilespmem:s25], [sflag:$0x1] =	stream.indirect_vreg.gather [hbm4b:s3+s2], $0x80, v4, vm0, $0xb8;
	[tilespmem:$0x18200] =	vst v63  }
0x3e: {  	s26 =	simm.s32 $0x4A00;
	v3 =	vperm.xlane v3, v2  }
0x3f: {  	[tilespmem:s26], [sflag:$0x1] =	stream.indirect_vreg.gather [hbm4b:s4+s2], $0x80, v4, vm0, $0xb8;
	[tilespmem:$0x18200] =	vst v63  }
0x40: {  	s30 =	simm.s32 $0x5200;
	v3 =	vadd.s32 v1, v3  }
0x41: {  	[tilespmem:s30], [sflag:$0x1] =	stream.indirect_vreg.gather [hbm4b:s5+s2], $0x80, v4, vm0, $0xb8;
	[tilespmem:$0x18200] =	vst v63  }
0x42: {  	s7 =	simm.s32 $0x5A00  }
0x43: {  	[tilespmem:s7], [sflag:$0x1] =	stream.indirect_vreg.gather [hbm4b:s6+s2], $0x80, v4, vm0, $0xb8;
	[tilespmem:$0x18200] =	vst v63  }
0x44: {  	s8 =	simm.s32 $0x6200  }
0x45: {  	[tilespmem:s8], [sflag:$0x1] =	stream.indirect_vreg.gather [hbm4b:s3+s2], $0x80, v3, vm0, $0xb8;
	[tilespmem:$0x18200] =	vst v63  }
0x46: {  	s12 =	simm.s32 $0x6A00  }
0x47: {  	[tilespmem:s12], [sflag:$0x1] =	stream.indirect_vreg.gather [hbm4b:s4+s2], $0x80, v3, vm0, $0xb8;
	[tilespmem:$0x18200] =	vst v63  }
0x48: {  	s13 =	simm.s32 $0x7200  }
0x49: {  	[tilespmem:s13], [sflag:$0x1] =	stream.indirect_vreg.gather [hbm4b:s5+s2], $0x80, v3, vm0, $0xb8;
	[tilespmem:$0x18200] =	vst v63  }
0x4a: {  	s14 =	simm.s32 $0x7A00  }
0x4b: {  	[tilespmem:s14], [sflag:$0x1] =	stream.indirect_vreg.gather [hbm4b:s6+s2], $0x80, v3, vm0, $0xb8;
	[tilespmem:$0x18200] =	vst v63  }
0x4c: {  	v3 =	vld [tilespmem:$0x20];
	_ =	sdelay $0x4  }
0x4d: {  	v34 =	vshll.u32 v3, $0x3  }
0x4e: {  	v3 =	vand.u32 $0x7, v3;
	v4 =	vand.u32 $0xFFFFFFC0, v34  }
0x4f: {  	v3 =	vor.u32 v3, v4  }
0x50: {  	v4 =	vperm.xlane v3, v0;
	_ =	sdelay $0x1  }
0x51: {  	v4 =	vadd.s32 v1, v4;
	_ =	sdelay $0x3  }
0x52: {  	s8 =	simm.s32 $0x8200  }
0x53: {  	[tilespmem:s8], [sflag:$0x2] =	stream.indirect_vreg.gather [hbm4b:s3+s2], $0x80, v4, vm0, $0xb8;
	[tilespmem:$0x18200] =	vst v63  }
0x54: {  	s18 =	simm.s32 $0x8A00;
	v3 =	vperm.xlane v3, v2  }
0x55: {  	[tilespmem:s18], [sflag:$0x2] =	stream.indirect_vreg.gather [hbm4b:s4+s2], $0x80, v4, vm0, $0xb8;
	[tilespmem:$0x18200] =	vst v63  }
0x56: {  	s19 =	simm.s32 $0x9200;
	v3 =	vadd.s32 v1, v3  }
0x57: {  	[tilespmem:s19], [sflag:$0x2] =	stream.indirect_vreg.gather [hbm4b:s5+s2], $0x80, v4, vm0, $0xb8;
	[tilespmem:$0x18200] =	vst v63  }
0x58: {  	s22 =	simm.s32 $0x9A00  }
0x59: {  	[tilespmem:s22], [sflag:$0x2] =	stream.indirect_vreg.gather [hbm4b:s6+s2], $0x80, v4, vm0, $0xb8;
	[tilespmem:$0x18200] =	vst v63  }
0x5a: {  	s23 =	simm.s32 $0xA200  }
0x5b: {  	[tilespmem:s23], [sflag:$0x2] =	stream.indirect_vreg.gather [hbm4b:s3+s2], $0x80, v3, vm0, $0xb8;
	[tilespmem:$0x18200] =	vst v63  }
0x5c: {  	s24 =	simm.s32 $0xAA00  }
0x5d: {  	[tilespmem:s24], [sflag:$0x2] =	stream.indirect_vreg.gather [hbm4b:s4+s2], $0x80, v3, vm0, $0xb8;
	[tilespmem:$0x18200] =	vst v63  }
0x5e: {  	s25 =	simm.s32 $0xB200  }
0x5f: {  	[tilespmem:s25], [sflag:$0x2] =	stream.indirect_vreg.gather [hbm4b:s5+s2], $0x80, v3, vm0, $0xb8;
	[tilespmem:$0x18200] =	vst v63  }
0x60: {  	s26 =	simm.s32 $0xBA00  }
0x61: {  	[tilespmem:s26], [sflag:$0x2] =	stream.indirect_vreg.gather [hbm4b:s6+s2], $0x80, v3, vm0, $0xb8;
	[tilespmem:$0x18200] =	vst v63  }
0x62: {  	v3 =	vld [tilespmem:$0x30];
	_ =	sdelay $0x4  }
0x63: {  	v35 =	vshll.u32 v3, $0x3  }
0x64: {  	v3 =	vand.u32 $0x7, v3;
	v4 =	vand.u32 $0xFFFFFFC0, v35  }
0x65: {  	v3 =	vor.u32 v3, v4  }
0x66: {  	v4 =	vperm.xlane v3, v0;
	_ =	sdelay $0x1  }
0x67: {  	v4 =	vadd.s32 v1, v4;
	_ =	sdelay $0x3  }
0x68: {  	s30 =	simm.s32 $0xC200  }
0x69: {  	[tilespmem:s30], [sflag:$0x2] =	stream.indirect_vreg.gather [hbm4b:s3+s2], $0x80, v4, vm0, $0xb8;
	[tilespmem:$0x18200] =	vst v63  }
0x6a: {  	s8 =	simm.s32 $0xCA00;
	v3 =	vperm.xlane v3, v2  }
0x6b: {  	[tilespmem:s8], [sflag:$0x2] =	stream.indirect_vreg.gather [hbm4b:s4+s2], $0x80, v4, vm0, $0xb8;
	[tilespmem:$0x18200] =	vst v63  }
0x6c: {  	s10 =	simm.s32 $0xD200;
	v3 =	vadd.s32 v1, v3  }
0x6d: {  	[tilespmem:s10], [sflag:$0x2] =	stream.indirect_vreg.gather [hbm4b:s5+s2], $0x80, v4, vm0, $0xb8;
	[tilespmem:$0x18200] =	vst v63  }
0x6e: {  	s12 =	simm.s32 $0xDA00  }
0x6f: {  	[tilespmem:s12], [sflag:$0x2] =	stream.indirect_vreg.gather [hbm4b:s6+s2], $0x80, v4, vm0, $0xb8;
	[tilespmem:$0x18200] =	vst v63  }
0x70: {  	s13 =	simm.s32 $0xE200  }
0x71: {  	[tilespmem:s13], [sflag:$0x2] =	stream.indirect_vreg.gather [hbm4b:s3+s2], $0x80, v3, vm0, $0xb8;
	[tilespmem:$0x18200] =	vst v63  }
0x72: {  	s14 =	simm.s32 $0xEA00  }
0x73: {  	[tilespmem:s14], [sflag:$0x2] =	stream.indirect_vreg.gather [hbm4b:s4+s2], $0x80, v3, vm0, $0xb8;
	[tilespmem:$0x18200] =	vst v63  }
0x74: {  	s18 =	simm.s32 $0xF200  }
0x75: {  	[tilespmem:s18], [sflag:$0x2] =	stream.indirect_vreg.gather [hbm4b:s5+s2], $0x80, v3, vm0, $0xb8;
	[tilespmem:$0x18200] =	vst v63  }
0x76: {  	s19 =	simm.s32 $0xFA00  }
0x77: {  	[tilespmem:s19], [sflag:$0x2] =	stream.indirect_vreg.gather [hbm4b:s6+s2], $0x80, v3, vm0, $0xb8;
	[tilespmem:$0x18200] =	vst v63  }
0x78: {  	v3 =	vld [tilespmem:$0x40];
	_ =	sdelay $0x4  }
0x79: {  	v36 =	vshll.u32 v3, $0x3  }
0x7a: {  	v3 =	vand.u32 $0x7, v3;
	v4 =	vand.u32 $0xFFFFFFC0, v36  }
0x7b: {  	v3 =	vor.u32 v3, v4  }
0x7c: {  	v4 =	vperm.xlane v3, v0;
	_ =	sdelay $0x1  }
0x7d: {  	v4 =	vadd.s32 v1, v4;
	_ =	sdelay $0x3  }
0x7e: {  	s25 =	simm.s32 $0x10200  }
0x7f: {  	[tilespmem:s25], [sflag:$0x3] =	stream.indirect_vreg.gather [hbm4b:s3+s2], $0x80, v4, vm0, $0xb8;
	[tilespmem:$0x18200] =	vst v63  }
0x80: {  	s12 =	simm.s32 $0x10A00;
	v3 =	vperm.xlane v3, v2  }
0x81: {  	[tilespmem:s12], [sflag:$0x3] =	stream.indirect_vreg.gather [hbm4b:s4+s2], $0x80, v4, vm0, $0xb8;
	[tilespmem:$0x18200] =	vst v63  }
0x82: {  	s26 =	simm.s32 $0x11200;
	v3 =	vadd.s32 v1, v3  }
0x83: {  	[tilespmem:s26], [sflag:$0x3] =	stream.indirect_vreg.gather [hbm4b:s5+s2], $0x80, v4, vm0, $0xb8;
	[tilespmem:$0x18200] =	vst v63  }
0x84: {  	s7 =	simm.s32 $0x11A00  }
0x85: {  	[tilespmem:s7], [sflag:$0x3] =	stream.indirect_vreg.gather [hbm4b:s6+s2], $0x80, v4, vm0, $0xb8;
	[tilespmem:$0x18200] =	vst v63  }
0x86: {  	s8 =	simm.s32 $0x12200  }
0x87: {  	[tilespmem:s8], [sflag:$0x3] =	stream.indirect_vreg.gather [hbm4b:s3+s2], $0x80, v3, vm0, $0xb8;
	[tilespmem:$0x18200] =	vst v63  }
0x88: {  	s13 =	simm.s32 $0x12A00  }
0x89: {  	[tilespmem:s13], [sflag:$0x3] =	stream.indirect_vreg.gather [hbm4b:s4+s2], $0x80, v3, vm0, $0xb8;
	[tilespmem:$0x18200] =	vst v63  }
0x8a: {  	s14 =	simm.s32 $0x13200  }
0x8b: {  	[tilespmem:s14], [sflag:$0x3] =	stream.indirect_vreg.gather [hbm4b:s5+s2], $0x80, v3, vm0, $0xb8;
	[tilespmem:$0x18200] =	vst v63  }
0x8c: {  	s18 =	simm.s32 $0x13A00  }
0x8d: {  	[tilespmem:s18], [sflag:$0x3] =	stream.indirect_vreg.gather [hbm4b:s6+s2], $0x80, v3, vm0, $0xb8;
	[tilespmem:$0x18200] =	vst v63  }
0x8e: {  	v3 =	vld [tilespmem:$0x50];
	_ =	sdelay $0x4  }
0x8f: {  	v37 =	vshll.u32 v3, $0x3  }
0x90: {  	v3 =	vand.u32 $0x7, v3;
	v4 =	vand.u32 $0xFFFFFFC0, v37  }
0x91: {  	v3 =	vor.u32 v3, v4  }
0x92: {  	v4 =	vperm.xlane v3, v0;
	_ =	sdelay $0x1  }
0x93: {  	v4 =	vadd.s32 v1, v4;
	_ =	sdelay $0x3  }
0x94: {  	s19 =	simm.s32 $0x14200  }
0x95: {  	[tilespmem:s19], [sflag:$0x3] =	stream.indirect_vreg.gather [hbm4b:s3+s2], $0x80, v4, vm0, $0xb8;
	[tilespmem:$0x18200] =	vst v63  }
0x96: {  	s25 =	simm.s32 $0x14A00;
	v3 =	vperm.xlane v3, v2  }
0x97: {  	[tilespmem:s25], [sflag:$0x3] =	stream.indirect_vreg.gather [hbm4b:s4+s2], $0x80, v4, vm0, $0xb8;
	[tilespmem:$0x18200] =	vst v63  }
0x98: {  	s26 =	simm.s32 $0x15200;
	v3 =	vadd.s32 v1, v3  }
0x99: {  	[tilespmem:s26], [sflag:$0x3] =	stream.indirect_vreg.gather [hbm4b:s5+s2], $0x80, v4, vm0, $0xb8;
	[tilespmem:$0x18200] =	vst v63  }
0x9a: {  	s7 =	simm.s32 $0x15A00  }
0x9b: {  	[tilespmem:s7], [sflag:$0x3] =	stream.indirect_vreg.gather [hbm4b:s6+s2], $0x80, v4, vm0, $0xb8;
	[tilespmem:$0x18200] =	vst v63  }
0x9c: {  	s8 =	simm.s32 $0x16200  }
0x9d: {  	[tilespmem:s8], [sflag:$0x3] =	stream.indirect_vreg.gather [hbm4b:s3+s2], $0x80, v3, vm0, $0xb8;
	[tilespmem:$0x18200] =	vst v63  }
0x9e: {  	s13 =	simm.s32 $0x16A00  }
0x9f: {  	[tilespmem:s13], [sflag:$0x3] =	stream.indirect_vreg.gather [hbm4b:s4+s2], $0x80, v3, vm0, $0xb8;
	[tilespmem:$0x18200] =	vst v63  }
0xa0: {  	s14 =	simm.s32 $0x17200  }
0xa1: {  	[tilespmem:s14], [sflag:$0x3] =	stream.indirect_vreg.gather [hbm4b:s5+s2], $0x80, v3, vm0, $0xb8;
	[tilespmem:$0x18200] =	vst v63  }
0xa2: {  	s18 =	simm.s32 $0x17A00  }
0xa3: {  	[tilespmem:s18], [sflag:$0x3] =	stream.indirect_vreg.gather [hbm4b:s6+s2], $0x80, v3, vm0, $0xb8;
	[tilespmem:$0x18200] =	vst v63  }
0xa4: {  	_ =	swait.ge [sflag:s28], $0x8000  }
0xa5: {  	[sflag:s28] =	ssyncset.done $0x0  }
0xa6: {  	s25 =	simm.s32 $0x200;
	s19 =	rddreg [dreg:$0x3];
	[sflag:s28] =	ssyncadd.s32 $0xFFFF8000  }
0xa7: {  	[hbm4b:s19+s2] =	stream.linear.scatter [tilespmem:s25], [sflag:$0x4], $0x8000, $0x38;
	[tilespmem:$0x18200] =	vst v63  }
0xa8: {  	_ =	swait.ge [sflag:s29], $0x8000  }
0xa9: {  	[sflag:s29] =	ssyncset.done $0x0  }
0xaa: {  	[sflag:s29] =	ssyncadd.s32 $0xFFFF8000  }
0xab: {  	v3 =	vld [tilespmem:$0x60];
	_ =	sdelay $0x4  }
0xac: {  	v38 =	vshll.u32 v3, $0x3  }
0xad: {  	v3 =	vand.u32 $0x7, v3;
	v4 =	vand.u32 $0xFFFFFFC0, v38  }
0xae: {  	v3 =	vor.u32 v3, v4  }
0xaf: {  	v4 =	vperm.xlane v3, v0;
	_ =	sdelay $0x1  }
0xb0: {  	v4 =	vadd.s32 v1, v4;
	_ =	sdelay $0x4  }
0xb1: {  	[tilespmem:s25], [sflag:$0x1] =	stream.indirect_vreg.gather [hbm4b:s3+s2], $0x80, v4, vm0, $0xb8;
	[tilespmem:$0x18200] =	vst v63  }
0xb2: {  	s11 =	simm.s32 $0xA00;
	v3 =	vperm.xlane v3, v2  }
0xb3: {  	[tilespmem:s11], [sflag:$0x1] =	stream.indirect_vreg.gather [hbm4b:s4+s2], $0x80, v4, vm0, $0xb8;
	[tilespmem:$0x18200] =	vst v63  }
0xb4: {  	v3 =	vadd.s32 v1, v3;
	s25 =	simm.s32 $0x1200  }
0xb5: {  	[tilespmem:s25], [sflag:$0x1] =	stream.indirect_vreg.gather [hbm4b:s5+s2], $0x80, v4, vm0, $0xb8;
	[tilespmem:$0x18200] =	vst v63  }
0xb6: {  	s11 =	simm.s32 $0x1A00  }
0xb7: {  	[tilespmem:s11], [sflag:$0x1] =	stream.indirect_vreg.gather [hbm4b:s6+s2], $0x80, v4, vm0, $0xb8;
	[tilespmem:$0x18200] =	vst v63  }
0xb8: {  	s12 =	simm.s32 $0x2200  }
0xb9: {  	[tilespmem:s12], [sflag:$0x1] =	stream.indirect_vreg.gather [hbm4b:s3+s2], $0x80, v3, vm0, $0xb8;
	[tilespmem:$0x18200] =	vst v63  }
0xba: {  	s13 =	simm.s32 $0x2A00  }
0xbb: {  	[tilespmem:s13], [sflag:$0x1] =	stream.indirect_vreg.gather [hbm4b:s4+s2], $0x80, v3, vm0, $0xb8;
	[tilespmem:$0x18200] =	vst v63  }
0xbc: {  	s14 =	simm.s32 $0x3200  }
0xbd: {  	[tilespmem:s14], [sflag:$0x1] =	stream.indirect_vreg.gather [hbm4b:s5+s2], $0x80, v3, vm0, $0xb8;
	[tilespmem:$0x18200] =	vst v63  }
0xbe: {  	s15 =	simm.s32 $0x3A00  }
0xbf: {  	[tilespmem:s15], [sflag:$0x1] =	stream.indirect_vreg.gather [hbm4b:s6+s2], $0x80, v3, vm0, $0xb8;
	[tilespmem:$0x18200] =	vst v63  }
0xc0: {  	v3 =	vld [tilespmem:$0x70];
	_ =	sdelay $0x4  }
0xc1: {  	v39 =	vshll.u32 v3, $0x3  }
0xc2: {  	v3 =	vand.u32 $0x7, v3;
	v4 =	vand.u32 $0xFFFFFFC0, v39  }
0xc3: {  	v3 =	vor.u32 v3, v4  }
0xc4: {  	v4 =	vperm.xlane v3, v0;
	_ =	sdelay $0x1  }
0xc5: {  	v4 =	vadd.s32 v1, v4;
	_ =	sdelay $0x3  }
0xc6: {  	s16 =	simm.s32 $0x4200  }
0xc7: {  	[tilespmem:s16], [sflag:$0x1] =	stream.indirect_vreg.gather [hbm4b:s3+s2], $0x80, v4, vm0, $0xb8;
	[tilespmem:$0x18200] =	vst v63  }
0xc8: {  	s17 =	simm.s32 $0x4A00;
	v3 =	vperm.xlane v3, v2  }
0xc9: {  	[tilespmem:s17], [sflag:$0x1] =	stream.indirect_vreg.gather [hbm4b:s4+s2], $0x80, v4, vm0, $0xb8;
	[tilespmem:$0x18200] =	vst v63  }
0xca: {  	s15 =	simm.s32 $0x5200;
	v3 =	vadd.s32 v1, v3  }
0xcb: {  	[tilespmem:s15], [sflag:$0x1] =	stream.indirect_vreg.gather [hbm4b:s5+s2], $0x80, v4, vm0, $0xb8;
	[tilespmem:$0x18200] =	vst v63  }
0xcc: {  	s16 =	simm.s32 $0x5A00  }
0xcd: {  	[tilespmem:s16], [sflag:$0x1] =	stream.indirect_vreg.gather [hbm4b:s6+s2], $0x80, v4, vm0, $0xb8;
	[tilespmem:$0x18200] =	vst v63  }
0xce: {  	s17 =	simm.s32 $0x6200  }
0xcf: {  	[tilespmem:s17], [sflag:$0x1] =	stream.indirect_vreg.gather [hbm4b:s3+s2], $0x80, v3, vm0, $0xb8;
	[tilespmem:$0x18200] =	vst v63  }
0xd0: {  	s18 =	simm.s32 $0x6A00  }
0xd1: {  	[tilespmem:s18], [sflag:$0x1] =	stream.indirect_vreg.gather [hbm4b:s4+s2], $0x80, v3, vm0, $0xb8;
	[tilespmem:$0x18200] =	vst v63  }
0xd2: {  	s19 =	simm.s32 $0x7200  }
0xd3: {  	[tilespmem:s19], [sflag:$0x1] =	stream.indirect_vreg.gather [hbm4b:s5+s2], $0x80, v3, vm0, $0xb8;
	[tilespmem:$0x18200] =	vst v63  }
0xd4: {  	s20 =	simm.s32 $0x7A00  }
0xd5: {  	[tilespmem:s20], [sflag:$0x1] =	stream.indirect_vreg.gather [hbm4b:s6+s2], $0x80, v3, vm0, $0xb8;
	[tilespmem:$0x18200] =	vst v63  }
0xd6: {  	_ =	swait.ge [sflag:s9], $0x8000  }
0xd7: {  	[sflag:s9] =	ssyncset.done $0x0  }
0xd8: {  	s20 =	simm.s32 $0x8200;
	s8 =	rddreg [dreg:$0x4];
	[sflag:s9] =	ssyncadd.s32 $0xFFFF8000  }
0xd9: {  	[hbm4b:s8+s2] =	stream.linear.scatter [tilespmem:s20], [sflag:$0x5], $0x8000, $0x38;
	[tilespmem:$0x18200] =	vst v63  }
0xda: {  	_ =	swait.ge [sflag:s31], $0x8000  }
0xdb: {  	[sflag:s31] =	ssyncset.done $0x0  }
0xdc: {  	[sflag:s31] =	ssyncadd.s32 $0xFFFF8000  }
0xdd: {  	v3 =	vld [tilespmem:$0x80];
	_ =	sdelay $0x4  }
0xde: {  	v40 =	vshll.u32 v3, $0x3  }
0xdf: {  	v3 =	vand.u32 $0x7, v3;
	v4 =	vand.u32 $0xFFFFFFC0, v40  }
0xe0: {  	v3 =	vor.u32 v3, v4  }
0xe1: {  	v4 =	vperm.xlane v3, v0;
	_ =	sdelay $0x1  }
0xe2: {  	v4 =	vadd.s32 v1, v4;
	_ =	sdelay $0x4  }
0xe3: {  	[tilespmem:s20], [sflag:$0x2] =	stream.indirect_vreg.gather [hbm4b:s3+s2], $0x80, v4, vm0, $0xb8;
	[tilespmem:$0x18200] =	vst v63  }
0xe4: {  	s21 =	simm.s32 $0x8A00;
	v3 =	vperm.xlane v3, v2  }
0xe5: {  	[tilespmem:s21], [sflag:$0x2] =	stream.indirect_vreg.gather [hbm4b:s4+s2], $0x80, v4, vm0, $0xb8;
	[tilespmem:$0x18200] =	vst v63  }
0xe6: {  	s7 =	simm.s32 $0x9200;
	v3 =	vadd.s32 v1, v3  }
0xe7: {  	[tilespmem:s7], [sflag:$0x2] =	stream.indirect_vreg.gather [hbm4b:s5+s2], $0x80, v4, vm0, $0xb8;
	[tilespmem:$0x18200] =	vst v63  }
0xe8: {  	s21 =	simm.s32 $0x9A00  }
0xe9: {  	[tilespmem:s21], [sflag:$0x2] =	stream.indirect_vreg.gather [hbm4b:s6+s2], $0x80, v4, vm0, $0xb8;
	[tilespmem:$0x18200] =	vst v63  }
0xea: {  	s26 =	simm.s32 $0xA200  }
0xeb: {  	[tilespmem:s26], [sflag:$0x2] =	stream.indirect_vreg.gather [hbm4b:s3+s2], $0x80, v3, vm0, $0xb8;
	[tilespmem:$0x18200] =	vst v63  }
0xec: {  	s20 =	simm.s32 $0xAA00  }
0xed: {  	[tilespmem:s20], [sflag:$0x2] =	stream.indirect_vreg.gather [hbm4b:s4+s2], $0x80, v3, vm0, $0xb8;
	[tilespmem:$0x18200] =	vst v63  }
0xee: {  	s21 =	simm.s32 $0xB200  }
0xef: {  	[tilespmem:s21], [sflag:$0x2] =	stream.indirect_vreg.gather [hbm4b:s5+s2], $0x80, v3, vm0, $0xb8;
	[tilespmem:$0x18200] =	vst v63  }
0xf0: {  	s22 =	simm.s32 $0xBA00  }
0xf1: {  	[tilespmem:s22], [sflag:$0x2] =	stream.indirect_vreg.gather [hbm4b:s6+s2], $0x80, v3, vm0, $0xb8;
	[tilespmem:$0x18200] =	vst v63  }
0xf2: {  	v3 =	vld [tilespmem:$0x90];
	_ =	sdelay $0x4  }
0xf3: {  	v41 =	vshll.u32 v3, $0x3  }
0xf4: {  	v3 =	vand.u32 $0x7, v3;
	v4 =	vand.u32 $0xFFFFFFC0, v41  }
0xf5: {  	v3 =	vor.u32 v3, v4  }
0xf6: {  	v4 =	vperm.xlane v3, v0;
	_ =	sdelay $0x1  }
0xf7: {  	v4 =	vadd.s32 v1, v4;
	_ =	sdelay $0x3  }
0xf8: {  	s23 =	simm.s32 $0xC200  }
0xf9: {  	[tilespmem:s23], [sflag:$0x2] =	stream.indirect_vreg.gather [hbm4b:s3+s2], $0x80, v4, vm0, $0xb8;
	[tilespmem:$0x18200] =	vst v63  }
0xfa: {  	s24 =	simm.s32 $0xCA00;
	v3 =	vperm.xlane v3, v2  }
0xfb: {  	[tilespmem:s24], [sflag:$0x2] =	stream.indirect_vreg.gather [hbm4b:s4+s2], $0x80, v4, vm0, $0xb8;
	[tilespmem:$0x18200] =	vst v63  }
0xfc: {  	s26 =	simm.s32 $0xD200;
	v3 =	vadd.s32 v1, v3  }
0xfd: {  	[tilespmem:s26], [sflag:$0x2] =	stream.indirect_vreg.gather [hbm4b:s5+s2], $0x80, v4, vm0, $0xb8;
	[tilespmem:$0x18200] =	vst v63  }
0xfe: {  	s20 =	simm.s32 $0xDA00  }
0xff: {  	[tilespmem:s20], [sflag:$0x2] =	stream.indirect_vreg.gather [hbm4b:s6+s2], $0x80, v4, vm0, $0xb8;
	[tilespmem:$0x18200] =	vst v63  }
0x100: {  	s21 =	simm.s32 $0xE200  }
0x101: {  	[tilespmem:s21], [sflag:$0x2] =	stream.indirect_vreg.gather [hbm4b:s3+s2], $0x80, v3, vm0, $0xb8;
	[tilespmem:$0x18200] =	vst v63  }
0x102: {  	s22 =	simm.s32 $0xEA00  }
0x103: {  	[tilespmem:s22], [sflag:$0x2] =	stream.indirect_vreg.gather [hbm4b:s4+s2], $0x80, v3, vm0, $0xb8;
	[tilespmem:$0x18200] =	vst v63  }
0x104: {  	s23 =	simm.s32 $0xF200  }
0x105: {  	[tilespmem:s23], [sflag:$0x2] =	stream.indirect_vreg.gather [hbm4b:s5+s2], $0x80, v3, vm0, $0xb8;
	[tilespmem:$0x18200] =	vst v63  }
0x106: {  	s30 =	simm.s32 $0xFA00  }
0x107: {  	[tilespmem:s30], [sflag:$0x2] =	stream.indirect_vreg.gather [hbm4b:s6+s2], $0x80, v3, vm0, $0xb8;
	[tilespmem:$0x18200] =	vst v63  }
0x108: {  	_ =	swait.ge [sflag:s1], $0x8000  }
0x109: {  	[sflag:s1] =	ssyncset.done $0x0  }
0x10a: {  	s10 =	simm.s32 $0x10200;
	s24 =	rddreg [dreg:$0x5];
	[sflag:s1] =	ssyncadd.s32 $0xFFFF8000  }
0x10b: {  	[hbm4b:s24+s2] =	stream.linear.scatter [tilespmem:s10], [sflag:$0x6], $0x8000, $0x38;
	[tilespmem:$0x18200] =	vst v63  }
0x10c: {  	_ =	swait.ge [sflag:s0], $0x8000  }
0x10d: {  	[sflag:s0] =	ssyncset.done $0x0  }
0x10e: {  	[sflag:s0] =	ssyncadd.s32 $0xFFFF8000  }
0x10f: {  	v3 =	vld [tilespmem:$0xA0];
	_ =	sdelay $0x4  }
0x110: {  	v42 =	vshll.u32 v3, $0x3  }
0x111: {  	v3 =	vand.u32 $0x7, v3;
	v4 =	vand.u32 $0xFFFFFFC0, v42  }
0x112: {  	v3 =	vor.u32 v3, v4  }
0x113: {  	v4 =	vperm.xlane v3, v0;
	_ =	sdelay $0x1  }
0x114: {  	v4 =	vadd.s32 v1, v4;
	_ =	sdelay $0x4  }
0x115: {  	[tilespmem:s10], [sflag:$0x3] =	stream.indirect_vreg.gather [hbm4b:s3+s2], $0x80, v4, vm0, $0xb8;
	[tilespmem:$0x18200] =	vst v63  }
0x116: {  	s26 =	simm.s32 $0x10A00;
	v3 =	vperm.xlane v3, v2  }
0x117: {  	[tilespmem:s26], [sflag:$0x3] =	stream.indirect_vreg.gather [hbm4b:s4+s2], $0x80, v4, vm0, $0xb8;
	[tilespmem:$0x18200] =	vst v63  }
0x118: {  	s20 =	simm.s32 $0x11200;
	v3 =	vadd.s32 v1, v3  }
0x119: {  	[tilespmem:s20], [sflag:$0x3] =	stream.indirect_vreg.gather [hbm4b:s5+s2], $0x80, v4, vm0, $0xb8;
	[tilespmem:$0x18200] =	vst v63  }
0x11a: {  	s21 =	simm.s32 $0x11A00  }
0x11b: {  	[tilespmem:s21], [sflag:$0x3] =	stream.indirect_vreg.gather [hbm4b:s6+s2], $0x80, v4, vm0, $0xb8;
	[tilespmem:$0x18200] =	vst v63  }
0x11c: {  	s22 =	simm.s32 $0x12200  }
0x11d: {  	[tilespmem:s22], [sflag:$0x3] =	stream.indirect_vreg.gather [hbm4b:s3+s2], $0x80, v3, vm0, $0xb8;
	[tilespmem:$0x18200] =	vst v63  }
0x11e: {  	s23 =	simm.s32 $0x12A00  }
0x11f: {  	[tilespmem:s23], [sflag:$0x3] =	stream.indirect_vreg.gather [hbm4b:s4+s2], $0x80, v3, vm0, $0xb8;
	[tilespmem:$0x18200] =	vst v63  }
0x120: {  	s24 =	simm.s32 $0x13200  }
0x121: {  	[tilespmem:s24], [sflag:$0x3] =	stream.indirect_vreg.gather [hbm4b:s5+s2], $0x80, v3, vm0, $0xb8;
	[tilespmem:$0x18200] =	vst v63  }
0x122: {  	s30 =	simm.s32 $0x13A00  }
0x123: {  	[tilespmem:s30], [sflag:$0x3] =	stream.indirect_vreg.gather [hbm4b:s6+s2], $0x80, v3, vm0, $0xb8;
	[tilespmem:$0x18200] =	vst v63  }
0x124: {  	v3 =	vld [tilespmem:$0xB0];
	_ =	sdelay $0x4  }
0x125: {  	v43 =	vshll.u32 v3, $0x3  }
0x126: {  	v3 =	vand.u32 $0x7, v3;
	v4 =	vand.u32 $0xFFFFFFC0, v43  }
0x127: {  	v3 =	vor.u32 v3, v4  }
0x128: {  	v4 =	vperm.xlane v3, v0;
	_ =	sdelay $0x1  }
0x129: {  	v4 =	vadd.s32 v1, v4;
	_ =	sdelay $0x3  }
0x12a: {  	s10 =	simm.s32 $0x14200  }
0x12b: {  	[tilespmem:s10], [sflag:$0x3] =	stream.indirect_vreg.gather [hbm4b:s3+s2], $0x80, v4, vm0, $0xb8;
	[tilespmem:$0x18200] =	vst v63  }
0x12c: {  	s26 =	simm.s32 $0x14A00;
	v3 =	vperm.xlane v3, v2  }
0x12d: {  	[tilespmem:s26], [sflag:$0x3] =	stream.indirect_vreg.gather [hbm4b:s4+s2], $0x80, v4, vm0, $0xb8;
	[tilespmem:$0x18200] =	vst v63  }
0x12e: {  	s8 =	simm.s32 $0x15200;
	v3 =	vadd.s32 v1, v3  }
0x12f: {  	[tilespmem:s8], [sflag:$0x3] =	stream.indirect_vreg.gather [hbm4b:s5+s2], $0x80, v4, vm0, $0xb8;
	[tilespmem:$0x18200] =	vst v63  }
0x130: {  	s30 =	simm.s32 $0x15A00  }
0x131: {  	[tilespmem:s30], [sflag:$0x3] =	stream.indirect_vreg.gather [hbm4b:s6+s2], $0x80, v4, vm0, $0xb8;
	[tilespmem:$0x18200] =	vst v63  }
0x132: {  	s26 =	simm.s32 $0x16200  }
0x133: {  	[tilespmem:s26], [sflag:$0x3] =	stream.indirect_vreg.gather [hbm4b:s3+s2], $0x80, v3, vm0, $0xb8;
	[tilespmem:$0x18200] =	vst v63  }
0x134: {  	s30 =	simm.s32 $0x16A00  }
0x135: {  	[tilespmem:s30], [sflag:$0x3] =	stream.indirect_vreg.gather [hbm4b:s4+s2], $0x80, v3, vm0, $0xb8;
	[tilespmem:$0x18200] =	vst v63  }
0x136: {  	s26 =	simm.s32 $0x17200  }
0x137: {  	[tilespmem:s26], [sflag:$0x3] =	stream.indirect_vreg.gather [hbm4b:s5+s2], $0x80, v3, vm0, $0xb8;
	[tilespmem:$0x18200] =	vst v63  }
0x138: {  	s30 =	simm.s32 $0x17A00  }
0x139: {  	[tilespmem:s30], [sflag:$0x3] =	stream.indirect_vreg.gather [hbm4b:s6+s2], $0x80, v3, vm0, $0xb8;
	[tilespmem:$0x18200] =	vst v63  }
0x13a: {  	_ =	swait.ge [sflag:s28], $0x8000  }
0x13b: {  	[sflag:s28] =	ssyncset.done $0x0  }
0x13c: {  	s10 =	simm.s32 $0x200;
	s26 =	rddreg [dreg:$0x6];
	[sflag:s28] =	ssyncadd.s32 $0xFFFF8000  }
0x13d: {  	[hbm4b:s26+s2] =	stream.linear.scatter [tilespmem:s10], [sflag:$0x4], $0x8000, $0x38;
	[tilespmem:$0x18200] =	vst v63  }
0x13e: {  	_ =	swait.ge [sflag:s29], $0x8000  }
0x13f: {  	[sflag:s29] =	ssyncset.done $0x0  }
0x140: {  	[sflag:s29] =	ssyncadd.s32 $0xFFFF8000  }
0x141: {  	v3 =	vld [tilespmem:$0xC0];
	_ =	sdelay $0x4  }
0x142: {  	v44 =	vshll.u32 v3, $0x3  }
0x143: {  	v3 =	vand.u32 $0x7, v3;
	v4 =	vand.u32 $0xFFFFFFC0, v44  }
0x144: {  	v3 =	vor.u32 v3, v4  }
0x145: {  	v4 =	vperm.xlane v3, v0;
	_ =	sdelay $0x1  }
0x146: {  	v4 =	vadd.s32 v1, v4;
	_ =	sdelay $0x4  }
0x147: {  	[tilespmem:s10], [sflag:$0x1] =	stream.indirect_vreg.gather [hbm4b:s3+s2], $0x80, v4, vm0, $0xb8;
	[tilespmem:$0x18200] =	vst v63  }
0x148: {  	s26 =	simm.s32 $0xA00;
	v3 =	vperm.xlane v3, v2  }
0x149: {  	[tilespmem:s26], [sflag:$0x1] =	stream.indirect_vreg.gather [hbm4b:s4+s2], $0x80, v4, vm0, $0xb8;
	[tilespmem:$0x18200] =	vst v63  }
0x14a: {  	v3 =	vadd.s32 v1, v3  }
0x14b: {  	[tilespmem:s25], [sflag:$0x1] =	stream.indirect_vreg.gather [hbm4b:s5+s2], $0x80, v4, vm0, $0xb8;
	[tilespmem:$0x18200] =	vst v63  }
0x14c: {  	_ = 	snop  }
0x14d: {  	[tilespmem:s11], [sflag:$0x1] =	stream.indirect_vreg.gather [hbm4b:s6+s2], $0x80, v4, vm0, $0xb8;
	[tilespmem:$0x18200] =	vst v63  }
0x14e: {  	_ = 	snop  }
0x14f: {  	[tilespmem:s12], [sflag:$0x1] =	stream.indirect_vreg.gather [hbm4b:s3+s2], $0x80, v3, vm0, $0xb8;
	[tilespmem:$0x18200] =	vst v63  }
0x150: {  	_ = 	snop  }
0x151: {  	[tilespmem:s13], [sflag:$0x1] =	stream.indirect_vreg.gather [hbm4b:s4+s2], $0x80, v3, vm0, $0xb8;
	[tilespmem:$0x18200] =	vst v63  }
0x152: {  	_ = 	snop  }
0x153: {  	[tilespmem:s14], [sflag:$0x1] =	stream.indirect_vreg.gather [hbm4b:s5+s2], $0x80, v3, vm0, $0xb8;
	[tilespmem:$0x18200] =	vst v63  }
0x154: {  	s30 =	simm.s32 $0x3A00  }
0x155: {  	[tilespmem:s30], [sflag:$0x1] =	stream.indirect_vreg.gather [hbm4b:s6+s2], $0x80, v3, vm0, $0xb8;
	[tilespmem:$0x18200] =	vst v63  }
0x156: {  	v3 =	vld [tilespmem:$0xD0];
	_ =	sdelay $0x4  }
0x157: {  	v45 =	vshll.u32 v3, $0x3  }
0x158: {  	v3 =	vand.u32 $0x7, v3;
	v4 =	vand.u32 $0xFFFFFFC0, v45  }
0x159: {  	v3 =	vor.u32 v3, v4  }
0x15a: {  	v4 =	vperm.xlane v3, v0;
	_ =	sdelay $0x1  }
0x15b: {  	v4 =	vadd.s32 v1, v4;
	_ =	sdelay $0x3  }
0x15c: {  	s11 =	simm.s32 $0x4200  }
0x15d: {  	[tilespmem:s11], [sflag:$0x1] =	stream.indirect_vreg.gather [hbm4b:s3+s2], $0x80, v4, vm0, $0xb8;
	[tilespmem:$0x18200] =	vst v63  }
0x15e: {  	s12 =	simm.s32 $0x4A00;
	v3 =	vperm.xlane v3, v2  }
0x15f: {  	[tilespmem:s12], [sflag:$0x1] =	stream.indirect_vreg.gather [hbm4b:s4+s2], $0x80, v4, vm0, $0xb8;
	[tilespmem:$0x18200] =	vst v63  }
0x160: {  	v3 =	vadd.s32 v1, v3  }
0x161: {  	[tilespmem:s15], [sflag:$0x1] =	stream.indirect_vreg.gather [hbm4b:s5+s2], $0x80, v4, vm0, $0xb8;
	[tilespmem:$0x18200] =	vst v63  }
0x162: {  	_ = 	snop  }
0x163: {  	[tilespmem:s16], [sflag:$0x1] =	stream.indirect_vreg.gather [hbm4b:s6+s2], $0x80, v4, vm0, $0xb8;
	[tilespmem:$0x18200] =	vst v63  }
0x164: {  	_ = 	snop  }
0x165: {  	[tilespmem:s17], [sflag:$0x1] =	stream.indirect_vreg.gather [hbm4b:s3+s2], $0x80, v3, vm0, $0xb8;
	[tilespmem:$0x18200] =	vst v63  }
0x166: {  	_ = 	snop  }
0x167: {  	[tilespmem:s18], [sflag:$0x1] =	stream.indirect_vreg.gather [hbm4b:s4+s2], $0x80, v3, vm0, $0xb8;
	[tilespmem:$0x18200] =	vst v63  }
0x168: {  	_ = 	snop  }
0x169: {  	[tilespmem:s19], [sflag:$0x1] =	stream.indirect_vreg.gather [hbm4b:s5+s2], $0x80, v3, vm0, $0xb8;
	[tilespmem:$0x18200] =	vst v63  }
0x16a: {  	s16 =	simm.s32 $0x7A00  }
0x16b: {  	[tilespmem:s16], [sflag:$0x1] =	stream.indirect_vreg.gather [hbm4b:s6+s2], $0x80, v3, vm0, $0xb8;
	[tilespmem:$0x18200] =	vst v63  }
0x16c: {  	_ =	swait.ge [sflag:s9], $0x8000  }
0x16d: {  	[sflag:s9] =	ssyncset.done $0x0  }
0x16e: {  	s18 =	simm.s32 $0x8200;
	s17 =	rddreg [dreg:$0x7];
	[sflag:s9] =	ssyncadd.s32 $0xFFFF8000  }
0x16f: {  	[hbm4b:s17+s2] =	stream.linear.scatter [tilespmem:s18], [sflag:$0x5], $0x8000, $0x38;
	[tilespmem:$0x18200] =	vst v63  }
0x170: {  	_ =	swait.ge [sflag:s31], $0x8000  }
0x171: {  	[sflag:s31] =	ssyncset.done $0x0  }
0x172: {  	[sflag:s31] =	ssyncadd.s32 $0xFFFF8000  }
0x173: {  	v3 =	vld [tilespmem:$0xE0];
	_ =	sdelay $0x4  }
0x174: {  	v46 =	vshll.u32 v3, $0x3  }
0x175: {  	v3 =	vand.u32 $0x7, v3;
	v4 =	vand.u32 $0xFFFFFFC0, v46  }
0x176: {  	v3 =	vor.u32 v3, v4  }
0x177: {  	v4 =	vperm.xlane v3, v0;
	_ =	sdelay $0x1  }
0x178: {  	v4 =	vadd.s32 v1, v4;
	_ =	sdelay $0x4  }
0x179: {  	[tilespmem:s18], [sflag:$0x2] =	stream.indirect_vreg.gather [hbm4b:s3+s2], $0x80, v4, vm0, $0xb8;
	[tilespmem:$0x18200] =	vst v63  }
0x17a: {  	s19 =	simm.s32 $0x8A00;
	v3 =	vperm.xlane v3, v2  }
0x17b: {  	[tilespmem:s19], [sflag:$0x2] =	stream.indirect_vreg.gather [hbm4b:s4+s2], $0x80, v4, vm0, $0xb8;
	[tilespmem:$0x18200] =	vst v63  }
0x17c: {  	v3 =	vadd.s32 v1, v3  }
0x17d: {  	[tilespmem:s7], [sflag:$0x2] =	stream.indirect_vreg.gather [hbm4b:s5+s2], $0x80, v4, vm0, $0xb8;
	[tilespmem:$0x18200] =	vst v63  }
0x17e: {  	s11 =	simm.s32 $0x9A00  }
0x17f: {  	[tilespmem:s11], [sflag:$0x2] =	stream.indirect_vreg.gather [hbm4b:s6+s2], $0x80, v4, vm0, $0xb8;
	[tilespmem:$0x18200] =	vst v63  }
0x180: {  	s25 =	simm.s32 $0xA200  }
0x181: {  	[tilespmem:s25], [sflag:$0x2] =	stream.indirect_vreg.gather [hbm4b:s3+s2], $0x80, v3, vm0, $0xb8;
	[tilespmem:$0x18200] =	vst v63  }
0x182: {  	s26 =	simm.s32 $0xAA00  }
0x183: {  	[tilespmem:s26], [sflag:$0x2] =	stream.indirect_vreg.gather [hbm4b:s4+s2], $0x80, v3, vm0, $0xb8;
	[tilespmem:$0x18200] =	vst v63  }
0x184: {  	s25 =	simm.s32 $0xB200  }
0x185: {  	[tilespmem:s25], [sflag:$0x2] =	stream.indirect_vreg.gather [hbm4b:s5+s2], $0x80, v3, vm0, $0xb8;
	[tilespmem:$0x18200] =	vst v63  }
0x186: {  	s30 =	simm.s32 $0xBA00  }
0x187: {  	[tilespmem:s30], [sflag:$0x2] =	stream.indirect_vreg.gather [hbm4b:s6+s2], $0x80, v3, vm0, $0xb8;
	[tilespmem:$0x18200] =	vst v63  }
0x188: {  	v3 =	vld [tilespmem:$0xF0];
	_ =	sdelay $0x4  }
0x189: {  	v47 =	vshll.u32 v3, $0x3  }
0x18a: {  	v3 =	vand.u32 $0x7, v3;
	v4 =	vand.u32 $0xFFFFFFC0, v47  }
0x18b: {  	v3 =	vor.u32 v3, v4  }
0x18c: {  	v4 =	vperm.xlane v3, v0;
	_ =	sdelay $0x1  }
0x18d: {  	v4 =	vadd.s32 v1, v4;
	_ =	sdelay $0x3  }
0x18e: {  	s12 =	simm.s32 $0xC200  }
0x18f: {  	[tilespmem:s12], [sflag:$0x2] =	stream.indirect_vreg.gather [hbm4b:s3+s2], $0x80, v4, vm0, $0xb8;
	[tilespmem:$0x18200] =	vst v63  }
0x190: {  	s15 =	simm.s32 $0xCA00;
	v3 =	vperm.xlane v3, v2  }
0x191: {  	[tilespmem:s15], [sflag:$0x2] =	stream.indirect_vreg.gather [hbm4b:s4+s2], $0x80, v4, vm0, $0xb8;
	[tilespmem:$0x18200] =	vst v63  }
0x192: {  	s30 =	simm.s32 $0xD200;
	v3 =	vadd.s32 v1, v3  }
0x193: {  	[tilespmem:s30], [sflag:$0x2] =	stream.indirect_vreg.gather [hbm4b:s5+s2], $0x80, v4, vm0, $0xb8;
	[tilespmem:$0x18200] =	vst v63  }
0x194: {  	s16 =	simm.s32 $0xDA00  }
0x195: {  	[tilespmem:s16], [sflag:$0x2] =	stream.indirect_vreg.gather [hbm4b:s6+s2], $0x80, v4, vm0, $0xb8;
	[tilespmem:$0x18200] =	vst v63  }
0x196: {  	s17 =	simm.s32 $0xE200  }
0x197: {  	[tilespmem:s17], [sflag:$0x2] =	stream.indirect_vreg.gather [hbm4b:s3+s2], $0x80, v3, vm0, $0xb8;
	[tilespmem:$0x18200] =	vst v63  }
0x198: {  	s18 =	simm.s32 $0xEA00  }
0x199: {  	[tilespmem:s18], [sflag:$0x2] =	stream.indirect_vreg.gather [hbm4b:s4+s2], $0x80, v3, vm0, $0xb8;
	[tilespmem:$0x18200] =	vst v63  }
0x19a: {  	s19 =	simm.s32 $0xF200  }
0x19b: {  	[tilespmem:s19], [sflag:$0x2] =	stream.indirect_vreg.gather [hbm4b:s5+s2], $0x80, v3, vm0, $0xb8;
	[tilespmem:$0x18200] =	vst v63  }
0x19c: {  	s26 =	simm.s32 $0xFA00  }
0x19d: {  	[tilespmem:s26], [sflag:$0x2] =	stream.indirect_vreg.gather [hbm4b:s6+s2], $0x80, v3, vm0, $0xb8;
	[tilespmem:$0x18200] =	vst v63  }
0x19e: {  	_ =	swait.ge [sflag:s1], $0x8000  }
0x19f: {  	[sflag:s1] =	ssyncset.done $0x0  }
0x1a0: {  	s15 =	simm.s32 $0x10200;
	s12 =	rddreg [dreg:$0x8];
	[sflag:s1] =	ssyncadd.s32 $0xFFFF8000  }
0x1a1: {  	[hbm4b:s12+s2] =	stream.linear.scatter [tilespmem:s15], [sflag:$0x6], $0x8000, $0x38;
	[tilespmem:$0x18200] =	vst v63  }
0x1a2: {  	_ =	swait.ge [sflag:s0], $0x8000  }
0x1a3: {  	[sflag:s0] =	ssyncset.done $0x0  }
0x1a4: {  	[sflag:s0] =	ssyncadd.s32 $0xFFFF8000  }
0x1a5: {  	v3 =	vld [tilespmem:$0x100];
	_ =	sdelay $0x4  }
0x1a6: {  	v48 =	vshll.u32 v3, $0x3  }
0x1a7: {  	v3 =	vand.u32 $0x7, v3;
	v4 =	vand.u32 $0xFFFFFFC0, v48  }
0x1a8: {  	v3 =	vor.u32 v3, v4  }
0x1a9: {  	v4 =	vperm.xlane v3, v0;
	_ =	sdelay $0x1  }
0x1aa: {  	v4 =	vadd.s32 v1, v4;
	_ =	sdelay $0x4  }
0x1ab: {  	[tilespmem:s15], [sflag:$0x3] =	stream.indirect_vreg.gather [hbm4b:s3+s2], $0x80, v4, vm0, $0xb8;
	[tilespmem:$0x18200] =	vst v63  }
0x1ac: {  	v3 =	vperm.xlane v3, v2;
	s15 =	simm.s32 $0x10A00  }
0x1ad: {  	[tilespmem:s15], [sflag:$0x3] =	stream.indirect_vreg.gather [hbm4b:s4+s2], $0x80, v4, vm0, $0xb8;
	[tilespmem:$0x18200] =	vst v63  }
0x1ae: {  	v3 =	vadd.s32 v1, v3  }
0x1af: {  	[tilespmem:s20], [sflag:$0x3] =	stream.indirect_vreg.gather [hbm4b:s5+s2], $0x80, v4, vm0, $0xb8;
	[tilespmem:$0x18200] =	vst v63  }
0x1b0: {  	_ = 	snop  }
0x1b1: {  	[tilespmem:s21], [sflag:$0x3] =	stream.indirect_vreg.gather [hbm4b:s6+s2], $0x80, v4, vm0, $0xb8;
	[tilespmem:$0x18200] =	vst v63  }
0x1b2: {  	_ = 	snop  }
0x1b3: {  	[tilespmem:s22], [sflag:$0x3] =	stream.indirect_vreg.gather [hbm4b:s3+s2], $0x80, v3, vm0, $0xb8;
	[tilespmem:$0x18200] =	vst v63  }
0x1b4: {  	_ = 	snop  }
0x1b5: {  	[tilespmem:s23], [sflag:$0x3] =	stream.indirect_vreg.gather [hbm4b:s4+s2], $0x80, v3, vm0, $0xb8;
	[tilespmem:$0x18200] =	vst v63  }
0x1b6: {  	_ = 	snop  }
0x1b7: {  	[tilespmem:s24], [sflag:$0x3] =	stream.indirect_vreg.gather [hbm4b:s5+s2], $0x80, v3, vm0, $0xb8;
	[tilespmem:$0x18200] =	vst v63  }
0x1b8: {  	s7 =	simm.s32 $0x13A00  }
0x1b9: {  	[tilespmem:s7], [sflag:$0x3] =	stream.indirect_vreg.gather [hbm4b:s6+s2], $0x80, v3, vm0, $0xb8;
	[tilespmem:$0x18200] =	vst v63  }
0x1ba: {  	v3 =	vld [tilespmem:$0x110];
	_ =	sdelay $0x4  }
0x1bb: {  	v49 =	vshll.u32 v3, $0x3  }
0x1bc: {  	v3 =	vand.u32 $0x7, v3;
	v4 =	vand.u32 $0xFFFFFFC0, v49  }
0x1bd: {  	v3 =	vor.u32 v3, v4  }
0x1be: {  	v4 =	vperm.xlane v3, v0;
	_ =	sdelay $0x1  }
0x1bf: {  	v4 =	vadd.s32 v1, v4;
	_ =	sdelay $0x3  }
0x1c0: {  	s17 =	simm.s32 $0x14200  }
0x1c1: {  	[tilespmem:s17], [sflag:$0x3] =	stream.indirect_vreg.gather [hbm4b:s3+s2], $0x80, v4, vm0, $0xb8;
	[tilespmem:$0x18200] =	vst v63  }
0x1c2: {  	s18 =	simm.s32 $0x14A00;
	v3 =	vperm.xlane v3, v2  }
0x1c3: {  	[tilespmem:s18], [sflag:$0x3] =	stream.indirect_vreg.gather [hbm4b:s4+s2], $0x80, v4, vm0, $0xb8;
	[tilespmem:$0x18200] =	vst v63  }
0x1c4: {  	v3 =	vadd.s32 v1, v3  }
0x1c5: {  	[tilespmem:s8], [sflag:$0x3] =	stream.indirect_vreg.gather [hbm4b:s5+s2], $0x80, v4, vm0, $0xb8;
	[tilespmem:$0x18200] =	vst v63  }
0x1c6: {  	s16 =	simm.s32 $0x15A00  }
0x1c7: {  	[tilespmem:s16], [sflag:$0x3] =	stream.indirect_vreg.gather [hbm4b:s6+s2], $0x80, v4, vm0, $0xb8;
	[tilespmem:$0x18200] =	vst v63  }
0x1c8: {  	s19 =	simm.s32 $0x16200  }
0x1c9: {  	[tilespmem:s19], [sflag:$0x3] =	stream.indirect_vreg.gather [hbm4b:s3+s2], $0x80, v3, vm0, $0xb8;
	[tilespmem:$0x18200] =	vst v63  }
0x1ca: {  	s12 =	simm.s32 $0x16A00  }
0x1cb: {  	[tilespmem:s12], [sflag:$0x3] =	stream.indirect_vreg.gather [hbm4b:s4+s2], $0x80, v3, vm0, $0xb8;
	[tilespmem:$0x18200] =	vst v63  }
0x1cc: {  	s16 =	simm.s32 $0x17200  }
0x1cd: {  	[tilespmem:s16], [sflag:$0x3] =	stream.indirect_vreg.gather [hbm4b:s5+s2], $0x80, v3, vm0, $0xb8;
	[tilespmem:$0x18200] =	vst v63  }
0x1ce: {  	s19 =	simm.s32 $0x17A00  }
0x1cf: {  	[tilespmem:s19], [sflag:$0x3] =	stream.indirect_vreg.gather [hbm4b:s6+s2], $0x80, v3, vm0, $0xb8;
	[tilespmem:$0x18200] =	vst v63  }
0x1d0: {  	_ =	swait.ge [sflag:s28], $0x8000  }
0x1d1: {  	[sflag:s28] =	ssyncset.done $0x0  }
0x1d2: {  	s21 =	simm.s32 $0x200;
	s20 =	rddreg [dreg:$0x9];
	[sflag:s28] =	ssyncadd.s32 $0xFFFF8000  }
0x1d3: {  	[hbm4b:s20+s2] =	stream.linear.scatter [tilespmem:s21], [sflag:$0x4], $0x8000, $0x38;
	[tilespmem:$0x18200] =	vst v63  }
0x1d4: {  	_ =	swait.ge [sflag:s29], $0x8000  }
0x1d5: {  	[sflag:s29] =	ssyncset.done $0x0  }
0x1d6: {  	[sflag:s29] =	ssyncadd.s32 $0xFFFF8000  }
0x1d7: {  	v3 =	vld [tilespmem:$0x120];
	_ =	sdelay $0x4  }
0x1d8: {  	v50 =	vshll.u32 v3, $0x3  }
0x1d9: {  	v3 =	vand.u32 $0x7, v3;
	v4 =	vand.u32 $0xFFFFFFC0, v50  }
0x1da: {  	v3 =	vor.u32 v3, v4  }
0x1db: {  	v4 =	vperm.xlane v3, v0;
	_ =	sdelay $0x1  }
0x1dc: {  	v4 =	vadd.s32 v1, v4;
	_ =	sdelay $0x4  }
0x1dd: {  	[tilespmem:s21], [sflag:$0x1] =	stream.indirect_vreg.gather [hbm4b:s3+s2], $0x80, v4, vm0, $0xb8;
	[tilespmem:$0x18200] =	vst v63  }
0x1de: {  	s22 =	simm.s32 $0xA00;
	v3 =	vperm.xlane v3, v2  }
0x1df: {  	[tilespmem:s22], [sflag:$0x1] =	stream.indirect_vreg.gather [hbm4b:s4+s2], $0x80, v4, vm0, $0xb8;
	[tilespmem:$0x18200] =	vst v63  }
0x1e0: {  	s20 =	simm.s32 $0x1200;
	v3 =	vadd.s32 v1, v3  }
0x1e1: {  	[tilespmem:s20], [sflag:$0x1] =	stream.indirect_vreg.gather [hbm4b:s5+s2], $0x80, v4, vm0, $0xb8;
	[tilespmem:$0x18200] =	vst v63  }
0x1e2: {  	s21 =	simm.s32 $0x1A00  }
0x1e3: {  	[tilespmem:s21], [sflag:$0x1] =	stream.indirect_vreg.gather [hbm4b:s6+s2], $0x80, v4, vm0, $0xb8;
	[tilespmem:$0x18200] =	vst v63  }
0x1e4: {  	s23 =	simm.s32 $0x2200  }
0x1e5: {  	[tilespmem:s23], [sflag:$0x1] =	stream.indirect_vreg.gather [hbm4b:s3+s2], $0x80, v3, vm0, $0xb8;
	[tilespmem:$0x18200] =	vst v63  }
0x1e6: {  	s13 =	simm.s32 $0x2A00  }
0x1e7: {  	[tilespmem:s13], [sflag:$0x1] =	stream.indirect_vreg.gather [hbm4b:s4+s2], $0x80, v3, vm0, $0xb8;
	[tilespmem:$0x18200] =	vst v63  }
0x1e8: {  	s14 =	simm.s32 $0x3200  }
0x1e9: {  	[tilespmem:s14], [sflag:$0x1] =	stream.indirect_vreg.gather [hbm4b:s5+s2], $0x80, v3, vm0, $0xb8;
	[tilespmem:$0x18200] =	vst v63  }
0x1ea: {  	s24 =	simm.s32 $0x3A00  }
0x1eb: {  	[tilespmem:s24], [sflag:$0x1] =	stream.indirect_vreg.gather [hbm4b:s6+s2], $0x80, v3, vm0, $0xb8;
	[tilespmem:$0x18200] =	vst v63  }
0x1ec: {  	v3 =	vld [tilespmem:$0x130];
	_ =	sdelay $0x4  }
0x1ed: {  	v51 =	vshll.u32 v3, $0x3  }
0x1ee: {  	v3 =	vand.u32 $0x7, v3;
	v4 =	vand.u32 $0xFFFFFFC0, v51  }
0x1ef: {  	v3 =	vor.u32 v3, v4  }
0x1f0: {  	v4 =	vperm.xlane v3, v0;
	_ =	sdelay $0x1  }
0x1f1: {  	v4 =	vadd.s32 v1, v4;
	_ =	sdelay $0x3  }
0x1f2: {  	s26 =	simm.s32 $0x4200  }
0x1f3: {  	[tilespmem:s26], [sflag:$0x1] =	stream.indirect_vreg.gather [hbm4b:s3+s2], $0x80, v4, vm0, $0xb8;
	[tilespmem:$0x18200] =	vst v63  }
0x1f4: {  	s13 =	simm.s32 $0x4A00;
	v3 =	vperm.xlane v3, v2  }
0x1f5: {  	[tilespmem:s13], [sflag:$0x1] =	stream.indirect_vreg.gather [hbm4b:s4+s2], $0x80, v4, vm0, $0xb8;
	[tilespmem:$0x18200] =	vst v63  }
0x1f6: {  	s22 =	simm.s32 $0x5200;
	v3 =	vadd.s32 v1, v3  }
0x1f7: {  	[tilespmem:s22], [sflag:$0x1] =	stream.indirect_vreg.gather [hbm4b:s5+s2], $0x80, v4, vm0, $0xb8;
	[tilespmem:$0x18200] =	vst v63  }
0x1f8: {  	s23 =	simm.s32 $0x5A00  }
0x1f9: {  	[tilespmem:s23], [sflag:$0x1] =	stream.indirect_vreg.gather [hbm4b:s6+s2], $0x80, v4, vm0, $0xb8;
	[tilespmem:$0x18200] =	vst v63  }
0x1fa: {  	s24 =	simm.s32 $0x6200  }
0x1fb: {  	[tilespmem:s24], [sflag:$0x1] =	stream.indirect_vreg.gather [hbm4b:s3+s2], $0x80, v3, vm0, $0xb8;
	[tilespmem:$0x18200] =	vst v63  }
0x1fc: {  	s8 =	simm.s32 $0x6A00  }
0x1fd: {  	[tilespmem:s8], [sflag:$0x1] =	stream.indirect_vreg.gather [hbm4b:s4+s2], $0x80, v3, vm0, $0xb8;
	[tilespmem:$0x18200] =	vst v63  }
0x1fe: {  	s26 =	simm.s32 $0x7200  }
0x1ff: {  	[tilespmem:s26], [sflag:$0x1] =	stream.indirect_vreg.gather [hbm4b:s5+s2], $0x80, v3, vm0, $0xb8;
	[tilespmem:$0x18200] =	vst v63  }
0x200: {  	s14 =	simm.s32 $0x7A00  }
0x201: {  	[tilespmem:s14], [sflag:$0x1] =	stream.indirect_vreg.gather [hbm4b:s6+s2], $0x80, v3, vm0, $0xb8;
	[tilespmem:$0x18200] =	vst v63  }
0x202: {  	_ =	swait.ge [sflag:s9], $0x8000  }
0x203: {  	[sflag:s9] =	ssyncset.done $0x0  }
0x204: {  	s10 =	simm.s32 $0x8200;
	s8 =	rddreg [dreg:$0xa];
	[sflag:s9] =	ssyncadd.s32 $0xFFFF8000  }
0x205: {  	[hbm4b:s8+s2] =	stream.linear.scatter [tilespmem:s10], [sflag:$0x5], $0x8000, $0x38;
	[tilespmem:$0x18200] =	vst v63  }
0x206: {  	_ =	swait.ge [sflag:s31], $0x8000  }
0x207: {  	[sflag:s31] =	ssyncset.done $0x0  }
0x208: {  	[sflag:s31] =	ssyncadd.s32 $0xFFFF8000  }
0x209: {  	v3 =	vld [tilespmem:$0x140];
	_ =	sdelay $0x4  }
0x20a: {  	v52 =	vshll.u32 v3, $0x3  }
0x20b: {  	v3 =	vand.u32 $0x7, v3;
	v4 =	vand.u32 $0xFFFFFFC0, v52  }
0x20c: {  	v3 =	vor.u32 v3, v4  }
0x20d: {  	v4 =	vperm.xlane v3, v0;
	_ =	sdelay $0x1  }
0x20e: {  	v4 =	vadd.s32 v1, v4;
	_ =	sdelay $0x4  }
0x20f: {  	[tilespmem:s10], [sflag:$0x2] =	stream.indirect_vreg.gather [hbm4b:s3+s2], $0x80, v4, vm0, $0xb8;
	[tilespmem:$0x18200] =	vst v63  }
0x210: {  	v3 =	vperm.xlane v3, v2;
	s10 =	simm.s32 $0x8A00  }
0x211: {  	[tilespmem:s10], [sflag:$0x2] =	stream.indirect_vreg.gather [hbm4b:s4+s2], $0x80, v4, vm0, $0xb8;
	[tilespmem:$0x18200] =	vst v63  }
0x212: {  	s26 =	simm.s32 $0x9200;
	v3 =	vadd.s32 v1, v3  }
0x213: {  	[tilespmem:s26], [sflag:$0x2] =	stream.indirect_vreg.gather [hbm4b:s5+s2], $0x80, v4, vm0, $0xb8;
	[tilespmem:$0x18200] =	vst v63  }
0x214: {  	_ = 	snop  }
0x215: {  	[tilespmem:s11], [sflag:$0x2] =	stream.indirect_vreg.gather [hbm4b:s6+s2], $0x80, v4, vm0, $0xb8;
	[tilespmem:$0x18200] =	vst v63  }
0x216: {  	s8 =	simm.s32 $0xA200  }
0x217: {  	[tilespmem:s8], [sflag:$0x2] =	stream.indirect_vreg.gather [hbm4b:s3+s2], $0x80, v3, vm0, $0xb8;
	[tilespmem:$0x18200] =	vst v63  }
0x218: {  	s10 =	simm.s32 $0xAA00  }
0x219: {  	[tilespmem:s10], [sflag:$0x2] =	stream.indirect_vreg.gather [hbm4b:s4+s2], $0x80, v3, vm0, $0xb8;
	[tilespmem:$0x18200] =	vst v63  }
0x21a: {  	_ = 	snop  }
0x21b: {  	[tilespmem:s25], [sflag:$0x2] =	stream.indirect_vreg.gather [hbm4b:s5+s2], $0x80, v3, vm0, $0xb8;
	[tilespmem:$0x18200] =	vst v63  }
0x21c: {  	s25 =	simm.s32 $0xBA00  }
0x21d: {  	[tilespmem:s25], [sflag:$0x2] =	stream.indirect_vreg.gather [hbm4b:s6+s2], $0x80, v3, vm0, $0xb8;
	[tilespmem:$0x18200] =	vst v63  }
0x21e: {  	v3 =	vld [tilespmem:$0x150];
	_ =	sdelay $0x4  }
0x21f: {  	v53 =	vshll.u32 v3, $0x3  }
0x220: {  	v3 =	vand.u32 $0x7, v3;
	v4 =	vand.u32 $0xFFFFFFC0, v53  }
0x221: {  	v3 =	vor.u32 v3, v4  }
0x222: {  	v4 =	vperm.xlane v3, v0;
	_ =	sdelay $0x1  }
0x223: {  	v4 =	vadd.s32 v1, v4;
	_ =	sdelay $0x3  }
0x224: {  	s26 =	simm.s32 $0xC200  }
0x225: {  	[tilespmem:s26], [sflag:$0x2] =	stream.indirect_vreg.gather [hbm4b:s3+s2], $0x80, v4, vm0, $0xb8;
	[tilespmem:$0x18200] =	vst v63  }
0x226: {  	s10 =	simm.s32 $0xCA00;
	v3 =	vperm.xlane v3, v2  }
0x227: {  	[tilespmem:s10], [sflag:$0x2] =	stream.indirect_vreg.gather [hbm4b:s4+s2], $0x80, v4, vm0, $0xb8;
	[tilespmem:$0x18200] =	vst v63  }
0x228: {  	v3 =	vadd.s32 v1, v3  }
0x229: {  	[tilespmem:s30], [sflag:$0x2] =	stream.indirect_vreg.gather [hbm4b:s5+s2], $0x80, v4, vm0, $0xb8;
	[tilespmem:$0x18200] =	vst v63  }
0x22a: {  	s11 =	simm.s32 $0xDA00  }
0x22b: {  	[tilespmem:s11], [sflag:$0x2] =	stream.indirect_vreg.gather [hbm4b:s6+s2], $0x80, v4, vm0, $0xb8;
	[tilespmem:$0x18200] =	vst v63  }
0x22c: {  	s25 =	simm.s32 $0xE200  }
0x22d: {  	[tilespmem:s25], [sflag:$0x2] =	stream.indirect_vreg.gather [hbm4b:s3+s2], $0x80, v3, vm0, $0xb8;
	[tilespmem:$0x18200] =	vst v63  }
0x22e: {  	s26 =	simm.s32 $0xEA00  }
0x22f: {  	[tilespmem:s26], [sflag:$0x2] =	stream.indirect_vreg.gather [hbm4b:s4+s2], $0x80, v3, vm0, $0xb8;
	[tilespmem:$0x18200] =	vst v63  }
0x230: {  	s10 =	simm.s32 $0xF200  }
0x231: {  	[tilespmem:s10], [sflag:$0x2] =	stream.indirect_vreg.gather [hbm4b:s5+s2], $0x80, v3, vm0, $0xb8;
	[tilespmem:$0x18200] =	vst v63  }
0x232: {  	s11 =	simm.s32 $0xFA00  }
0x233: {  	[tilespmem:s11], [sflag:$0x2] =	stream.indirect_vreg.gather [hbm4b:s6+s2], $0x80, v3, vm0, $0xb8;
	[tilespmem:$0x18200] =	vst v63  }
0x234: {  	_ =	swait.ge [sflag:s1], $0x8000  }
0x235: {  	[sflag:s1] =	ssyncset.done $0x0  }
0x236: {  	s8 =	simm.s32 $0x10200;
	s25 =	rddreg [dreg:$0xb];
	[sflag:s1] =	ssyncadd.s32 $0xFFFF8000  }
0x237: {  	[hbm4b:s25+s2] =	stream.linear.scatter [tilespmem:s8], [sflag:$0x6], $0x8000, $0x38;
	[tilespmem:$0x18200] =	vst v63  }
0x238: {  	_ =	swait.ge [sflag:s0], $0x8000  }
0x239: {  	[sflag:s0] =	ssyncset.done $0x0  }
0x23a: {  	[sflag:s0] =	ssyncadd.s32 $0xFFFF8000  }
0x23b: {  	v3 =	vld [tilespmem:$0x160];
	_ =	sdelay $0x4  }
0x23c: {  	v54 =	vshll.u32 v3, $0x3  }
0x23d: {  	v3 =	vand.u32 $0x7, v3;
	v4 =	vand.u32 $0xFFFFFFC0, v54  }
0x23e: {  	v3 =	vor.u32 v3, v4  }
0x23f: {  	v4 =	vperm.xlane v3, v0;
	_ =	sdelay $0x1  }
0x240: {  	v4 =	vadd.s32 v1, v4;
	_ =	sdelay $0x4  }
0x241: {  	[tilespmem:s8], [sflag:$0x3] =	stream.indirect_vreg.gather [hbm4b:s3+s2], $0x80, v4, vm0, $0xb8;
	[tilespmem:$0x18200] =	vst v63  }
0x242: {  	v3 =	vperm.xlane v3, v2  }
0x243: {  	[tilespmem:s15], [sflag:$0x3] =	stream.indirect_vreg.gather [hbm4b:s4+s2], $0x80, v4, vm0, $0xb8;
	[tilespmem:$0x18200] =	vst v63  }
0x244: {  	s11 =	simm.s32 $0x11200;
	v3 =	vadd.s32 v1, v3  }
0x245: {  	[tilespmem:s11], [sflag:$0x3] =	stream.indirect_vreg.gather [hbm4b:s5+s2], $0x80, v4, vm0, $0xb8;
	[tilespmem:$0x18200] =	vst v63  }
0x246: {  	s10 =	simm.s32 $0x11A00  }
0x247: {  	[tilespmem:s10], [sflag:$0x3] =	stream.indirect_vreg.gather [hbm4b:s6+s2], $0x80, v4, vm0, $0xb8;
	[tilespmem:$0x18200] =	vst v63  }
0x248: {  	s26 =	simm.s32 $0x12200  }
0x249: {  	[tilespmem:s26], [sflag:$0x3] =	stream.indirect_vreg.gather [hbm4b:s3+s2], $0x80, v3, vm0, $0xb8;
	[tilespmem:$0x18200] =	vst v63  }
0x24a: {  	s10 =	simm.s32 $0x12A00  }
0x24b: {  	[tilespmem:s10], [sflag:$0x3] =	stream.indirect_vreg.gather [hbm4b:s4+s2], $0x80, v3, vm0, $0xb8;
	[tilespmem:$0x18200] =	vst v63  }
0x24c: {  	s26 =	simm.s32 $0x13200  }
0x24d: {  	[tilespmem:s26], [sflag:$0x3] =	stream.indirect_vreg.gather [hbm4b:s5+s2], $0x80, v3, vm0, $0xb8;
	[tilespmem:$0x18200] =	vst v63  }
0x24e: {  	_ = 	snop  }
0x24f: {  	[tilespmem:s7], [sflag:$0x3] =	stream.indirect_vreg.gather [hbm4b:s6+s2], $0x80, v3, vm0, $0xb8;
	[tilespmem:$0x18200] =	vst v63  }
0x250: {  	v3 =	vld [tilespmem:$0x170];
	_ =	sdelay $0x4  }
0x251: {  	v55 =	vshll.u32 v3, $0x3  }
0x252: {  	v3 =	vand.u32 $0x7, v3;
	v4 =	vand.u32 $0xFFFFFFC0, v55  }
0x253: {  	v3 =	vor.u32 v3, v4  }
0x254: {  	v4 =	vperm.xlane v3, v0;
	_ =	sdelay $0x1  }
0x255: {  	v4 =	vadd.s32 v1, v4;
	_ =	sdelay $0x4  }
0x256: {  	[tilespmem:s17], [sflag:$0x3] =	stream.indirect_vreg.gather [hbm4b:s3+s2], $0x80, v4, vm0, $0xb8;
	[tilespmem:$0x18200] =	vst v63  }
0x257: {  	v3 =	vperm.xlane v3, v2  }
0x258: {  	[tilespmem:s18], [sflag:$0x3] =	stream.indirect_vreg.gather [hbm4b:s4+s2], $0x80, v4, vm0, $0xb8;
	[tilespmem:$0x18200] =	vst v63  }
0x259: {  	s10 =	simm.s32 $0x15200;
	v3 =	vadd.s32 v1, v3  }
0x25a: {  	[tilespmem:s10], [sflag:$0x3] =	stream.indirect_vreg.gather [hbm4b:s5+s2], $0x80, v4, vm0, $0xb8;
	[tilespmem:$0x18200] =	vst v63  }
0x25b: {  	s26 =	simm.s32 $0x15A00  }
0x25c: {  	[tilespmem:s26], [sflag:$0x3] =	stream.indirect_vreg.gather [hbm4b:s6+s2], $0x80, v4, vm0, $0xb8;
	[tilespmem:$0x18200] =	vst v63  }
0x25d: {  	s8 =	simm.s32 $0x16200  }
0x25e: {  	[tilespmem:s8], [sflag:$0x3] =	stream.indirect_vreg.gather [hbm4b:s3+s2], $0x80, v3, vm0, $0xb8;
	[tilespmem:$0x18200] =	vst v63  }
0x25f: {  	_ = 	snop  }
0x260: {  	[tilespmem:s12], [sflag:$0x3] =	stream.indirect_vreg.gather [hbm4b:s4+s2], $0x80, v3, vm0, $0xb8;
	[tilespmem:$0x18200] =	vst v63  }
0x261: {  	_ = 	snop  }
0x262: {  	[tilespmem:s16], [sflag:$0x3] =	stream.indirect_vreg.gather [hbm4b:s5+s2], $0x80, v3, vm0, $0xb8;
	[tilespmem:$0x18200] =	vst v63  }
0x263: {  	_ = 	snop  }
0x264: {  	[tilespmem:s19], [sflag:$0x3] =	stream.indirect_vreg.gather [hbm4b:s6+s2], $0x80, v3, vm0, $0xb8;
	[tilespmem:$0x18200] =	vst v63  }
0x265: {  	_ =	swait.ge [sflag:s28], $0x8000  }
0x266: {  	[sflag:s28] =	ssyncset.done $0x0  }
0x267: {  	s12 =	simm.s32 $0x200;
	s10 =	rddreg [dreg:$0xc];
	[sflag:s28] =	ssyncadd.s32 $0xFFFF8000  }
0x268: {  	[hbm4b:s10+s2] =	stream.linear.scatter [tilespmem:s12], [sflag:$0x4], $0x8000, $0x38;
	[tilespmem:$0x18200] =	vst v63  }
0x269: {  	_ =	swait.ge [sflag:s29], $0x8000  }
0x26a: {  	[sflag:s29] =	ssyncset.done $0x0  }
0x26b: {  	[sflag:s29] =	ssyncadd.s32 $0xFFFF8000  }
0x26c: {  	v3 =	vld [tilespmem:$0x180];
	_ =	sdelay $0x4  }
0x26d: {  	v56 =	vshll.u32 v3, $0x3  }
0x26e: {  	v3 =	vand.u32 $0x7, v3;
	v4 =	vand.u32 $0xFFFFFFC0, v56  }
0x26f: {  	v3 =	vor.u32 v3, v4  }
0x270: {  	v4 =	vperm.xlane v3, v0;
	_ =	sdelay $0x1  }
0x271: {  	v4 =	vadd.s32 v1, v4;
	_ =	sdelay $0x4  }
0x272: {  	[tilespmem:s12], [sflag:$0x1] =	stream.indirect_vreg.gather [hbm4b:s3+s2], $0x80, v4, vm0, $0xb8;
	[tilespmem:$0x18200] =	vst v63  }
0x273: {  	s19 =	simm.s32 $0xA00;
	v3 =	vperm.xlane v3, v2  }
0x274: {  	[tilespmem:s19], [sflag:$0x1] =	stream.indirect_vreg.gather [hbm4b:s4+s2], $0x80, v4, vm0, $0xb8;
	[tilespmem:$0x18200] =	vst v63  }
0x275: {  	v3 =	vadd.s32 v1, v3  }
0x276: {  	[tilespmem:s20], [sflag:$0x1] =	stream.indirect_vreg.gather [hbm4b:s5+s2], $0x80, v4, vm0, $0xb8;
	[tilespmem:$0x18200] =	vst v63  }
0x277: {  	_ = 	snop  }
0x278: {  	[tilespmem:s21], [sflag:$0x1] =	stream.indirect_vreg.gather [hbm4b:s6+s2], $0x80, v4, vm0, $0xb8;
	[tilespmem:$0x18200] =	vst v63  }
0x279: {  	s26 =	simm.s32 $0x2200  }
0x27a: {  	[tilespmem:s26], [sflag:$0x1] =	stream.indirect_vreg.gather [hbm4b:s3+s2], $0x80, v3, vm0, $0xb8;
	[tilespmem:$0x18200] =	vst v63  }
0x27b: {  	s10 =	simm.s32 $0x2A00  }
0x27c: {  	[tilespmem:s10], [sflag:$0x1] =	stream.indirect_vreg.gather [hbm4b:s4+s2], $0x80, v3, vm0, $0xb8;
	[tilespmem:$0x18200] =	vst v63  }
0x27d: {  	s10 =	simm.s32 $0x3200  }
0x27e: {  	[tilespmem:s10], [sflag:$0x1] =	stream.indirect_vreg.gather [hbm4b:s5+s2], $0x80, v3, vm0, $0xb8;
	[tilespmem:$0x18200] =	vst v63  }
0x27f: {  	s12 =	simm.s32 $0x3A00  }
0x280: {  	[tilespmem:s12], [sflag:$0x1] =	stream.indirect_vreg.gather [hbm4b:s6+s2], $0x80, v3, vm0, $0xb8;
	[tilespmem:$0x18200] =	vst v63  }
0x281: {  	v3 =	vld [tilespmem:$0x190];
	_ =	sdelay $0x4  }
0x282: {  	v57 =	vshll.u32 v3, $0x3  }
0x283: {  	v3 =	vand.u32 $0x7, v3;
	v4 =	vand.u32 $0xFFFFFFC0, v57  }
0x284: {  	v3 =	vor.u32 v3, v4  }
0x285: {  	v4 =	vperm.xlane v3, v0;
	_ =	sdelay $0x1  }
0x286: {  	v4 =	vadd.s32 v1, v4;
	_ =	sdelay $0x3  }
0x287: {  	s21 =	simm.s32 $0x4200  }
0x288: {  	[tilespmem:s21], [sflag:$0x1] =	stream.indirect_vreg.gather [hbm4b:s3+s2], $0x80, v4, vm0, $0xb8;
	[tilespmem:$0x18200] =	vst v63  }
0x289: {  	v3 =	vperm.xlane v3, v2  }
0x28a: {  	[tilespmem:s13], [sflag:$0x1] =	stream.indirect_vreg.gather [hbm4b:s4+s2], $0x80, v4, vm0, $0xb8;
	[tilespmem:$0x18200] =	vst v63  }
0x28b: {  	v3 =	vadd.s32 v1, v3  }
0x28c: {  	[tilespmem:s22], [sflag:$0x1] =	stream.indirect_vreg.gather [hbm4b:s5+s2], $0x80, v4, vm0, $0xb8;
	[tilespmem:$0x18200] =	vst v63  }
0x28d: {  	_ = 	snop  }
0x28e: {  	[tilespmem:s23], [sflag:$0x1] =	stream.indirect_vreg.gather [hbm4b:s6+s2], $0x80, v4, vm0, $0xb8;
	[tilespmem:$0x18200] =	vst v63  }
0x28f: {  	_ = 	snop  }
0x290: {  	[tilespmem:s24], [sflag:$0x1] =	stream.indirect_vreg.gather [hbm4b:s3+s2], $0x80, v3, vm0, $0xb8;
	[tilespmem:$0x18200] =	vst v63  }
0x291: {  	s26 =	simm.s32 $0x6A00  }
0x292: {  	[tilespmem:s26], [sflag:$0x1] =	stream.indirect_vreg.gather [hbm4b:s4+s2], $0x80, v3, vm0, $0xb8;
	[tilespmem:$0x18200] =	vst v63  }
0x293: {  	s7 =	simm.s32 $0x7200  }
0x294: {  	[tilespmem:s7], [sflag:$0x1] =	stream.indirect_vreg.gather [hbm4b:s5+s2], $0x80, v3, vm0, $0xb8;
	[tilespmem:$0x18200] =	vst v63  }
0x295: {  	_ = 	snop  }
0x296: {  	[tilespmem:s14], [sflag:$0x1] =	stream.indirect_vreg.gather [hbm4b:s6+s2], $0x80, v3, vm0, $0xb8;
	[tilespmem:$0x18200] =	vst v63  }
0x297: {  	_ =	swait.ge [sflag:s9], $0x8000  }
0x298: {  	[sflag:s9] =	ssyncset.done $0x0  }
0x299: {  	s7 =	simm.s32 $0x8200;
	s26 =	rddreg [dreg:$0xd];
	[sflag:s9] =	ssyncadd.s32 $0xFFFF8000  }
0x29a: {  	[hbm4b:s26+s2] =	stream.linear.scatter [tilespmem:s7], [sflag:$0x5], $0x8000, $0x38;
	[tilespmem:$0x18200] =	vst v63  }
0x29b: {  	_ =	swait.ge [sflag:s31], $0x8000  }
0x29c: {  	[sflag:s31] =	ssyncset.done $0x0  }
0x29d: {  	[sflag:s31] =	ssyncadd.s32 $0xFFFF8000  }
0x29e: {  	v3 =	vld [tilespmem:$0x1A0];
	_ =	sdelay $0x4  }
0x29f: {  	v58 =	vshll.u32 v3, $0x3  }
0x2a0: {  	v3 =	vand.u32 $0x7, v3;
	v4 =	vand.u32 $0xFFFFFFC0, v58  }
0x2a1: {  	v3 =	vor.u32 v3, v4  }
0x2a2: {  	v4 =	vperm.xlane v3, v0;
	_ =	sdelay $0x1  }
0x2a3: {  	v4 =	vadd.s32 v1, v4;
	_ =	sdelay $0x4  }
0x2a4: {  	[tilespmem:s7], [sflag:$0x2] =	stream.indirect_vreg.gather [hbm4b:s3+s2], $0x80, v4, vm0, $0xb8;
	[tilespmem:$0x18200] =	vst v63  }
0x2a5: {  	s26 =	simm.s32 $0x8A00;
	v3 =	vperm.xlane v3, v2  }
0x2a6: {  	[tilespmem:s26], [sflag:$0x2] =	stream.indirect_vreg.gather [hbm4b:s4+s2], $0x80, v4, vm0, $0xb8;
	[tilespmem:$0x18200] =	vst v63  }
0x2a7: {  	v3 =	vadd.s32 v1, v3;
	s26 =	simm.s32 $0x9200  }
0x2a8: {  	[tilespmem:s26], [sflag:$0x2] =	stream.indirect_vreg.gather [hbm4b:s5+s2], $0x80, v4, vm0, $0xb8;
	[tilespmem:$0x18200] =	vst v63  }
0x2a9: {  	s26 =	simm.s32 $0x9A00  }
0x2aa: {  	[tilespmem:s26], [sflag:$0x2] =	stream.indirect_vreg.gather [hbm4b:s6+s2], $0x80, v4, vm0, $0xb8;
	[tilespmem:$0x18200] =	vst v63  }
0x2ab: {  	s26 =	simm.s32 $0xA200  }
0x2ac: {  	[tilespmem:s26], [sflag:$0x2] =	stream.indirect_vreg.gather [hbm4b:s3+s2], $0x80, v3, vm0, $0xb8;
	[tilespmem:$0x18200] =	vst v63  }
0x2ad: {  	s26 =	simm.s32 $0xAA00  }
0x2ae: {  	[tilespmem:s26], [sflag:$0x2] =	stream.indirect_vreg.gather [hbm4b:s4+s2], $0x80, v3, vm0, $0xb8;
	[tilespmem:$0x18200] =	vst v63  }
0x2af: {  	s26 =	simm.s32 $0xB200  }
0x2b0: {  	[tilespmem:s26], [sflag:$0x2] =	stream.indirect_vreg.gather [hbm4b:s5+s2], $0x80, v3, vm0, $0xb8;
	[tilespmem:$0x18200] =	vst v63  }
0x2b1: {  	s26 =	simm.s32 $0xBA00  }
0x2b2: {  	[tilespmem:s26], [sflag:$0x2] =	stream.indirect_vreg.gather [hbm4b:s6+s2], $0x80, v3, vm0, $0xb8;
	[tilespmem:$0x18200] =	vst v63  }
0x2b3: {  	v3 =	vld [tilespmem:$0x1B0];
	_ =	sdelay $0x4  }
0x2b4: {  	v59 =	vshll.u32 v3, $0x3  }
0x2b5: {  	v3 =	vand.u32 $0x7, v3;
	v4 =	vand.u32 $0xFFFFFFC0, v59  }
0x2b6: {  	v3 =	vor.u32 v3, v4  }
0x2b7: {  	v4 =	vperm.xlane v3, v0;
	_ =	sdelay $0x1  }
0x2b8: {  	v4 =	vadd.s32 v1, v4;
	_ =	sdelay $0x3  }
0x2b9: {  	s26 =	simm.s32 $0xC200  }
0x2ba: {  	[tilespmem:s26], [sflag:$0x2] =	stream.indirect_vreg.gather [hbm4b:s3+s2], $0x80, v4, vm0, $0xb8;
	[tilespmem:$0x18200] =	vst v63  }
0x2bb: {  	v3 =	vperm.xlane v3, v2;
	s26 =	simm.s32 $0xCA00  }
0x2bc: {  	[tilespmem:s26], [sflag:$0x2] =	stream.indirect_vreg.gather [hbm4b:s4+s2], $0x80, v4, vm0, $0xb8;
	[tilespmem:$0x18200] =	vst v63  }
0x2bd: {  	s30 =	simm.s32 $0xD200;
	v3 =	vadd.s32 v1, v3  }
0x2be: {  	[tilespmem:s30], [sflag:$0x2] =	stream.indirect_vreg.gather [hbm4b:s5+s2], $0x80, v4, vm0, $0xb8;
	[tilespmem:$0x18200] =	vst v63  }
0x2bf: {  	s30 =	simm.s32 $0xDA00  }
0x2c0: {  	[tilespmem:s30], [sflag:$0x2] =	stream.indirect_vreg.gather [hbm4b:s6+s2], $0x80, v4, vm0, $0xb8;
	[tilespmem:$0x18200] =	vst v63  }
0x2c1: {  	s30 =	simm.s32 $0xE200  }
0x2c2: {  	[tilespmem:s30], [sflag:$0x2] =	stream.indirect_vreg.gather [hbm4b:s3+s2], $0x80, v3, vm0, $0xb8;
	[tilespmem:$0x18200] =	vst v63  }
0x2c3: {  	s30 =	simm.s32 $0xEA00  }
0x2c4: {  	[tilespmem:s30], [sflag:$0x2] =	stream.indirect_vreg.gather [hbm4b:s4+s2], $0x80, v3, vm0, $0xb8;
	[tilespmem:$0x18200] =	vst v63  }
0x2c5: {  	s30 =	simm.s32 $0xF200  }
0x2c6: {  	[tilespmem:s30], [sflag:$0x2] =	stream.indirect_vreg.gather [hbm4b:s5+s2], $0x80, v3, vm0, $0xb8;
	[tilespmem:$0x18200] =	vst v63  }
0x2c7: {  	s30 =	simm.s32 $0xFA00  }
0x2c8: {  	[tilespmem:s30], [sflag:$0x2] =	stream.indirect_vreg.gather [hbm4b:s6+s2], $0x80, v3, vm0, $0xb8;
	[tilespmem:$0x18200] =	vst v63  }
0x2c9: {  	_ =	swait.ge [sflag:s1], $0x8000  }
0x2ca: {  	[sflag:s1] =	ssyncset.done $0x0  }
0x2cb: {  	s25 =	simm.s32 $0x10200;
	s30 =	rddreg [dreg:$0xe];
	[sflag:s1] =	ssyncadd.s32 $0xFFFF8000  }
0x2cc: {  	[hbm4b:s30+s2] =	stream.linear.scatter [tilespmem:s25], [sflag:$0x6], $0x8000, $0x38;
	[tilespmem:$0x18200] =	vst v63  }
0x2cd: {  	_ =	swait.ge [sflag:s0], $0x8000  }
0x2ce: {  	[sflag:s0] =	ssyncset.done $0x0  }
0x2cf: {  	[sflag:s0] =	ssyncadd.s32 $0xFFFF8000  }
0x2d0: {  	v3 =	vld [tilespmem:$0x1C0];
	_ =	sdelay $0x4  }
0x2d1: {  	v60 =	vshll.u32 v3, $0x3  }
0x2d2: {  	v3 =	vand.u32 $0x7, v3;
	v4 =	vand.u32 $0xFFFFFFC0, v60  }
0x2d3: {  	v3 =	vor.u32 v3, v4  }
0x2d4: {  	v4 =	vperm.xlane v3, v0;
	_ =	sdelay $0x1  }
0x2d5: {  	v4 =	vadd.s32 v1, v4;
	_ =	sdelay $0x4  }
0x2d6: {  	[tilespmem:s25], [sflag:$0x3] =	stream.indirect_vreg.gather [hbm4b:s3+s2], $0x80, v4, vm0, $0xb8;
	[tilespmem:$0x18200] =	vst v63  }
0x2d7: {  	s15 =	simm.s32 $0x10A00;
	v3 =	vperm.xlane v3, v2  }
0x2d8: {  	[tilespmem:s15], [sflag:$0x3] =	stream.indirect_vreg.gather [hbm4b:s4+s2], $0x80, v4, vm0, $0xb8;
	[tilespmem:$0x18200] =	vst v63  }
0x2d9: {  	v3 =	vadd.s32 v1, v3  }
0x2da: {  	[tilespmem:s11], [sflag:$0x3] =	stream.indirect_vreg.gather [hbm4b:s5+s2], $0x80, v4, vm0, $0xb8;
	[tilespmem:$0x18200] =	vst v63  }
0x2db: {  	s30 =	simm.s32 $0x11A00  }
0x2dc: {  	[tilespmem:s30], [sflag:$0x3] =	stream.indirect_vreg.gather [hbm4b:s6+s2], $0x80, v4, vm0, $0xb8;
	[tilespmem:$0x18200] =	vst v63  }
0x2dd: {  	s15 =	simm.s32 $0x12200  }
0x2de: {  	[tilespmem:s15], [sflag:$0x3] =	stream.indirect_vreg.gather [hbm4b:s3+s2], $0x80, v3, vm0, $0xb8;
	[tilespmem:$0x18200] =	vst v63  }
0x2df: {  	s26 =	simm.s32 $0x12A00  }
0x2e0: {  	[tilespmem:s26], [sflag:$0x3] =	stream.indirect_vreg.gather [hbm4b:s4+s2], $0x80, v3, vm0, $0xb8;
	[tilespmem:$0x18200] =	vst v63  }
0x2e1: {  	s30 =	simm.s32 $0x13200  }
0x2e2: {  	[tilespmem:s30], [sflag:$0x3] =	stream.indirect_vreg.gather [hbm4b:s5+s2], $0x80, v3, vm0, $0xb8;
	[tilespmem:$0x18200] =	vst v63  }
0x2e3: {  	s15 =	simm.s32 $0x13A00  }
0x2e4: {  	[tilespmem:s15], [sflag:$0x3] =	stream.indirect_vreg.gather [hbm4b:s6+s2], $0x80, v3, vm0, $0xb8;
	[tilespmem:$0x18200] =	vst v63  }
0x2e5: {  	v3 =	vld [tilespmem:$0x1D0];
	_ =	sdelay $0x4  }
0x2e6: {  	v61 =	vshll.u32 v3, $0x3  }
0x2e7: {  	v3 =	vand.u32 $0x7, v3;
	v4 =	vand.u32 $0xFFFFFFC0, v61  }
0x2e8: {  	v3 =	vor.u32 v3, v4  }
0x2e9: {  	v4 =	vperm.xlane v3, v0;
	_ =	sdelay $0x1  }
0x2ea: {  	v4 =	vadd.s32 v1, v4;
	_ =	sdelay $0x3  }
0x2eb: {  	s17 =	simm.s32 $0x14200  }
0x2ec: {  	[tilespmem:s17], [sflag:$0x3] =	stream.indirect_vreg.gather [hbm4b:s3+s2], $0x80, v4, vm0, $0xb8;
	[tilespmem:$0x18200] =	vst v63  }
0x2ed: {  	s18 =	simm.s32 $0x14A00;
	v3 =	vperm.xlane v3, v2  }
0x2ee: {  	[tilespmem:s18], [sflag:$0x3] =	stream.indirect_vreg.gather [hbm4b:s4+s2], $0x80, v4, vm0, $0xb8;
	[tilespmem:$0x18200] =	vst v63  }
0x2ef: {  	v3 =	vadd.s32 v1, v3;
	s17 =	simm.s32 $0x15200  }
0x2f0: {  	[tilespmem:s17], [sflag:$0x3] =	stream.indirect_vreg.gather [hbm4b:s5+s2], $0x80, v4, vm0, $0xb8;
	[tilespmem:$0x18200] =	vst v63  }
0x2f1: {  	s18 =	simm.s32 $0x15A00  }
0x2f2: {  	[tilespmem:s18], [sflag:$0x3] =	stream.indirect_vreg.gather [hbm4b:s6+s2], $0x80, v4, vm0, $0xb8;
	[tilespmem:$0x18200] =	vst v63  }
0x2f3: {  	s26 =	simm.s32 $0x16200  }
0x2f4: {  	[tilespmem:s26], [sflag:$0x3] =	stream.indirect_vreg.gather [hbm4b:s3+s2], $0x80, v3, vm0, $0xb8;
	[tilespmem:$0x18200] =	vst v63  }
0x2f5: {  	s30 =	simm.s32 $0x16A00  }
0x2f6: {  	[tilespmem:s30], [sflag:$0x3] =	stream.indirect_vreg.gather [hbm4b:s4+s2], $0x80, v3, vm0, $0xb8;
	[tilespmem:$0x18200] =	vst v63  }
0x2f7: {  	s15 =	simm.s32 $0x17200  }
0x2f8: {  	[tilespmem:s15], [sflag:$0x3] =	stream.indirect_vreg.gather [hbm4b:s5+s2], $0x80, v3, vm0, $0xb8;
	[tilespmem:$0x18200] =	vst v63  }
0x2f9: {  	s16 =	simm.s32 $0x17A00  }
0x2fa: {  	[tilespmem:s16], [sflag:$0x3] =	stream.indirect_vreg.gather [hbm4b:s6+s2], $0x80, v3, vm0, $0xb8;
	[tilespmem:$0x18200] =	vst v63  }
0x2fb: {  	_ =	swait.ge [sflag:s28], $0x8000  }
0x2fc: {  	[sflag:s28] =	ssyncset.done $0x0  }
0x2fd: {  	s8 =	simm.s32 $0x200;
	s16 =	rddreg [dreg:$0xf];
	[sflag:s28] =	ssyncadd.s32 $0xFFFF8000  }
0x2fe: {  	[hbm4b:s16+s2] =	stream.linear.scatter [tilespmem:s8], [sflag:$0x4], $0x8000, $0x38;
	[tilespmem:$0x18200] =	vst v63  }
0x2ff: {  	_ =	swait.ge [sflag:s29], $0x8000  }
0x300: {  	[sflag:s29] =	ssyncset.done $0x0  }
0x301: {  	[sflag:s29] =	ssyncadd.s32 $0xFFFF8000  }
0x302: {  	v3 =	vld [tilespmem:$0x1E0];
	_ =	sdelay $0x4  }
0x303: {  	v62 =	vshll.u32 v3, $0x3  }
0x304: {  	v3 =	vand.u32 $0x7, v3;
	v4 =	vand.u32 $0xFFFFFFC0, v62  }
0x305: {  	v3 =	vor.u32 v3, v4  }
0x306: {  	v4 =	vperm.xlane v3, v0;
	_ =	sdelay $0x1  }
0x307: {  	v4 =	vadd.s32 v1, v4;
	_ =	sdelay $0x4  }
0x308: {  	[tilespmem:s8], [sflag:$0x1] =	stream.indirect_vreg.gather [hbm4b:s3+s2], $0x80, v4, vm0, $0xb8;
	[tilespmem:$0x18200] =	vst v63  }
0x309: {  	s17 =	simm.s32 $0xA00;
	v3 =	vperm.xlane v3, v2  }
0x30a: {  	[tilespmem:s17], [sflag:$0x1] =	stream.indirect_vreg.gather [hbm4b:s4+s2], $0x80, v4, vm0, $0xb8;
	[tilespmem:$0x18200] =	vst v63  }
0x30b: {  	s19 =	simm.s32 $0x1200;
	v3 =	vadd.s32 v1, v3  }
0x30c: {  	[tilespmem:s19], [sflag:$0x1] =	stream.indirect_vreg.gather [hbm4b:s5+s2], $0x80, v4, vm0, $0xb8;
	[tilespmem:$0x18200] =	vst v63  }
0x30d: {  	s20 =	simm.s32 $0x1A00  }
0x30e: {  	[tilespmem:s20], [sflag:$0x1] =	stream.indirect_vreg.gather [hbm4b:s6+s2], $0x80, v4, vm0, $0xb8;
	[tilespmem:$0x18200] =	vst v63  }
0x30f: {  	s18 =	simm.s32 $0x2200  }
0x310: {  	[tilespmem:s18], [sflag:$0x1] =	stream.indirect_vreg.gather [hbm4b:s3+s2], $0x80, v3, vm0, $0xb8;
	[tilespmem:$0x18200] =	vst v63  }
0x311: {  	s19 =	simm.s32 $0x2A00  }
0x312: {  	[tilespmem:s19], [sflag:$0x1] =	stream.indirect_vreg.gather [hbm4b:s4+s2], $0x80, v3, vm0, $0xb8;
	[tilespmem:$0x18200] =	vst v63  }
0x313: {  	_ = 	snop  }
0x314: {  	[tilespmem:s10], [sflag:$0x1] =	stream.indirect_vreg.gather [hbm4b:s5+s2], $0x80, v3, vm0, $0xb8;
	[tilespmem:$0x18200] =	vst v63  }
0x315: {  	s20 =	simm.s32 $0x3A00  }
0x316: {  	[tilespmem:s20], [sflag:$0x1] =	stream.indirect_vreg.gather [hbm4b:s6+s2], $0x80, v3, vm0, $0xb8;
	[tilespmem:$0x18200] =	vst v63  }
0x317: {  	v3 =	vld [tilespmem:$0x1F0];
	_ =	sdelay $0x4  }
0x318: {  	v63 =	vshll.u32 v3, $0x3  }
0x319: {  	v3 =	vand.u32 $0x7, v3;
	v4 =	vand.u32 $0xFFFFFFC0, v63  }
0x31a: {  	v3 =	vor.u32 v3, v4  }
0x31b: {  	v4 =	vperm.xlane v3, v0;
	_ =	sdelay $0x1  }
0x31c: {  	v4 =	vadd.s32 v1, v4;
	_ =	sdelay $0x3  }
0x31d: {  	s12 =	simm.s32 $0x4200  }
0x31e: {  	[tilespmem:s12], [sflag:$0x1] =	stream.indirect_vreg.gather [hbm4b:s3+s2], $0x80, v4, vm0, $0xb8;
	[tilespmem:$0x18200] =	vst v63  }
0x31f: {  	s13 =	simm.s32 $0x4A00;
	v3 =	vperm.xlane v3, v2  }
0x320: {  	[tilespmem:s13], [sflag:$0x1] =	stream.indirect_vreg.gather [hbm4b:s4+s2], $0x80, v4, vm0, $0xb8;
	[tilespmem:$0x18200] =	vst v63  }
0x321: {  	s21 =	simm.s32 $0x5200;
	v3 =	vadd.s32 v1, v3  }
0x322: {  	[tilespmem:s21], [sflag:$0x1] =	stream.indirect_vreg.gather [hbm4b:s5+s2], $0x80, v4, vm0, $0xb8;
	[tilespmem:$0x18200] =	vst v63  }
0x323: {  	s22 =	simm.s32 $0x5A00  }
0x324: {  	[tilespmem:s22], [sflag:$0x1] =	stream.indirect_vreg.gather [hbm4b:s6+s2], $0x80, v4, vm0, $0xb8;
	[tilespmem:$0x18200] =	vst v63  }
0x325: {  	s23 =	simm.s32 $0x6200  }
0x326: {  	[tilespmem:s23], [sflag:$0x1] =	stream.indirect_vreg.gather [hbm4b:s3+s2], $0x80, v3, vm0, $0xb8;
	[tilespmem:$0x18200] =	vst v63  }
0x327: {  	s24 =	simm.s32 $0x6A00  }
0x328: {  	[tilespmem:s24], [sflag:$0x1] =	stream.indirect_vreg.gather [hbm4b:s4+s2], $0x80, v3, vm0, $0xb8;
	[tilespmem:$0x18200] =	vst v63  }
0x329: {  	s22 =	simm.s32 $0x7200  }
0x32a: {  	[tilespmem:s22], [sflag:$0x1] =	stream.indirect_vreg.gather [hbm4b:s5+s2], $0x80, v3, vm0, $0xb8;
	[tilespmem:$0x18200] =	vst v63  }
0x32b: {  	s14 =	simm.s32 $0x7A00  }
0x32c: {  	[tilespmem:s14], [sflag:$0x1] =	stream.indirect_vreg.gather [hbm4b:s6+s2], $0x80, v3, vm0, $0xb8;
	[tilespmem:$0x18200] =	vst v63  }
0x32d: {  	_ =	swait.ge [sflag:s9], $0x8000  }
0x32e: {  	[sflag:s9] =	ssyncset.done $0x0  }
0x32f: {  	s7 =	simm.s32 $0x8200;
	s23 =	rddreg [dreg:$0x10];
	[sflag:s9] =	ssyncadd.s32 $0xFFFF8000  }
0x330: {  	[hbm4b:s23+s2] =	stream.linear.scatter [tilespmem:s7], [sflag:$0x5], $0x8000, $0x38;
	[tilespmem:$0x18200] =	vst v63  }
0x331: {  	_ =	swait.ge [sflag:s1], $0x8000  }
0x332: {  	[sflag:s1] =	ssyncset.done $0x0  }
0x333: {  	s24 =	rddreg [dreg:$0x11];
	[sflag:s1] =	ssyncadd.s32 $0xFFFF8000  }
0x334: {  	[hbm4b:s24+s2] =	stream.linear.scatter [tilespmem:s25], [sflag:$0x6], $0x8000, $0x38;
	[tilespmem:$0x18200] =	vst v63  }
0x335: {  	_ =	swait.ge [sflag:s28], $0x8000  }
0x336: {  	[sflag:s28] =	ssyncset.done $0x0  }
0x337: {  	s25 =	rddreg [dreg:$0x12];
	[sflag:s28] =	ssyncadd.s32 $0xFFFF8000  }
0x338: {  	[hbm4b:s25+s2] =	stream.linear.scatter [tilespmem:s8], [sflag:$0x4], $0x8000, $0x38;
	[tilespmem:$0x18200] =	vst v63  }
0x339: {  	s30 =	rddreg [dreg:$0x13];
	_ =	swait.ge [sflag:s31], $0x8000  }
0x33a: {  	[sflag:s31] =	ssyncset.done $0x0  }
0x33b: {  	[sflag:s31] =	ssyncadd.s32 $0xFFFF8000  }
0x33c: {  	p0 =	sne.s32 s30, $0x1;
	_ =	swait.ge [sflag:s0], $0x8000  }
.Ltmp0:
0x33d: {  	[sflag:s0] =	ssyncset.done $0x0;
	(pc) =	sbr.rel @p0 .LBB2_1-.Ltmp0, $4  }
0x33e: {  	[sflag:s0] =	ssyncadd.s32 $0xFFFF8000  }
0x33f: {  	_ =	swait.ge [sflag:s29], $0x8000  }
0x340: {  	[sflag:s29] =	ssyncset.done $0x0  }
0x341: {  	s7 =	sadd.s32 $0xFFFFFFFF, s30;
	[sflag:s29] =	ssyncadd.s32 $0xFFFF8000  }
0x342: {  	_ =	sfence.sel $0x180000  }
0x343: {  	[bflag:$0x0] =	sbarrier.arrive $0xFFFF  }
0x344: {  	_ =	strace $0x90000053  }
0x345: {  	s0 =	stileid.u32;
	[bflag:$0x2] =	sbarrier.arrive $0xFFFF  }
0x346: {  	p0 =	sne.s32 s0, $0x0;
	s0 =	rddreg [dreg:$0x1]  }
0x347: {  	s0 =	sadd.s32 @!p0 $0x100000, s0  }
0x348: {  	[sflag:s0] =	ssyncadd.tile.s32 @!p0 $0x1;
	_ =	shalt  }
.Lfunc_end2:
_tile_overlayer_lowered:
.L_overlay_start_2:
0x349: {  	(tag) =	ssettag $0x2  }
0x34a: {  	s0 =	rddreg [dreg:$0x0];
	s2 =	stileid.u32  }
0x34b: {  	s1 =	rddreg [dreg:$0x1];
	p0 =	sne.s32 s2, $0x0  }
0x34c: {  	s3 =	rddreg [dreg:$0x2];
	[bflag:$0x3] =	sbarrier.arrive $0xFFFF;
	s2 =	simm.s32 @!p0 $0x1C07  }
0x34d: {  	[timem:s3], [sflag:s2] =	dma.local @!p0 [hbm:s0], s1  }
0x34e: {  	s0 =	simm.s32 @!p0 $0x7  }
0x34f: {  	_ =	swait.ge @!p0 [sflag:s0], s1  }
0x350: {  	s1 =	ssub.s32 @!p0 $0x0, s1;
	[sflag:s0] =	ssyncset.done @!p0 $0x0  }
0x351: {  	[sflag:s0] =	ssyncadd.s32 @!p0 s1  }
0x352: {  	[bflag:$0x3] =	sbarrier.arrive $0xFFFF  }
0x353: {  	_ =	shalt  }

// kernel: kernel.7.cloned.1.call-start
scs
__scs_entry_jumppad:
0x0: {  	(pc) =	sbr.rel $0x88, $3  }
0x1: {  	(tag) =	ssettag $0x0;
	lr =	simm.s32 $0x1  }
0x2: {  	[smem:$0x3F9C] =	sst lr;
	_ =	strace $0xD0000000  }
0x3: {  	_ = 	snop  }
0x4: {  	_ = 	snop  }
0x5: {  	_ = 	snop  }
0x6: {  	_ = 	snop  }
0x7: {  	_ = 	snop  }
__scs_overlays_trampoline_lowered:
0x8: {  	[smem:$0x3FAB] =	sst s0  }
0x9: {  	[smem:$0x3FAC] =	sst s1  }
0xa: {  	[smem:$0x3FAD] =	sst s2  }
0xb: {  	[smem:$0x3FAE] =	sst s3  }
0xc: {  	[smem:$0x3FAF] =	sst s4  }
0xd: {  	[smem:$0x3FB0] =	sst s5  }
0xe: {  	[smem:$0x3FB1] =	sst s6  }
0xf: {  	[smem:$0x3FB2] =	sst s7  }
0x10: {  	[smem:$0x3FB3] =	sst s8  }
0x11: {  	[smem:$0x3FB4] =	sst s9;
	s0 =	simm.s32 @!p0 $0x0  }
0x12: {  	s1 =	sld [smem:$0x3F9A];
	s0 =	simm.s32 @p0 $0x1  }
0x13: {  	[smem:$0x3FB5] =	sst s0;
	s0 =	simm.s32 @!p1 $0x0  }
0x14: {  	s2 =	sld [smem:$0x3F99];
	s0 =	simm.s32 @p1 $0x1  }
0x15: {  	[smem:$0x3FB6] =	sst s0;
	s0 =	simm.s32 @!p2 $0x0  }
0x16: {  	s3 =	sld [smem:$0x3FDB];
	s0 =	simm.s32 @p2 $0x1  }
0x17: {  	s4 =	simm.s32 $0x1BF5;
	[smem:$0x3FB8] =	sst s0  }
0x18: {  	s0 =	sld [smem:$0x3F9B];
	_ =	swait.ge [sflag:s4], $0x0  }
0x19: {  	s7 =	sld [smem:$0x3F9C]  }
0x1a: {  	s8 =	sadd.s32 $0xFFFFE003, lr  }
0x1b: {  	s9 =	sadd.s32 $0xFFFFFEF7, lr;
	s5 =	simm.s32 $0xFFFFFFFF;
	p2 =	slt.u32 s8, $0xFFFFF086  }
0x1c: {  	p1 =	slt.u32 s9, $0xF7A;
	s5 =	simm.s32 @!p2 $0x0  }
0x1d: {  	s5 =	simm.s32 @p1 $0x1;
	p0 =	seq.s32 s7, s2  }
0x1e: {  	s7 =	smul.u32 @!p0 $0xF7A, s2;
	p2 =	seq.s32 @!p0 s5, $0x0  }
0x1f: {  	s9 =	smul.u32 $0xF7A, s1;
	s8 =	simm.s32 @!p0 $0x1BF5;
	p2 =	por !p2, p0  }
0x20: {  	[sflag:s8] =	ssyncset.s32 @!p0 $0xFFFFF086;
	s6 =	sadd.s32 @!p0 s3, s7;
	s7 =	simm.s32 @!p0 $0x108  }
0x21: {  	s3 =	sadd.s32 s3, s9;
	s6 =	sadd.s32 @!p0 $0x88, s6;
	s7 =	simm.s32 @p2 $0x1082  }
0x22: {  	[simem:s7], [sflag:s8] =	dma.local @!p0 [hbm:s6], $0xF7A  }
0x23: {  	s9 =	sor.u32 $0xD0000000, s2;
	s6 =	simm.s32 $0x108;
	_ =	swait.ge @!p0 [sflag:s8], $0x0  }
0x24: {  	s3 =	sadd.s32 $0x88, s3;
	s6 =	simm.s32 @!p1 $0x1082;
	[sflag:s4] =	ssyncset.s32 $0xFFFFF086  }
0x25: {  	[simem:s6], [sflag:s4] =	dma.local [hbm:s3], $0xF7A  }
0x26: {  	[smem:$0x3F9C] =	sst s1;
	(tag) =	ssettag s2;
	_ =	strace s9  }
0x27: {  	s1 =	sld [smem:$0x3FAC]  }
0x28: {  	s2 =	sld [smem:$0x3FAD]  }
0x29: {  	s4 =	sld [smem:$0x3FAF]  }
0x2a: {  	p0 =	seq.s32 s5, $0x0;
	s5 =	sld [smem:$0x3FB0]  }
0x2b: {  	s6 =	sld [smem:$0x3FB1]  }
0x2c: {  	s7 =	sld [smem:$0x3FB2]  }
0x2d: {  	s3 =	simm.s32 $0x108;
	s8 =	sld [smem:$0x3FB3]  }
0x2e: {  	s3 =	simm.s32 @!p0 $0x1082;
	s9 =	sld [smem:$0x3FB4]  }
0x2f: {  	lr =	sadd.s32 s0, s3;
	s0 =	sld [smem:$0x3FAB]  }
0x30: {  	s3 =	sld [smem:$0x3FAE]  }
0x31: {  	[smem:$0x3FB7] =	sst s10  }
0x32: {  	s10 =	sld [smem:$0x3FB5];
	_ =	sdelay $0x3  }
0x33: {  	p0 =	seq.s32 s10, $0x1;
	s10 =	sld [smem:$0x3FB7];
	_ =	sdelay $0x3  }
0x34: {  	[smem:$0x3FB7] =	sst s10  }
0x35: {  	s10 =	sld [smem:$0x3FB6];
	_ =	sdelay $0x3  }
0x36: {  	p1 =	seq.s32 s10, $0x1;
	s10 =	sld [smem:$0x3FB7];
	_ =	sdelay $0x3  }
0x37: {  	[smem:$0x3FB7] =	sst s10  }
0x38: {  	s10 =	sld [smem:$0x3FB8]  }
0x39: {  	_ = 	snop;
	(pc) =	sbr.ind lr, $3  }
0x3a: {  	_ = 	snop  }
0x3b: {  	_ = 	snop  }
0x3c: {  	p2 =	seq.s32 s10, $0x1;
	s10 =	sld [smem:$0x3FB7]  }
0x3d: {  	_ =	shalt  }
0x3e: {  	_ =	shalt  }
0x3f: {  	_ =	shalt  }
0x40: {  	_ =	shalt  }
0x41: {  	_ =	shalt  }
0x42: {  	_ =	shalt  }
0x43: {  	_ =	shalt  }
0x44: {  	_ =	shalt  }
0x45: {  	_ =	shalt  }
0x46: {  	_ =	shalt  }
0x47: {  	_ =	shalt  }
0x48: {  	_ =	shalt  }
0x49: {  	_ =	shalt  }
0x4a: {  	_ =	shalt  }
0x4b: {  	_ =	shalt  }
0x4c: {  	_ =	shalt  }
0x4d: {  	_ =	shalt  }
0x4e: {  	_ =	shalt  }
0x4f: {  	_ =	shalt  }
0x50: {  	_ =	shalt  }
0x51: {  	_ =	shalt  }
0x52: {  	_ =	shalt  }
0x53: {  	_ =	shalt  }
0x54: {  	_ =	shalt  }
0x55: {  	_ =	shalt  }
0x56: {  	_ =	shalt  }
0x57: {  	_ =	shalt  }
0x58: {  	_ =	shalt  }
0x59: {  	_ =	shalt  }
0x5a: {  	_ =	shalt  }
0x5b: {  	_ =	shalt  }
0x5c: {  	_ =	shalt  }
0x5d: {  	_ =	shalt  }
0x5e: {  	_ =	shalt  }
0x5f: {  	_ =	shalt  }
0x60: {  	_ =	shalt  }
0x61: {  	_ =	shalt  }
0x62: {  	_ =	shalt  }
0x63: {  	_ =	shalt  }
0x64: {  	_ =	shalt  }
0x65: {  	_ =	shalt  }
0x66: {  	_ =	shalt  }
0x67: {  	_ =	shalt  }
0x68: {  	_ =	shalt  }
0x69: {  	_ =	shalt  }
0x6a: {  	_ =	shalt  }
0x6b: {  	_ =	shalt  }
0x6c: {  	_ =	shalt  }
0x6d: {  	_ =	shalt  }
0x6e: {  	_ =	shalt  }
0x6f: {  	_ =	shalt  }
0x70: {  	_ =	shalt  }
0x71: {  	_ =	shalt  }
0x72: {  	_ =	shalt  }
0x73: {  	_ =	shalt  }
0x74: {  	_ =	shalt  }
0x75: {  	_ =	shalt  }
0x76: {  	_ =	shalt  }
0x77: {  	_ =	shalt  }
0x78: {  	_ =	shalt  }
0x79: {  	_ =	shalt  }
0x7a: {  	_ =	shalt  }
0x7b: {  	_ =	shalt  }
0x7c: {  	_ =	shalt  }
0x7d: {  	_ =	shalt  }
0x7e: {  	_ =	shalt  }
0x7f: {  	_ =	shalt  }
0x80: {  	_ =	shalt  }
0x81: {  	_ =	shalt  }
0x82: {  	_ =	shalt  }
0x83: {  	_ =	shalt  }
0x84: {  	_ =	shalt  }
0x85: {  	_ =	shalt  }
0x86: {  	_ =	shalt  }
0x87: {  	_ =	shalt  }
.Lfunc_end0:
.L_simem_size_0:
called_computation.2_lowered:
.L_overlay_start_0:
0x88: {  	s2 =	sld [smem:$0x3FD9]  }
0x89: {  	s3 =	sld [smem:$0x3FFE];
	_ =	sdelay $0x1  }
0x8a: {  	s1 =	srdreg.scid  }
0x8b: {  	s0 =	sand.u32 $0x1, s1  }
0x8c: {  	s17 =	sshll.u32 s0, $0xA;
	s2 =	sadd.s32 s3, s2  }
0x8d: {  	s2 =	sadd.s32 s2, s17  }
0x8e: {  	[smem:$0x3FC3] =	sst s2  }
0x8f: {  	_ = 	snop  }
0x90: {  	s2 =	sld [smem:$0x3FD0];
	(tm) =	ssettm $0x1  }
0x91: {  	s18 =	sld [smem:$0x3FFB];
	_ =	sdelay $0x3  }
0x92: {  	_ =	strace s18  }
0x93: {  	s3 =	sld [smem:$0x3FFC];
	_ =	sdelay $0x3  }
0x94: {  	_ =	strace s3  }
0x95: {  	s3 =	sld [smem:$0x3FFD];
	_ =	sdelay $0x3  }
0x96: {  	_ =	strace s3  }
0x97: {  	_ =	strace $0x8FFFFFFF  }
0x98: {  	s19 =	sld [smem:$0x3FDB];
	_ =	sdelay $0x1  }
0x99: {  	s4 =	simm.s32 $_scs_section_size  }
0x9a: {  	s5 =	simm.s32 $_size__tile_overlayer_lowered;
	s6 =	simm.s32 $_tile_overlayer_lowered  }
0x9b: {  	s22 =	simm.s32 $0x1BFF;
	s21 =	sshll.u32 s6, $0x1;
	s3 =	sadd.s32 s4, s19  }
0x9c: {  	s7 =	simm.s32 $0x0;
	s20 =	sshll.u32 s5, $0x1;
	s5 =	sadd.s32 s21, s3  }
0x9d: {  	[timem:s7], [sflag:s22] =	dma.local [hbm:s5], s20  }
0x9e: {  	_ =	swait.ge [sflag:s22], s20  }
0x9f: {  	s4 =	ssub.s32 $0x0, s20;
	[sflag:s22] =	ssyncset.done $0x0  }
0xa0: {  	[sflag:s22] =	ssyncadd.s32 s4;
	_ =	sdelay $0x1  }
0xa1: {  	s23 =	simm.s32 $0x1B8B  }
0xa2: {  	_ =	swait.ge [sflag:s23], $0x1  }
0xa3: {  	[sflag:s23] =	ssyncset.done $0x0  }
0xa4: {  	s25 =	simm.s32 $0x1B8E;
	s24 =	sld [smem:$0x3FFE];
	[sflag:s23] =	ssyncadd.s32 $0xFFFFFFFF  }
0xa5: {  	s26 =	simm.s32 $execute0_lowered;
	[smem:$0x3FD2] =	sst s25  }
0xa6: {  	s5 =	sshll.u32 s26, $0x1;
	_ =	strace $0x80000049;
	[dreg:$0x1] =	wrdreg $0xFFFFFFFF  }
0xa7: {  	s28 =	simm.s32 $_size_execute0_lowered;
	s3 =	sadd.s32 s3, s5;
	[dreg:$0x0] =	wrdreg $0x0  }
0xa8: {  	s5 =	sshll.u32 s28, $0x1;
	[dreg:$0x2] =	wrdreg s3  }
0xa9: {  	[dreg:$0x3] =	wrdreg s5  }
0xaa: {  	[dreg:$0x4] =	wrdreg $0xC0  }
0xab: {  	_ =	task [dreg:s7], $0x5FFFF  }
0xac: {  	[dreg:$0x1] =	wrdreg $0xFFFFFFFF  }
0xad: {  	[dreg:$0x0] =	wrdreg $0x60  }
0xae: {  	[dreg:$0x2] =	wrdreg s24  }
0xaf: {  	[dreg:$0x3] =	wrdreg s2  }
0xb0: {  	[dreg:$0x4] =	wrdreg $0xA  }
0xb1: {  	_ =	task.clear_ibuf [dreg:s7], $0x5FFFF;
	_ =	strace $0x90000049  }
0xb2: {  	s29 =	simm.s32 $0xA;
	_ =	strace $0x8000004B  }
0xb3: {  	_ =	swait.ge [sflag:s29], $0x1  }
0xb4: {  	[sflag:s29] =	ssyncadd.s32 $0xFFFFFFFF  }
0xb5: {  	_ =	strace $0x9000004B  }
0xb6: {  	_ =	sfence  }
0xb7: {  	s30 =	sld [smem:$0x0];
	_ =	sdelay $0x2  }
0xb8: {  	s31 =	sshll.u32 s1, $0xD;
	s1 =	sshrl.u32 s1, $0x2  }
0xb9: {  	s3 =	sand.u32 $0x4000, s31;
	s1 =	sadd.s32 s1, s30  }
0xba: {  	s0 =	sor.u32 s3, s0;
	s1 =	sshll.u32 s1, $0x11  }
0xbb: {  	s0 =	sor.u32 s1, s0  }
0xbc: {  	s0 =	sadd.s32 $0x8F2B, s0  }
0xbd: {  	[sflag:s0] =	ssyncadd.remote.s32 $0x1  }
0xbe: {  	_ =	sfence.sel $0xFFFF  }
0xbf: {  	[dreg:$0x0] =	wrdreg $0xFFFFFFFF;
	(pc) =	sbr.abs _section_cstart, $3  }
0xc0: {  	[dreg:$0x1] =	wrdreg $0xFFFFFFFF  }
0xc1: {  	_ =	task.clear_ibuf [dreg:s7], $0x2FFFF;
	_ =	strace $0x9FFFFFFF  }
0xc2: {  	(tm) =	ssettm $0x7FFFFFFF  }
0xc3: {  	_ =	shalt  }
tec
execute0_lowered:
.L_overlay_start_1:
0x0: {  	(tag) =	ssettag $0x1  }
0x1: {  	s0 =	srdreg.scid  }
0x2: {  	s6 =	sand.u32 $0x1, s0;
	s0 =	stileid.u32  }
0x3: {  	s4 =	sshll.u32 s0, $0x1;
	s5 =	ssub.s32 $0x0, s6  }
0x4: {  	p0 =	sne.s32 s4, s5  }
.Ltmp0:
0x5: {  	_ = 	snop;
	(pc) =	sbr.rel @p0 .LBB2_5-.Ltmp0, $4  }
0x6: {  	_ = 	snop  }
0x7: {  	s2 =	rddreg [dreg:$0x0]  }
0x8: {  	s3 =	rddreg [dreg:$0x1]  }
0x9: {  	s1 =	rddreg [dreg:$0x2];
	_ =	strace $0x8000004A  }
0xa: {  	s4 =	sadd.s32 $0x2A00, s2;
	s5 =	sadd.s32 $0x1000, s2;
	s10 =	ssub.s32 $0x2, s6  }
0xb: {  	s6 =	sadd.s32 $0x800, s2;
	s7 =	sadd.s32 $0x400, s2;
	s8 =	sadd.s32 $0x1800, s2  }
0xc: {  	s9 =	sadd.s32 $0x3200, s2;
	s12 =	simm.s32 $0x0;
	s13 =	simm.s32 $0x1  }
0xd: {  	s14 =	simm.s32 $0x4000;
	s15 =	simm.s32 $0x8000;
	s16 =	simm.s32 $0xC000  }
0xe: {  	s17 =	simm.s32 $0xC080;
	s18 =	simm.s32 $0xC100;
	s11 =	sshrl.u32 s10, $0x1  }
0xf: {  	s19 =	simm.s32 $0x12100;
	s20 =	simm.s32 $0x18100;
	s11 =	ssub.s32 s10, s11  }
0x10: {  	v0 =	vlaneseq.u32;
	s21 =	simm.s32 $0x0;
	s10 =	sadd.s32 $0x3E00, s2;
	s11 =	smax.u32 s11, $0x1  }
.LBB2_2:
0x11: {  	[tilespmem:s12], [sflag:$0x1] =	stream.linear.gather [hbm4b:s4+s12], $0x4000, $0x38;
	[tilespmem:$0x1C100] =	vst v63  }
0x12: {  	_ =	swait.ge [sflag:s13], $0x4000  }
0x13: {  	[sflag:s13] =	ssyncset.done $0x0  }
0x14: {  	[sflag:s13] =	ssyncadd.s32 $0xFFFFC000  }
0x15: {  	[tilespmem:s14], [sflag:$0x1] =	stream.linear.gather [hbm4b:s5+s12], $0x4000, $0x38;
	[tilespmem:$0x1C100] =	vst v63  }
0x16: {  	_ =	swait.ge [sflag:s13], $0x4000  }
0x17: {  	[sflag:s13] =	ssyncset.done $0x0  }
0x18: {  	[sflag:s13] =	ssyncadd.s32 $0xFFFFC000  }
0x19: {  	[tilespmem:s15], [sflag:$0x1] =	stream.linear.gather [hbm4b:s6+s12], $0x4000, $0x38;
	[tilespmem:$0x1C100] =	vst v63  }
0x1a: {  	_ =	swait.ge [sflag:s13], $0x4000  }
0x1b: {  	[sflag:s13] =	ssyncset.done $0x0  }
0x1c: {  	[sflag:s13] =	ssyncadd.s32 $0xFFFFC000  }
0x1d: {  	[tilespmem:s16], [sflag:$0x1] =	stream.linear.gather [hbm4b:s7+s12], $0x80, $0x38;
	[tilespmem:$0x1C100] =	vst v63  }
0x1e: {  	_ =	swait.ge [sflag:s13], $0x80  }
0x1f: {  	[sflag:s13] =	ssyncset.done $0x0  }
0x20: {  	[sflag:s13] =	ssyncadd.s32 $0xFFFFFF80  }
0x21: {  	[tilespmem:s17], [sflag:$0x1] =	stream.linear.gather [hbm4b:s2+s12], $0x80, $0x38;
	[tilespmem:$0x1C100] =	vst v63  }
0x22: {  	_ =	swait.ge [sflag:s13], $0x80  }
0x23: {  	[sflag:s13] =	ssyncset.done $0x0  }
0x24: {  	[sflag:s13] =	ssyncadd.s32 $0xFFFFFF80  }
0x25: {  	[tilespmem:s18], [sflag:$0x1] =	stream.linear.gather [hbm4b:s3+s12], $0x6000, $0x38;
	[tilespmem:$0x1C100] =	vst v63  }
0x26: {  	_ =	swait.ge [sflag:s13], $0x6000  }
0x27: {  	[sflag:s13] =	ssyncset.done $0x0  }
0x28: {  	s22 =	simm.s32 $0x0;
	s23 =	simm.s32 $0x0;
	[sflag:s13] =	ssyncadd.s32 $0xFFFFA000  }
.LBB2_3:
0x29: {  	v1 =	vld [tilespmem:s22+$0x0];
	_ =	sdelay $0x7  }
0x2a: {  	v2 =	vld.idx.msk [tilespmem:v1+s14+$0x0], $0xffff;
	_ =	sdelay $0x7  }
0x2b: {  	v3 =	vld.idx.msk [tilespmem:v2+s16+$0x0], $0xffff  }
0x2c: {  	v2 =	vld.idx.msk [tilespmem:v2+s17+$0x0], $0xffff;
	_ =	sdelay $0x3  }
0x2d: {  	v3 =	vadd.s32 s23, v3  }
0x2e: {  	v2 =	vsub.s32 v3, v2  }
0x2f: {  	v2 =	vadd.s32 v0, v2;
	_ =	sdelay $0x3  }
0x30: {  	v3 =	vshra.s32 v1, $0x1  }
0x31: {  	v4 =	vshll.u32 v1, $0xD;
	[tilespmem:v2+s18+$0x0] =	vst.idx.msk $0xffff, v3  }
0x32: {  	v4 =	vand.u32 $0x2000, v4;
	v1 =	vld.idx.msk [tilespmem:v1+s15+$0x0], $0xffff  }
0x33: {  	p0 =	sne.s32 s23, $0x3FF0;
	v3 =	vadd.s32 v3, v4  }
.Ltmp1:
0x34: {  	_ = 	snop;
	(pc) =	sbr.rel @p0 .LBB2_3-.Ltmp1, $3  }
0x35: {  	_ =	sdelay $0x1  }
0x36: {  	[tilespmem:v2+s19+$0x0] =	vst.idx.msk $0xffff, v1  }
0x37: {  	s22 =	sadd.s32 $0x10, s22;
	s23 =	sadd.s32 $0x10, s23;
	[tilespmem:v3+s20+$0x0] =	vst.idx.msk $0xffff, v2  }
0x38: {  	[hbm4b:s8+s12] =	stream.linear.scatter [tilespmem:s18], [sflag:$0x1], $0x6000, $0x38;
	[tilespmem:$0x1C100] =	vst v63  }
0x39: {  	_ =	swait.ge [sflag:s13], $0x6000  }
0x3a: {  	[sflag:s13] =	ssyncset.done $0x0  }
0x3b: {  	[sflag:s13] =	ssyncadd.s32 $0xFFFFA000  }
0x3c: {  	[hbm4b:s9+s12] =	stream.linear.scatter [tilespmem:s19], [sflag:$0x1], $0x6000, $0x38;
	[tilespmem:$0x1C100] =	vst v63  }
0x3d: {  	s21 =	sadd.s32 $0x1, s21;
	_ =	swait.ge [sflag:s13], $0x6000  }
0x3e: {  	p0 =	sne.s32 s21, s11;
	[sflag:s13] =	ssyncset.done $0x0  }
.Ltmp2:
0x3f: {  	[sflag:s13] =	ssyncadd.s32 $0xFFFFA000;
	(pc) =	sbr.rel @p0 .LBB2_2-.Ltmp2, $4  }
0x40: {  	[hbm4b:s10+s12] =	stream.linear.scatter [tilespmem:s20], [sflag:$0x1], $0x4000, $0x38;
	[tilespmem:$0x1C100] =	vst v63  }
0x41: {  	_ =	swait.ge [sflag:s13], $0x4000  }
0x42: {  	[sflag:s13] =	ssyncset.done $0x0  }
0x43: {  	[sflag:s13] =	ssyncadd.s32 $0xFFFFC000  }
.LBB2_5:
0x44: {  	_ =	sfence.sel $0x180000  }
0x45: {  	[bflag:$0x0] =	sbarrier.arrive $0xFFFF  }
0x46: {  	p0 =	sne.s32 s0, $0x0;
	_ =	strace $0x9000004A  }
0x47: {  	s0 =	sadd.s32 @!p0 $0x100000, s1;
	[bflag:$0x2] =	sbarrier.arrive $0xFFFF  }
0x48: {  	[sflag:s0] =	ssyncadd.tile.s32 @!p0 $0x1;
	_ =	shalt  }
.Lfunc_end2:
_tile_overlayer_lowered:
.L_overlay_start_2:
0x49: {  	(tag) =	ssettag $0x2  }
0x4a: {  	s0 =	rddreg [dreg:$0x0];
	s2 =	stileid.u32  }
0x4b: {  	s1 =	rddreg [dreg:$0x1];
	p0 =	sne.s32 s2, $0x0  }
0x4c: {  	s3 =	rddreg [dreg:$0x2];
	[bflag:$0x3] =	sbarrier.arrive $0xFFFF;
	s2 =	simm.s32 @!p0 $0x1C01  }
0x4d: {  	[timem:s3], [sflag:s2] =	dma.local @!p0 [hbm:s0], s1  }
0x4e: {  	s0 =	simm.s32 @!p0 $0x1  }
0x4f: {  	_ =	swait.ge @!p0 [sflag:s0], s1  }
0x50: {  	s1 =	ssub.s32 @!p0 $0x0, s1;
	[sflag:s0] =	ssyncset.done @!p0 $0x0  }
0x51: {  	[sflag:s0] =	ssyncadd.s32 @!p0 s1  }
0x52: {  	[bflag:$0x3] =	sbarrier.arrive $0xFFFF  }
0x53: {  	_ =	shalt  }

// kernel: scatter_offload_async_start.1
scs
__scs_entry_jumppad:
0x0: {  	(pc) =	sbr.rel $0x88, $3  }
0x1: {  	(tag) =	ssettag $0x0;
	lr =	simm.s32 $0x1  }
0x2: {  	[smem:$0x3F9C] =	sst lr;
	_ =	strace $0xD0000000  }
0x3: {  	_ = 	snop  }
0x4: {  	_ = 	snop  }
0x5: {  	_ = 	snop  }
0x6: {  	_ = 	snop  }
0x7: {  	_ = 	snop  }
__scs_overlays_trampoline_lowered:
0x8: {  	[smem:$0x3FAB] =	sst s0  }
0x9: {  	[smem:$0x3FAC] =	sst s1  }
0xa: {  	[smem:$0x3FAD] =	sst s2  }
0xb: {  	[smem:$0x3FAE] =	sst s3  }
0xc: {  	[smem:$0x3FAF] =	sst s4  }
0xd: {  	[smem:$0x3FB0] =	sst s5  }
0xe: {  	[smem:$0x3FB1] =	sst s6  }
0xf: {  	[smem:$0x3FB2] =	sst s7  }
0x10: {  	[smem:$0x3FB3] =	sst s8  }
0x11: {  	[smem:$0x3FB4] =	sst s9;
	s0 =	simm.s32 @!p0 $0x0  }
0x12: {  	s1 =	sld [smem:$0x3F9A];
	s0 =	simm.s32 @p0 $0x1  }
0x13: {  	[smem:$0x3FB5] =	sst s0;
	s0 =	simm.s32 @!p1 $0x0  }
0x14: {  	s2 =	sld [smem:$0x3F99];
	s0 =	simm.s32 @p1 $0x1  }
0x15: {  	[smem:$0x3FB6] =	sst s0;
	s0 =	simm.s32 @!p2 $0x0  }
0x16: {  	s3 =	sld [smem:$0x3FDB];
	s0 =	simm.s32 @p2 $0x1  }
0x17: {  	s4 =	simm.s32 $0x1BF5;
	[smem:$0x3FB8] =	sst s0  }
0x18: {  	s0 =	sld [smem:$0x3F9B];
	_ =	swait.ge [sflag:s4], $0x0  }
0x19: {  	s7 =	sld [smem:$0x3F9C]  }
0x1a: {  	s8 =	sadd.s32 $0xFFFFE003, lr  }
0x1b: {  	s9 =	sadd.s32 $0xFFFFFEF7, lr;
	s5 =	simm.s32 $0xFFFFFFFF;
	p2 =	slt.u32 s8, $0xFFFFF086  }
0x1c: {  	p1 =	slt.u32 s9, $0xF7A;
	s5 =	simm.s32 @!p2 $0x0  }
0x1d: {  	s5 =	simm.s32 @p1 $0x1;
	p0 =	seq.s32 s7, s2  }
0x1e: {  	s7 =	smul.u32 @!p0 $0xF7A, s2;
	p2 =	seq.s32 @!p0 s5, $0x0  }
0x1f: {  	s9 =	smul.u32 $0xF7A, s1;
	s8 =	simm.s32 @!p0 $0x1BF5;
	p2 =	por !p2, p0  }
0x20: {  	[sflag:s8] =	ssyncset.s32 @!p0 $0xFFFFF086;
	s6 =	sadd.s32 @!p0 s3, s7;
	s7 =	simm.s32 @!p0 $0x108  }
0x21: {  	s3 =	sadd.s32 s3, s9;
	s6 =	sadd.s32 @!p0 $0x88, s6;
	s7 =	simm.s32 @p2 $0x1082  }
0x22: {  	[simem:s7], [sflag:s8] =	dma.local @!p0 [hbm:s6], $0xF7A  }
0x23: {  	s9 =	sor.u32 $0xD0000000, s2;
	s6 =	simm.s32 $0x108;
	_ =	swait.ge @!p0 [sflag:s8], $0x0  }
0x24: {  	s3 =	sadd.s32 $0x88, s3;
	s6 =	simm.s32 @!p1 $0x1082;
	[sflag:s4] =	ssyncset.s32 $0xFFFFF086  }
0x25: {  	[simem:s6], [sflag:s4] =	dma.local [hbm:s3], $0xF7A  }
0x26: {  	[smem:$0x3F9C] =	sst s1;
	(tag) =	ssettag s2;
	_ =	strace s9  }
0x27: {  	s1 =	sld [smem:$0x3FAC]  }
0x28: {  	s2 =	sld [smem:$0x3FAD]  }
0x29: {  	s4 =	sld [smem:$0x3FAF]  }
0x2a: {  	p0 =	seq.s32 s5, $0x0;
	s5 =	sld [smem:$0x3FB0]  }
0x2b: {  	s6 =	sld [smem:$0x3FB1]  }
0x2c: {  	s7 =	sld [smem:$0x3FB2]  }
0x2d: {  	s3 =	simm.s32 $0x108;
	s8 =	sld [smem:$0x3FB3]  }
0x2e: {  	s3 =	simm.s32 @!p0 $0x1082;
	s9 =	sld [smem:$0x3FB4]  }
0x2f: {  	lr =	sadd.s32 s0, s3;
	s0 =	sld [smem:$0x3FAB]  }
0x30: {  	s3 =	sld [smem:$0x3FAE]  }
0x31: {  	[smem:$0x3FB7] =	sst s10  }
0x32: {  	s10 =	sld [smem:$0x3FB5];
	_ =	sdelay $0x3  }
0x33: {  	p0 =	seq.s32 s10, $0x1;
	s10 =	sld [smem:$0x3FB7];
	_ =	sdelay $0x3  }
0x34: {  	[smem:$0x3FB7] =	sst s10  }
0x35: {  	s10 =	sld [smem:$0x3FB6];
	_ =	sdelay $0x3  }
0x36: {  	p1 =	seq.s32 s10, $0x1;
	s10 =	sld [smem:$0x3FB7];
	_ =	sdelay $0x3  }
0x37: {  	[smem:$0x3FB7] =	sst s10  }
0x38: {  	s10 =	sld [smem:$0x3FB8]  }
0x39: {  	_ = 	snop;
	(pc) =	sbr.ind lr, $3  }
0x3a: {  	_ = 	snop  }
0x3b: {  	_ = 	snop  }
0x3c: {  	p2 =	seq.s32 s10, $0x1;
	s10 =	sld [smem:$0x3FB7]  }
0x3d: {  	_ =	shalt  }
0x3e: {  	_ =	shalt  }
0x3f: {  	_ =	shalt  }
0x40: {  	_ =	shalt  }
0x41: {  	_ =	shalt  }
0x42: {  	_ =	shalt  }
0x43: {  	_ =	shalt  }
0x44: {  	_ =	shalt  }
0x45: {  	_ =	shalt  }
0x46: {  	_ =	shalt  }
0x47: {  	_ =	shalt  }
0x48: {  	_ =	shalt  }
0x49: {  	_ =	shalt  }
0x4a: {  	_ =	shalt  }
0x4b: {  	_ =	shalt  }
0x4c: {  	_ =	shalt  }
0x4d: {  	_ =	shalt  }
0x4e: {  	_ =	shalt  }
0x4f: {  	_ =	shalt  }
0x50: {  	_ =	shalt  }
0x51: {  	_ =	shalt  }
0x52: {  	_ =	shalt  }
0x53: {  	_ =	shalt  }
0x54: {  	_ =	shalt  }
0x55: {  	_ =	shalt  }
0x56: {  	_ =	shalt  }
0x57: {  	_ =	shalt  }
0x58: {  	_ =	shalt  }
0x59: {  	_ =	shalt  }
0x5a: {  	_ =	shalt  }
0x5b: {  	_ =	shalt  }
0x5c: {  	_ =	shalt  }
0x5d: {  	_ =	shalt  }
0x5e: {  	_ =	shalt  }
0x5f: {  	_ =	shalt  }
0x60: {  	_ =	shalt  }
0x61: {  	_ =	shalt  }
0x62: {  	_ =	shalt  }
0x63: {  	_ =	shalt  }
0x64: {  	_ =	shalt  }
0x65: {  	_ =	shalt  }
0x66: {  	_ =	shalt  }
0x67: {  	_ =	shalt  }
0x68: {  	_ =	shalt  }
0x69: {  	_ =	shalt  }
0x6a: {  	_ =	shalt  }
0x6b: {  	_ =	shalt  }
0x6c: {  	_ =	shalt  }
0x6d: {  	_ =	shalt  }
0x6e: {  	_ =	shalt  }
0x6f: {  	_ =	shalt  }
0x70: {  	_ =	shalt  }
0x71: {  	_ =	shalt  }
0x72: {  	_ =	shalt  }
0x73: {  	_ =	shalt  }
0x74: {  	_ =	shalt  }
0x75: {  	_ =	shalt  }
0x76: {  	_ =	shalt  }
0x77: {  	_ =	shalt  }
0x78: {  	_ =	shalt  }
0x79: {  	_ =	shalt  }
0x7a: {  	_ =	shalt  }
0x7b: {  	_ =	shalt  }
0x7c: {  	_ =	shalt  }
0x7d: {  	_ =	shalt  }
0x7e: {  	_ =	shalt  }
0x7f: {  	_ =	shalt  }
0x80: {  	_ =	shalt  }
0x81: {  	_ =	shalt  }
0x82: {  	_ =	shalt  }
0x83: {  	_ =	shalt  }
0x84: {  	_ =	shalt  }
0x85: {  	_ =	shalt  }
0x86: {  	_ =	shalt  }
0x87: {  	_ =	shalt  }
.Lfunc_end0:
.L_simem_size_0:
called_computation.1_lowered:
.L_overlay_start_0:
0x88: {  	s0 =	sld [smem:$0x3FD9]  }
0x89: {  	s1 =	sld [smem:$0x3FFE];
	_ =	sdelay $0x3  }
0x8a: {  	s0 =	sadd.s32 s1, s0  }
0x8b: {  	[smem:$0x3FC3] =	sst s0  }
0x8c: {  	_ = 	snop  }
0x8d: {  	(tm) =	ssettm $0x1  }
0x8e: {  	s15 =	sld [smem:$0x3FFB];
	_ =	sdelay $0x3  }
0x8f: {  	_ =	strace s15  }
0x90: {  	s0 =	sld [smem:$0x3FFC];
	_ =	sdelay $0x3  }
0x91: {  	_ =	strace s0  }
0x92: {  	s0 =	sld [smem:$0x3FFD];
	_ =	sdelay $0x3  }
0x93: {  	_ =	strace s0  }
0x94: {  	_ =	strace $0x8FFFFFFF  }
0x95: {  	s16 =	sld [smem:$0x3FDB];
	_ =	sdelay $0x1  }
0x96: {  	s17 =	simm.s32 $_scs_section_size  }
0x97: {  	s2 =	simm.s32 $_size__tile_overlayer_lowered;
	s3 =	simm.s32 $_tile_overlayer_lowered  }
0x98: {  	s20 =	simm.s32 $0x1BFF;
	s19 =	sshll.u32 s3, $0x1;
	s0 =	sadd.s32 s17, s16  }
0x99: {  	s4 =	simm.s32 $0x0;
	s18 =	sshll.u32 s2, $0x1;
	s2 =	sadd.s32 s19, s0  }
0x9a: {  	[timem:s4], [sflag:s20] =	dma.local [hbm:s2], s18  }
0x9b: {  	_ =	swait.ge [sflag:s20], s18  }
0x9c: {  	s1 =	ssub.s32 $0x0, s18;
	[sflag:s20] =	ssyncset.done $0x0  }
0x9d: {  	[sflag:s20] =	ssyncadd.s32 s1;
	_ =	sdelay $0x1  }
0x9e: {  	s21 =	simm.s32 $0x1B8B  }
0x9f: {  	_ =	swait.ge [sflag:s21], $0x1  }
0xa0: {  	[sflag:s21] =	ssyncset.done $0x0  }
0xa1: {  	s23 =	simm.s32 $0x1B8E;
	s22 =	sld [smem:$0x3FFE];
	[sflag:s21] =	ssyncadd.s32 $0xFFFFFFFF  }
0xa2: {  	s24 =	simm.s32 $execute0_lowered;
	[smem:$0x3FD2] =	sst s23  }
0xa3: {  	s2 =	sshll.u32 s24, $0x1;
	_ =	strace $0x8000004C;
	[dreg:$0x1] =	wrdreg $0xFFFFFFFF  }
0xa4: {  	s25 =	simm.s32 $_size_execute0_lowered;
	s0 =	sadd.s32 s0, s2;
	[dreg:$0x0] =	wrdreg $0x0  }
0xa5: {  	s2 =	sshll.u32 s25, $0x1;
	[dreg:$0x2] =	wrdreg s0  }
0xa6: {  	[dreg:$0x3] =	wrdreg s2  }
0xa7: {  	[dreg:$0x4] =	wrdreg $0xC0  }
0xa8: {  	_ =	task [dreg:s4], $0x5FFFF  }
0xa9: {  	[dreg:$0x1] =	wrdreg $0xFFFFFFFF  }
0xaa: {  	[dreg:$0x0] =	wrdreg $0x60  }
0xab: {  	[dreg:$0x2] =	wrdreg s22  }
0xac: {  	[dreg:$0x3] =	wrdreg $0x9  }
0xad: {  	_ =	task.clear_ibuf [dreg:s4], $0x4FFFF;
	_ =	strace $0x9000004C  }
0xae: {  	s26 =	simm.s32 $0x9;
	_ =	strace $0x8000004E  }
0xaf: {  	_ =	swait.ge [sflag:s26], $0x1  }
0xb0: {  	[sflag:s26] =	ssyncadd.s32 $0xFFFFFFFF  }
0xb1: {  	_ =	strace $0x9000004E  }
0xb2: {  	_ =	sfence  }
0xb3: {  	s28 =	sld [smem:$0x0];
	_ =	sdelay $0x1  }
0xb4: {  	s29 =	srdreg.scid  }
0xb5: {  	s30 =	sshll.u32 s29, $0xD;
	s31 =	sshrl.u32 s29, $0x2  }
0xb6: {  	s1 =	sand.u32 $0x1, s29;
	s2 =	sand.u32 $0x4000, s30;
	s0 =	sadd.s32 s31, s28  }
0xb7: {  	s1 =	sor.u32 s2, s1;
	s0 =	sshll.u32 s0, $0x11  }
0xb8: {  	s0 =	sor.u32 s0, s1  }
0xb9: {  	s0 =	sadd.s32 $0x8F2B, s0  }
0xba: {  	[sflag:s0] =	ssyncadd.remote.s32 $0x1  }
0xbb: {  	_ =	sfence.sel $0xFFFF  }
0xbc: {  	[dreg:$0x0] =	wrdreg $0xFFFFFFFF;
	(pc) =	sbr.abs _section_cstart, $3  }
0xbd: {  	[dreg:$0x1] =	wrdreg $0xFFFFFFFF  }
0xbe: {  	_ =	task.clear_ibuf [dreg:s4], $0x2FFFF;
	_ =	strace $0x9FFFFFFF  }
0xbf: {  	(tm) =	ssettm $0x7FFFFFFF  }
tec
execute0_lowered:
.L_overlay_start_1:
0x0: {  	(tag) =	ssettag $0x1  }
0x1: {  	s5 =	rddreg [dreg:$0x0];
	_ =	strace $0x8000004D;
	s1 =	simm.s32 $0x1  }
0x2: {  	v1 =	vimm.s32 $0xFFFFFFFF;
	[sflag:s1] =	ssyncpa.u1 $0x0  }
0x3: {  	[tilespmem:$0x10] =	vst v1  }
0x4: {  	v0 =	vimm.s32 $0x80000000;
	[tilespmem:$0x20] =	vst v1  }
0x5: {  	s2 =	stileid.u32;
	s6 =	simm.s32 $0x10;
	[tilespmem:$0x30] =	vst v0  }
0x6: {  	s7 =	simm.s32 $0x2;
	s31 =	simm.s32 $0x7;
	s9 =	simm.s32 $0x9;
	[tilespmem:$0x40] =	vst v0  }
0x7: {  	s16 =	simm.s32 $0x100;
	s17 =	simm.s32 $0xFFFFFFFE;
	s18 =	simm.s32 $0x0;
	[tilespmem:$0x50] =	vst v0  }
0x8: {  	s19 =	simm.s32 $0xFFFFFFFF;
	s20 =	simm.s32 $0xF;
	s21 =	simm.s32 $0x30;
	[tilespmem:$0x60] =	vst v1  }
0x9: {  	s22 =	simm.s32 $0x0;
	s25 =	simm.s32 $0x0;
	s23 =	simm.s32 $0x0;
	[tilespmem:$0x70] =	vst v1  }
0xa: {  	s30 =	smin.u32 s2, $0x4;
	p0 =	slt.u32 s2, $0x4;
	s1 =	sadd.s32 $0x2600, s5;
	[tilespmem:$0x80] =	vst v1  }
0xb: {  	s4 =	sadd.s32 $0x600, s5;
	v1 =	vimm.s32 $0x0;
	s3 =	sshll.u32 s30, $0x4;
	s6 =	simm.s32 @!p0 $0x0;
	[tilespmem:$0xB0] =	vst v0  }
0xc: {  	s5 =	sadd.s32 $0x2400, s5;
	s12 =	sshllo.u32 s2, $0x1;
	[tilespmem:$0x90] =	vst v1;
	s6 =	sadd.s32 s6, s3  }
0xd: {  	[tilespmem:$0xA0] =	vst v1;
	[sflag:s7] =	ssyncpa.u1 $0x0;
	s7 =	simm.s32 $0x8;
	s6 =	smin.u32 s6, $0x40  }
.Ltmp0:
0xe: {  	[sflag:s31] =	ssyncpa.u1 $0x0;
	s8 =	ssub.s32 s6, s3;
	(pc) =	sbr.rel .LBB2_1-.Ltmp0, $4  }
0xf: {  	s24 =	smov.u32 s3;
	[sflag:s7] =	ssyncpa.u1 $0x0;
	p0 =	sgt.s32 s8, $0x0  }
0x10: {  	[sflag:s9] =	ssyncpa.u1 $0x0;
	s9 =	sshll.u32 s2, $0x1;
	s8 =	simm.s32 @!p0 $0x0  }
0x11: {  	s11 =	sor.u32 $0x81, s9;
	s13 =	sor.u32 $0x80, s9;
	s8 =	sshrl.u32 s8, $0x4  }
0x12: {  	vm0 =	vmxor vm0, vm0;
	vm1 =	vmmov $0x1;
	vm2 =	vmmov $0xffff;
	s10 =	sadd.s32 $0x2, s8;
	s14 =	sadd.s32 $0x3, s8;
	s15 =	sadd.s32 $0x1, s8  }
.LBB2_3:
0x13: {  	p0 =	slt.u32 s23, $0x3  }
0x14: {  	s0 =	simm.s32 @!p0 $0x2  }
0x15: {  	_ =	swait.ge @!p0 [sflag:s0], $0x10  }
0x16: {  	[sflag:s0] =	ssyncset.done @!p0 $0x0  }
0x17: {  	[sflag:s0] =	ssyncadd.s32 @!p0 $0xFFFFFFF0;
	s0 =	simm.s32 @!p0 $0x9  }
0x18: {  	_ =	swait.ge @!p0 [sflag:s0], $0x10  }
0x19: {  	s25 =	sadd.s32 $0x10, s24;
	s23 =	sadd.s32 $0x1, s23;
	[sflag:s0] =	ssyncset.done @!p0 $0x0  }
0x1a: {  	[sflag:s0] =	ssyncadd.s32 @!p0 $0xFFFFFFF0;
	p0 =	slt.s32 s25, s6;
	s0 =	smov.u32 s3  }
0x1b: {  	s0 =	smov.u32 @p0 s25;
	p0 =	sne.s32 s14, s23  }
.Ltmp1:
0x1c: {  	_ = 	snop;
	(pc) =	sbr.rel @!p0 .LBB2_4-.Ltmp1, $3  }
0x1d: {  	_ =	sdelay $0x1  }
0x1e: {  	s16 =	sadd.s32 $0x10, s16;
	s17 =	sadd.s32 $0x1, s17;
	s22 =	sadd.s32 $0x10, s22  }
0x1f: {  	s19 =	sadd.s32 $0x1, s19;
	s25 =	smov.u32 s24;
	s24 =	smov.u32 s0  }
.LBB2_1:
0x20: {  	s26 =	smulhi.u32 $0xAAAAAAAB, s23;
	_ =	sdelay $0x1  }
0x21: {  	s26 =	sshrl.u32 s26, $0x1  }
0x22: {  	s26 =	smul.u32 $0xFFFFFF40, s26  }
0x23: {  	p0 =	sge.u32 s23, s8  }
0x24: {  	s30 =	smulhi.u32 $0xAAAAAAAB, s19;
	s28 =	sshrl.u32 @!p0 s24, $0x3;
	s26 =	sshra.s32 @!p0 s26, $0x2  }
0x25: {  	s29 =	sand.u32 @!p0 $0x7, s24;
	s28 =	sadd.s32 @!p0 s4, s28;
	s26 =	sadd.s32 @!p0 s26, s16  }
0x26: {  	[tilespmem:s26], [sflag:$0x7] =	stream.linear.gather @!p0 [hbm4b:s28+s29], $0x10, $0x38;
	[tilespmem:$0x1B0] =	vst v63  }
0x27: {  	s31 =	sadd.s32 $0xFFFFFFFF, s23;
	s26 =	sshrl.u32 s30, $0x1  }
0x28: {  	p0 =	sge.u32 s31, s8;
	s26 =	smul.u32 $0xFFFFFF40, s26  }
0x29: {  	s28 =	simm.s32 @!p0 $0x7  }
0x2a: {  	_ =	swait.ge @!p0 [sflag:s28], $0x10;
	s26 =	sshra.s32 @!p0 s26, $0x2  }
0x2b: {  	[sflag:s28] =	ssyncset.done @!p0 $0x0;
	s26 =	sadd.s32 @!p0 s26, s16  }
0x2c: {  	[sflag:s28] =	ssyncadd.s32 @!p0 $0xFFFFFFF0;
	(ifvalue) =	ssetifvalue @!p0 $0xFFFFFFFF;
	v2 =	vld.msk @!p0 [tilespmem:s26+$0xFFFFFFF0 ss:$0x1], $0xffff;
	_ =	sdelay $0x1  }
0x2d: {  	p1 =	sne.s32 @!p0 s23, $0x1  }
0x2e: {  	p1 =	por p1, p0  }
0x2f: {  	v3 =	vimm.s32 @!p1 $0x0  }
0x30: {  	v3 =	vperm.xlane @!p1 v2, v3  }
0x31: {  	vm3 =	vlt.u32 @!p0 v2, $0x100  }
0x32: {  	s28 =	sand.u32 @!p0 $0x10, s22;
	v2 =	vnsel @!p0 vm3, $0xFFFFFFFE, v2;
	vm3 =	vlt.u32 @!p1 v3, $0x100  }
0x33: {  	[tilespmem:s28+$0x60] =	vst @!p0 v2;
	v2 =	vnsel @!p1 vm3, $0xFFFFFFFE, v3  }
0x34: {  	s28 =	sadd.s32 @!p0 $0xFFFFFFF0, s26;
	[tilespmem:$0x80] =	vst @!p1 v2  }
0x35: {  	v2 =	vld.msk @!p0 [tilespmem:s28+$0x0 ss:$0x1], $0xffff;
	_ =	sdelay $0x4  }
0x36: {  	(xrf1) =	vunique.msk.u32 @!p0 $0xffff, v2;
	_ =	sdelay $0xd  }
0x37: {  	v4 =	vlaneseq.u32 @!p0;
	v3, _, _ =	vpop @!p0 (xrf1)  }
0x38: {  	vm3 =	vlt.u32 @!p0 v2, $0x100;
	vm4 =	veq.s32 @!p0 v3, v4  }
0x39: {  	vm4 =	vmand @!p0 vm3, vm4  }
0x3a: {  	v2 =	vnsel @!p0 vm4, $0xFFFFFFFF, v2;
	_ =	sdelay $0x1  }
0x3b: {  	s28 =	sadd.s32 @!p0 $0xFFFFFFF0, s22  }
0x3c: {  	s30 =	simm.s32 @!p0 $0x0;
	s28 =	sand.u32 @!p0 $0x10, s28  }
0x3d: {  	s25 =	sshrl.u32 @!p0 s25, $0x3;
	s29 =	sadd.s32 @!p0 $0x130, s28;
	(ifvalue) =	ssetifvalue @!p0 $0xFFFFFFFF;
	vm4 =	vmmov @!p0 $0xffff  }
0x3e: {  	[tilespmem:s29], [sflag:$0x8] =	stream.indirect_vreg.gather @!p0 [hbm4b:s1+s30], $0x1, v2, vm4, $0x4038;
	v2 =	vnsel @!p0 vm3, $0xFFFFFFFE, v2;
	[tilespmem:$0x1B0] =	vst v63  }
0x3f: {  	s25 =	sadd.s32 @!p0 s5, s25;
	[tilespmem:s26+$0xFFFFFFF0] =	vst @!p0 v2;
	s26 =	sadd.s32 @!p0 $0x150, s28  }
0x40: {  	[tilespmem:s26], [sflag:$0x8] =	stream.linear.gather @!p0 [hbm:s25], $0x10, $0x38;
	[tilespmem:$0x1B0] =	vst v63  }
0x41: {  	p0 =	slt.u32 s23, $0x2  }
0x42: {  	p1 =	sge.u32 @!p0 s23, s10  }
0x43: {  	p0 =	por p0, p1  }
.Ltmp2:
0x44: {  	_ = 	snop;
	(pc) =	sbr.rel @p0 .LBB2_3-.Ltmp2, $1  }
0x45: {  	_ =	sdelay $0x3  }
0x46: {  	s25 =	smulhi.u32 $0xAAAAAAAB, s17;
	_ =	sdelay $0x1  }
0x47: {  	s25 =	sshrl.u32 s25, $0x1  }
0x48: {  	s25 =	smul.u32 $0xC0, s25;
	_ =	sdelay $0x1  }
0x49: {  	p0 =	sne.s32 s15, s23;
	s29 =	ssub.s32 $0xFFFFFF80, s25  }
0x4a: {  	_ =	swait.ge [sflag:s7], $0x20;
	s25 =	sshra.s32 @!p0 s29, $0x2  }
0x4b: {  	[sflag:s7] =	ssyncset.done $0x0;
	s25 =	sadd.s32 @!p0 s25, s16  }
0x4c: {  	s26 =	simm.s32 @!p0 $0x1;
	[sflag:s7] =	ssyncadd.s32 $0xFFFFFFE0;
	s25 =	sadd.s32 @!p0 $0xF, s25  }
0x4d: {  	[spmem:s11] =	stream.linear.scatter @!p0 [tilespmem:s25], [sflag:$0x1], $0x1, $0x38;
	[tilespmem:$0x1B0] =	vst v63  }
0x4e: {  	_ =	swait.ge @!p0 [sflag:s26], $0x1  }
0x4f: {  	[sflag:s26] =	ssyncset.done @!p0 $0x0  }
0x50: {  	s25 =	sand.u32 $0x10, s22;
	[sflag:s26] =	ssyncadd.s32 @!p0 $0xFFFFFFFF  }
0x51: {  	s30 =	sxor.u32 $0x10, s25;
	v2 =	vld [tilespmem:s25+$0x10]  }
0x52: {  	v3 =	vld [tilespmem:s30+$0x60]  }
0x53: {  	v4 =	vld [tilespmem:$0x80];
	_ =	sdelay $0x2  }
0x54: {  	(v2sf) =	vpush v2, $0x0  }
0x55: {  	(v2sf) =	vpush v3, $0x0  }
0x56: {  	(v2sf) =	vpush v4, $0x0;
	_ =	sdelay $0xc  }
0x57: {  	s31 =	spop (v2sf)  }
0x58: {  	s0 =	spop (v2sf)  }
0x59: {  	s28 =	spop (v2sf)  }
0x5a: {  	p1 =	seq.s32 s31, s0;
	p2 =	seq.s32 s28, s31  }
0x5b: {  	p2 =	por p1, p2  }
0x5c: {  	v2 =	vpsel p2, $0xFFFFFFFF, v2  }
0x5d: {  	v3 =	vld [tilespmem:s25+$0x150];
	[tilespmem:s25+$0x10] =	vst.msk $0x1, v2  }
0x5e: {  	v2 =	vld [tilespmem:$0x30]  }
0x5f: {  	v5 =	vld [tilespmem:s25+$0x40];
	_ =	sdelay $0x3  }
0x60: {  	vm3 =	vmmov vm0;
	vm5 =	vmmov vm1;
	vm4 =	vgt.s32 v2, v3  }
0x61: {  	vm3 =	vmmov @p1 vm1;
	vm11 =	vgt.s32 v2, v5;
	v3 =	vsel vm4, v2, v3  }
0x62: {  	vm5 =	vmmov @p2 vm0;
	v2 =	vsel vm11, v2, v5;
	[tilespmem:s25+$0x150] =	vst.msk vm3, v3  }
0x63: {  	[tilespmem:s25+$0x190] =	vst.msk vm5, v2  }
0x64: {  	v2 =	vld [tilespmem:s25+$0x130];
	_ =	sdelay $0x4  }
0x65: {  	v2 =	vshift.insert v2, v1, s20  }
0x66: {  	s31 =	sor.u32 $0x40, s30  }
0x67: {  	s29 =	sshra.s32 s29, $0x2;
	[tilespmem:s31+$0x0] =	vst.msk $0x1, v2  }
0x68: {  	s0 =	sadd.s32 s29, s16;
	[tilespmem:s25+$0x13F] =	vst.msk $0x1, v0  }
0x69: {  	v2 =	vld [tilespmem:s0+$0x0];
	_ =	sdelay $0x4  }
0x6a: {  	v2 =	vshift.insert v2, v1, s20;
	_ =	sdelay $0x1  }
0x6b: {  	[tilespmem:s30+$0x10] =	vst.msk $0x1, v2  }
0x6c: {  	v3 =	vld [tilespmem:s0+$0x0]  }
0x6d: {  	v60 =	vld [tilespmem:s25+$0x150];
	_ =	sdelay $0x4  }
0x6e: {  	vm3 =	vne.s32 v3, $0xFFFFFFFF;
	v5 =	vxor.u32 $0x80000000, v60  }
0x6f: {  	(xrf0) =	vmax.seg.scan.u32 vm3, v5;
	_ =	sdelay $0x1  }
0x70: {  	v61 =	vperm.xlane v2, v1  }
0x71: {  	v6 =	vld [tilespmem:s25+$0x130]  }
0x72: {  	vm12 =	veq.s32 v3, v61;
	vm3 =	veq.s32 v3, v4  }
0x73: {  	vm13 =	vgt.u32 v3, $0xFFFFFFFD;
	vm4 =	vmor vm12, vm3  }
0x74: {  	vm4 =	vmor vm4, vm13;
	v62, _, _ =	vpop (xrf0)  }
0x75: {  	v3 =	vsel vm4, $0xFFFFFFFF, v3;
	v4 =	vxor.u32 $0x80000000, v62  }
0x76: {  	vm14 =	vgt.s32 v4, v6  }
0x77: {  	v6 =	vsel vm14, v4, v6  }
0x78: {  	v63 =	vld [tilespmem:$0xA0];
	v6 =	vsel vm3, v4, v6  }
0x79: {  	s30 =	sadd.s32 $0x170, s25;
	v7 =	vld [tilespmem:$0x90];
	[tilespmem:s25+$0x170] =	vst v6;
	(ifvalue) =	ssetifvalue $0xFFFFFFFF  }
0x7a: {  	[hbm4b:s1+s18] =	stream.indirect_vreg.scatter [tilespmem:s30], [sflag:$0x2], $0x1, v3, vm2, $0x4038;
	[tilespmem:$0x1B0] =	vst v63  }
0x7b: {  	v3 =	vld [tilespmem:s25+$0x170];
	_ =	sdelay $0x4  }
0x7c: {  	v3 =	vshift.insert v3, v1, s20  }
0x7d: {  	vm15 =	veq.s32 v63, $0x1  }
0x7e: {  	vm4 =	vmor vm15, vm3;
	v4 =	vsel vm3, v4, v7;
	[tilespmem:s21+$0x0] =	vst.msk $0x1, v3  }
0x7f: {  	v3 =	vsel vm4, $0x1, v1;
	[tilespmem:$0x90] =	vst v4  }
0x80: {  	s0 =	sadd.s32 @!p0 $0x17F, s25;
	[tilespmem:$0xA0] =	vst v3  }
0x81: {  	[spmem:s12] =	stream.linear.scatter @!p0 [tilespmem:s0], [sflag:$0x1], $0x1, $0x38;
	[tilespmem:$0x1B0] =	vst v63  }
0x82: {  	v3 =	vmctz.xlane @!p0 vm4;
	_ =	swait.ge @!p0 [sflag:s26], $0x1  }
0x83: {  	(v2sf) =	vpush @!p0 v2, $0x0  }
0x84: {  	(v2sf) =	vpush @!p0 v3, $0x0;
	_ =	sdelay $0xd  }
0x85: {  	s0 =	spop @!p0 (v2sf)  }
0x86: {  	s29 =	spop @!p0 (v2sf)  }
0x87: {  	p1 =	sne.s32 @!p0 s28, s0;
	p2 =	slt.s32 @!p0 s29, $0xF  }
0x88: {  	[sflag:s26] =	ssyncset.done @!p0 $0x0;
	p1 =	por p1, p0;
	p2 =	por !p2, p0  }
0x89: {  	[sflag:s26] =	ssyncadd.s32 @!p0 $0xFFFFFFFF;
	v2 =	vimm.s32 @!p1 $0xFFFFFFFF;
	s29 =	simm.s32 @p2 $0xF  }
0x8a: {  	[tilespmem:$0x80] =	vst @!p1 v2;
	s0 =	sadd.s32 @!p0 $0x90, s29  }
0x8b: {  	[spmem:s9] =	stream.linear.scatter @!p0 [tilespmem:s0], [sflag:$0x1], $0x1, $0x38;
	[tilespmem:$0x1B0] =	vst v63  }
0x8c: {  	_ =	swait.ge @!p0 [sflag:s26], $0x1  }
0x8d: {  	[sflag:s26] =	ssyncset.done @!p0 $0x0  }
0x8e: {  	s0 =	simm.s32 @!p0 $0x80;
	[sflag:s26] =	ssyncadd.s32 @!p0 $0xFFFFFFFF  }
0x8f: {  	[spmem:s13] =	stream.linear.scatter @!p0 [tilespmem:s0], [sflag:$0x1], $0x1, $0x38;
	[tilespmem:$0x1B0] =	vst v63  }
0x90: {  	_ =	swait.ge @!p0 [sflag:s26], $0x1  }
0x91: {  	[sflag:s26] =	ssyncset.done @!p0 $0x0  }
0x92: {  	[sflag:s26] =	ssyncadd.s32 @!p0 $0xFFFFFFFF;
	(ifvalue) =	ssetifvalue $0xFFFFFFFF;
	v2 =	vld [tilespmem:s25+$0x10];
	_ =	sdelay $0x3  }
.Ltmp3:
0x93: {  	_ = 	snop;
	(pc) =	sbr.rel .LBB2_3-.Ltmp3, $3  }
0x94: {  	_ =	sdelay $0x1  }
0x95: {  	s31 =	sadd.s32 $0x190, s25;
	(ifvalue) =	ssetifvalue $0xFFFFFFFF  }
0x96: {  	[hbm4b:s1+s18] =	stream.indirect_vreg.scatter [tilespmem:s31], [sflag:$0x9], $0x1, v2, vm2, $0x4038;
	[tilespmem:$0x1B0] =	vst v63  }
.LBB2_4:
0x97: {  	_ =	sfence.sel $0x180000  }
0x98: {  	s0 =	simm.s32 $0x7;
	[bflag:$0x0] =	sbarrier.arrive $0xFFFF  }
0x99: {  	s26 =	simm.s32 $0x8;
	[sflag:s0] =	ssyncpa.u1 $0x1  }
0x9a: {  	s28 =	simm.s32 $0x9;
	[sflag:s26] =	ssyncpa.u1 $0x1  }
0x9b: {  	[sflag:s28] =	ssyncpa.u1 $0x1  }
0x9c: {  	_ =	sfence.stream.spmem  }
0x9d: {  	s29 =	simm.s32 $0x3;
	[bflag:$0x0] =	sbarrier.arrive $0xFFFF  }
0x9e: {  	s30 =	simm.s32 $0x4;
	[sflag:s29] =	ssyncpa.u1 $0x1  }
0x9f: {  	s31 =	simm.s32 $0x3C;
	[sflag:s30] =	ssyncpa.u1 $0x1  }
0xa0: {  	p0 =	sne.s32 s2, $0x0;
	[sflag:s31] =	ssyncpa.u1 $0x1  }
0xa1: {  	s0 =	simm.s32 @p0 $0x1;
	_ =	sfence @p0  }
0xa2: {  	[sflag:s0] =	ssyncpa.u1 @p0 $0x1;
	s0 =	simm.s32 @p0 $0x2  }
0xa3: {  	[sflag:s0] =	ssyncpa.u1 @p0 $0x1  }
0xa4: {  	_ =	strace @p0 $0x9000004D  }
0xa5: {  	[bflag:$0x2] =	sbarrier.arrive @p0 $0xFFFF  }
0xa6: {  	_ =	shalt @p0  }
.LBB2_5:
0xa7: {  	_ =	sfence.stream.spmem;
	s0 =	simm.s32 $0x5  }
0xa8: {  	s2 =	simm.s32 $0x80;
	s3 =	simm.s32 $0xC0;
	[sflag:s0] =	ssyncpa.u1 $0x0  }
0xa9: {  	[tilespmem:s3], [sflag:$0x5] =	stream.linear.gather [spmem:s2], $0x8, $0x38;
	[tilespmem:$0x1B0] =	vst v63  }
0xaa: {  	s30 =	simm.s32 $0xE0;
	s2 =	simm.s32 $0x0  }
0xab: {  	[tilespmem:s30], [sflag:$0x5] =	stream.linear.gather [spmem:s2], $0x8, $0x38;
	[tilespmem:$0x1B0] =	vst v63  }
.Ltmp4:
0xac: {  	_ = 	snop;
	(pc) =	sbr.rel .LBB2_6-.Ltmp4, $4  }
0xad: {  	_ =	swait.ge [sflag:s0], $0x10  }
0xae: {  	[sflag:s0] =	ssyncset.done $0x0  }
0xaf: {  	s31 =	simm.s32 $0x6;
	[sflag:s0] =	ssyncadd.s32 $0xFFFFFFF0  }
0xb0: {  	s3 =	simm.s32 $0x0;
	[sflag:s31] =	ssyncpa.u1 $0x0  }
.LBB2_11:
0xb1: {  	p0 =	sgt.u32 s4, $0xFF  }
0xb2: {  	s0 =	sshrl.u32 @!p0 s4, $0x3  }
0xb3: {  	s4 =	sand.u32 @!p0 $0x7, s4;
	s5 =	simm.s32 @!p0 $0xB0;
	s0 =	sadd.s32 @!p0 s1, s0  }
0xb4: {  	[tilespmem:s5], [sflag:$0x6] =	stream.linear.gather @!p0 [hbm4b:s0+s4], $0x1, $0x38;
	[tilespmem:$0x1B0] =	vst v63  }
0xb5: {  	s0 =	simm.s32 @!p0 $0x6  }
0xb6: {  	_ =	swait.ge @!p0 [sflag:s0], $0x1  }
0xb7: {  	[sflag:s0] =	ssyncset.done @!p0 $0x0  }
0xb8: {  	[sflag:s0] =	ssyncadd.s32 @!p0 $0xFFFFFFFF  }
0xb9: {  	v1 =	vld.msk @!p0 [tilespmem:$0xB0], $0x1  }
0xba: {  	v2 =	vld.msk @!p0 [tilespmem:s3+$0xE0], $0x1;
	_ =	sdelay $0x4  }
0xbb: {  	vm0 =	vgt.s32 @!p0 v2, v1  }
0xbc: {  	v1 =	vsel @!p0 vm0, v2, v1  }
0xbd: {  	[tilespmem:s3+$0xE0] =	vst.msk @!p0 $0x1, v1  }
0xbe: {  	[tilespmem:s2+$0xC0] =	vst.msk $0x1, v0  }
0xbf: {  	v0 =	vld.msk [tilespmem:s3+$0xE0], $0x1;
	_ =	sdelay $0x4  }
0xc0: {  	[tilespmem:s2+$0xE0] =	vst.msk $0x1, v0;
	s2 =	sadd.s32 $0x1, s2  }
.LBB2_13:
0xc1: {  	s3 =	sadd.s32 $0x1, s3  }
0xc2: {  	p0 =	sne.s32 s3, $0x8  }
.Ltmp5:
0xc3: {  	_ = 	snop;
	(pc) =	sbr.rel @!p0 .LBB2_14-.Ltmp5, $1  }
0xc4: {  	_ =	sdelay $0x3  }
.LBB2_6:
0xc5: {  	v0 =	vld.msk [tilespmem:s3+$0xC0], $0x1;
	_ =	sdelay $0x4  }
0xc6: {  	(v2sf) =	vpush v0, $0x0;
	_ =	sdelay $0xe  }
0xc7: {  	s4 =	spop (v2sf)  }
0xc8: {  	p0 =	seq.s32 s4, $0xFFFFFFFF  }
.Ltmp6:
0xc9: {  	_ = 	snop;
	(pc) =	sbr.rel @p0 .LBB2_13-.Ltmp6, $1  }
0xca: {  	_ =	sdelay $0x3  }
0xcb: {  	p0 =	slt.s32 s2, $0x1  }
.Ltmp7:
0xcc: {  	_ = 	snop;
	(pc) =	sbr.rel @p0 .LBB2_11-.Ltmp7, $1  }
0xcd: {  	_ =	sdelay $0x3  }
0xce: {  	s5 =	simm.s32 $0xC0;
	p0 =	por $0x0, $0x0  }
0xcf: {  	v1 =	vld.msk @!p0 [tilespmem:s5+$0x0], $0x1;
	_ =	sdelay $0x4  }
0xd0: {  	(v2sf) =	vpush @!p0 v1, $0x0;
	_ =	sdelay $0xd  }
0xd1: {  	p2 =	sne.s32 s2, $0x1  }
.Ltmp8:
0xd2: {  	s0 =	spop @!p0 (v2sf);
	(pc) =	sbr.rel @!p2 .LBB2_10-.Ltmp8, $4  }
0xd3: {  	p1 =	seq.s32 @!p0 s4, s0  }
0xd4: {  	s6 =	simm.s32 $0x0;
	p1 =	por !p1, p0  }
0xd5: {  	s0 =	simm.s32 $0xFFFFFFFF;
	s6 =	simm.s32 @p1 $0xFFFFFFFF  }
0xd6: {  	s7 =	simm.s32 $0x1;
	s6 =	smov.u32 @p0 s0  }
.LBB2_9:
0xd7: {  	s0 =	smov.u32 s6;
	p0 =	sne.s32 s6, $0xFFFFFFFF  }
0xd8: {  	s5 =	sadd.s32 $0x1, s5;
	s6 =	smov.u32 s7;
	s7 =	sadd.s32 $0x1, s7  }
0xd9: {  	p1 =	sne.s32 s2, s7;
	v1 =	vld.msk @!p0 [tilespmem:s5+$0x0], $0x1;
	_ =	sdelay $0x4  }
0xda: {  	(v2sf) =	vpush @!p0 v1, $0x0;
	_ =	sdelay $0xe  }
.Ltmp9:
0xdb: {  	s8 =	spop @!p0 (v2sf);
	(pc) =	sbr.rel @p1 .LBB2_9-.Ltmp9, $4  }
0xdc: {  	p2 =	seq.s32 @!p0 s4, s8  }
0xdd: {  	p2 =	por !p2, p0  }
0xde: {  	s6 =	simm.s32 @p2 $0xFFFFFFFF  }
0xdf: {  	s6 =	smov.u32 @p0 s0  }
.LBB2_10:
0xe0: {  	p0 =	sne.s32 s6, $0xFFFFFFFF  }
.Ltmp10:
0xe1: {  	_ = 	snop;
	(pc) =	sbr.rel @!p0 .LBB2_11-.Ltmp10, $1  }
0xe2: {  	_ =	sdelay $0x3  }
0xe3: {  	v0 =	vld.msk [tilespmem:s3+$0xE0], $0x1  }
0xe4: {  	v1 =	vld.msk [tilespmem:s6+$0xE0], $0x1;
	_ =	sdelay $0x2  }
.Ltmp11:
0xe5: {  	_ = 	snop;
	(pc) =	sbr.rel .LBB2_13-.Ltmp11, $4  }
0xe6: {  	_ = 	snop  }
0xe7: {  	vm0 =	vgt.s32 v1, v0  }
0xe8: {  	v0 =	vsel vm0, v1, v0  }
0xe9: {  	[tilespmem:s6+$0xE0] =	vst.msk $0x1, v0  }
.LBB2_14:
0xea: {  	p0 =	slt.s32 s2, $0x1  }
.Ltmp12:
0xeb: {  	_ = 	snop;
	(pc) =	sbr.rel @p0 .LBB2_18-.Ltmp12, $3  }
0xec: {  	_ =	sdelay $0x1  }
0xed: {  	s0 =	simm.s32 $0x6  }
0xee: {  	s3 =	simm.s32 $0x0;
	[sflag:s0] =	ssyncpa.u1 $0x1  }
0xef: {  	s0 =	simm.s32 $0xC0  }
0xf0: {  	v0 =	vld.msk [tilespmem:s0+$0x0], $0x1;
	_ =	sdelay $0x4  }
0xf1: {  	(v2sf) =	vpush v0, $0x0;
	_ =	sdelay $0xd  }
0xf2: {  	s2 =	sadd.s32 $0xFFFFFFFF, s2  }
0xf3: {  	p1 =	sne.s32 s2, $0x0;
	s0 =	spop (v2sf)  }
.Ltmp13:
0xf4: {  	p0 =	sgt.u32 s0, $0xFF;
	(pc) =	sbr.rel @!p1 .LBB2_17-.Ltmp13, $4  }
0xf5: {  	s4 =	simm.s32 $0xE0;
	s5 =	sshrl.u32 @!p0 s0, $0x3  }
0xf6: {  	s6 =	simm.s32 $0x0;
	s0 =	sand.u32 @!p0 $0x7, s0;
	s5 =	sadd.s32 @!p0 s1, s5  }
0xf7: {  	[hbm4b:s5+s0] =	stream.linear.scatter @!p0 [tilespmem:s4], [sflag:$0x5], $0x1, $0x38;
	[tilespmem:$0x1B0] =	vst v63  }
0xf8: {  	s6 =	simm.s32 @!p0 $0x4;
	s5 =	simm.s32 $0xC1  }
.LBB2_16:
0xf9: {  	v0 =	vld.msk [tilespmem:s5+$0x0], $0x1;
	s2 =	sadd.s32 $0xFFFFFFFF, s2;
	s3 =	sadd.s32 s3, s6  }
0xfa: {  	p0 =	sne.s32 s2, $0x0;
	_ =	sdelay $0x3  }
0xfb: {  	(v2sf) =	vpush v0, $0x0;
	_ =	sdelay $0xe  }
.Ltmp14:
0xfc: {  	s0 =	spop (v2sf);
	(pc) =	sbr.rel @p0 .LBB2_16-.Ltmp14, $4  }
0xfd: {  	s6 =	simm.s32 $0x0;
	p1 =	sgt.u32 s0, $0xFF  }
0xfe: {  	s4 =	sadd.s32 $0x1, s4;
	s6 =	simm.s32 @!p1 $0x4;
	s7 =	sshrl.u32 @!p1 s0, $0x3  }
0xff: {  	s5 =	sadd.s32 $0x1, s5;
	s0 =	sand.u32 @!p1 $0x7, s0;
	s7 =	sadd.s32 @!p1 s1, s7  }
0x100: {  	[hbm4b:s7+s0] =	stream.linear.scatter @!p1 [tilespmem:s4], [sflag:$0x5], $0x1, $0x38;
	[tilespmem:$0x1B0] =	vst v63  }
.LBB2_17:
0x101: {  	s0 =	sadd.s32 s3, s6  }
0x102: {  	s3 =	sshrl.u32 s0, $0x2  }
.LBB2_18:
0x103: {  	s0 =	simm.s32 $0x5  }
0x104: {  	_ =	swait.ge [sflag:s0], s3  }
0x105: {  	s1 =	ssub.s32 $0x0, s3;
	[sflag:s0] =	ssyncset.done $0x0  }
0x106: {  	[sflag:s0] =	ssyncadd.s32 s1  }
0x107: {  	[sflag:s0] =	ssyncpa.u1 $0x1  }
0x108: {  	s29 =	simm.s32 $0x1;
	_ =	sfence  }
0x109: {  	s30 =	simm.s32 $0x2;
	[sflag:s29] =	ssyncpa.u1 $0x1  }
0x10a: {  	[sflag:s30] =	ssyncpa.u1 $0x1  }
0x10b: {  	_ =	strace $0x9000004D  }
0x10c: {  	[bflag:$0x2] =	sbarrier.arrive $0xFFFF  }
0x10d: {  	s31 =	rddreg [dreg:$0x1]  }
0x10e: {  	s0 =	sadd.s32 $0x100000, s31  }
0x10f: {  	[sflag:s0] =	ssyncadd.tile.s32 $0x1;
	_ =	shalt  }
.Lfunc_end2:
_tile_overlayer_lowered:
.L_overlay_start_2:
0x110: {  	(tag) =	ssettag $0x2  }
0x111: {  	s0 =	rddreg [dreg:$0x0];
	s2 =	stileid.u32  }
0x112: {  	s1 =	rddreg [dreg:$0x1];
	p0 =	sne.s32 s2, $0x0  }
0x113: {  	s3 =	rddreg [dreg:$0x2];
	[bflag:$0x3] =	sbarrier.arrive $0xFFFF;
	s2 =	simm.s32 @!p0 $0x1C01  }
0x114: {  	[timem:s3], [sflag:s2] =	dma.local @!p0 [hbm:s0], s1  }
0x115: {  	s0 =	simm.s32 @!p0 $0x1  }
0x116: {  	_ =	swait.ge @!p0 [sflag:s0], s1  }
0x117: {  	s1 =	ssub.s32 @!p0 $0x0, s1;
	[sflag:s0] =	ssyncset.done @!p0 $0x0  }
0x118: {  	[sflag:s0] =	ssyncadd.s32 @!p0 s1  }
0x119: {  	[bflag:$0x3] =	sbarrier.arrive $0xFFFF  }
0x11a: {  	_ =	shalt  }

// kernel: scatter_offload_async_start
scs
__scs_entry_jumppad:
0x0: {  	(pc) =	sbr.rel $0x88, $3  }
0x1: {  	(tag) =	ssettag $0x0;
	lr =	simm.s32 $0x1  }
0x2: {  	[smem:$0x3F9C] =	sst lr;
	_ =	strace $0xD0000000  }
0x3: {  	_ = 	snop  }
0x4: {  	_ = 	snop  }
0x5: {  	_ = 	snop  }
0x6: {  	_ = 	snop  }
0x7: {  	_ = 	snop  }
__scs_overlays_trampoline_lowered:
0x8: {  	[smem:$0x3FAB] =	sst s0  }
0x9: {  	[smem:$0x3FAC] =	sst s1  }
0xa: {  	[smem:$0x3FAD] =	sst s2  }
0xb: {  	[smem:$0x3FAE] =	sst s3  }
0xc: {  	[smem:$0x3FAF] =	sst s4  }
0xd: {  	[smem:$0x3FB0] =	sst s5  }
0xe: {  	[smem:$0x3FB1] =	sst s6  }
0xf: {  	[smem:$0x3FB2] =	sst s7  }
0x10: {  	[smem:$0x3FB3] =	sst s8  }
0x11: {  	[smem:$0x3FB4] =	sst s9;
	s0 =	simm.s32 @!p0 $0x0  }
0x12: {  	s1 =	sld [smem:$0x3F9A];
	s0 =	simm.s32 @p0 $0x1  }
0x13: {  	[smem:$0x3FB5] =	sst s0;
	s0 =	simm.s32 @!p1 $0x0  }
0x14: {  	s2 =	sld [smem:$0x3F99];
	s0 =	simm.s32 @p1 $0x1  }
0x15: {  	[smem:$0x3FB6] =	sst s0;
	s0 =	simm.s32 @!p2 $0x0  }
0x16: {  	s3 =	sld [smem:$0x3FDB];
	s0 =	simm.s32 @p2 $0x1  }
0x17: {  	s4 =	simm.s32 $0x1BF5;
	[smem:$0x3FB8] =	sst s0  }
0x18: {  	s0 =	sld [smem:$0x3F9B];
	_ =	swait.ge [sflag:s4], $0x0  }
0x19: {  	s7 =	sld [smem:$0x3F9C]  }
0x1a: {  	s8 =	sadd.s32 $0xFFFFE003, lr  }
0x1b: {  	s9 =	sadd.s32 $0xFFFFFEF7, lr;
	s5 =	simm.s32 $0xFFFFFFFF;
	p2 =	slt.u32 s8, $0xFFFFF086  }
0x1c: {  	p1 =	slt.u32 s9, $0xF7A;
	s5 =	simm.s32 @!p2 $0x0  }
0x1d: {  	s5 =	simm.s32 @p1 $0x1;
	p0 =	seq.s32 s7, s2  }
0x1e: {  	s7 =	smul.u32 @!p0 $0xF7A, s2;
	p2 =	seq.s32 @!p0 s5, $0x0  }
0x1f: {  	s9 =	smul.u32 $0xF7A, s1;
	s8 =	simm.s32 @!p0 $0x1BF5;
	p2 =	por !p2, p0  }
0x20: {  	[sflag:s8] =	ssyncset.s32 @!p0 $0xFFFFF086;
	s6 =	sadd.s32 @!p0 s3, s7;
	s7 =	simm.s32 @!p0 $0x108  }
0x21: {  	s3 =	sadd.s32 s3, s9;
	s6 =	sadd.s32 @!p0 $0x88, s6;
	s7 =	simm.s32 @p2 $0x1082  }
0x22: {  	[simem:s7], [sflag:s8] =	dma.local @!p0 [hbm:s6], $0xF7A  }
0x23: {  	s9 =	sor.u32 $0xD0000000, s2;
	s6 =	simm.s32 $0x108;
	_ =	swait.ge @!p0 [sflag:s8], $0x0  }
0x24: {  	s3 =	sadd.s32 $0x88, s3;
	s6 =	simm.s32 @!p1 $0x1082;
	[sflag:s4] =	ssyncset.s32 $0xFFFFF086  }
0x25: {  	[simem:s6], [sflag:s4] =	dma.local [hbm:s3], $0xF7A  }
0x26: {  	[smem:$0x3F9C] =	sst s1;
	(tag) =	ssettag s2;
	_ =	strace s9  }
0x27: {  	s1 =	sld [smem:$0x3FAC]  }
0x28: {  	s2 =	sld [smem:$0x3FAD]  }
0x29: {  	s4 =	sld [smem:$0x3FAF]  }
0x2a: {  	p0 =	seq.s32 s5, $0x0;
	s5 =	sld [smem:$0x3FB0]  }
0x2b: {  	s6 =	sld [smem:$0x3FB1]  }
0x2c: {  	s7 =	sld [smem:$0x3FB2]  }
0x2d: {  	s3 =	simm.s32 $0x108;
	s8 =	sld [smem:$0x3FB3]  }
0x2e: {  	s3 =	simm.s32 @!p0 $0x1082;
	s9 =	sld [smem:$0x3FB4]  }
0x2f: {  	lr =	sadd.s32 s0, s3;
	s0 =	sld [smem:$0x3FAB]  }
0x30: {  	s3 =	sld [smem:$0x3FAE]  }
0x31: {  	[smem:$0x3FB7] =	sst s10  }
0x32: {  	s10 =	sld [smem:$0x3FB5];
	_ =	sdelay $0x3  }
0x33: {  	p0 =	seq.s32 s10, $0x1;
	s10 =	sld [smem:$0x3FB7];
	_ =	sdelay $0x3  }
0x34: {  	[smem:$0x3FB7] =	sst s10  }
0x35: {  	s10 =	sld [smem:$0x3FB6];
	_ =	sdelay $0x3  }
0x36: {  	p1 =	seq.s32 s10, $0x1;
	s10 =	sld [smem:$0x3FB7];
	_ =	sdelay $0x3  }
0x37: {  	[smem:$0x3FB7] =	sst s10  }
0x38: {  	s10 =	sld [smem:$0x3FB8]  }
0x39: {  	_ = 	snop;
	(pc) =	sbr.ind lr, $3  }
0x3a: {  	_ = 	snop  }
0x3b: {  	_ = 	snop  }
0x3c: {  	p2 =	seq.s32 s10, $0x1;
	s10 =	sld [smem:$0x3FB7]  }
0x3d: {  	_ =	shalt  }
0x3e: {  	_ =	shalt  }
0x3f: {  	_ =	shalt  }
0x40: {  	_ =	shalt  }
0x41: {  	_ =	shalt  }
0x42: {  	_ =	shalt  }
0x43: {  	_ =	shalt  }
0x44: {  	_ =	shalt  }
0x45: {  	_ =	shalt  }
0x46: {  	_ =	shalt  }
0x47: {  	_ =	shalt  }
0x48: {  	_ =	shalt  }
0x49: {  	_ =	shalt  }
0x4a: {  	_ =	shalt  }
0x4b: {  	_ =	shalt  }
0x4c: {  	_ =	shalt  }
0x4d: {  	_ =	shalt  }
0x4e: {  	_ =	shalt  }
0x4f: {  	_ =	shalt  }
0x50: {  	_ =	shalt  }
0x51: {  	_ =	shalt  }
0x52: {  	_ =	shalt  }
0x53: {  	_ =	shalt  }
0x54: {  	_ =	shalt  }
0x55: {  	_ =	shalt  }
0x56: {  	_ =	shalt  }
0x57: {  	_ =	shalt  }
0x58: {  	_ =	shalt  }
0x59: {  	_ =	shalt  }
0x5a: {  	_ =	shalt  }
0x5b: {  	_ =	shalt  }
0x5c: {  	_ =	shalt  }
0x5d: {  	_ =	shalt  }
0x5e: {  	_ =	shalt  }
0x5f: {  	_ =	shalt  }
0x60: {  	_ =	shalt  }
0x61: {  	_ =	shalt  }
0x62: {  	_ =	shalt  }
0x63: {  	_ =	shalt  }
0x64: {  	_ =	shalt  }
0x65: {  	_ =	shalt  }
0x66: {  	_ =	shalt  }
0x67: {  	_ =	shalt  }
0x68: {  	_ =	shalt  }
0x69: {  	_ =	shalt  }
0x6a: {  	_ =	shalt  }
0x6b: {  	_ =	shalt  }
0x6c: {  	_ =	shalt  }
0x6d: {  	_ =	shalt  }
0x6e: {  	_ =	shalt  }
0x6f: {  	_ =	shalt  }
0x70: {  	_ =	shalt  }
0x71: {  	_ =	shalt  }
0x72: {  	_ =	shalt  }
0x73: {  	_ =	shalt  }
0x74: {  	_ =	shalt  }
0x75: {  	_ =	shalt  }
0x76: {  	_ =	shalt  }
0x77: {  	_ =	shalt  }
0x78: {  	_ =	shalt  }
0x79: {  	_ =	shalt  }
0x7a: {  	_ =	shalt  }
0x7b: {  	_ =	shalt  }
0x7c: {  	_ =	shalt  }
0x7d: {  	_ =	shalt  }
0x7e: {  	_ =	shalt  }
0x7f: {  	_ =	shalt  }
0x80: {  	_ =	shalt  }
0x81: {  	_ =	shalt  }
0x82: {  	_ =	shalt  }
0x83: {  	_ =	shalt  }
0x84: {  	_ =	shalt  }
0x85: {  	_ =	shalt  }
0x86: {  	_ =	shalt  }
0x87: {  	_ =	shalt  }
.Lfunc_end0:
.L_simem_size_0:
called_computation_lowered:
.L_overlay_start_0:
0x88: {  	s0 =	sld [smem:$0x3FD9]  }
0x89: {  	s1 =	sld [smem:$0x3FFE];
	_ =	sdelay $0x3  }
0x8a: {  	s0 =	sadd.s32 s1, s0  }
0x8b: {  	[smem:$0x3FC3] =	sst s0  }
0x8c: {  	_ = 	snop  }
0x8d: {  	(tm) =	ssettm $0x1  }
0x8e: {  	s15 =	sld [smem:$0x3FFB];
	_ =	sdelay $0x3  }
0x8f: {  	_ =	strace s15  }
0x90: {  	s0 =	sld [smem:$0x3FFC];
	_ =	sdelay $0x3  }
0x91: {  	_ =	strace s0  }
0x92: {  	s0 =	sld [smem:$0x3FFD];
	_ =	sdelay $0x3  }
0x93: {  	_ =	strace s0  }
0x94: {  	_ =	strace $0x8FFFFFFF  }
0x95: {  	s16 =	sld [smem:$0x3FDB];
	_ =	sdelay $0x1  }
0x96: {  	s17 =	simm.s32 $_scs_section_size  }
0x97: {  	s2 =	simm.s32 $_size__tile_overlayer_lowered;
	s3 =	simm.s32 $_tile_overlayer_lowered  }
0x98: {  	s20 =	simm.s32 $0x1BFF;
	s19 =	sshll.u32 s3, $0x1;
	s0 =	sadd.s32 s17, s16  }
0x99: {  	s4 =	simm.s32 $0x0;
	s18 =	sshll.u32 s2, $0x1;
	s2 =	sadd.s32 s19, s0  }
0x9a: {  	[timem:s4], [sflag:s20] =	dma.local [hbm:s2], s18  }
0x9b: {  	_ =	swait.ge [sflag:s20], s18  }
0x9c: {  	s1 =	ssub.s32 $0x0, s18;
	[sflag:s20] =	ssyncset.done $0x0  }
0x9d: {  	[sflag:s20] =	ssyncadd.s32 s1;
	_ =	sdelay $0x1  }
0x9e: {  	s21 =	simm.s32 $0x1B8B  }
0x9f: {  	_ =	swait.ge [sflag:s21], $0x1  }
0xa0: {  	[sflag:s21] =	ssyncset.done $0x0  }
0xa1: {  	s23 =	simm.s32 $0x1B8E;
	s22 =	sld [smem:$0x3FFE];
	[sflag:s21] =	ssyncadd.s32 $0xFFFFFFFF  }
0xa2: {  	s24 =	simm.s32 $execute0_lowered;
	[smem:$0x3FD2] =	sst s23  }
0xa3: {  	s2 =	sshll.u32 s24, $0x1;
	_ =	strace $0x80000046;
	[dreg:$0x1] =	wrdreg $0xFFFFFFFF  }
0xa4: {  	s25 =	simm.s32 $_size_execute0_lowered;
	s0 =	sadd.s32 s0, s2;
	[dreg:$0x0] =	wrdreg $0x0  }
0xa5: {  	s2 =	sshll.u32 s25, $0x1;
	[dreg:$0x2] =	wrdreg s0  }
0xa6: {  	[dreg:$0x3] =	wrdreg s2  }
0xa7: {  	[dreg:$0x4] =	wrdreg $0xC0  }
0xa8: {  	_ =	task [dreg:s4], $0x5FFFF  }
0xa9: {  	[dreg:$0x1] =	wrdreg $0xFFFFFFFF  }
0xaa: {  	[dreg:$0x0] =	wrdreg $0x60  }
0xab: {  	[dreg:$0x2] =	wrdreg s22  }
0xac: {  	[dreg:$0x3] =	wrdreg $0x9  }
0xad: {  	_ =	task.clear_ibuf [dreg:s4], $0x4FFFF;
	_ =	strace $0x90000046  }
0xae: {  	s26 =	simm.s32 $0x9;
	_ =	strace $0x80000048  }
0xaf: {  	_ =	swait.ge [sflag:s26], $0x1  }
0xb0: {  	[sflag:s26] =	ssyncadd.s32 $0xFFFFFFFF  }
0xb1: {  	_ =	strace $0x90000048  }
0xb2: {  	_ =	sfence  }
0xb3: {  	s28 =	sld [smem:$0x0];
	_ =	sdelay $0x1  }
0xb4: {  	s29 =	srdreg.scid  }
0xb5: {  	s30 =	sshll.u32 s29, $0xD;
	s31 =	sshrl.u32 s29, $0x2  }
0xb6: {  	s1 =	sand.u32 $0x1, s29;
	s2 =	sand.u32 $0x4000, s30;
	s0 =	sadd.s32 s31, s28  }
0xb7: {  	s1 =	sor.u32 s2, s1;
	s0 =	sshll.u32 s0, $0x11  }
0xb8: {  	s0 =	sor.u32 s0, s1  }
0xb9: {  	s0 =	sadd.s32 $0x8F2B, s0  }
0xba: {  	[sflag:s0] =	ssyncadd.remote.s32 $0x1  }
0xbb: {  	_ =	sfence.sel $0xFFFF  }
0xbc: {  	[dreg:$0x0] =	wrdreg $0xFFFFFFFF;
	(pc) =	sbr.abs _section_cstart, $3  }
0xbd: {  	[dreg:$0x1] =	wrdreg $0xFFFFFFFF  }
0xbe: {  	_ =	task.clear_ibuf [dreg:s4], $0x2FFFF;
	_ =	strace $0x9FFFFFFF  }
0xbf: {  	(tm) =	ssettm $0x7FFFFFFF  }
tec
execute0_lowered:
.L_overlay_start_1:
0x0: {  	(tag) =	ssettag $0x1  }
0x1: {  	s2 =	rddreg [dreg:$0x0]  }
0x2: {  	s0 =	rddreg [dreg:$0x1];
	_ =	strace $0x80000047;
	s3 =	stileid.u32  }
0x3: {  	s4 =	simm.s32 $0x3E;
	s1 =	sadd.s32 $0x1800, s2;
	p0 =	sne.s32 s3, $0x0  }
0x4: {  	[sflag:s4] =	ssyncpa.u1 $0x0;
	s5 =	simm.s32 @!p0 $0x1C3E;
	s6 =	simm.s32 @!p0 $0x0  }
0x5: {  	[spmem:s6], [sflag:s5] =	dma.local @!p0 [hbm:s1], $0x10  }
0x6: {  	s5 =	simm.s32 @!p0 $0x3E  }
0x7: {  	_ =	swait.ge @!p0 [sflag:s5], $0x10  }
0x8: {  	[sflag:s5] =	ssyncset.done @!p0 $0x0  }
0x9: {  	[sflag:s5] =	ssyncadd.s32 @!p0 $0xFFFFFFF0  }
0xa: {  	s28 =	simm.s32 $0x1;
	s29 =	simm.s32 $0x2;
	[bflag:$0x0] =	sbarrier.arrive $0xFFFF  }
0xb: {  	s7 =	simm.s32 $0x408;
	s3 =	sshll.u32 s3, $0x7;
	[sflag:s4] =	ssyncpa.u1 $0x1  }
0xc: {  	s30 =	sadd.s32 $0x1A00, s2;
	s31 =	sadd.s32 s2, s3;
	[sflag:s28] =	ssyncpa.u1 $0x0  }
0xd: {  	s2 =	simm.s32 $0x0;
	(ifvalue) =	ssetifvalue $0x80;
	[sflag:s29] =	ssyncpa.u1 $0x0  }
0xe: {  	[tilespmem:s7], [sflag:$0x2] =	stream.linear.gather [hbm4b:s31+s2], $0x400, $0x38;
	[tilespmem:$0x1008] =	vst v63  }
0xf: {  	s5 =	sadd.s32 s30, s3;
	s3 =	simm.s32 $0xC08  }
0x10: {  	[tilespmem:s3], [sflag:$0x2] =	stream.linear.gather [hbm4b:s5+s2], $0x400, $0x38;
	[tilespmem:$0x1008] =	vst v63  }
0x11: {  	_ =	swait.ge [sflag:s29], $0x800  }
0x12: {  	[sflag:s29] =	ssyncset.done $0x0  }
0x13: {  	[sflag:s29] =	ssyncadd.s32 $0xFFFFF800  }
0x14: {  	v0 =	vld.msk [tilespmem:s7+$0x0 ss:$0x1], $0xffff;
	_ =	sdelay $0x4  }
0x15: {  	v0 =	vmin.u32 v0, $0x80;
	_ =	sdelay $0x3  }
0x16: {  	vm0 =	vmmov $0xffff;
	s4 =	simm.s32 $0x0;
	s5 =	simm.s32 $0x418  }
0x17: {  	[spmem:s2] =	stream.indirect_vreg.scatter.add.s32 [tilespmem:s3], [sflag:$0x1], $0x1, v0, vm0, $0x4038;
	[tilespmem:$0x1008] =	vst v63  }
.LBB2_1:
0x18: {  	v0 =	vld.msk [tilespmem:s5+$0x0 ss:$0x1], $0xffff;
	s4 =	sadd.s32 $0x10, s4  }
0x19: {  	p1 =	slt.u32 s4, $0x3F0;
	_ =	sdelay $0x4  }
0x1a: {  	v0 =	vmin.u32 v0, $0x80  }
.Ltmp0:
0x1b: {  	(pc) =	sbr.rel @p1 .LBB2_1-.Ltmp0, $3  }
0x1c: {  	_ =	sdelay $0x1  }
0x1d: {  	s5 =	sadd.s32 $0x10, s5;
	s3 =	sadd.s32 $0x10, s3  }
0x1e: {  	[spmem:s2] =	stream.indirect_vreg.scatter.add.s32 [tilespmem:s3], [sflag:$0x1], $0x1, v0, vm0, $0x4038;
	[tilespmem:$0x1008] =	vst v63  }
0x1f: {  	s2 =	simm.s32 $0x1  }
0x20: {  	_ =	swait.ge [sflag:s2], $0x400  }
0x21: {  	[sflag:s2] =	ssyncset.done $0x0  }
0x22: {  	[sflag:s2] =	ssyncadd.s32 $0xFFFFFC00  }
0x23: {  	_ =	sfence.sel $0x180000  }
0x24: {  	s3 =	simm.s32 $0x2;
	[bflag:$0x0] =	sbarrier.arrive $0xFFFF  }
0x25: {  	[sflag:s3] =	ssyncpa.u1 $0x1  }
0x26: {  	[sflag:s2] =	ssyncpa.u1 $0x1  }
0x27: {  	_ =	sfence.stream.spmem  }
0x28: {  	s31 =	simm.s32 $0x3D;
	[bflag:$0x0] =	sbarrier.arrive $0xFFFF  }
0x29: {  	s2 =	simm.s32 @p0 $0x3D;
	[sflag:s31] =	ssyncpa.u1 $0x0  }
0x2a: {  	[sflag:s2] =	ssyncpa.u1 @p0 $0x1  }
0x2b: {  	[bflag:$0x0] =	sbarrier.arrive @p0 $0xFFFF  }
0x2c: {  	_ =	strace @p0 $0x90000047  }
0x2d: {  	s3 =	simm.s32 @!p0 $0x1C3D;
	s2 =	simm.s32 @!p0 $0x0;
	[bflag:$0x2] =	sbarrier.arrive @p0 $0xFFFF  }
0x2e: {  	[hbm:s1], [sflag:s3] =	dma.local @!p0 [spmem:s2], $0x10  }
0x2f: {  	s1 =	simm.s32 @!p0 $0x3D  }
0x30: {  	_ =	swait.ge @!p0 [sflag:s1], $0x10  }
0x31: {  	[sflag:s1] =	ssyncset.done @!p0 $0x0  }
0x32: {  	[sflag:s1] =	ssyncadd.s32 @!p0 $0xFFFFFFF0  }
0x33: {  	[sflag:s1] =	ssyncpa.u1 @!p0 $0x1  }
0x34: {  	[bflag:$0x0] =	sbarrier.arrive @!p0 $0xFFFF  }
0x35: {  	_ =	strace @!p0 $0x90000047  }
0x36: {  	s0 =	sadd.s32 @!p0 $0x100000, s0;
	[bflag:$0x2] =	sbarrier.arrive @!p0 $0xFFFF  }
0x37: {  	[sflag:s0] =	ssyncadd.tile.s32 @!p0 $0x1;
	_ =	shalt  }
.Lfunc_end2:
_tile_overlayer_lowered:
.L_overlay_start_2:
0x38: {  	(tag) =	ssettag $0x2  }
0x39: {  	s0 =	rddreg [dreg:$0x0];
	s2 =	stileid.u32  }
0x3a: {  	s1 =	rddreg [dreg:$0x1];
	p0 =	sne.s32 s2, $0x0  }
0x3b: {  	s3 =	rddreg [dreg:$0x2];
	[bflag:$0x3] =	sbarrier.arrive $0xFFFF;
	s2 =	simm.s32 @!p0 $0x1C01  }
0x3c: {  	[timem:s3], [sflag:s2] =	dma.local @!p0 [hbm:s0], s1  }
0x3d: {  	s0 =	simm.s32 @!p0 $0x1  }
0x3e: {  	_ =	swait.ge @!p0 [sflag:s0], s1  }
0x3f: {  	s1 =	ssub.s32 @!p0 $0x0, s1;
	[sflag:s0] =	ssyncset.done @!p0 $0x0  }
0x40: {  	[sflag:s0] =	ssyncadd.s32 @!p0 s1  }
0x41: {  	[bflag:$0x3] =	sbarrier.arrive $0xFFFF  }
0x42: {  	_ =	shalt  }

</sc_bundles>
